<compile_context>
chip_gen: v7x
topology: tpu7x:2x2x1
jax: 0.10.2.dev20260603
libtpu: 0.0.44.dev20260713+nightly
codegen_flags: <defaults>
</compile_context>

<pallas_src>
import functools

import jax
import jax.numpy as jnp
from jax import lax
from jax.experimental import pallas as pl
from jax.experimental.pallas import tpu as pltpu
from jax.experimental.pallas import tpu_sc as plsc

B, T = 4096, 200
VOCAB, D = 1000000, 64


_RBLK = 16384
_NBLK = -(-VOCAB // _RBLK)
_VPAD = _NBLK * _RBLK


def _proj_body(wp_ref, e_ref, ow_ref, op_ref):
    out2 = lax.dot_general(
        wp_ref[...],
        e_ref[...],
        (((1,), (1,)), ((), ())),
        preferred_element_type=jnp.float32,
        precision=lax.Precision.DEFAULT,
    )
    ow_ref[...] = out2[0]
    op_ref[...] = out2[1]


def _project(embed_weight, wp):
    return pl.pallas_call(
        _proj_body,
        grid=(_NBLK,),
        in_specs=[
            pl.BlockSpec((2, D), lambda i: (0, 0)),
            pl.BlockSpec((_RBLK, D), lambda i: (i, 0)),
        ],
        out_specs=[
            pl.BlockSpec((_RBLK,), lambda i: (i,)),
            pl.BlockSpec((_RBLK,), lambda i: (i,)),
        ],
        out_shape=[
            jax.ShapeDtypeStruct((_VPAD,), jnp.float32),
            jax.ShapeDtypeStruct((_VPAD,), jnp.float32),
        ],
        compiler_params=pltpu.CompilerParams(
            dimension_semantics=("arbitrary",),
        ),
    )(wp, embed_weight)



_NTOK = B * T
_INFO = plsc.get_sparse_core_info()
_NW = _INFO.num_cores * _INFO.num_subcores
_PER_W = _NTOK // _NW
_ROW_W = B // _NW
_NFULL = T // 16
_TAIL = T - 16


def _gather_reduce(d_flat, ew, ep):
    mesh = plsc.VectorSubcoreMesh(core_axis_name="c", subcore_axis_name="s")

    @functools.partial(
        pl.kernel,
        mesh=mesh,
        out_type=jax.ShapeDtypeStruct((B,), jnp.float32),
        compiler_params=pltpu.CompilerParams(
            use_tc_tiling_on_sc=False, needs_layout_passes=False
        ),
        scratch_types=[
            pltpu.VMEM((_PER_W,), jnp.int32),
            pltpu.VMEM((_PER_W,), jnp.float32),
            pltpu.VMEM((_PER_W,), jnp.float32),
            pltpu.VMEM((_ROW_W,), jnp.float32),
            pltpu.SemaphoreType.DMA,
            pltpu.SemaphoreType.DMA,
        ],
    )
    def k(d_hbm, ew_hbm, ep_hbm, o_hbm, idx_v, va, vc, ob, sa, sc):
        wid = lax.axis_index("s") * _INFO.num_cores + lax.axis_index("c")
        base = wid * _PER_W
        pltpu.sync_copy(d_hbm.at[pl.ds(base, _PER_W)], idx_v)
        cpa = pltpu.async_copy(ew_hbm.at[idx_v], va, sa)
        cpc = pltpu.async_copy(ep_hbm.at[idx_v], vc, sc)
        cpa.wait()
        cpc.wait()

        lane_ids = lax.iota(jnp.int32, 16)
        tail_keep = lane_ids >= 8

        def rowblock(g, carry):
            accn = jnp.zeros((16,), jnp.float32)
            accd = jnp.zeros((16,), jnp.float32)
            for r16 in range(16):
                rbase = (g * 16 + r16) * T
                m = va[pl.ds(rbase, 16)]
                for j in range(1, _NFULL):
                    m = jnp.maximum(m, va[pl.ds(rbase + j * 16, 16)])
                m = jnp.maximum(m, va[pl.ds(rbase + _TAIL, 16)])
                mx = jnp.max(m)
                s1 = jnp.zeros((16,), jnp.float32)
                s2 = jnp.zeros((16,), jnp.float32)
                for j in range(_NFULL):
                    av = va[pl.ds(rbase + j * 16, 16)]
                    cv = vc[pl.ds(rbase + j * 16, 16)]
                    e = jnp.exp(av - mx)
                    s1 = s1 + e
                    s2 = s2 + e * cv
                av = va[pl.ds(rbase + _TAIL, 16)]
                cv = vc[pl.ds(rbase + _TAIL, 16)]
                e = jnp.where(tail_keep, jnp.exp(av - mx), 0.0)
                s1 = s1 + e
                s2 = s2 + e * cv
                oh = lane_ids == r16
                accn = jnp.where(oh, jnp.sum(s2), accn)
                accd = jnp.where(oh, jnp.sum(s1), accd)
            ob[pl.ds(g * 16, 16)] = 1.0 / (1.0 + jnp.exp(-(accn / accd)))
            return carry

        lax.fori_loop(0, _ROW_W // 16, rowblock, 0)
        pltpu.sync_copy(ob, o_hbm.at[pl.ds(wid * _ROW_W, _ROW_W)])

    return k(d_flat, ew, ep)




def kernel(d, mask_d, embed_weight, w_param, p_vector):
    wp = jnp.stack([w_param, p_vector], axis=0)
    ew, ep = _project(embed_weight, wp)
    d_flat = d.reshape(_NTOK).astype(jnp.int32)
    return _gather_reduce(d_flat, ew, ep)

# --- scband reference (transcript-rebuilt; emitter-appended) ---
"""Pipeline reference for scband-weighted-word-averaging-model-13168369730116 (READ-ONLY COPY).

The authoritative reference and input builder live on the scoring server;
editing this copy changes nothing except your own understanding.
"""

import jax, jax.numpy as jnp
import numpy as np

B, T = 4096, 200
VOCAB, D = 1000000, 64


def setup_inputs(seed: int = 0) -> dict:
    key = jax.random.key(seed)
    k1, k2, k3, k4, k5 = jax.random.split(key, 5)
    d = jax.random.randint(k1, (B, T), 0, VOCAB, dtype=jnp.int64)
    mask_d = jnp.ones((B, T), dtype=jnp.float32)
    embed_weight = jax.random.uniform(k2, (VOCAB, D), dtype=jnp.float32, minval=-1.0, maxval=1.0)
    w_param = jax.random.uniform(k3, (D,), dtype=jnp.float32, minval=-1.0, maxval=1.0)
    p_vector = jax.random.uniform(k4, (D,), dtype=jnp.float32, minval=-1.0, maxval=1.0)
    return {"d": d, "mask_d": mask_d, "embed_weight": embed_weight, "w_param": w_param, "p_vector": p_vector}


def reference(d, mask_d, embed_weight, w_param, p_vector):
    # embedding lookup (gather)
    d_embedded = jnp.take(embed_weight, d, axis=0)  # [B, T, D]
    # per-token score: dot(token_embedding, w)
    w = jnp.sum(d_embedded * w_param[None, None, :], axis=2)  # [B, T]
    # stable softmax-style weights (exp before masking, mask applied in sum, as in original)
    w_max = jnp.max(w, axis=1, keepdims=True)  # [B, 1]
    w2 = jnp.exp(w - w_max)  # [B, T]
    w_sum = jnp.sum(w2 * mask_d, axis=1, keepdims=True)  # [B, 1]
    w_norm = (w2 / w_sum) * mask_d  # [B, T]
    # weighted average of embeddings
    w_avg = jnp.sum(d_embedded * w_norm[:, :, None], axis=1)  # [B, D]
    # project with p_vector and squash
    out = jnp.sum(w_avg * p_vector[None, :], axis=1)  # [B]
    return jax.nn.sigmoid(out)

if __name__ == "__main__":
    import jax
    _d = setup_inputs()
    print(jax.jit(kernel)(*tuple(_d.values())))

</pallas_src>

<mosaic_0001>
#map = affine_map<(d0, d1) -> (0)>
module attributes {stable_mosaic.version = 14 : i64} {
  func.func @k(%arg0: i32, %arg1: i32, %arg2: memref<819200xi32, #tpu.memory_space<hbm>>, %arg3: memref<1015808xf32, #tpu.memory_space<hbm>>, %arg4: memref<1015808xf32, #tpu.memory_space<hbm>>, %arg5: memref<4096xf32, #tpu.memory_space<hbm>>, %arg6: memref<25600xi32, #tpu.memory_space<vmem>>, %arg7: memref<25600xf32, #tpu.memory_space<vmem>>, %arg8: memref<25600xf32, #tpu.memory_space<vmem>>, %arg9: memref<128xf32, #tpu.memory_space<vmem>>, %arg10: memref<!tpu.dma_semaphore, #tpu.memory_space<semaphore_mem>>, %arg11: memref<!tpu.dma_semaphore, #tpu.memory_space<semaphore_mem>>) attributes {dimension_semantics = [#tpu.dimension_semantics<core_parallel>, #tpu.dimension_semantics<subcore_parallel>], iteration_bounds = array<i64: 2, 16>, scalar_prefetch = 0 : i64, scratch_operands = 6 : i64, tpu.core_type = #tpu.core_type<sc_vector_subcore>, window_params = [{transform_indices = #map}, {transform_indices = #map}, {transform_indices = #map}, {transform_indices = #map}]} {
    %mul3A = arith.constant 2 : i32
    %mul3A_0 = arith.muli %arg1, %mul3A : i32
    %add3A = arith.addi %mul3A_0, %arg0 : i32
    %mul3A_1 = arith.constant 25600 : i32
    %mul3A_2 = arith.muli %add3A, %mul3A_1 : i32
    "tpu.region"() ({
      %run_scoped3A = tpu.sem_alloc : memref<!tpu.dma_semaphore, #tpu.memory_space<semaphore_mem>>
      %dma_start3A_18 = tpu.memref_slice %arg2[%mul3A_2] : memref<819200xi32, #tpu.memory_space<hbm>> -> memref<25600xi32, #tpu.memory_space<hbm>>
      %dma_start3A_19 = tpu.memref_slice %arg2[%mul3A_2] : memref<819200xi32, #tpu.memory_space<hbm>> -> memref<25600xi32, #tpu.memory_space<hbm>>
      tpu.enqueue_dma source(%dma_start3A_19 : memref<25600xi32, #tpu.memory_space<hbm>>) target(%arg6 : memref<25600xi32, #tpu.memory_space<vmem>>) target_semaphore(%run_scoped3A : memref<!tpu.dma_semaphore, #tpu.memory_space<semaphore_mem>>)
      %dma_wait3A_20 = tpu.memref_slice %arg2[%mul3A_2] : memref<819200xi32, #tpu.memory_space<hbm>> -> memref<25600xi32, #tpu.memory_space<hbm>>
      %dma_wait3A_21 = tpu.memref_slice %arg2[%mul3A_2] : memref<819200xi32, #tpu.memory_space<hbm>> -> memref<25600xi32, #tpu.memory_space<hbm>>
      tpu.wait_dma2 semaphore(%run_scoped3A : memref<!tpu.dma_semaphore, #tpu.memory_space<semaphore_mem>>) src(%dma_wait3A_21 : memref<25600xi32, #tpu.memory_space<hbm>>) dst(%arg6 : memref<25600xi32, #tpu.memory_space<vmem>>)
      tpu.yield
    }) : () -> ()
    %dma_start3A = arith.constant 0 : i32
    %dma_start3A_3 = tpu.memref_slice %arg3[%dma_start3A] : memref<1015808xf32, #tpu.memory_space<hbm>> -> memref<1015808xf32, #tpu.memory_space<hbm>>
    tpu.enqueue_indirect_dma source(%dma_start3A_3 : memref<1015808xf32, #tpu.memory_space<hbm>>) target(%arg7 : memref<25600xf32, #tpu.memory_space<vmem>>) offsets(%arg6 : memref<25600xi32, #tpu.memory_space<vmem>>) semaphore(%arg10 : memref<!tpu.dma_semaphore, #tpu.memory_space<semaphore_mem>>)
    %dma_start3A_4 = arith.constant 0 : i32
    %dma_start3A_5 = tpu.memref_slice %arg4[%dma_start3A_4] : memref<1015808xf32, #tpu.memory_space<hbm>> -> memref<1015808xf32, #tpu.memory_space<hbm>>
    tpu.enqueue_indirect_dma source(%dma_start3A_5 : memref<1015808xf32, #tpu.memory_space<hbm>>) target(%arg8 : memref<25600xf32, #tpu.memory_space<vmem>>) offsets(%arg6 : memref<25600xi32, #tpu.memory_space<vmem>>) semaphore(%arg11 : memref<!tpu.dma_semaphore, #tpu.memory_space<semaphore_mem>>)
    %dma_wait3A = arith.constant 0 : i32
    %dma_wait3A_6 = tpu.memref_slice %arg3[%dma_wait3A] : memref<1015808xf32, #tpu.memory_space<hbm>> -> memref<1015808xf32, #tpu.memory_space<hbm>>
    tpu.wait_indirect_dma semaphore(%arg10 : memref<!tpu.dma_semaphore, #tpu.memory_space<semaphore_mem>>) src(%dma_wait3A_6 : memref<1015808xf32, #tpu.memory_space<hbm>>) dst(%arg7 : memref<25600xf32, #tpu.memory_space<vmem>>)
    %dma_wait3A_7 = arith.constant 0 : i32
    %dma_wait3A_8 = tpu.memref_slice %arg4[%dma_wait3A_7] : memref<1015808xf32, #tpu.memory_space<hbm>> -> memref<1015808xf32, #tpu.memory_space<hbm>>
    tpu.wait_indirect_dma semaphore(%arg11 : memref<!tpu.dma_semaphore, #tpu.memory_space<semaphore_mem>>) src(%dma_wait3A_8 : memref<1015808xf32, #tpu.memory_space<hbm>>) dst(%arg8 : memref<25600xf32, #tpu.memory_space<vmem>>)
    %iota3A = tpu.iota {dimensions = array<i32: 0>} : vector<16xi32>
    %ge3A = arith.constant 8 : i32
    %ge3A_9 = vector.broadcast %ge3A : i32 to vector<16xi32>
    %ge3A_10 = arith.cmpi sge, %iota3A, %ge3A_9 : vector<16xi32>
    %scan3A = arith.constant 0 : i32
    %scan3A_11 = arith.constant 0 : i32
    %scan3A_12 = arith.constant 8 : i32
    %scan3A_13 = arith.addi %scan3A_11, %scan3A_12 : i32
    %scan3A_14 = arith.constant 1 : i32
    scf.for %scan3A_18 = %scan3A_11 to %scan3A_13 step %scan3A_14  : i32 {
      %broadcast_in_dim3A = arith.constant 0.000000e+00 : f32
      %broadcast_in_dim3A_19 = vector.broadcast %broadcast_in_dim3A : f32 to vector<16xf32>
      %broadcast_in_dim3A_20 = arith.constant 0.000000e+00 : f32
      %broadcast_in_dim3A_21 = vector.broadcast %broadcast_in_dim3A_20 : f32 to vector<16xf32>
      %mul3A_22 = arith.constant 16 : i32
      %mul3A_23 = arith.muli %scan3A_18, %mul3A_22 : i32
      %add3A_24 = arith.constant 0 : i32
      %add3A_25 = arith.addi %mul3A_23, %add3A_24 : i32
      %mul3A_26 = arith.constant 200 : i32
      %mul3A_27 = arith.muli %add3A_25, %mul3A_26 : i32
      %get3A = arith.index_cast %mul3A_27 : i32 to index
      %get3A_28 = tpu.vector_load %arg7[%get3A] {strides = array<i32>} : memref<25600xf32, #tpu.memory_space<vmem>>, vector<16xf32>,
      %add3A_29 = arith.constant 16 : i32
      %add3A_30 = arith.addi %mul3A_27, %add3A_29 : i32
      %get3A_31 = arith.index_cast %add3A_30 : i32 to index
      %get3A_32 = tpu.vector_load %arg7[%get3A_31] {strides = array<i32>} : memref<25600xf32, #tpu.memory_space<vmem>>, vector<16xf32>,
      %max3A = arith.maximumf %get3A_28, %get3A_32 : vector<16xf32>
      %add3A_33 = arith.constant 32 : i32
      %add3A_34 = arith.addi %mul3A_27, %add3A_33 : i32
      %get3A_35 = arith.index_cast %add3A_34 : i32 to index
      %get3A_36 = tpu.vector_load %arg7[%get3A_35] {strides = array<i32>} : memref<25600xf32, #tpu.memory_space<vmem>>, vector<16xf32>,
      %max3A_37 = arith.maximumf %max3A, %get3A_36 : vector<16xf32>
      %add3A_38 = arith.constant 48 : i32
      %add3A_39 = arith.addi %mul3A_27, %add3A_38 : i32
      %get3A_40 = arith.index_cast %add3A_39 : i32 to index
      %get3A_41 = tpu.vector_load %arg7[%get3A_40] {strides = array<i32>} : memref<25600xf32, #tpu.memory_space<vmem>>, vector<16xf32>,
      %max3A_42 = arith.maximumf %max3A_37, %get3A_41 : vector<16xf32>
      %add3A_43 = arith.constant 64 : i32
      %add3A_44 = arith.addi %mul3A_27, %add3A_43 : i32
      %get3A_45 = arith.index_cast %add3A_44 : i32 to index
      %get3A_46 = tpu.vector_load %arg7[%get3A_45] {strides = array<i32>} : memref<25600xf32, #tpu.memory_space<vmem>>, vector<16xf32>,
      %max3A_47 = arith.maximumf %max3A_42, %get3A_46 : vector<16xf32>
      %add3A_48 = arith.constant 80 : i32
      %add3A_49 = arith.addi %mul3A_27, %add3A_48 : i32
      %get3A_50 = arith.index_cast %add3A_49 : i32 to index
      %get3A_51 = tpu.vector_load %arg7[%get3A_50] {strides = array<i32>} : memref<25600xf32, #tpu.memory_space<vmem>>, vector<16xf32>,
      %max3A_52 = arith.maximumf %max3A_47, %get3A_51 : vector<16xf32>
      %add3A_53 = arith.constant 96 : i32
      %add3A_54 = arith.addi %mul3A_27, %add3A_53 : i32
      %get3A_55 = arith.index_cast %add3A_54 : i32 to index
      %get3A_56 = tpu.vector_load %arg7[%get3A_55] {strides = array<i32>} : memref<25600xf32, #tpu.memory_space<vmem>>, vector<16xf32>,
      %max3A_57 = arith.maximumf %max3A_52, %get3A_56 : vector<16xf32>
      %add3A_58 = arith.constant 112 : i32
      %add3A_59 = arith.addi %mul3A_27, %add3A_58 : i32
      %get3A_60 = arith.index_cast %add3A_59 : i32 to index
      %get3A_61 = tpu.vector_load %arg7[%get3A_60] {strides = array<i32>} : memref<25600xf32, #tpu.memory_space<vmem>>, vector<16xf32>,
      %max3A_62 = arith.maximumf %max3A_57, %get3A_61 : vector<16xf32>
      %add3A_63 = arith.constant 128 : i32
      %add3A_64 = arith.addi %mul3A_27, %add3A_63 : i32
      %get3A_65 = arith.index_cast %add3A_64 : i32 to index
      %get3A_66 = tpu.vector_load %arg7[%get3A_65] {strides = array<i32>} : memref<25600xf32, #tpu.memory_space<vmem>>, vector<16xf32>,
      %max3A_67 = arith.maximumf %max3A_62, %get3A_66 : vector<16xf32>
      %add3A_68 = arith.constant 144 : i32
      %add3A_69 = arith.addi %mul3A_27, %add3A_68 : i32
      %get3A_70 = arith.index_cast %add3A_69 : i32 to index
      %get3A_71 = tpu.vector_load %arg7[%get3A_70] {strides = array<i32>} : memref<25600xf32, #tpu.memory_space<vmem>>, vector<16xf32>,
      %max3A_72 = arith.maximumf %max3A_67, %get3A_71 : vector<16xf32>
      %add3A_73 = arith.constant 160 : i32
      %add3A_74 = arith.addi %mul3A_27, %add3A_73 : i32
      %get3A_75 = arith.index_cast %add3A_74 : i32 to index
      %get3A_76 = tpu.vector_load %arg7[%get3A_75] {strides = array<i32>} : memref<25600xf32, #tpu.memory_space<vmem>>, vector<16xf32>,
      %max3A_77 = arith.maximumf %max3A_72, %get3A_76 : vector<16xf32>
      %add3A_78 = arith.constant 176 : i32
      %add3A_79 = arith.addi %mul3A_27, %add3A_78 : i32
      %get3A_80 = arith.index_cast %add3A_79 : i32 to index
      %get3A_81 = tpu.vector_load %arg7[%get3A_80] {strides = array<i32>} : memref<25600xf32, #tpu.memory_space<vmem>>, vector<16xf32>,
      %max3A_82 = arith.maximumf %max3A_77, %get3A_81 : vector<16xf32>
      %add3A_83 = arith.constant 184 : i32
      %add3A_84 = arith.addi %mul3A_27, %add3A_83 : i32
      %get3A_85 = arith.index_cast %add3A_84 : i32 to index
      %get3A_86 = tpu.vector_load %arg7[%get3A_85] {strides = array<i32>} : memref<25600xf32, #tpu.memory_space<vmem>>, vector<16xf32>,
      %max3A_87 = arith.maximumf %max3A_82, %get3A_86 : vector<16xf32>
      %reduce_max3A = arith.constant true
      %reduce_max3A_88 = vector.broadcast %reduce_max3A : i1 to vector<16xi1>
      %reduce_max3A_89 = tpu.scan <max>, %max3A_87 masked %reduce_max3A_88 : vector<16xf32>, vector<16xi1> -> vector<16xf32>
      %reduce_max3A_90 = vector.extract %reduce_max3A_89[15] : f32 from vector<16xf32>
      %broadcast_in_dim3A_91 = arith.constant 0.000000e+00 : f32
      %broadcast_in_dim3A_92 = vector.broadcast %broadcast_in_dim3A_91 : f32 to vector<16xf32>
      %broadcast_in_dim3A_93 = arith.constant 0.000000e+00 : f32
      %broadcast_in_dim3A_94 = vector.broadcast %broadcast_in_dim3A_93 : f32 to vector<16xf32>
      %add3A_95 = arith.constant 0 : i32
      %add3A_96 = arith.addi %mul3A_27, %add3A_95 : i32
      %get3A_97 = arith.index_cast %add3A_96 : i32 to index
      %get3A_98 = tpu.vector_load %arg7[%get3A_97] {strides = array<i32>} : memref<25600xf32, #tpu.memory_space<vmem>>, vector<16xf32>,
      %add3A_99 = arith.constant 0 : i32
      %add3A_100 = arith.addi %mul3A_27, %add3A_99 : i32
      %get3A_101 = arith.index_cast %add3A_100 : i32 to index
      %get3A_102 = tpu.vector_load %arg8[%get3A_101] {strides = array<i32>} : memref<25600xf32, #tpu.memory_space<vmem>>, vector<16xf32>,
      %sub3A = vector.broadcast %reduce_max3A_90 : f32 to vector<16xf32>
      %sub3A_103 = arith.subf %get3A_98, %sub3A : vector<16xf32>
      %exp3A = math.exp %sub3A_103 : vector<16xf32>
      %add3A_104 = arith.addf %broadcast_in_dim3A_92, %exp3A : vector<16xf32>
      %mul3A_105 = arith.mulf %exp3A, %get3A_102 : vector<16xf32>
      %add3A_106 = arith.addf %broadcast_in_dim3A_94, %mul3A_105 : vector<16xf32>
      %add3A_107 = arith.constant 16 : i32
      %add3A_108 = arith.addi %mul3A_27, %add3A_107 : i32
      %get3A_109 = arith.index_cast %add3A_108 : i32 to index
      %get3A_110 = tpu.vector_load %arg7[%get3A_109] {strides = array<i32>} : memref<25600xf32, #tpu.memory_space<vmem>>, vector<16xf32>,
      %add3A_111 = arith.constant 16 : i32
      %add3A_112 = arith.addi %mul3A_27, %add3A_111 : i32
      %get3A_113 = arith.index_cast %add3A_112 : i32 to index
      %get3A_114 = tpu.vector_load %arg8[%get3A_113] {strides = array<i32>} : memref<25600xf32, #tpu.memory_space<vmem>>, vector<16xf32>,
      %sub3A_115 = vector.broadcast %reduce_max3A_90 : f32 to vector<16xf32>
      %sub3A_116 = arith.subf %get3A_110, %sub3A_115 : vector<16xf32>
      %exp3A_117 = math.exp %sub3A_116 : vector<16xf32>
      %add3A_118 = arith.addf %add3A_104, %exp3A_117 : vector<16xf32>
      %mul3A_119 = arith.mulf %exp3A_117, %get3A_114 : vector<16xf32>
      %add3A_120 = arith.addf %add3A_106, %mul3A_119 : vector<16xf32>
      %add3A_121 = arith.constant 32 : i32
      %add3A_122 = arith.addi %mul3A_27, %add3A_121 : i32
      %get3A_123 = arith.index_cast %add3A_122 : i32 to index
      %get3A_124 = tpu.vector_load %arg7[%get3A_123] {strides = array<i32>} : memref<25600xf32, #tpu.memory_space<vmem>>, vector<16xf32>,
      %add3A_125 = arith.constant 32 : i32
      %add3A_126 = arith.addi %mul3A_27, %add3A_125 : i32
      %get3A_127 = arith.index_cast %add3A_126 : i32 to index
      %get3A_128 = tpu.vector_load %arg8[%get3A_127] {strides = array<i32>} : memref<25600xf32, #tpu.memory_space<vmem>>, vector<16xf32>,
      %sub3A_129 = vector.broadcast %reduce_max3A_90 : f32 to vector<16xf32>
      %sub3A_130 = arith.subf %get3A_124, %sub3A_129 : vector<16xf32>
      %exp3A_131 = math.exp %sub3A_130 : vector<16xf32>
      %add3A_132 = arith.addf %add3A_118, %exp3A_131 : vector<16xf32>
      %mul3A_133 = arith.mulf %exp3A_131, %get3A_128 : vector<16xf32>
      %add3A_134 = arith.addf %add3A_120, %mul3A_133 : vector<16xf32>
      %add3A_135 = arith.constant 48 : i32
      %add3A_136 = arith.addi %mul3A_27, %add3A_135 : i32
      %get3A_137 = arith.index_cast %add3A_136 : i32 to index
      %get3A_138 = tpu.vector_load %arg7[%get3A_137] {strides = array<i32>} : memref<25600xf32, #tpu.memory_space<vmem>>, vector<16xf32>,
      %add3A_139 = arith.constant 48 : i32
      %add3A_140 = arith.addi %mul3A_27, %add3A_139 : i32
      %get3A_141 = arith.index_cast %add3A_140 : i32 to index
      %get3A_142 = tpu.vector_load %arg8[%get3A_141] {strides = array<i32>} : memref<25600xf32, #tpu.memory_space<vmem>>, vector<16xf32>,
      %sub3A_143 = vector.broadcast %reduce_max3A_90 : f32 to vector<16xf32>
      %sub3A_144 = arith.subf %get3A_138, %sub3A_143 : vector<16xf32>
      %exp3A_145 = math.exp %sub3A_144 : vector<16xf32>
      %add3A_146 = arith.addf %add3A_132, %exp3A_145 : vector<16xf32>
      %mul3A_147 = arith.mulf %exp3A_145, %get3A_142 : vector<16xf32>
      %add3A_148 = arith.addf %add3A_134, %mul3A_147 : vector<16xf32>
      %add3A_149 = arith.constant 64 : i32
      %add3A_150 = arith.addi %mul3A_27, %add3A_149 : i32
      %get3A_151 = arith.index_cast %add3A_150 : i32 to index
      %get3A_152 = tpu.vector_load %arg7[%get3A_151] {strides = array<i32>} : memref<25600xf32, #tpu.memory_space<vmem>>, vector<16xf32>,
      %add3A_153 = arith.constant 64 : i32
      %add3A_154 = arith.addi %mul3A_27, %add3A_153 : i32
      %get3A_155 = arith.index_cast %add3A_154 : i32 to index
      %get3A_156 = tpu.vector_load %arg8[%get3A_155] {strides = array<i32>} : memref<25600xf32, #tpu.memory_space<vmem>>, vector<16xf32>,
      %sub3A_157 = vector.broadcast %reduce_max3A_90 : f32 to vector<16xf32>
      %sub3A_158 = arith.subf %get3A_152, %sub3A_157 : vector<16xf32>
      %exp3A_159 = math.exp %sub3A_158 : vector<16xf32>
      %add3A_160 = arith.addf %add3A_146, %exp3A_159 : vector<16xf32>
      %mul3A_161 = arith.mulf %exp3A_159, %get3A_156 : vector<16xf32>
      %add3A_162 = arith.addf %add3A_148, %mul3A_161 : vector<16xf32>
      %add3A_163 = arith.constant 80 : i32
      %add3A_164 = arith.addi %mul3A_27, %add3A_163 : i32
      %get3A_165 = arith.index_cast %add3A_164 : i32 to index
      %get3A_166 = tpu.vector_load %arg7[%get3A_165] {strides = array<i32>} : memref<25600xf32, #tpu.memory_space<vmem>>, vector<16xf32>,
      %add3A_167 = arith.constant 80 : i32
      %add3A_168 = arith.addi %mul3A_27, %add3A_167 : i32
      %get3A_169 = arith.index_cast %add3A_168 : i32 to index
      %get3A_170 = tpu.vector_load %arg8[%get3A_169] {strides = array<i32>} : memref<25600xf32, #tpu.memory_space<vmem>>, vector<16xf32>,
      %sub3A_171 = vector.broadcast %reduce_max3A_90 : f32 to vector<16xf32>
      %sub3A_172 = arith.subf %get3A_166, %sub3A_171 : vector<16xf32>
      %exp3A_173 = math.exp %sub3A_172 : vector<16xf32>
      %add3A_174 = arith.addf %add3A_160, %exp3A_173 : vector<16xf32>
      %mul3A_175 = arith.mulf %exp3A_173, %get3A_170 : vector<16xf32>
      %add3A_176 = arith.addf %add3A_162, %mul3A_175 : vector<16xf32>
      %add3A_177 = arith.constant 96 : i32
      %add3A_178 = arith.addi %mul3A_27, %add3A_177 : i32
      %get3A_179 = arith.index_cast %add3A_178 : i32 to index
      %get3A_180 = tpu.vector_load %arg7[%get3A_179] {strides = array<i32>} : memref<25600xf32, #tpu.memory_space<vmem>>, vector<16xf32>,
      %add3A_181 = arith.constant 96 : i32
      %add3A_182 = arith.addi %mul3A_27, %add3A_181 : i32
      %get3A_183 = arith.index_cast %add3A_182 : i32 to index
      %get3A_184 = tpu.vector_load %arg8[%get3A_183] {strides = array<i32>} : memref<25600xf32, #tpu.memory_space<vmem>>, vector<16xf32>,
      %sub3A_185 = vector.broadcast %reduce_max3A_90 : f32 to vector<16xf32>
      %sub3A_186 = arith.subf %get3A_180, %sub3A_185 : vector<16xf32>
      %exp3A_187 = math.exp %sub3A_186 : vector<16xf32>
      %add3A_188 = arith.addf %add3A_174, %exp3A_187 : vector<16xf32>
      %mul3A_189 = arith.mulf %exp3A_187, %get3A_184 : vector<16xf32>
      %add3A_190 = arith.addf %add3A_176, %mul3A_189 : vector<16xf32>
      %add3A_191 = arith.constant 112 : i32
      %add3A_192 = arith.addi %mul3A_27, %add3A_191 : i32
      %get3A_193 = arith.index_cast %add3A_192 : i32 to index
      %get3A_194 = tpu.vector_load %arg7[%get3A_193] {strides = array<i32>} : memref<25600xf32, #tpu.memory_space<vmem>>, vector<16xf32>,
      %add3A_195 = arith.constant 112 : i32
      %add3A_196 = arith.addi %mul3A_27, %add3A_195 : i32
      %get3A_197 = arith.index_cast %add3A_196 : i32 to index
      %get3A_198 = tpu.vector_load %arg8[%get3A_197] {strides = array<i32>} : memref<25600xf32, #tpu.memory_space<vmem>>, vector<16xf32>,
      %sub3A_199 = vector.broadcast %reduce_max3A_90 : f32 to vector<16xf32>
      %sub3A_200 = arith.subf %get3A_194, %sub3A_199 : vector<16xf32>
      %exp3A_201 = math.exp %sub3A_200 : vector<16xf32>
      %add3A_202 = arith.addf %add3A_188, %exp3A_201 : vector<16xf32>
      %mul3A_203 = arith.mulf %exp3A_201, %get3A_198 : vector<16xf32>
      %add3A_204 = arith.addf %add3A_190, %mul3A_203 : vector<16xf32>
      %add3A_205 = arith.constant 128 : i32
      %add3A_206 = arith.addi %mul3A_27, %add3A_205 : i32
      %get3A_207 = arith.index_cast %add3A_206 : i32 to index
      %get3A_208 = tpu.vector_load %arg7[%get3A_207] {strides = array<i32>} : memref<25600xf32, #tpu.memory_space<vmem>>, vector<16xf32>,
      %add3A_209 = arith.constant 128 : i32
      %add3A_210 = arith.addi %mul3A_27, %add3A_209 : i32
      %get3A_211 = arith.index_cast %add3A_210 : i32 to index
      %get3A_212 = tpu.vector_load %arg8[%get3A_211] {strides = array<i32>} : memref<25600xf32, #tpu.memory_space<vmem>>, vector<16xf32>,
      %sub3A_213 = vector.broadcast %reduce_max3A_90 : f32 to vector<16xf32>
      %sub3A_214 = arith.subf %get3A_208, %sub3A_213 : vector<16xf32>
      %exp3A_215 = math.exp %sub3A_214 : vector<16xf32>
      %add3A_216 = arith.addf %add3A_202, %exp3A_215 : vector<16xf32>
      %mul3A_217 = arith.mulf %exp3A_215, %get3A_212 : vector<16xf32>
      %add3A_218 = arith.addf %add3A_204, %mul3A_217 : vector<16xf32>
      %add3A_219 = arith.constant 144 : i32
      %add3A_220 = arith.addi %mul3A_27, %add3A_219 : i32
      %get3A_221 = arith.index_cast %add3A_220 : i32 to index
      %get3A_222 = tpu.vector_load %arg7[%get3A_221] {strides = array<i32>} : memref<25600xf32, #tpu.memory_space<vmem>>, vector<16xf32>,
      %add3A_223 = arith.constant 144 : i32
      %add3A_224 = arith.addi %mul3A_27, %add3A_223 : i32
      %get3A_225 = arith.index_cast %add3A_224 : i32 to index
      %get3A_226 = tpu.vector_load %arg8[%get3A_225] {strides = array<i32>} : memref<25600xf32, #tpu.memory_space<vmem>>, vector<16xf32>,
      %sub3A_227 = vector.broadcast %reduce_max3A_90 : f32 to vector<16xf32>
      %sub3A_228 = arith.subf %get3A_222, %sub3A_227 : vector<16xf32>
      %exp3A_229 = math.exp %sub3A_228 : vector<16xf32>
      %add3A_230 = arith.addf %add3A_216, %exp3A_229 : vector<16xf32>
      %mul3A_231 = arith.mulf %exp3A_229, %get3A_226 : vector<16xf32>
      %add3A_232 = arith.addf %add3A_218, %mul3A_231 : vector<16xf32>
      %add3A_233 = arith.constant 160 : i32
      %add3A_234 = arith.addi %mul3A_27, %add3A_233 : i32
      %get3A_235 = arith.index_cast %add3A_234 : i32 to index
      %get3A_236 = tpu.vector_load %arg7[%get3A_235] {strides = array<i32>} : memref<25600xf32, #tpu.memory_space<vmem>>, vector<16xf32>,
      %add3A_237 = arith.constant 160 : i32
      %add3A_238 = arith.addi %mul3A_27, %add3A_237 : i32
      %get3A_239 = arith.index_cast %add3A_238 : i32 to index
      %get3A_240 = tpu.vector_load %arg8[%get3A_239] {strides = array<i32>} : memref<25600xf32, #tpu.memory_space<vmem>>, vector<16xf32>,
      %sub3A_241 = vector.broadcast %reduce_max3A_90 : f32 to vector<16xf32>
      %sub3A_242 = arith.subf %get3A_236, %sub3A_241 : vector<16xf32>
      %exp3A_243 = math.exp %sub3A_242 : vector<16xf32>
      %add3A_244 = arith.addf %add3A_230, %exp3A_243 : vector<16xf32>
      %mul3A_245 = arith.mulf %exp3A_243, %get3A_240 : vector<16xf32>
      %add3A_246 = arith.addf %add3A_232, %mul3A_245 : vector<16xf32>
      %add3A_247 = arith.constant 176 : i32
      %add3A_248 = arith.addi %mul3A_27, %add3A_247 : i32
      %get3A_249 = arith.index_cast %add3A_248 : i32 to index
      %get3A_250 = tpu.vector_load %arg7[%get3A_249] {strides = array<i32>} : memref<25600xf32, #tpu.memory_space<vmem>>, vector<16xf32>,
      %add3A_251 = arith.constant 176 : i32
      %add3A_252 = arith.addi %mul3A_27, %add3A_251 : i32
      %get3A_253 = arith.index_cast %add3A_252 : i32 to index
      %get3A_254 = tpu.vector_load %arg8[%get3A_253] {strides = array<i32>} : memref<25600xf32, #tpu.memory_space<vmem>>, vector<16xf32>,
      %sub3A_255 = vector.broadcast %reduce_max3A_90 : f32 to vector<16xf32>
      %sub3A_256 = arith.subf %get3A_250, %sub3A_255 : vector<16xf32>
      %exp3A_257 = math.exp %sub3A_256 : vector<16xf32>
      %add3A_258 = arith.addf %add3A_244, %exp3A_257 : vector<16xf32>
      %mul3A_259 = arith.mulf %exp3A_257, %get3A_254 : vector<16xf32>
      %add3A_260 = arith.addf %add3A_246, %mul3A_259 : vector<16xf32>
      %add3A_261 = arith.constant 184 : i32
      %add3A_262 = arith.addi %mul3A_27, %add3A_261 : i32
      %get3A_263 = arith.index_cast %add3A_262 : i32 to index
      %get3A_264 = tpu.vector_load %arg7[%get3A_263] {strides = array<i32>} : memref<25600xf32, #tpu.memory_space<vmem>>, vector<16xf32>,
      %add3A_265 = arith.constant 184 : i32
      %add3A_266 = arith.addi %mul3A_27, %add3A_265 : i32
      %get3A_267 = arith.index_cast %add3A_266 : i32 to index
      %get3A_268 = tpu.vector_load %arg8[%get3A_267] {strides = array<i32>} : memref<25600xf32, #tpu.memory_space<vmem>>, vector<16xf32>,
      %sub3A_269 = vector.broadcast %reduce_max3A_90 : f32 to vector<16xf32>
      %sub3A_270 = arith.subf %get3A_264, %sub3A_269 : vector<16xf32>
      %exp3A_271 = math.exp %sub3A_270 : vector<16xf32>
      %jit3A = arith.constant 0.000000e+00 : f32
      %broadcast_in_dim3A_272 = vector.broadcast %jit3A : f32 to vector<16xf32>
      %select_n3A = arith.select %ge3A_10, %exp3A_271, %broadcast_in_dim3A_272 : vector<16xi1>, vector<16xf32>
      %add3A_273 = arith.addf %add3A_258, %select_n3A : vector<16xf32>
      %mul3A_274 = arith.mulf %select_n3A, %get3A_268 : vector<16xf32>
      %add3A_275 = arith.addf %add3A_260, %mul3A_274 : vector<16xf32>
      %eq3A = arith.constant 0 : i32
      %eq3A_276 = vector.broadcast %eq3A : i32 to vector<16xi32>
      %eq3A_277 = arith.cmpi eq, %iota3A, %eq3A_276 : vector<16xi32>
      %reduce_sum3A = arith.constant true
      %reduce_sum3A_278 = vector.broadcast %reduce_sum3A : i1 to vector<16xi1>
      %reduce_sum3A_279 = tpu.scan <sum>, %add3A_275 masked %reduce_sum3A_278 : vector<16xf32>, vector<16xi1> -> vector<16xf32>
      %reduce_sum3A_280 = vector.extract %reduce_sum3A_279[15] : f32 from vector<16xf32>
      %broadcast_in_dim3A_281 = vector.broadcast %reduce_sum3A_280 : f32 to vector<16xf32>
      %select_n3A_282 = arith.select %eq3A_277, %broadcast_in_dim3A_281, %broadcast_in_dim3A_19 : vector<16xi1>, vector<16xf32>
      %reduce_sum3A_283 = arith.constant true
      %reduce_sum3A_284 = vector.broadcast %reduce_sum3A_283 : i1 to vector<16xi1>
      %reduce_sum3A_285 = tpu.scan <sum>, %add3A_273 masked %reduce_sum3A_284 : vector<16xf32>, vector<16xi1> -> vector<16xf32>
      %reduce_sum3A_286 = vector.extract %reduce_sum3A_285[15] : f32 from vector<16xf32>
      %broadcast_in_dim3A_287 = vector.broadcast %reduce_sum3A_286 : f32 to vector<16xf32>
      %select_n3A_288 = arith.select %eq3A_277, %broadcast_in_dim3A_287, %broadcast_in_dim3A_21 : vector<16xi1>, vector<16xf32>
      %mul3A_289 = arith.constant 16 : i32
      %mul3A_290 = arith.muli %scan3A_18, %mul3A_289 : i32
      %add3A_291 = arith.constant 1 : i32
      %add3A_292 = arith.addi %mul3A_290, %add3A_291 : i32
      %mul3A_293 = arith.constant 200 : i32
      %mul3A_294 = arith.muli %add3A_292, %mul3A_293 : i32
      %get3A_295 = arith.index_cast %mul3A_294 : i32 to index
      %get3A_296 = tpu.vector_load %arg7[%get3A_295] {strides = array<i32>} : memref<25600xf32, #tpu.memory_space<vmem>>, vector<16xf32>,
      %add3A_297 = arith.constant 16 : i32
      %add3A_298 = arith.addi %mul3A_294, %add3A_297 : i32
      %get3A_299 = arith.index_cast %add3A_298 : i32 to index
      %get3A_300 = tpu.vector_load %arg7[%get3A_299] {strides = array<i32>} : memref<25600xf32, #tpu.memory_space<vmem>>, vector<16xf32>,
      %max3A_301 = arith.maximumf %get3A_296, %get3A_300 : vector<16xf32>
      %add3A_302 = arith.constant 32 : i32
      %add3A_303 = arith.addi %mul3A_294, %add3A_302 : i32
      %get3A_304 = arith.index_cast %add3A_303 : i32 to index
      %get3A_305 = tpu.vector_load %arg7[%get3A_304] {strides = array<i32>} : memref<25600xf32, #tpu.memory_space<vmem>>, vector<16xf32>,
      %max3A_306 = arith.maximumf %max3A_301, %get3A_305 : vector<16xf32>
      %add3A_307 = arith.constant 48 : i32
      %add3A_308 = arith.addi %mul3A_294, %add3A_307 : i32
      %get3A_309 = arith.index_cast %add3A_308 : i32 to index
      %get3A_310 = tpu.vector_load %arg7[%get3A_309] {strides = array<i32>} : memref<25600xf32, #tpu.memory_space<vmem>>, vector<16xf32>,
      %max3A_311 = arith.maximumf %max3A_306, %get3A_310 : vector<16xf32>
      %add3A_312 = arith.constant 64 : i32
      %add3A_313 = arith.addi %mul3A_294, %add3A_312 : i32
      %get3A_314 = arith.index_cast %add3A_313 : i32 to index
      %get3A_315 = tpu.vector_load %arg7[%get3A_314] {strides = array<i32>} : memref<25600xf32, #tpu.memory_space<vmem>>, vector<16xf32>,
      %max3A_316 = arith.maximumf %max3A_311, %get3A_315 : vector<16xf32>
      %add3A_317 = arith.constant 80 : i32
      %add3A_318 = arith.addi %mul3A_294, %add3A_317 : i32
      %get3A_319 = arith.index_cast %add3A_318 : i32 to index
      %get3A_320 = tpu.vector_load %arg7[%get3A_319] {strides = array<i32>} : memref<25600xf32, #tpu.memory_space<vmem>>, vector<16xf32>,
      %max3A_321 = arith.maximumf %max3A_316, %get3A_320 : vector<16xf32>
      %add3A_322 = arith.constant 96 : i32
      %add3A_323 = arith.addi %mul3A_294, %add3A_322 : i32
      %get3A_324 = arith.index_cast %add3A_323 : i32 to index
      %get3A_325 = tpu.vector_load %arg7[%get3A_324] {strides = array<i32>} : memref<25600xf32, #tpu.memory_space<vmem>>, vector<16xf32>,
      %max3A_326 = arith.maximumf %max3A_321, %get3A_325 : vector<16xf32>
      %add3A_327 = arith.constant 112 : i32
      %add3A_328 = arith.addi %mul3A_294, %add3A_327 : i32
      %get3A_329 = arith.index_cast %add3A_328 : i32 to index
      %get3A_330 = tpu.vector_load %arg7[%get3A_329] {strides = array<i32>} : memref<25600xf32, #tpu.memory_space<vmem>>, vector<16xf32>,
      %max3A_331 = arith.maximumf %max3A_326, %get3A_330 : vector<16xf32>
      %add3A_332 = arith.constant 128 : i32
      %add3A_333 = arith.addi %mul3A_294, %add3A_332 : i32
      %get3A_334 = arith.index_cast %add3A_333 : i32 to index
      %get3A_335 = tpu.vector_load %arg7[%get3A_334] {strides = array<i32>} : memref<25600xf32, #tpu.memory_space<vmem>>, vector<16xf32>,
      %max3A_336 = arith.maximumf %max3A_331, %get3A_335 : vector<16xf32>
      %add3A_337 = arith.constant 144 : i32
      %add3A_338 = arith.addi %mul3A_294, %add3A_337 : i32
      %get3A_339 = arith.index_cast %add3A_338 : i32 to index
      %get3A_340 = tpu.vector_load %arg7[%get3A_339] {strides = array<i32>} : memref<25600xf32, #tpu.memory_space<vmem>>, vector<16xf32>,
      %max3A_341 = arith.maximumf %max3A_336, %get3A_340 : vector<16xf32>
      %add3A_342 = arith.constant 160 : i32
      %add3A_343 = arith.addi %mul3A_294, %add3A_342 : i32
      %get3A_344 = arith.index_cast %add3A_343 : i32 to index
      %get3A_345 = tpu.vector_load %arg7[%get3A_344] {strides = array<i32>} : memref<25600xf32, #tpu.memory_space<vmem>>, vector<16xf32>,
      %max3A_346 = arith.maximumf %max3A_341, %get3A_345 : vector<16xf32>
      %add3A_347 = arith.constant 176 : i32
      %add3A_348 = arith.addi %mul3A_294, %add3A_347 : i32
      %get3A_349 = arith.index_cast %add3A_348 : i32 to index
      %get3A_350 = tpu.vector_load %arg7[%get3A_349] {strides = array<i32>} : memref<25600xf32, #tpu.memory_space<vmem>>, vector<16xf32>,
      %max3A_351 = arith.maximumf %max3A_346, %get3A_350 : vector<16xf32>
      %add3A_352 = arith.constant 184 : i32
      %add3A_353 = arith.addi %mul3A_294, %add3A_352 : i32
      %get3A_354 = arith.index_cast %add3A_353 : i32 to index
      %get3A_355 = tpu.vector_load %arg7[%get3A_354] {strides = array<i32>} : memref<25600xf32, #tpu.memory_space<vmem>>, vector<16xf32>,
      %max3A_356 = arith.maximumf %max3A_351, %get3A_355 : vector<16xf32>
      %reduce_max3A_357 = arith.constant true
      %reduce_max3A_358 = vector.broadcast %reduce_max3A_357 : i1 to vector<16xi1>
      %reduce_max3A_359 = tpu.scan <max>, %max3A_356 masked %reduce_max3A_358 : vector<16xf32>, vector<16xi1> -> vector<16xf32>
      %reduce_max3A_360 = vector.extract %reduce_max3A_359[15] : f32 from vector<16xf32>
      %broadcast_in_dim3A_361 = arith.constant 0.000000e+00 : f32
      %broadcast_in_dim3A_362 = vector.broadcast %broadcast_in_dim3A_361 : f32 to vector<16xf32>
      %broadcast_in_dim3A_363 = arith.constant 0.000000e+00 : f32
      %broadcast_in_dim3A_364 = vector.broadcast %broadcast_in_dim3A_363 : f32 to vector<16xf32>
      %add3A_365 = arith.constant 0 : i32
      %add3A_366 = arith.addi %mul3A_294, %add3A_365 : i32
      %get3A_367 = arith.index_cast %add3A_366 : i32 to index
      %get3A_368 = tpu.vector_load %arg7[%get3A_367] {strides = array<i32>} : memref<25600xf32, #tpu.memory_space<vmem>>, vector<16xf32>,
      %add3A_369 = arith.constant 0 : i32
      %add3A_370 = arith.addi %mul3A_294, %add3A_369 : i32
      %get3A_371 = arith.index_cast %add3A_370 : i32 to index
      %get3A_372 = tpu.vector_load %arg8[%get3A_371] {strides = array<i32>} : memref<25600xf32, #tpu.memory_space<vmem>>, vector<16xf32>,
      %sub3A_373 = vector.broadcast %reduce_max3A_360 : f32 to vector<16xf32>
      %sub3A_374 = arith.subf %get3A_368, %sub3A_373 : vector<16xf32>
      %exp3A_375 = math.exp %sub3A_374 : vector<16xf32>
      %add3A_376 = arith.addf %broadcast_in_dim3A_362, %exp3A_375 : vector<16xf32>
      %mul3A_377 = arith.mulf %exp3A_375, %get3A_372 : vector<16xf32>
      %add3A_378 = arith.addf %broadcast_in_dim3A_364, %mul3A_377 : vector<16xf32>
      %add3A_379 = arith.constant 16 : i32
      %add3A_380 = arith.addi %mul3A_294, %add3A_379 : i32
      %get3A_381 = arith.index_cast %add3A_380 : i32 to index
      %get3A_382 = tpu.vector_load %arg7[%get3A_381] {strides = array<i32>} : memref<25600xf32, #tpu.memory_space<vmem>>, vector<16xf32>,
      %add3A_383 = arith.constant 16 : i32
      %add3A_384 = arith.addi %mul3A_294, %add3A_383 : i32
      %get3A_385 = arith.index_cast %add3A_384 : i32 to index
      %get3A_386 = tpu.vector_load %arg8[%get3A_385] {strides = array<i32>} : memref<25600xf32, #tpu.memory_space<vmem>>, vector<16xf32>,
      %sub3A_387 = vector.broadcast %reduce_max3A_360 : f32 to vector<16xf32>
      %sub3A_388 = arith.subf %get3A_382, %sub3A_387 : vector<16xf32>
      %exp3A_389 = math.exp %sub3A_388 : vector<16xf32>
      %add3A_390 = arith.addf %add3A_376, %exp3A_389 : vector<16xf32>
      %mul3A_391 = arith.mulf %exp3A_389, %get3A_386 : vector<16xf32>
      %add3A_392 = arith.addf %add3A_378, %mul3A_391 : vector<16xf32>
      %add3A_393 = arith.constant 32 : i32
      %add3A_394 = arith.addi %mul3A_294, %add3A_393 : i32
      %get3A_395 = arith.index_cast %add3A_394 : i32 to index
      %get3A_396 = tpu.vector_load %arg7[%get3A_395] {strides = array<i32>} : memref<25600xf32, #tpu.memory_space<vmem>>, vector<16xf32>,
      %add3A_397 = arith.constant 32 : i32
      %add3A_398 = arith.addi %mul3A_294, %add3A_397 : i32
      %get3A_399 = arith.index_cast %add3A_398 : i32 to index
      %get3A_400 = tpu.vector_load %arg8[%get3A_399] {strides = array<i32>} : memref<25600xf32, #tpu.memory_space<vmem>>, vector<16xf32>,
      %sub3A_401 = vector.broadcast %reduce_max3A_360 : f32 to vector<16xf32>
      %sub3A_402 = arith.subf %get3A_396, %sub3A_401 : vector<16xf32>
      %exp3A_403 = math.exp %sub3A_402 : vector<16xf32>
      %add3A_404 = arith.addf %add3A_390, %exp3A_403 : vector<16xf32>
      %mul3A_405 = arith.mulf %exp3A_403, %get3A_400 : vector<16xf32>
      %add3A_406 = arith.addf %add3A_392, %mul3A_405 : vector<16xf32>
      %add3A_407 = arith.constant 48 : i32
      %add3A_408 = arith.addi %mul3A_294, %add3A_407 : i32
      %get3A_409 = arith.index_cast %add3A_408 : i32 to index
      %get3A_410 = tpu.vector_load %arg7[%get3A_409] {strides = array<i32>} : memref<25600xf32, #tpu.memory_space<vmem>>, vector<16xf32>,
      %add3A_411 = arith.constant 48 : i32
      %add3A_412 = arith.addi %mul3A_294, %add3A_411 : i32
      %get3A_413 = arith.index_cast %add3A_412 : i32 to index
      %get3A_414 = tpu.vector_load %arg8[%get3A_413] {strides = array<i32>} : memref<25600xf32, #tpu.memory_space<vmem>>, vector<16xf32>,
      %sub3A_415 = vector.broadcast %reduce_max3A_360 : f32 to vector<16xf32>
      %sub3A_416 = arith.subf %get3A_410, %sub3A_415 : vector<16xf32>
      %exp3A_417 = math.exp %sub3A_416 : vector<16xf32>
      %add3A_418 = arith.addf %add3A_404, %exp3A_417 : vector<16xf32>
      %mul3A_419 = arith.mulf %exp3A_417, %get3A_414 : vector<16xf32>
      %add3A_420 = arith.addf %add3A_406, %mul3A_419 : vector<16xf32>
      %add3A_421 = arith.constant 64 : i32
      %add3A_422 = arith.addi %mul3A_294, %add3A_421 : i32
      %get3A_423 = arith.index_cast %add3A_422 : i32 to index
      %get3A_424 = tpu.vector_load %arg7[%get3A_423] {strides = array<i32>} : memref<25600xf32, #tpu.memory_space<vmem>>, vector<16xf32>,
      %add3A_425 = arith.constant 64 : i32
      %add3A_426 = arith.addi %mul3A_294, %add3A_425 : i32
      %get3A_427 = arith.index_cast %add3A_426 : i32 to index
      %get3A_428 = tpu.vector_load %arg8[%get3A_427] {strides = array<i32>} : memref<25600xf32, #tpu.memory_space<vmem>>, vector<16xf32>,
      %sub3A_429 = vector.broadcast %reduce_max3A_360 : f32 to vector<16xf32>
      %sub3A_430 = arith.subf %get3A_424, %sub3A_429 : vector<16xf32>
      %exp3A_431 = math.exp %sub3A_430 : vector<16xf32>
      %add3A_432 = arith.addf %add3A_418, %exp3A_431 : vector<16xf32>
      %mul3A_433 = arith.mulf %exp3A_431, %get3A_428 : vector<16xf32>
      %add3A_434 = arith.addf %add3A_420, %mul3A_433 : vector<16xf32>
      %add3A_435 = arith.constant 80 : i32
      %add3A_436 = arith.addi %mul3A_294, %add3A_435 : i32
      %get3A_437 = arith.index_cast %add3A_436 : i32 to index
      %get3A_438 = tpu.vector_load %arg7[%get3A_437] {strides = array<i32>} : memref<25600xf32, #tpu.memory_space<vmem>>, vector<16xf32>,
      %add3A_439 = arith.constant 80 : i32
      %add3A_440 = arith.addi %mul3A_294, %add3A_439 : i32
      %get3A_441 = arith.index_cast %add3A_440 : i32 to index
      %get3A_442 = tpu.vector_load %arg8[%get3A_441] {strides = array<i32>} : memref<25600xf32, #tpu.memory_space<vmem>>, vector<16xf32>,
      %sub3A_443 = vector.broadcast %reduce_max3A_360 : f32 to vector<16xf32>
      %sub3A_444 = arith.subf %get3A_438, %sub3A_443 : vector<16xf32>
      %exp3A_445 = math.exp %sub3A_444 : vector<16xf32>
      %add3A_446 = arith.addf %add3A_432, %exp3A_445 : vector<16xf32>
      %mul3A_447 = arith.mulf %exp3A_445, %get3A_442 : vector<16xf32>
      %add3A_448 = arith.addf %add3A_434, %mul3A_447 : vector<16xf32>
      %add3A_449 = arith.constant 96 : i32
      %add3A_450 = arith.addi %mul3A_294, %add3A_449 : i32
      %get3A_451 = arith.index_cast %add3A_450 : i32 to index
      %get3A_452 = tpu.vector_load %arg7[%get3A_451] {strides = array<i32>} : memref<25600xf32, #tpu.memory_space<vmem>>, vector<16xf32>,
      %add3A_453 = arith.constant 96 : i32
      %add3A_454 = arith.addi %mul3A_294, %add3A_453 : i32
      %get3A_455 = arith.index_cast %add3A_454 : i32 to index
      %get3A_456 = tpu.vector_load %arg8[%get3A_455] {strides = array<i32>} : memref<25600xf32, #tpu.memory_space<vmem>>, vector<16xf32>,
      %sub3A_457 = vector.broadcast %reduce_max3A_360 : f32 to vector<16xf32>
      %sub3A_458 = arith.subf %get3A_452, %sub3A_457 : vector<16xf32>
      %exp3A_459 = math.exp %sub3A_458 : vector<16xf32>
      %add3A_460 = arith.addf %add3A_446, %exp3A_459 : vector<16xf32>
      %mul3A_461 = arith.mulf %exp3A_459, %get3A_456 : vector<16xf32>
      %add3A_462 = arith.addf %add3A_448, %mul3A_461 : vector<16xf32>
      %add3A_463 = arith.constant 112 : i32
      %add3A_464 = arith.addi %mul3A_294, %add3A_463 : i32
      %get3A_465 = arith.index_cast %add3A_464 : i32 to index
      %get3A_466 = tpu.vector_load %arg7[%get3A_465] {strides = array<i32>} : memref<25600xf32, #tpu.memory_space<vmem>>, vector<16xf32>,
      %add3A_467 = arith.constant 112 : i32
      %add3A_468 = arith.addi %mul3A_294, %add3A_467 : i32
      %get3A_469 = arith.index_cast %add3A_468 : i32 to index
      %get3A_470 = tpu.vector_load %arg8[%get3A_469] {strides = array<i32>} : memref<25600xf32, #tpu.memory_space<vmem>>, vector<16xf32>,
      %sub3A_471 = vector.broadcast %reduce_max3A_360 : f32 to vector<16xf32>
      %sub3A_472 = arith.subf %get3A_466, %sub3A_471 : vector<16xf32>
      %exp3A_473 = math.exp %sub3A_472 : vector<16xf32>
      %add3A_474 = arith.addf %add3A_460, %exp3A_473 : vector<16xf32>
      %mul3A_475 = arith.mulf %exp3A_473, %get3A_470 : vector<16xf32>
      %add3A_476 = arith.addf %add3A_462, %mul3A_475 : vector<16xf32>
      %add3A_477 = arith.constant 128 : i32
      %add3A_478 = arith.addi %mul3A_294, %add3A_477 : i32
      %get3A_479 = arith.index_cast %add3A_478 : i32 to index
      %get3A_480 = tpu.vector_load %arg7[%get3A_479] {strides = array<i32>} : memref<25600xf32, #tpu.memory_space<vmem>>, vector<16xf32>,
      %add3A_481 = arith.constant 128 : i32
      %add3A_482 = arith.addi %mul3A_294, %add3A_481 : i32
      %get3A_483 = arith.index_cast %add3A_482 : i32 to index
      %get3A_484 = tpu.vector_load %arg8[%get3A_483] {strides = array<i32>} : memref<25600xf32, #tpu.memory_space<vmem>>, vector<16xf32>,
      %sub3A_485 = vector.broadcast %reduce_max3A_360 : f32 to vector<16xf32>
      %sub3A_486 = arith.subf %get3A_480, %sub3A_485 : vector<16xf32>
      %exp3A_487 = math.exp %sub3A_486 : vector<16xf32>
      %add3A_488 = arith.addf %add3A_474, %exp3A_487 : vector<16xf32>
      %mul3A_489 = arith.mulf %exp3A_487, %get3A_484 : vector<16xf32>
      %add3A_490 = arith.addf %add3A_476, %mul3A_489 : vector<16xf32>
      %add3A_491 = arith.constant 144 : i32
      %add3A_492 = arith.addi %mul3A_294, %add3A_491 : i32
      %get3A_493 = arith.index_cast %add3A_492 : i32 to index
      %get3A_494 = tpu.vector_load %arg7[%get3A_493] {strides = array<i32>} : memref<25600xf32, #tpu.memory_space<vmem>>, vector<16xf32>,
      %add3A_495 = arith.constant 144 : i32
      %add3A_496 = arith.addi %mul3A_294, %add3A_495 : i32
      %get3A_497 = arith.index_cast %add3A_496 : i32 to index
      %get3A_498 = tpu.vector_load %arg8[%get3A_497] {strides = array<i32>} : memref<25600xf32, #tpu.memory_space<vmem>>, vector<16xf32>,
      %sub3A_499 = vector.broadcast %reduce_max3A_360 : f32 to vector<16xf32>
      %sub3A_500 = arith.subf %get3A_494, %sub3A_499 : vector<16xf32>
      %exp3A_501 = math.exp %sub3A_500 : vector<16xf32>
      %add3A_502 = arith.addf %add3A_488, %exp3A_501 : vector<16xf32>
      %mul3A_503 = arith.mulf %exp3A_501, %get3A_498 : vector<16xf32>
      %add3A_504 = arith.addf %add3A_490, %mul3A_503 : vector<16xf32>
      %add3A_505 = arith.constant 160 : i32
      %add3A_506 = arith.addi %mul3A_294, %add3A_505 : i32
      %get3A_507 = arith.index_cast %add3A_506 : i32 to index
      %get3A_508 = tpu.vector_load %arg7[%get3A_507] {strides = array<i32>} : memref<25600xf32, #tpu.memory_space<vmem>>, vector<16xf32>,
      %add3A_509 = arith.constant 160 : i32
      %add3A_510 = arith.addi %mul3A_294, %add3A_509 : i32
      %get3A_511 = arith.index_cast %add3A_510 : i32 to index
      %get3A_512 = tpu.vector_load %arg8[%get3A_511] {strides = array<i32>} : memref<25600xf32, #tpu.memory_space<vmem>>, vector<16xf32>,
      %sub3A_513 = vector.broadcast %reduce_max3A_360 : f32 to vector<16xf32>
      %sub3A_514 = arith.subf %get3A_508, %sub3A_513 : vector<16xf32>
      %exp3A_515 = math.exp %sub3A_514 : vector<16xf32>
      %add3A_516 = arith.addf %add3A_502, %exp3A_515 : vector<16xf32>
      %mul3A_517 = arith.mulf %exp3A_515, %get3A_512 : vector<16xf32>
      %add3A_518 = arith.addf %add3A_504, %mul3A_517 : vector<16xf32>
      %add3A_519 = arith.constant 176 : i32
      %add3A_520 = arith.addi %mul3A_294, %add3A_519 : i32
      %get3A_521 = arith.index_cast %add3A_520 : i32 to index
      %get3A_522 = tpu.vector_load %arg7[%get3A_521] {strides = array<i32>} : memref<25600xf32, #tpu.memory_space<vmem>>, vector<16xf32>,
      %add3A_523 = arith.constant 176 : i32
      %add3A_524 = arith.addi %mul3A_294, %add3A_523 : i32
      %get3A_525 = arith.index_cast %add3A_524 : i32 to index
      %get3A_526 = tpu.vector_load %arg8[%get3A_525] {strides = array<i32>} : memref<25600xf32, #tpu.memory_space<vmem>>, vector<16xf32>,
      %sub3A_527 = vector.broadcast %reduce_max3A_360 : f32 to vector<16xf32>
      %sub3A_528 = arith.subf %get3A_522, %sub3A_527 : vector<16xf32>
      %exp3A_529 = math.exp %sub3A_528 : vector<16xf32>
      %add3A_530 = arith.addf %add3A_516, %exp3A_529 : vector<16xf32>
      %mul3A_531 = arith.mulf %exp3A_529, %get3A_526 : vector<16xf32>
      %add3A_532 = arith.addf %add3A_518, %mul3A_531 : vector<16xf32>
      %add3A_533 = arith.constant 184 : i32
      %add3A_534 = arith.addi %mul3A_294, %add3A_533 : i32
      %get3A_535 = arith.index_cast %add3A_534 : i32 to index
      %get3A_536 = tpu.vector_load %arg7[%get3A_535] {strides = array<i32>} : memref<25600xf32, #tpu.memory_space<vmem>>, vector<16xf32>,
      %add3A_537 = arith.constant 184 : i32
      %add3A_538 = arith.addi %mul3A_294, %add3A_537 : i32
      %get3A_539 = arith.index_cast %add3A_538 : i32 to index
      %get3A_540 = tpu.vector_load %arg8[%get3A_539] {strides = array<i32>} : memref<25600xf32, #tpu.memory_space<vmem>>, vector<16xf32>,
      %sub3A_541 = vector.broadcast %reduce_max3A_360 : f32 to vector<16xf32>
      %sub3A_542 = arith.subf %get3A_536, %sub3A_541 : vector<16xf32>
      %exp3A_543 = math.exp %sub3A_542 : vector<16xf32>
      %jit3A_544 = arith.constant 0.000000e+00 : f32
      %broadcast_in_dim3A_545 = vector.broadcast %jit3A_544 : f32 to vector<16xf32>
      %select_n3A_546 = arith.select %ge3A_10, %exp3A_543, %broadcast_in_dim3A_545 : vector<16xi1>, vector<16xf32>
      %add3A_547 = arith.addf %add3A_530, %select_n3A_546 : vector<16xf32>
      %mul3A_548 = arith.mulf %select_n3A_546, %get3A_540 : vector<16xf32>
      %add3A_549 = arith.addf %add3A_532, %mul3A_548 : vector<16xf32>
      %eq3A_550 = arith.constant 1 : i32
      %eq3A_551 = vector.broadcast %eq3A_550 : i32 to vector<16xi32>
      %eq3A_552 = arith.cmpi eq, %iota3A, %eq3A_551 : vector<16xi32>
      %reduce_sum3A_553 = arith.constant true
      %reduce_sum3A_554 = vector.broadcast %reduce_sum3A_553 : i1 to vector<16xi1>
      %reduce_sum3A_555 = tpu.scan <sum>, %add3A_549 masked %reduce_sum3A_554 : vector<16xf32>, vector<16xi1> -> vector<16xf32>
      %reduce_sum3A_556 = vector.extract %reduce_sum3A_555[15] : f32 from vector<16xf32>
      %broadcast_in_dim3A_557 = vector.broadcast %reduce_sum3A_556 : f32 to vector<16xf32>
      %select_n3A_558 = arith.select %eq3A_552, %broadcast_in_dim3A_557, %select_n3A_282 : vector<16xi1>, vector<16xf32>
      %reduce_sum3A_559 = arith.constant true
      %reduce_sum3A_560 = vector.broadcast %reduce_sum3A_559 : i1 to vector<16xi1>
      %reduce_sum3A_561 = tpu.scan <sum>, %add3A_547 masked %reduce_sum3A_560 : vector<16xf32>, vector<16xi1> -> vector<16xf32>
      %reduce_sum3A_562 = vector.extract %reduce_sum3A_561[15] : f32 from vector<16xf32>
      %broadcast_in_dim3A_563 = vector.broadcast %reduce_sum3A_562 : f32 to vector<16xf32>
      %select_n3A_564 = arith.select %eq3A_552, %broadcast_in_dim3A_563, %select_n3A_288 : vector<16xi1>, vector<16xf32>
      %mul3A_565 = arith.constant 16 : i32
      %mul3A_566 = arith.muli %scan3A_18, %mul3A_565 : i32
      %add3A_567 = arith.constant 2 : i32
      %add3A_568 = arith.addi %mul3A_566, %add3A_567 : i32
      %mul3A_569 = arith.constant 200 : i32
      %mul3A_570 = arith.muli %add3A_568, %mul3A_569 : i32
      %get3A_571 = arith.index_cast %mul3A_570 : i32 to index
      %get3A_572 = tpu.vector_load %arg7[%get3A_571] {strides = array<i32>} : memref<25600xf32, #tpu.memory_space<vmem>>, vector<16xf32>,
      %add3A_573 = arith.constant 16 : i32
      %add3A_574 = arith.addi %mul3A_570, %add3A_573 : i32
      %get3A_575 = arith.index_cast %add3A_574 : i32 to index
      %get3A_576 = tpu.vector_load %arg7[%get3A_575] {strides = array<i32>} : memref<25600xf32, #tpu.memory_space<vmem>>, vector<16xf32>,
      %max3A_577 = arith.maximumf %get3A_572, %get3A_576 : vector<16xf32>
      %add3A_578 = arith.constant 32 : i32
      %add3A_579 = arith.addi %mul3A_570, %add3A_578 : i32
      %get3A_580 = arith.index_cast %add3A_579 : i32 to index
      %get3A_581 = tpu.vector_load %arg7[%get3A_580] {strides = array<i32>} : memref<25600xf32, #tpu.memory_space<vmem>>, vector<16xf32>,
      %max3A_582 = arith.maximumf %max3A_577, %get3A_581 : vector<16xf32>
      %add3A_583 = arith.constant 48 : i32
      %add3A_584 = arith.addi %mul3A_570, %add3A_583 : i32
      %get3A_585 = arith.index_cast %add3A_584 : i32 to index
      %get3A_586 = tpu.vector_load %arg7[%get3A_585] {strides = array<i32>} : memref<25600xf32, #tpu.memory_space<vmem>>, vector<16xf32>,
      %max3A_587 = arith.maximumf %max3A_582, %get3A_586 : vector<16xf32>
      %add3A_588 = arith.constant 64 : i32
      %add3A_589 = arith.addi %mul3A_570, %add3A_588 : i32
      %get3A_590 = arith.index_cast %add3A_589 : i32 to index
      %get3A_591 = tpu.vector_load %arg7[%get3A_590] {strides = array<i32>} : memref<25600xf32, #tpu.memory_space<vmem>>, vector<16xf32>,
      %max3A_592 = arith.maximumf %max3A_587, %get3A_591 : vector<16xf32>
      %add3A_593 = arith.constant 80 : i32
      %add3A_594 = arith.addi %mul3A_570, %add3A_593 : i32
      %get3A_595 = arith.index_cast %add3A_594 : i32 to index
      %get3A_596 = tpu.vector_load %arg7[%get3A_595] {strides = array<i32>} : memref<25600xf32, #tpu.memory_space<vmem>>, vector<16xf32>,
      %max3A_597 = arith.maximumf %max3A_592, %get3A_596 : vector<16xf32>
      %add3A_598 = arith.constant 96 : i32
      %add3A_599 = arith.addi %mul3A_570, %add3A_598 : i32
      %get3A_600 = arith.index_cast %add3A_599 : i32 to index
      %get3A_601 = tpu.vector_load %arg7[%get3A_600] {strides = array<i32>} : memref<25600xf32, #tpu.memory_space<vmem>>, vector<16xf32>,
      %max3A_602 = arith.maximumf %max3A_597, %get3A_601 : vector<16xf32>
      %add3A_603 = arith.constant 112 : i32
      %add3A_604 = arith.addi %mul3A_570, %add3A_603 : i32
      %get3A_605 = arith.index_cast %add3A_604 : i32 to index
      %get3A_606 = tpu.vector_load %arg7[%get3A_605] {strides = array<i32>} : memref<25600xf32, #tpu.memory_space<vmem>>, vector<16xf32>,
      %max3A_607 = arith.maximumf %max3A_602, %get3A_606 : vector<16xf32>
      %add3A_608 = arith.constant 128 : i32
      %add3A_609 = arith.addi %mul3A_570, %add3A_608 : i32
      %get3A_610 = arith.index_cast %add3A_609 : i32 to index
      %get3A_611 = tpu.vector_load %arg7[%get3A_610] {strides = array<i32>} : memref<25600xf32, #tpu.memory_space<vmem>>, vector<16xf32>,
      %max3A_612 = arith.maximumf %max3A_607, %get3A_611 : vector<16xf32>
      %add3A_613 = arith.constant 144 : i32
      %add3A_614 = arith.addi %mul3A_570, %add3A_613 : i32
      %get3A_615 = arith.index_cast %add3A_614 : i32 to index
      %get3A_616 = tpu.vector_load %arg7[%get3A_615] {strides = array<i32>} : memref<25600xf32, #tpu.memory_space<vmem>>, vector<16xf32>,
      %max3A_617 = arith.maximumf %max3A_612, %get3A_616 : vector<16xf32>
      %add3A_618 = arith.constant 160 : i32
      %add3A_619 = arith.addi %mul3A_570, %add3A_618 : i32
      %get3A_620 = arith.index_cast %add3A_619 : i32 to index
      %get3A_621 = tpu.vector_load %arg7[%get3A_620] {strides = array<i32>} : memref<25600xf32, #tpu.memory_space<vmem>>, vector<16xf32>,
      %max3A_622 = arith.maximumf %max3A_617, %get3A_621 : vector<16xf32>
      %add3A_623 = arith.constant 176 : i32
      %add3A_624 = arith.addi %mul3A_570, %add3A_623 : i32
      %get3A_625 = arith.index_cast %add3A_624 : i32 to index
      %get3A_626 = tpu.vector_load %arg7[%get3A_625] {strides = array<i32>} : memref<25600xf32, #tpu.memory_space<vmem>>, vector<16xf32>,
      %max3A_627 = arith.maximumf %max3A_622, %get3A_626 : vector<16xf32>
      %add3A_628 = arith.constant 184 : i32
      %add3A_629 = arith.addi %mul3A_570, %add3A_628 : i32
      %get3A_630 = arith.index_cast %add3A_629 : i32 to index
      %get3A_631 = tpu.vector_load %arg7[%get3A_630] {strides = array<i32>} : memref<25600xf32, #tpu.memory_space<vmem>>, vector<16xf32>,
      %max3A_632 = arith.maximumf %max3A_627, %get3A_631 : vector<16xf32>
      %reduce_max3A_633 = arith.constant true
      %reduce_max3A_634 = vector.broadcast %reduce_max3A_633 : i1 to vector<16xi1>
      %reduce_max3A_635 = tpu.scan <max>, %max3A_632 masked %reduce_max3A_634 : vector<16xf32>, vector<16xi1> -> vector<16xf32>
      %reduce_max3A_636 = vector.extract %reduce_max3A_635[15] : f32 from vector<16xf32>
      %broadcast_in_dim3A_637 = arith.constant 0.000000e+00 : f32
      %broadcast_in_dim3A_638 = vector.broadcast %broadcast_in_dim3A_637 : f32 to vector<16xf32>
      %broadcast_in_dim3A_639 = arith.constant 0.000000e+00 : f32
      %broadcast_in_dim3A_640 = vector.broadcast %broadcast_in_dim3A_639 : f32 to vector<16xf32>
      %add3A_641 = arith.constant 0 : i32
      %add3A_642 = arith.addi %mul3A_570, %add3A_641 : i32
      %get3A_643 = arith.index_cast %add3A_642 : i32 to index
      %get3A_644 = tpu.vector_load %arg7[%get3A_643] {strides = array<i32>} : memref<25600xf32, #tpu.memory_space<vmem>>, vector<16xf32>,
      %add3A_645 = arith.constant 0 : i32
      %add3A_646 = arith.addi %mul3A_570, %add3A_645 : i32
      %get3A_647 = arith.index_cast %add3A_646 : i32 to index
      %get3A_648 = tpu.vector_load %arg8[%get3A_647] {strides = array<i32>} : memref<25600xf32, #tpu.memory_space<vmem>>, vector<16xf32>,
      %sub3A_649 = vector.broadcast %reduce_max3A_636 : f32 to vector<16xf32>
      %sub3A_650 = arith.subf %get3A_644, %sub3A_649 : vector<16xf32>
      %exp3A_651 = math.exp %sub3A_650 : vector<16xf32>
      %add3A_652 = arith.addf %broadcast_in_dim3A_638, %exp3A_651 : vector<16xf32>
      %mul3A_653 = arith.mulf %exp3A_651, %get3A_648 : vector<16xf32>
      %add3A_654 = arith.addf %broadcast_in_dim3A_640, %mul3A_653 : vector<16xf32>
      %add3A_655 = arith.constant 16 : i32
      %add3A_656 = arith.addi %mul3A_570, %add3A_655 : i32
      %get3A_657 = arith.index_cast %add3A_656 : i32 to index
      %get3A_658 = tpu.vector_load %arg7[%get3A_657] {strides = array<i32>} : memref<25600xf32, #tpu.memory_space<vmem>>, vector<16xf32>,
      %add3A_659 = arith.constant 16 : i32
      %add3A_660 = arith.addi %mul3A_570, %add3A_659 : i32
      %get3A_661 = arith.index_cast %add3A_660 : i32 to index
      %get3A_662 = tpu.vector_load %arg8[%get3A_661] {strides = array<i32>} : memref<25600xf32, #tpu.memory_space<vmem>>, vector<16xf32>,
      %sub3A_663 = vector.broadcast %reduce_max3A_636 : f32 to vector<16xf32>
      %sub3A_664 = arith.subf %get3A_658, %sub3A_663 : vector<16xf32>
      %exp3A_665 = math.exp %sub3A_664 : vector<16xf32>
      %add3A_666 = arith.addf %add3A_652, %exp3A_665 : vector<16xf32>
      %mul3A_667 = arith.mulf %exp3A_665, %get3A_662 : vector<16xf32>
      %add3A_668 = arith.addf %add3A_654, %mul3A_667 : vector<16xf32>
      %add3A_669 = arith.constant 32 : i32
      %add3A_670 = arith.addi %mul3A_570, %add3A_669 : i32
      %get3A_671 = arith.index_cast %add3A_670 : i32 to index
      %get3A_672 = tpu.vector_load %arg7[%get3A_671] {strides = array<i32>} : memref<25600xf32, #tpu.memory_space<vmem>>, vector<16xf32>,
      %add3A_673 = arith.constant 32 : i32
      %add3A_674 = arith.addi %mul3A_570, %add3A_673 : i32
      %get3A_675 = arith.index_cast %add3A_674 : i32 to index
      %get3A_676 = tpu.vector_load %arg8[%get3A_675] {strides = array<i32>} : memref<25600xf32, #tpu.memory_space<vmem>>, vector<16xf32>,
      %sub3A_677 = vector.broadcast %reduce_max3A_636 : f32 to vector<16xf32>
      %sub3A_678 = arith.subf %get3A_672, %sub3A_677 : vector<16xf32>
      %exp3A_679 = math.exp %sub3A_678 : vector<16xf32>
      %add3A_680 = arith.addf %add3A_666, %exp3A_679 : vector<16xf32>
      %mul3A_681 = arith.mulf %exp3A_679, %get3A_676 : vector<16xf32>
      %add3A_682 = arith.addf %add3A_668, %mul3A_681 : vector<16xf32>
      %add3A_683 = arith.constant 48 : i32
      %add3A_684 = arith.addi %mul3A_570, %add3A_683 : i32
      %get3A_685 = arith.index_cast %add3A_684 : i32 to index
      %get3A_686 = tpu.vector_load %arg7[%get3A_685] {strides = array<i32>} : memref<25600xf32, #tpu.memory_space<vmem>>, vector<16xf32>,
      %add3A_687 = arith.constant 48 : i32
      %add3A_688 = arith.addi %mul3A_570, %add3A_687 : i32
      %get3A_689 = arith.index_cast %add3A_688 : i32 to index
      %get3A_690 = tpu.vector_load %arg8[%get3A_689] {strides = array<i32>} : memref<25600xf32, #tpu.memory_space<vmem>>, vector<16xf32>,
      %sub3A_691 = vector.broadcast %reduce_max3A_636 : f32 to vector<16xf32>
      %sub3A_692 = arith.subf %get3A_686, %sub3A_691 : vector<16xf32>
      %exp3A_693 = math.exp %sub3A_692 : vector<16xf32>
      %add3A_694 = arith.addf %add3A_680, %exp3A_693 : vector<16xf32>
      %mul3A_695 = arith.mulf %exp3A_693, %get3A_690 : vector<16xf32>
      %add3A_696 = arith.addf %add3A_682, %mul3A_695 : vector<16xf32>
      %add3A_697 = arith.constant 64 : i32
      %add3A_698 = arith.addi %mul3A_570, %add3A_697 : i32
      %get3A_699 = arith.index_cast %add3A_698 : i32 to index
      %get3A_700 = tpu.vector_load %arg7[%get3A_699] {strides = array<i32>} : memref<25600xf32, #tpu.memory_space<vmem>>, vector<16xf32>,
      %add3A_701 = arith.constant 64 : i32
      %add3A_702 = arith.addi %mul3A_570, %add3A_701 : i32
      %get3A_703 = arith.index_cast %add3A_702 : i32 to index
      %get3A_704 = tpu.vector_load %arg8[%get3A_703] {strides = array<i32>} : memref<25600xf32, #tpu.memory_space<vmem>>, vector<16xf32>,
      %sub3A_705 = vector.broadcast %reduce_max3A_636 : f32 to vector<16xf32>
      %sub3A_706 = arith.subf %get3A_700, %sub3A_705 : vector<16xf32>
      %exp3A_707 = math.exp %sub3A_706 : vector<16xf32>
      %add3A_708 = arith.addf %add3A_694, %exp3A_707 : vector<16xf32>
      %mul3A_709 = arith.mulf %exp3A_707, %get3A_704 : vector<16xf32>
      %add3A_710 = arith.addf %add3A_696, %mul3A_709 : vector<16xf32>
      %add3A_711 = arith.constant 80 : i32
      %add3A_712 = arith.addi %mul3A_570, %add3A_711 : i32
      %get3A_713 = arith.index_cast %add3A_712 : i32 to index
      %get3A_714 = tpu.vector_load %arg7[%get3A_713] {strides = array<i32>} : memref<25600xf32, #tpu.memory_space<vmem>>, vector<16xf32>,
      %add3A_715 = arith.constant 80 : i32
      %add3A_716 = arith.addi %mul3A_570, %add3A_715 : i32
      %get3A_717 = arith.index_cast %add3A_716 : i32 to index
      %get3A_718 = tpu.vector_load %arg8[%get3A_717] {strides = array<i32>} : memref<25600xf32, #tpu.memory_space<vmem>>, vector<16xf32>,
      %sub3A_719 = vector.broadcast %reduce_max3A_636 : f32 to vector<16xf32>
      %sub3A_720 = arith.subf %get3A_714, %sub3A_719 : vector<16xf32>
      %exp3A_721 = math.exp %sub3A_720 : vector<16xf32>
      %add3A_722 = arith.addf %add3A_708, %exp3A_721 : vector<16xf32>
      %mul3A_723 = arith.mulf %exp3A_721, %get3A_718 : vector<16xf32>
      %add3A_724 = arith.addf %add3A_710, %mul3A_723 : vector<16xf32>
      %add3A_725 = arith.constant 96 : i32
      %add3A_726 = arith.addi %mul3A_570, %add3A_725 : i32
      %get3A_727 = arith.index_cast %add3A_726 : i32 to index
      %get3A_728 = tpu.vector_load %arg7[%get3A_727] {strides = array<i32>} : memref<25600xf32, #tpu.memory_space<vmem>>, vector<16xf32>,
      %add3A_729 = arith.constant 96 : i32
      %add3A_730 = arith.addi %mul3A_570, %add3A_729 : i32
      %get3A_731 = arith.index_cast %add3A_730 : i32 to index
      %get3A_732 = tpu.vector_load %arg8[%get3A_731] {strides = array<i32>} : memref<25600xf32, #tpu.memory_space<vmem>>, vector<16xf32>,
      %sub3A_733 = vector.broadcast %reduce_max3A_636 : f32 to vector<16xf32>
      %sub3A_734 = arith.subf %get3A_728, %sub3A_733 : vector<16xf32>
      %exp3A_735 = math.exp %sub3A_734 : vector<16xf32>
      %add3A_736 = arith.addf %add3A_722, %exp3A_735 : vector<16xf32>
      %mul3A_737 = arith.mulf %exp3A_735, %get3A_732 : vector<16xf32>
      %add3A_738 = arith.addf %add3A_724, %mul3A_737 : vector<16xf32>
      %add3A_739 = arith.constant 112 : i32
      %add3A_740 = arith.addi %mul3A_570, %add3A_739 : i32
      %get3A_741 = arith.index_cast %add3A_740 : i32 to index
      %get3A_742 = tpu.vector_load %arg7[%get3A_741] {strides = array<i32>} : memref<25600xf32, #tpu.memory_space<vmem>>, vector<16xf32>,
      %add3A_743 = arith.constant 112 : i32
      %add3A_744 = arith.addi %mul3A_570, %add3A_743 : i32
      %get3A_745 = arith.index_cast %add3A_744 : i32 to index
      %get3A_746 = tpu.vector_load %arg8[%get3A_745] {strides = array<i32>} : memref<25600xf32, #tpu.memory_space<vmem>>, vector<16xf32>,
      %sub3A_747 = vector.broadcast %reduce_max3A_636 : f32 to vector<16xf32>
      %sub3A_748 = arith.subf %get3A_742, %sub3A_747 : vector<16xf32>
      %exp3A_749 = math.exp %sub3A_748 : vector<16xf32>
      %add3A_750 = arith.addf %add3A_736, %exp3A_749 : vector<16xf32>
      %mul3A_751 = arith.mulf %exp3A_749, %get3A_746 : vector<16xf32>
      %add3A_752 = arith.addf %add3A_738, %mul3A_751 : vector<16xf32>
      %add3A_753 = arith.constant 128 : i32
      %add3A_754 = arith.addi %mul3A_570, %add3A_753 : i32
      %get3A_755 = arith.index_cast %add3A_754 : i32 to index
      %get3A_756 = tpu.vector_load %arg7[%get3A_755] {strides = array<i32>} : memref<25600xf32, #tpu.memory_space<vmem>>, vector<16xf32>,
      %add3A_757 = arith.constant 128 : i32
      %add3A_758 = arith.addi %mul3A_570, %add3A_757 : i32
      %get3A_759 = arith.index_cast %add3A_758 : i32 to index
      %get3A_760 = tpu.vector_load %arg8[%get3A_759] {strides = array<i32>} : memref<25600xf32, #tpu.memory_space<vmem>>, vector<16xf32>,
      %sub3A_761 = vector.broadcast %reduce_max3A_636 : f32 to vector<16xf32>
      %sub3A_762 = arith.subf %get3A_756, %sub3A_761 : vector<16xf32>
      %exp3A_763 = math.exp %sub3A_762 : vector<16xf32>
      %add3A_764 = arith.addf %add3A_750, %exp3A_763 : vector<16xf32>
      %mul3A_765 = arith.mulf %exp3A_763, %get3A_760 : vector<16xf32>
      %add3A_766 = arith.addf %add3A_752, %mul3A_765 : vector<16xf32>
      %add3A_767 = arith.constant 144 : i32
      %add3A_768 = arith.addi %mul3A_570, %add3A_767 : i32
      %get3A_769 = arith.index_cast %add3A_768 : i32 to index
      %get3A_770 = tpu.vector_load %arg7[%get3A_769] {strides = array<i32>} : memref<25600xf32, #tpu.memory_space<vmem>>, vector<16xf32>,
      %add3A_771 = arith.constant 144 : i32
      %add3A_772 = arith.addi %mul3A_570, %add3A_771 : i32
      %get3A_773 = arith.index_cast %add3A_772 : i32 to index
      %get3A_774 = tpu.vector_load %arg8[%get3A_773] {strides = array<i32>} : memref<25600xf32, #tpu.memory_space<vmem>>, vector<16xf32>,
      %sub3A_775 = vector.broadcast %reduce_max3A_636 : f32 to vector<16xf32>
      %sub3A_776 = arith.subf %get3A_770, %sub3A_775 : vector<16xf32>
      %exp3A_777 = math.exp %sub3A_776 : vector<16xf32>
      %add3A_778 = arith.addf %add3A_764, %exp3A_777 : vector<16xf32>
      %mul3A_779 = arith.mulf %exp3A_777, %get3A_774 : vector<16xf32>
      %add3A_780 = arith.addf %add3A_766, %mul3A_779 : vector<16xf32>
      %add3A_781 = arith.constant 160 : i32
      %add3A_782 = arith.addi %mul3A_570, %add3A_781 : i32
      %get3A_783 = arith.index_cast %add3A_782 : i32 to index
      %get3A_784 = tpu.vector_load %arg7[%get3A_783] {strides = array<i32>} : memref<25600xf32, #tpu.memory_space<vmem>>, vector<16xf32>,
      %add3A_785 = arith.constant 160 : i32
      %add3A_786 = arith.addi %mul3A_570, %add3A_785 : i32
      %get3A_787 = arith.index_cast %add3A_786 : i32 to index
      %get3A_788 = tpu.vector_load %arg8[%get3A_787] {strides = array<i32>} : memref<25600xf32, #tpu.memory_space<vmem>>, vector<16xf32>,
      %sub3A_789 = vector.broadcast %reduce_max3A_636 : f32 to vector<16xf32>
      %sub3A_790 = arith.subf %get3A_784, %sub3A_789 : vector<16xf32>
      %exp3A_791 = math.exp %sub3A_790 : vector<16xf32>
      %add3A_792 = arith.addf %add3A_778, %exp3A_791 : vector<16xf32>
      %mul3A_793 = arith.mulf %exp3A_791, %get3A_788 : vector<16xf32>
      %add3A_794 = arith.addf %add3A_780, %mul3A_793 : vector<16xf32>
      %add3A_795 = arith.constant 176 : i32
      %add3A_796 = arith.addi %mul3A_570, %add3A_795 : i32
      %get3A_797 = arith.index_cast %add3A_796 : i32 to index
      %get3A_798 = tpu.vector_load %arg7[%get3A_797] {strides = array<i32>} : memref<25600xf32, #tpu.memory_space<vmem>>, vector<16xf32>,
      %add3A_799 = arith.constant 176 : i32
      %add3A_800 = arith.addi %mul3A_570, %add3A_799 : i32
      %get3A_801 = arith.index_cast %add3A_800 : i32 to index
      %get3A_802 = tpu.vector_load %arg8[%get3A_801] {strides = array<i32>} : memref<25600xf32, #tpu.memory_space<vmem>>, vector<16xf32>,
      %sub3A_803 = vector.broadcast %reduce_max3A_636 : f32 to vector<16xf32>
      %sub3A_804 = arith.subf %get3A_798, %sub3A_803 : vector<16xf32>
      %exp3A_805 = math.exp %sub3A_804 : vector<16xf32>
      %add3A_806 = arith.addf %add3A_792, %exp3A_805 : vector<16xf32>
      %mul3A_807 = arith.mulf %exp3A_805, %get3A_802 : vector<16xf32>
      %add3A_808 = arith.addf %add3A_794, %mul3A_807 : vector<16xf32>
      %add3A_809 = arith.constant 184 : i32
      %add3A_810 = arith.addi %mul3A_570, %add3A_809 : i32
      %get3A_811 = arith.index_cast %add3A_810 : i32 to index
      %get3A_812 = tpu.vector_load %arg7[%get3A_811] {strides = array<i32>} : memref<25600xf32, #tpu.memory_space<vmem>>, vector<16xf32>,
      %add3A_813 = arith.constant 184 : i32
      %add3A_814 = arith.addi %mul3A_570, %add3A_813 : i32
      %get3A_815 = arith.index_cast %add3A_814 : i32 to index
      %get3A_816 = tpu.vector_load %arg8[%get3A_815] {strides = array<i32>} : memref<25600xf32, #tpu.memory_space<vmem>>, vector<16xf32>,
      %sub3A_817 = vector.broadcast %reduce_max3A_636 : f32 to vector<16xf32>
      %sub3A_818 = arith.subf %get3A_812, %sub3A_817 : vector<16xf32>
      %exp3A_819 = math.exp %sub3A_818 : vector<16xf32>
      %jit3A_820 = arith.constant 0.000000e+00 : f32
      %broadcast_in_dim3A_821 = vector.broadcast %jit3A_820 : f32 to vector<16xf32>
      %select_n3A_822 = arith.select %ge3A_10, %exp3A_819, %broadcast_in_dim3A_821 : vector<16xi1>, vector<16xf32>
      %add3A_823 = arith.addf %add3A_806, %select_n3A_822 : vector<16xf32>
      %mul3A_824 = arith.mulf %select_n3A_822, %get3A_816 : vector<16xf32>
      %add3A_825 = arith.addf %add3A_808, %mul3A_824 : vector<16xf32>
      %eq3A_826 = arith.constant 2 : i32
      %eq3A_827 = vector.broadcast %eq3A_826 : i32 to vector<16xi32>
      %eq3A_828 = arith.cmpi eq, %iota3A, %eq3A_827 : vector<16xi32>
      %reduce_sum3A_829 = arith.constant true
      %reduce_sum3A_830 = vector.broadcast %reduce_sum3A_829 : i1 to vector<16xi1>
      %reduce_sum3A_831 = tpu.scan <sum>, %add3A_825 masked %reduce_sum3A_830 : vector<16xf32>, vector<16xi1> -> vector<16xf32>
      %reduce_sum3A_832 = vector.extract %reduce_sum3A_831[15] : f32 from vector<16xf32>
      %broadcast_in_dim3A_833 = vector.broadcast %reduce_sum3A_832 : f32 to vector<16xf32>
      %select_n3A_834 = arith.select %eq3A_828, %broadcast_in_dim3A_833, %select_n3A_558 : vector<16xi1>, vector<16xf32>
      %reduce_sum3A_835 = arith.constant true
      %reduce_sum3A_836 = vector.broadcast %reduce_sum3A_835 : i1 to vector<16xi1>
      %reduce_sum3A_837 = tpu.scan <sum>, %add3A_823 masked %reduce_sum3A_836 : vector<16xf32>, vector<16xi1> -> vector<16xf32>
      %reduce_sum3A_838 = vector.extract %reduce_sum3A_837[15] : f32 from vector<16xf32>
      %broadcast_in_dim3A_839 = vector.broadcast %reduce_sum3A_838 : f32 to vector<16xf32>
      %select_n3A_840 = arith.select %eq3A_828, %broadcast_in_dim3A_839, %select_n3A_564 : vector<16xi1>, vector<16xf32>
      %mul3A_841 = arith.constant 16 : i32
      %mul3A_842 = arith.muli %scan3A_18, %mul3A_841 : i32
      %add3A_843 = arith.constant 3 : i32
      %add3A_844 = arith.addi %mul3A_842, %add3A_843 : i32
      %mul3A_845 = arith.constant 200 : i32
      %mul3A_846 = arith.muli %add3A_844, %mul3A_845 : i32
      %get3A_847 = arith.index_cast %mul3A_846 : i32 to index
      %get3A_848 = tpu.vector_load %arg7[%get3A_847] {strides = array<i32>} : memref<25600xf32, #tpu.memory_space<vmem>>, vector<16xf32>,
      %add3A_849 = arith.constant 16 : i32
      %add3A_850 = arith.addi %mul3A_846, %add3A_849 : i32
      %get3A_851 = arith.index_cast %add3A_850 : i32 to index
      %get3A_852 = tpu.vector_load %arg7[%get3A_851] {strides = array<i32>} : memref<25600xf32, #tpu.memory_space<vmem>>, vector<16xf32>,
      %max3A_853 = arith.maximumf %get3A_848, %get3A_852 : vector<16xf32>
      %add3A_854 = arith.constant 32 : i32
      %add3A_855 = arith.addi %mul3A_846, %add3A_854 : i32
      %get3A_856 = arith.index_cast %add3A_855 : i32 to index
      %get3A_857 = tpu.vector_load %arg7[%get3A_856] {strides = array<i32>} : memref<25600xf32, #tpu.memory_space<vmem>>, vector<16xf32>,
      %max3A_858 = arith.maximumf %max3A_853, %get3A_857 : vector<16xf32>
      %add3A_859 = arith.constant 48 : i32
      %add3A_860 = arith.addi %mul3A_846, %add3A_859 : i32
      %get3A_861 = arith.index_cast %add3A_860 : i32 to index
      %get3A_862 = tpu.vector_load %arg7[%get3A_861] {strides = array<i32>} : memref<25600xf32, #tpu.memory_space<vmem>>, vector<16xf32>,
      %max3A_863 = arith.maximumf %max3A_858, %get3A_862 : vector<16xf32>
      %add3A_864 = arith.constant 64 : i32
      %add3A_865 = arith.addi %mul3A_846, %add3A_864 : i32
      %get3A_866 = arith.index_cast %add3A_865 : i32 to index
      %get3A_867 = tpu.vector_load %arg7[%get3A_866] {strides = array<i32>} : memref<25600xf32, #tpu.memory_space<vmem>>, vector<16xf32>,
      %max3A_868 = arith.maximumf %max3A_863, %get3A_867 : vector<16xf32>
      %add3A_869 = arith.constant 80 : i32
      %add3A_870 = arith.addi %mul3A_846, %add3A_869 : i32
      %get3A_871 = arith.index_cast %add3A_870 : i32 to index
      %get3A_872 = tpu.vector_load %arg7[%get3A_871] {strides = array<i32>} : memref<25600xf32, #tpu.memory_space<vmem>>, vector<16xf32>,
      %max3A_873 = arith.maximumf %max3A_868, %get3A_872 : vector<16xf32>
      %add3A_874 = arith.constant 96 : i32
      %add3A_875 = arith.addi %mul3A_846, %add3A_874 : i32
      %get3A_876 = arith.index_cast %add3A_875 : i32 to index
      %get3A_877 = tpu.vector_load %arg7[%get3A_876] {strides = array<i32>} : memref<25600xf32, #tpu.memory_space<vmem>>, vector<16xf32>,
      %max3A_878 = arith.maximumf %max3A_873, %get3A_877 : vector<16xf32>
      %add3A_879 = arith.constant 112 : i32
      %add3A_880 = arith.addi %mul3A_846, %add3A_879 : i32
      %get3A_881 = arith.index_cast %add3A_880 : i32 to index
      %get3A_882 = tpu.vector_load %arg7[%get3A_881] {strides = array<i32>} : memref<25600xf32, #tpu.memory_space<vmem>>, vector<16xf32>,
      %max3A_883 = arith.maximumf %max3A_878, %get3A_882 : vector<16xf32>
      %add3A_884 = arith.constant 128 : i32
      %add3A_885 = arith.addi %mul3A_846, %add3A_884 : i32
      %get3A_886 = arith.index_cast %add3A_885 : i32 to index
      %get3A_887 = tpu.vector_load %arg7[%get3A_886] {strides = array<i32>} : memref<25600xf32, #tpu.memory_space<vmem>>, vector<16xf32>,
      %max3A_888 = arith.maximumf %max3A_883, %get3A_887 : vector<16xf32>
      %add3A_889 = arith.constant 144 : i32
      %add3A_890 = arith.addi %mul3A_846, %add3A_889 : i32
      %get3A_891 = arith.index_cast %add3A_890 : i32 to index
      %get3A_892 = tpu.vector_load %arg7[%get3A_891] {strides = array<i32>} : memref<25600xf32, #tpu.memory_space<vmem>>, vector<16xf32>,
      %max3A_893 = arith.maximumf %max3A_888, %get3A_892 : vector<16xf32>
      %add3A_894 = arith.constant 160 : i32
      %add3A_895 = arith.addi %mul3A_846, %add3A_894 : i32
      %get3A_896 = arith.index_cast %add3A_895 : i32 to index
      %get3A_897 = tpu.vector_load %arg7[%get3A_896] {strides = array<i32>} : memref<25600xf32, #tpu.memory_space<vmem>>, vector<16xf32>,
      %max3A_898 = arith.maximumf %max3A_893, %get3A_897 : vector<16xf32>
      %add3A_899 = arith.constant 176 : i32
      %add3A_900 = arith.addi %mul3A_846, %add3A_899 : i32
      %get3A_901 = arith.index_cast %add3A_900 : i32 to index
      %get3A_902 = tpu.vector_load %arg7[%get3A_901] {strides = array<i32>} : memref<25600xf32, #tpu.memory_space<vmem>>, vector<16xf32>,
      %max3A_903 = arith.maximumf %max3A_898, %get3A_902 : vector<16xf32>
      %add3A_904 = arith.constant 184 : i32
      %add3A_905 = arith.addi %mul3A_846, %add3A_904 : i32
      %get3A_906 = arith.index_cast %add3A_905 : i32 to index
      %get3A_907 = tpu.vector_load %arg7[%get3A_906] {strides = array<i32>} : memref<25600xf32, #tpu.memory_space<vmem>>, vector<16xf32>,
      %max3A_908 = arith.maximumf %max3A_903, %get3A_907 : vector<16xf32>
      %reduce_max3A_909 = arith.constant true
      %reduce_max3A_910 = vector.broadcast %reduce_max3A_909 : i1 to vector<16xi1>
      %reduce_max3A_911 = tpu.scan <max>, %max3A_908 masked %reduce_max3A_910 : vector<16xf32>, vector<16xi1> -> vector<16xf32>
      %reduce_max3A_912 = vector.extract %reduce_max3A_911[15] : f32 from vector<16xf32>
      %broadcast_in_dim3A_913 = arith.constant 0.000000e+00 : f32
      %broadcast_in_dim3A_914 = vector.broadcast %broadcast_in_dim3A_913 : f32 to vector<16xf32>
      %broadcast_in_dim3A_915 = arith.constant 0.000000e+00 : f32
      %broadcast_in_dim3A_916 = vector.broadcast %broadcast_in_dim3A_915 : f32 to vector<16xf32>
      %add3A_917 = arith.constant 0 : i32
      %add3A_918 = arith.addi %mul3A_846, %add3A_917 : i32
      %get3A_919 = arith.index_cast %add3A_918 : i32 to index
      %get3A_920 = tpu.vector_load %arg7[%get3A_919] {strides = array<i32>} : memref<25600xf32, #tpu.memory_space<vmem>>, vector<16xf32>,
      %add3A_921 = arith.constant 0 : i32
      %add3A_922 = arith.addi %mul3A_846, %add3A_921 : i32
      %get3A_923 = arith.index_cast %add3A_922 : i32 to index
      %get3A_924 = tpu.vector_load %arg8[%get3A_923] {strides = array<i32>} : memref<25600xf32, #tpu.memory_space<vmem>>, vector<16xf32>,
      %sub3A_925 = vector.broadcast %reduce_max3A_912 : f32 to vector<16xf32>
      %sub3A_926 = arith.subf %get3A_920, %sub3A_925 : vector<16xf32>
      %exp3A_927 = math.exp %sub3A_926 : vector<16xf32>
      %add3A_928 = arith.addf %broadcast_in_dim3A_914, %exp3A_927 : vector<16xf32>
      %mul3A_929 = arith.mulf %exp3A_927, %get3A_924 : vector<16xf32>
      %add3A_930 = arith.addf %broadcast_in_dim3A_916, %mul3A_929 : vector<16xf32>
      %add3A_931 = arith.constant 16 : i32
      %add3A_932 = arith.addi %mul3A_846, %add3A_931 : i32
      %get3A_933 = arith.index_cast %add3A_932 : i32 to index
      %get3A_934 = tpu.vector_load %arg7[%get3A_933] {strides = array<i32>} : memref<25600xf32, #tpu.memory_space<vmem>>, vector<16xf32>,
      %add3A_935 = arith.constant 16 : i32
      %add3A_936 = arith.addi %mul3A_846, %add3A_935 : i32
      %get3A_937 = arith.index_cast %add3A_936 : i32 to index
      %get3A_938 = tpu.vector_load %arg8[%get3A_937] {strides = array<i32>} : memref<25600xf32, #tpu.memory_space<vmem>>, vector<16xf32>,
      %sub3A_939 = vector.broadcast %reduce_max3A_912 : f32 to vector<16xf32>
      %sub3A_940 = arith.subf %get3A_934, %sub3A_939 : vector<16xf32>
      %exp3A_941 = math.exp %sub3A_940 : vector<16xf32>
      %add3A_942 = arith.addf %add3A_928, %exp3A_941 : vector<16xf32>
      %mul3A_943 = arith.mulf %exp3A_941, %get3A_938 : vector<16xf32>
      %add3A_944 = arith.addf %add3A_930, %mul3A_943 : vector<16xf32>
      %add3A_945 = arith.constant 32 : i32
      %add3A_946 = arith.addi %mul3A_846, %add3A_945 : i32
      %get3A_947 = arith.index_cast %add3A_946 : i32 to index
      %get3A_948 = tpu.vector_load %arg7[%get3A_947] {strides = array<i32>} : memref<25600xf32, #tpu.memory_space<vmem>>, vector<16xf32>,
      %add3A_949 = arith.constant 32 : i32
      %add3A_950 = arith.addi %mul3A_846, %add3A_949 : i32
      %get3A_951 = arith.index_cast %add3A_950 : i32 to index
      %get3A_952 = tpu.vector_load %arg8[%get3A_951] {strides = array<i32>} : memref<25600xf32, #tpu.memory_space<vmem>>, vector<16xf32>,
      %sub3A_953 = vector.broadcast %reduce_max3A_912 : f32 to vector<16xf32>
      %sub3A_954 = arith.subf %get3A_948, %sub3A_953 : vector<16xf32>
      %exp3A_955 = math.exp %sub3A_954 : vector<16xf32>
      %add3A_956 = arith.addf %add3A_942, %exp3A_955 : vector<16xf32>
      %mul3A_957 = arith.mulf %exp3A_955, %get3A_952 : vector<16xf32>
      %add3A_958 = arith.addf %add3A_944, %mul3A_957 : vector<16xf32>
      %add3A_959 = arith.constant 48 : i32
      %add3A_960 = arith.addi %mul3A_846, %add3A_959 : i32
      %get3A_961 = arith.index_cast %add3A_960 : i32 to index
      %get3A_962 = tpu.vector_load %arg7[%get3A_961] {strides = array<i32>} : memref<25600xf32, #tpu.memory_space<vmem>>, vector<16xf32>,
      %add3A_963 = arith.constant 48 : i32
      %add3A_964 = arith.addi %mul3A_846, %add3A_963 : i32
      %get3A_965 = arith.index_cast %add3A_964 : i32 to index
      %get3A_966 = tpu.vector_load %arg8[%get3A_965] {strides = array<i32>} : memref<25600xf32, #tpu.memory_space<vmem>>, vector<16xf32>,
      %sub3A_967 = vector.broadcast %reduce_max3A_912 : f32 to vector<16xf32>
      %sub3A_968 = arith.subf %get3A_962, %sub3A_967 : vector<16xf32>
      %exp3A_969 = math.exp %sub3A_968 : vector<16xf32>
      %add3A_970 = arith.addf %add3A_956, %exp3A_969 : vector<16xf32>
      %mul3A_971 = arith.mulf %exp3A_969, %get3A_966 : vector<16xf32>
      %add3A_972 = arith.addf %add3A_958, %mul3A_971 : vector<16xf32>
      %add3A_973 = arith.constant 64 : i32
      %add3A_974 = arith.addi %mul3A_846, %add3A_973 : i32
      %get3A_975 = arith.index_cast %add3A_974 : i32 to index
      %get3A_976 = tpu.vector_load %arg7[%get3A_975] {strides = array<i32>} : memref<25600xf32, #tpu.memory_space<vmem>>, vector<16xf32>,
      %add3A_977 = arith.constant 64 : i32
      %add3A_978 = arith.addi %mul3A_846, %add3A_977 : i32
      %get3A_979 = arith.index_cast %add3A_978 : i32 to index
      %get3A_980 = tpu.vector_load %arg8[%get3A_979] {strides = array<i32>} : memref<25600xf32, #tpu.memory_space<vmem>>, vector<16xf32>,
      %sub3A_981 = vector.broadcast %reduce_max3A_912 : f32 to vector<16xf32>
      %sub3A_982 = arith.subf %get3A_976, %sub3A_981 : vector<16xf32>
      %exp3A_983 = math.exp %sub3A_982 : vector<16xf32>
      %add3A_984 = arith.addf %add3A_970, %exp3A_983 : vector<16xf32>
      %mul3A_985 = arith.mulf %exp3A_983, %get3A_980 : vector<16xf32>
      %add3A_986 = arith.addf %add3A_972, %mul3A_985 : vector<16xf32>
      %add3A_987 = arith.constant 80 : i32
      %add3A_988 = arith.addi %mul3A_846, %add3A_987 : i32
      %get3A_989 = arith.index_cast %add3A_988 : i32 to index
      %get3A_990 = tpu.vector_load %arg7[%get3A_989] {strides = array<i32>} : memref<25600xf32, #tpu.memory_space<vmem>>, vector<16xf32>,
      %add3A_991 = arith.constant 80 : i32
      %add3A_992 = arith.addi %mul3A_846, %add3A_991 : i32
      %get3A_993 = arith.index_cast %add3A_992 : i32 to index
      %get3A_994 = tpu.vector_load %arg8[%get3A_993] {strides = array<i32>} : memref<25600xf32, #tpu.memory_space<vmem>>, vector<16xf32>,
      %sub3A_995 = vector.broadcast %reduce_max3A_912 : f32 to vector<16xf32>
      %sub3A_996 = arith.subf %get3A_990, %sub3A_995 : vector<16xf32>
      %exp3A_997 = math.exp %sub3A_996 : vector<16xf32>
      %add3A_998 = arith.addf %add3A_984, %exp3A_997 : vector<16xf32>
      %mul3A_999 = arith.mulf %exp3A_997, %get3A_994 : vector<16xf32>
      %add3A_1000 = arith.addf %add3A_986, %mul3A_999 : vector<16xf32>
      %add3A_1001 = arith.constant 96 : i32
      %add3A_1002 = arith.addi %mul3A_846, %add3A_1001 : i32
      %get3A_1003 = arith.index_cast %add3A_1002 : i32 to index
      %get3A_1004 = tpu.vector_load %arg7[%get3A_1003] {strides = array<i32>} : memref<25600xf32, #tpu.memory_space<vmem>>, vector<16xf32>,
      %add3A_1005 = arith.constant 96 : i32
      %add3A_1006 = arith.addi %mul3A_846, %add3A_1005 : i32
      %get3A_1007 = arith.index_cast %add3A_1006 : i32 to index
      %get3A_1008 = tpu.vector_load %arg8[%get3A_1007] {strides = array<i32>} : memref<25600xf32, #tpu.memory_space<vmem>>, vector<16xf32>,
      %sub3A_1009 = vector.broadcast %reduce_max3A_912 : f32 to vector<16xf32>
      %sub3A_1010 = arith.subf %get3A_1004, %sub3A_1009 : vector<16xf32>
      %exp3A_1011 = math.exp %sub3A_1010 : vector<16xf32>
      %add3A_1012 = arith.addf %add3A_998, %exp3A_1011 : vector<16xf32>
      %mul3A_1013 = arith.mulf %exp3A_1011, %get3A_1008 : vector<16xf32>
      %add3A_1014 = arith.addf %add3A_1000, %mul3A_1013 : vector<16xf32>
      %add3A_1015 = arith.constant 112 : i32
      %add3A_1016 = arith.addi %mul3A_846, %add3A_1015 : i32
      %get3A_1017 = arith.index_cast %add3A_1016 : i32 to index
      %get3A_1018 = tpu.vector_load %arg7[%get3A_1017] {strides = array<i32>} : memref<25600xf32, #tpu.memory_space<vmem>>, vector<16xf32>,
      %add3A_1019 = arith.constant 112 : i32
      %add3A_1020 = arith.addi %mul3A_846, %add3A_1019 : i32
      %get3A_1021 = arith.index_cast %add3A_1020 : i32 to index
      %get3A_1022 = tpu.vector_load %arg8[%get3A_1021] {strides = array<i32>} : memref<25600xf32, #tpu.memory_space<vmem>>, vector<16xf32>,
      %sub3A_1023 = vector.broadcast %reduce_max3A_912 : f32 to vector<16xf32>
      %sub3A_1024 = arith.subf %get3A_1018, %sub3A_1023 : vector<16xf32>
      %exp3A_1025 = math.exp %sub3A_1024 : vector<16xf32>
      %add3A_1026 = arith.addf %add3A_1012, %exp3A_1025 : vector<16xf32>
      %mul3A_1027 = arith.mulf %exp3A_1025, %get3A_1022 : vector<16xf32>
      %add3A_1028 = arith.addf %add3A_1014, %mul3A_1027 : vector<16xf32>
      %add3A_1029 = arith.constant 128 : i32
      %add3A_1030 = arith.addi %mul3A_846, %add3A_1029 : i32
      %get3A_1031 = arith.index_cast %add3A_1030 : i32 to index
      %get3A_1032 = tpu.vector_load %arg7[%get3A_1031] {strides = array<i32>} : memref<25600xf32, #tpu.memory_space<vmem>>, vector<16xf32>,
      %add3A_1033 = arith.constant 128 : i32
      %add3A_1034 = arith.addi %mul3A_846, %add3A_1033 : i32
      %get3A_1035 = arith.index_cast %add3A_1034 : i32 to index
      %get3A_1036 = tpu.vector_load %arg8[%get3A_1035] {strides = array<i32>} : memref<25600xf32, #tpu.memory_space<vmem>>, vector<16xf32>,
      %sub3A_1037 = vector.broadcast %reduce_max3A_912 : f32 to vector<16xf32>
      %sub3A_1038 = arith.subf %get3A_1032, %sub3A_1037 : vector<16xf32>
      %exp3A_1039 = math.exp %sub3A_1038 : vector<16xf32>
      %add3A_1040 = arith.addf %add3A_1026, %exp3A_1039 : vector<16xf32>
      %mul3A_1041 = arith.mulf %exp3A_1039, %get3A_1036 : vector<16xf32>
      %add3A_1042 = arith.addf %add3A_1028, %mul3A_1041 : vector<16xf32>
      %add3A_1043 = arith.constant 144 : i32
      %add3A_1044 = arith.addi %mul3A_846, %add3A_1043 : i32
      %get3A_1045 = arith.index_cast %add3A_1044 : i32 to index
      %get3A_1046 = tpu.vector_load %arg7[%get3A_1045] {strides = array<i32>} : memref<25600xf32, #tpu.memory_space<vmem>>, vector<16xf32>,
      %add3A_1047 = arith.constant 144 : i32
      %add3A_1048 = arith.addi %mul3A_846, %add3A_1047 : i32
      %get3A_1049 = arith.index_cast %add3A_1048 : i32 to index
      %get3A_1050 = tpu.vector_load %arg8[%get3A_1049] {strides = array<i32>} : memref<25600xf32, #tpu.memory_space<vmem>>, vector<16xf32>,
      %sub3A_1051 = vector.broadcast %reduce_max3A_912 : f32 to vector<16xf32>
      %sub3A_1052 = arith.subf %get3A_1046, %sub3A_1051 : vector<16xf32>
      %exp3A_1053 = math.exp %sub3A_1052 : vector<16xf32>
      %add3A_1054 = arith.addf %add3A_1040, %exp3A_1053 : vector<16xf32>
      %mul3A_1055 = arith.mulf %exp3A_1053, %get3A_1050 : vector<16xf32>
      %add3A_1056 = arith.addf %add3A_1042, %mul3A_1055 : vector<16xf32>
      %add3A_1057 = arith.constant 160 : i32
      %add3A_1058 = arith.addi %mul3A_846, %add3A_1057 : i32
      %get3A_1059 = arith.index_cast %add3A_1058 : i32 to index
      %get3A_1060 = tpu.vector_load %arg7[%get3A_1059] {strides = array<i32>} : memref<25600xf32, #tpu.memory_space<vmem>>, vector<16xf32>,
      %add3A_1061 = arith.constant 160 : i32
      %add3A_1062 = arith.addi %mul3A_846, %add3A_1061 : i32
      %get3A_1063 = arith.index_cast %add3A_1062 : i32 to index
      %get3A_1064 = tpu.vector_load %arg8[%get3A_1063] {strides = array<i32>} : memref<25600xf32, #tpu.memory_space<vmem>>, vector<16xf32>,
      %sub3A_1065 = vector.broadcast %reduce_max3A_912 : f32 to vector<16xf32>
      %sub3A_1066 = arith.subf %get3A_1060, %sub3A_1065 : vector<16xf32>
      %exp3A_1067 = math.exp %sub3A_1066 : vector<16xf32>
      %add3A_1068 = arith.addf %add3A_1054, %exp3A_1067 : vector<16xf32>
      %mul3A_1069 = arith.mulf %exp3A_1067, %get3A_1064 : vector<16xf32>
      %add3A_1070 = arith.addf %add3A_1056, %mul3A_1069 : vector<16xf32>
      %add3A_1071 = arith.constant 176 : i32
      %add3A_1072 = arith.addi %mul3A_846, %add3A_1071 : i32
      %get3A_1073 = arith.index_cast %add3A_1072 : i32 to index
      %get3A_1074 = tpu.vector_load %arg7[%get3A_1073] {strides = array<i32>} : memref<25600xf32, #tpu.memory_space<vmem>>, vector<16xf32>,
      %add3A_1075 = arith.constant 176 : i32
      %add3A_1076 = arith.addi %mul3A_846, %add3A_1075 : i32
      %get3A_1077 = arith.index_cast %add3A_1076 : i32 to index
      %get3A_1078 = tpu.vector_load %arg8[%get3A_1077] {strides = array<i32>} : memref<25600xf32, #tpu.memory_space<vmem>>, vector<16xf32>,
      %sub3A_1079 = vector.broadcast %reduce_max3A_912 : f32 to vector<16xf32>
      %sub3A_1080 = arith.subf %get3A_1074, %sub3A_1079 : vector<16xf32>
      %exp3A_1081 = math.exp %sub3A_1080 : vector<16xf32>
      %add3A_1082 = arith.addf %add3A_1068, %exp3A_1081 : vector<16xf32>
      %mul3A_1083 = arith.mulf %exp3A_1081, %get3A_1078 : vector<16xf32>
      %add3A_1084 = arith.addf %add3A_1070, %mul3A_1083 : vector<16xf32>
      %add3A_1085 = arith.constant 184 : i32
      %add3A_1086 = arith.addi %mul3A_846, %add3A_1085 : i32
      %get3A_1087 = arith.index_cast %add3A_1086 : i32 to index
      %get3A_1088 = tpu.vector_load %arg7[%get3A_1087] {strides = array<i32>} : memref<25600xf32, #tpu.memory_space<vmem>>, vector<16xf32>,
      %add3A_1089 = arith.constant 184 : i32
      %add3A_1090 = arith.addi %mul3A_846, %add3A_1089 : i32
      %get3A_1091 = arith.index_cast %add3A_1090 : i32 to index
      %get3A_1092 = tpu.vector_load %arg8[%get3A_1091] {strides = array<i32>} : memref<25600xf32, #tpu.memory_space<vmem>>, vector<16xf32>,
      %sub3A_1093 = vector.broadcast %reduce_max3A_912 : f32 to vector<16xf32>
      %sub3A_1094 = arith.subf %get3A_1088, %sub3A_1093 : vector<16xf32>
      %exp3A_1095 = math.exp %sub3A_1094 : vector<16xf32>
      %jit3A_1096 = arith.constant 0.000000e+00 : f32
      %broadcast_in_dim3A_1097 = vector.broadcast %jit3A_1096 : f32 to vector<16xf32>
      %select_n3A_1098 = arith.select %ge3A_10, %exp3A_1095, %broadcast_in_dim3A_1097 : vector<16xi1>, vector<16xf32>
      %add3A_1099 = arith.addf %add3A_1082, %select_n3A_1098 : vector<16xf32>
      %mul3A_1100 = arith.mulf %select_n3A_1098, %get3A_1092 : vector<16xf32>
      %add3A_1101 = arith.addf %add3A_1084, %mul3A_1100 : vector<16xf32>
      %eq3A_1102 = arith.constant 3 : i32
      %eq3A_1103 = vector.broadcast %eq3A_1102 : i32 to vector<16xi32>
      %eq3A_1104 = arith.cmpi eq, %iota3A, %eq3A_1103 : vector<16xi32>
      %reduce_sum3A_1105 = arith.constant true
      %reduce_sum3A_1106 = vector.broadcast %reduce_sum3A_1105 : i1 to vector<16xi1>
      %reduce_sum3A_1107 = tpu.scan <sum>, %add3A_1101 masked %reduce_sum3A_1106 : vector<16xf32>, vector<16xi1> -> vector<16xf32>
      %reduce_sum3A_1108 = vector.extract %reduce_sum3A_1107[15] : f32 from vector<16xf32>
      %broadcast_in_dim3A_1109 = vector.broadcast %reduce_sum3A_1108 : f32 to vector<16xf32>
      %select_n3A_1110 = arith.select %eq3A_1104, %broadcast_in_dim3A_1109, %select_n3A_834 : vector<16xi1>, vector<16xf32>
      %reduce_sum3A_1111 = arith.constant true
      %reduce_sum3A_1112 = vector.broadcast %reduce_sum3A_1111 : i1 to vector<16xi1>
      %reduce_sum3A_1113 = tpu.scan <sum>, %add3A_1099 masked %reduce_sum3A_1112 : vector<16xf32>, vector<16xi1> -> vector<16xf32>
      %reduce_sum3A_1114 = vector.extract %reduce_sum3A_1113[15] : f32 from vector<16xf32>
      %broadcast_in_dim3A_1115 = vector.broadcast %reduce_sum3A_1114 : f32 to vector<16xf32>
      %select_n3A_1116 = arith.select %eq3A_1104, %broadcast_in_dim3A_1115, %select_n3A_840 : vector<16xi1>, vector<16xf32>
      %mul3A_1117 = arith.constant 16 : i32
      %mul3A_1118 = arith.muli %scan3A_18, %mul3A_1117 : i32
      %add3A_1119 = arith.constant 4 : i32
      %add3A_1120 = arith.addi %mul3A_1118, %add3A_1119 : i32
      %mul3A_1121 = arith.constant 200 : i32
      %mul3A_1122 = arith.muli %add3A_1120, %mul3A_1121 : i32
      %get3A_1123 = arith.index_cast %mul3A_1122 : i32 to index
      %get3A_1124 = tpu.vector_load %arg7[%get3A_1123] {strides = array<i32>} : memref<25600xf32, #tpu.memory_space<vmem>>, vector<16xf32>,
      %add3A_1125 = arith.constant 16 : i32
      %add3A_1126 = arith.addi %mul3A_1122, %add3A_1125 : i32
      %get3A_1127 = arith.index_cast %add3A_1126 : i32 to index
      %get3A_1128 = tpu.vector_load %arg7[%get3A_1127] {strides = array<i32>} : memref<25600xf32, #tpu.memory_space<vmem>>, vector<16xf32>,
      %max3A_1129 = arith.maximumf %get3A_1124, %get3A_1128 : vector<16xf32>
      %add3A_1130 = arith.constant 32 : i32
      %add3A_1131 = arith.addi %mul3A_1122, %add3A_1130 : i32
      %get3A_1132 = arith.index_cast %add3A_1131 : i32 to index
      %get3A_1133 = tpu.vector_load %arg7[%get3A_1132] {strides = array<i32>} : memref<25600xf32, #tpu.memory_space<vmem>>, vector<16xf32>,
      %max3A_1134 = arith.maximumf %max3A_1129, %get3A_1133 : vector<16xf32>
      %add3A_1135 = arith.constant 48 : i32
      %add3A_1136 = arith.addi %mul3A_1122, %add3A_1135 : i32
      %get3A_1137 = arith.index_cast %add3A_1136 : i32 to index
      %get3A_1138 = tpu.vector_load %arg7[%get3A_1137] {strides = array<i32>} : memref<25600xf32, #tpu.memory_space<vmem>>, vector<16xf32>,
      %max3A_1139 = arith.maximumf %max3A_1134, %get3A_1138 : vector<16xf32>
      %add3A_1140 = arith.constant 64 : i32
      %add3A_1141 = arith.addi %mul3A_1122, %add3A_1140 : i32
      %get3A_1142 = arith.index_cast %add3A_1141 : i32 to index
      %get3A_1143 = tpu.vector_load %arg7[%get3A_1142] {strides = array<i32>} : memref<25600xf32, #tpu.memory_space<vmem>>, vector<16xf32>,
      %max3A_1144 = arith.maximumf %max3A_1139, %get3A_1143 : vector<16xf32>
      %add3A_1145 = arith.constant 80 : i32
      %add3A_1146 = arith.addi %mul3A_1122, %add3A_1145 : i32
      %get3A_1147 = arith.index_cast %add3A_1146 : i32 to index
      %get3A_1148 = tpu.vector_load %arg7[%get3A_1147] {strides = array<i32>} : memref<25600xf32, #tpu.memory_space<vmem>>, vector<16xf32>,
      %max3A_1149 = arith.maximumf %max3A_1144, %get3A_1148 : vector<16xf32>
      %add3A_1150 = arith.constant 96 : i32
      %add3A_1151 = arith.addi %mul3A_1122, %add3A_1150 : i32
      %get3A_1152 = arith.index_cast %add3A_1151 : i32 to index
      %get3A_1153 = tpu.vector_load %arg7[%get3A_1152] {strides = array<i32>} : memref<25600xf32, #tpu.memory_space<vmem>>, vector<16xf32>,
      %max3A_1154 = arith.maximumf %max3A_1149, %get3A_1153 : vector<16xf32>
      %add3A_1155 = arith.constant 112 : i32
      %add3A_1156 = arith.addi %mul3A_1122, %add3A_1155 : i32
      %get3A_1157 = arith.index_cast %add3A_1156 : i32 to index
      %get3A_1158 = tpu.vector_load %arg7[%get3A_1157] {strides = array<i32>} : memref<25600xf32, #tpu.memory_space<vmem>>, vector<16xf32>,
      %max3A_1159 = arith.maximumf %max3A_1154, %get3A_1158 : vector<16xf32>
      %add3A_1160 = arith.constant 128 : i32
      %add3A_1161 = arith.addi %mul3A_1122, %add3A_1160 : i32
      %get3A_1162 = arith.index_cast %add3A_1161 : i32 to index
      %get3A_1163 = tpu.vector_load %arg7[%get3A_1162] {strides = array<i32>} : memref<25600xf32, #tpu.memory_space<vmem>>, vector<16xf32>,
      %max3A_1164 = arith.maximumf %max3A_1159, %get3A_1163 : vector<16xf32>
      %add3A_1165 = arith.constant 144 : i32
      %add3A_1166 = arith.addi %mul3A_1122, %add3A_1165 : i32
      %get3A_1167 = arith.index_cast %add3A_1166 : i32 to index
      %get3A_1168 = tpu.vector_load %arg7[%get3A_1167] {strides = array<i32>} : memref<25600xf32, #tpu.memory_space<vmem>>, vector<16xf32>,
      %max3A_1169 = arith.maximumf %max3A_1164, %get3A_1168 : vector<16xf32>
      %add3A_1170 = arith.constant 160 : i32
      %add3A_1171 = arith.addi %mul3A_1122, %add3A_1170 : i32
      %get3A_1172 = arith.index_cast %add3A_1171 : i32 to index
      %get3A_1173 = tpu.vector_load %arg7[%get3A_1172] {strides = array<i32>} : memref<25600xf32, #tpu.memory_space<vmem>>, vector<16xf32>,
      %max3A_1174 = arith.maximumf %max3A_1169, %get3A_1173 : vector<16xf32>
      %add3A_1175 = arith.constant 176 : i32
      %add3A_1176 = arith.addi %mul3A_1122, %add3A_1175 : i32
      %get3A_1177 = arith.index_cast %add3A_1176 : i32 to index
      %get3A_1178 = tpu.vector_load %arg7[%get3A_1177] {strides = array<i32>} : memref<25600xf32, #tpu.memory_space<vmem>>, vector<16xf32>,
      %max3A_1179 = arith.maximumf %max3A_1174, %get3A_1178 : vector<16xf32>
      %add3A_1180 = arith.constant 184 : i32
      %add3A_1181 = arith.addi %mul3A_1122, %add3A_1180 : i32
      %get3A_1182 = arith.index_cast %add3A_1181 : i32 to index
      %get3A_1183 = tpu.vector_load %arg7[%get3A_1182] {strides = array<i32>} : memref<25600xf32, #tpu.memory_space<vmem>>, vector<16xf32>,
      %max3A_1184 = arith.maximumf %max3A_1179, %get3A_1183 : vector<16xf32>
      %reduce_max3A_1185 = arith.constant true
      %reduce_max3A_1186 = vector.broadcast %reduce_max3A_1185 : i1 to vector<16xi1>
      %reduce_max3A_1187 = tpu.scan <max>, %max3A_1184 masked %reduce_max3A_1186 : vector<16xf32>, vector<16xi1> -> vector<16xf32>
      %reduce_max3A_1188 = vector.extract %reduce_max3A_1187[15] : f32 from vector<16xf32>
      %broadcast_in_dim3A_1189 = arith.constant 0.000000e+00 : f32
      %broadcast_in_dim3A_1190 = vector.broadcast %broadcast_in_dim3A_1189 : f32 to vector<16xf32>
      %broadcast_in_dim3A_1191 = arith.constant 0.000000e+00 : f32
      %broadcast_in_dim3A_1192 = vector.broadcast %broadcast_in_dim3A_1191 : f32 to vector<16xf32>
      %add3A_1193 = arith.constant 0 : i32
      %add3A_1194 = arith.addi %mul3A_1122, %add3A_1193 : i32
      %get3A_1195 = arith.index_cast %add3A_1194 : i32 to index
      %get3A_1196 = tpu.vector_load %arg7[%get3A_1195] {strides = array<i32>} : memref<25600xf32, #tpu.memory_space<vmem>>, vector<16xf32>,
      %add3A_1197 = arith.constant 0 : i32
      %add3A_1198 = arith.addi %mul3A_1122, %add3A_1197 : i32
      %get3A_1199 = arith.index_cast %add3A_1198 : i32 to index
      %get3A_1200 = tpu.vector_load %arg8[%get3A_1199] {strides = array<i32>} : memref<25600xf32, #tpu.memory_space<vmem>>, vector<16xf32>,
      %sub3A_1201 = vector.broadcast %reduce_max3A_1188 : f32 to vector<16xf32>
      %sub3A_1202 = arith.subf %get3A_1196, %sub3A_1201 : vector<16xf32>
      %exp3A_1203 = math.exp %sub3A_1202 : vector<16xf32>
      %add3A_1204 = arith.addf %broadcast_in_dim3A_1190, %exp3A_1203 : vector<16xf32>
      %mul3A_1205 = arith.mulf %exp3A_1203, %get3A_1200 : vector<16xf32>
      %add3A_1206 = arith.addf %broadcast_in_dim3A_1192, %mul3A_1205 : vector<16xf32>
      %add3A_1207 = arith.constant 16 : i32
      %add3A_1208 = arith.addi %mul3A_1122, %add3A_1207 : i32
      %get3A_1209 = arith.index_cast %add3A_1208 : i32 to index
      %get3A_1210 = tpu.vector_load %arg7[%get3A_1209] {strides = array<i32>} : memref<25600xf32, #tpu.memory_space<vmem>>, vector<16xf32>,
      %add3A_1211 = arith.constant 16 : i32
      %add3A_1212 = arith.addi %mul3A_1122, %add3A_1211 : i32
      %get3A_1213 = arith.index_cast %add3A_1212 : i32 to index
      %get3A_1214 = tpu.vector_load %arg8[%get3A_1213] {strides = array<i32>} : memref<25600xf32, #tpu.memory_space<vmem>>, vector<16xf32>,
      %sub3A_1215 = vector.broadcast %reduce_max3A_1188 : f32 to vector<16xf32>
      %sub3A_1216 = arith.subf %get3A_1210, %sub3A_1215 : vector<16xf32>
      %exp3A_1217 = math.exp %sub3A_1216 : vector<16xf32>
      %add3A_1218 = arith.addf %add3A_1204, %exp3A_1217 : vector<16xf32>
      %mul3A_1219 = arith.mulf %exp3A_1217, %get3A_1214 : vector<16xf32>
      %add3A_1220 = arith.addf %add3A_1206, %mul3A_1219 : vector<16xf32>
      %add3A_1221 = arith.constant 32 : i32
      %add3A_1222 = arith.addi %mul3A_1122, %add3A_1221 : i32
      %get3A_1223 = arith.index_cast %add3A_1222 : i32 to index
      %get3A_1224 = tpu.vector_load %arg7[%get3A_1223] {strides = array<i32>} : memref<25600xf32, #tpu.memory_space<vmem>>, vector<16xf32>,
      %add3A_1225 = arith.constant 32 : i32
      %add3A_1226 = arith.addi %mul3A_1122, %add3A_1225 : i32
      %get3A_1227 = arith.index_cast %add3A_1226 : i32 to index
      %get3A_1228 = tpu.vector_load %arg8[%get3A_1227] {strides = array<i32>} : memref<25600xf32, #tpu.memory_space<vmem>>, vector<16xf32>,
      %sub3A_1229 = vector.broadcast %reduce_max3A_1188 : f32 to vector<16xf32>
      %sub3A_1230 = arith.subf %get3A_1224, %sub3A_1229 : vector<16xf32>
      %exp3A_1231 = math.exp %sub3A_1230 : vector<16xf32>
      %add3A_1232 = arith.addf %add3A_1218, %exp3A_1231 : vector<16xf32>
      %mul3A_1233 = arith.mulf %exp3A_1231, %get3A_1228 : vector<16xf32>
      %add3A_1234 = arith.addf %add3A_1220, %mul3A_1233 : vector<16xf32>
      %add3A_1235 = arith.constant 48 : i32
      %add3A_1236 = arith.addi %mul3A_1122, %add3A_1235 : i32
      %get3A_1237 = arith.index_cast %add3A_1236 : i32 to index
      %get3A_1238 = tpu.vector_load %arg7[%get3A_1237] {strides = array<i32>} : memref<25600xf32, #tpu.memory_space<vmem>>, vector<16xf32>,
      %add3A_1239 = arith.constant 48 : i32
      %add3A_1240 = arith.addi %mul3A_1122, %add3A_1239 : i32
      %get3A_1241 = arith.index_cast %add3A_1240 : i32 to index
      %get3A_1242 = tpu.vector_load %arg8[%get3A_1241] {strides = array<i32>} : memref<25600xf32, #tpu.memory_space<vmem>>, vector<16xf32>,
      %sub3A_1243 = vector.broadcast %reduce_max3A_1188 : f32 to vector<16xf32>
      %sub3A_1244 = arith.subf %get3A_1238, %sub3A_1243 : vector<16xf32>
      %exp3A_1245 = math.exp %sub3A_1244 : vector<16xf32>
      %add3A_1246 = arith.addf %add3A_1232, %exp3A_1245 : vector<16xf32>
      %mul3A_1247 = arith.mulf %exp3A_1245, %get3A_1242 : vector<16xf32>
      %add3A_1248 = arith.addf %add3A_1234, %mul3A_1247 : vector<16xf32>
      %add3A_1249 = arith.constant 64 : i32
      %add3A_1250 = arith.addi %mul3A_1122, %add3A_1249 : i32
      %get3A_1251 = arith.index_cast %add3A_1250 : i32 to index
      %get3A_1252 = tpu.vector_load %arg7[%get3A_1251] {strides = array<i32>} : memref<25600xf32, #tpu.memory_space<vmem>>, vector<16xf32>,
      %add3A_1253 = arith.constant 64 : i32
      %add3A_1254 = arith.addi %mul3A_1122, %add3A_1253 : i32
      %get3A_1255 = arith.index_cast %add3A_1254 : i32 to index
      %get3A_1256 = tpu.vector_load %arg8[%get3A_1255] {strides = array<i32>} : memref<25600xf32, #tpu.memory_space<vmem>>, vector<16xf32>,
      %sub3A_1257 = vector.broadcast %reduce_max3A_1188 : f32 to vector<16xf32>
      %sub3A_1258 = arith.subf %get3A_1252, %sub3A_1257 : vector<16xf32>
      %exp3A_1259 = math.exp %sub3A_1258 : vector<16xf32>
      %add3A_1260 = arith.addf %add3A_1246, %exp3A_1259 : vector<16xf32>
      %mul3A_1261 = arith.mulf %exp3A_1259, %get3A_1256 : vector<16xf32>
      %add3A_1262 = arith.addf %add3A_1248, %mul3A_1261 : vector<16xf32>
      %add3A_1263 = arith.constant 80 : i32
      %add3A_1264 = arith.addi %mul3A_1122, %add3A_1263 : i32
      %get3A_1265 = arith.index_cast %add3A_1264 : i32 to index
      %get3A_1266 = tpu.vector_load %arg7[%get3A_1265] {strides = array<i32>} : memref<25600xf32, #tpu.memory_space<vmem>>, vector<16xf32>,
      %add3A_1267 = arith.constant 80 : i32
      %add3A_1268 = arith.addi %mul3A_1122, %add3A_1267 : i32
      %get3A_1269 = arith.index_cast %add3A_1268 : i32 to index
      %get3A_1270 = tpu.vector_load %arg8[%get3A_1269] {strides = array<i32>} : memref<25600xf32, #tpu.memory_space<vmem>>, vector<16xf32>,
      %sub3A_1271 = vector.broadcast %reduce_max3A_1188 : f32 to vector<16xf32>
      %sub3A_1272 = arith.subf %get3A_1266, %sub3A_1271 : vector<16xf32>
      %exp3A_1273 = math.exp %sub3A_1272 : vector<16xf32>
      %add3A_1274 = arith.addf %add3A_1260, %exp3A_1273 : vector<16xf32>
      %mul3A_1275 = arith.mulf %exp3A_1273, %get3A_1270 : vector<16xf32>
      %add3A_1276 = arith.addf %add3A_1262, %mul3A_1275 : vector<16xf32>
      %add3A_1277 = arith.constant 96 : i32
      %add3A_1278 = arith.addi %mul3A_1122, %add3A_1277 : i32
      %get3A_1279 = arith.index_cast %add3A_1278 : i32 to index
      %get3A_1280 = tpu.vector_load %arg7[%get3A_1279] {strides = array<i32>} : memref<25600xf32, #tpu.memory_space<vmem>>, vector<16xf32>,
      %add3A_1281 = arith.constant 96 : i32
      %add3A_1282 = arith.addi %mul3A_1122, %add3A_1281 : i32
      %get3A_1283 = arith.index_cast %add3A_1282 : i32 to index
      %get3A_1284 = tpu.vector_load %arg8[%get3A_1283] {strides = array<i32>} : memref<25600xf32, #tpu.memory_space<vmem>>, vector<16xf32>,
      %sub3A_1285 = vector.broadcast %reduce_max3A_1188 : f32 to vector<16xf32>
      %sub3A_1286 = arith.subf %get3A_1280, %sub3A_1285 : vector<16xf32>
      %exp3A_1287 = math.exp %sub3A_1286 : vector<16xf32>
      %add3A_1288 = arith.addf %add3A_1274, %exp3A_1287 : vector<16xf32>
      %mul3A_1289 = arith.mulf %exp3A_1287, %get3A_1284 : vector<16xf32>
      %add3A_1290 = arith.addf %add3A_1276, %mul3A_1289 : vector<16xf32>
      %add3A_1291 = arith.constant 112 : i32
      %add3A_1292 = arith.addi %mul3A_1122, %add3A_1291 : i32
      %get3A_1293 = arith.index_cast %add3A_1292 : i32 to index
      %get3A_1294 = tpu.vector_load %arg7[%get3A_1293] {strides = array<i32>} : memref<25600xf32, #tpu.memory_space<vmem>>, vector<16xf32>,
      %add3A_1295 = arith.constant 112 : i32
      %add3A_1296 = arith.addi %mul3A_1122, %add3A_1295 : i32
      %get3A_1297 = arith.index_cast %add3A_1296 : i32 to index
      %get3A_1298 = tpu.vector_load %arg8[%get3A_1297] {strides = array<i32>} : memref<25600xf32, #tpu.memory_space<vmem>>, vector<16xf32>,
      %sub3A_1299 = vector.broadcast %reduce_max3A_1188 : f32 to vector<16xf32>
      %sub3A_1300 = arith.subf %get3A_1294, %sub3A_1299 : vector<16xf32>
      %exp3A_1301 = math.exp %sub3A_1300 : vector<16xf32>
      %add3A_1302 = arith.addf %add3A_1288, %exp3A_1301 : vector<16xf32>
      %mul3A_1303 = arith.mulf %exp3A_1301, %get3A_1298 : vector<16xf32>
      %add3A_1304 = arith.addf %add3A_1290, %mul3A_1303 : vector<16xf32>
      %add3A_1305 = arith.constant 128 : i32
      %add3A_1306 = arith.addi %mul3A_1122, %add3A_1305 : i32
      %get3A_1307 = arith.index_cast %add3A_1306 : i32 to index
      %get3A_1308 = tpu.vector_load %arg7[%get3A_1307] {strides = array<i32>} : memref<25600xf32, #tpu.memory_space<vmem>>, vector<16xf32>,
      %add3A_1309 = arith.constant 128 : i32
      %add3A_1310 = arith.addi %mul3A_1122, %add3A_1309 : i32
      %get3A_1311 = arith.index_cast %add3A_1310 : i32 to index
      %get3A_1312 = tpu.vector_load %arg8[%get3A_1311] {strides = array<i32>} : memref<25600xf32, #tpu.memory_space<vmem>>, vector<16xf32>,
      %sub3A_1313 = vector.broadcast %reduce_max3A_1188 : f32 to vector<16xf32>
      %sub3A_1314 = arith.subf %get3A_1308, %sub3A_1313 : vector<16xf32>
      %exp3A_1315 = math.exp %sub3A_1314 : vector<16xf32>
      %add3A_1316 = arith.addf %add3A_1302, %exp3A_1315 : vector<16xf32>
      %mul3A_1317 = arith.mulf %exp3A_1315, %get3A_1312 : vector<16xf32>
      %add3A_1318 = arith.addf %add3A_1304, %mul3A_1317 : vector<16xf32>
      %add3A_1319 = arith.constant 144 : i32
      %add3A_1320 = arith.addi %mul3A_1122, %add3A_1319 : i32
      %get3A_1321 = arith.index_cast %add3A_1320 : i32 to index
      %get3A_1322 = tpu.vector_load %arg7[%get3A_1321] {strides = array<i32>} : memref<25600xf32, #tpu.memory_space<vmem>>, vector<16xf32>,
      %add3A_1323 = arith.constant 144 : i32
      %add3A_1324 = arith.addi %mul3A_1122, %add3A_1323 : i32
      %get3A_1325 = arith.index_cast %add3A_1324 : i32 to index
      %get3A_1326 = tpu.vector_load %arg8[%get3A_1325] {strides = array<i32>} : memref<25600xf32, #tpu.memory_space<vmem>>, vector<16xf32>,
      %sub3A_1327 = vector.broadcast %reduce_max3A_1188 : f32 to vector<16xf32>
      %sub3A_1328 = arith.subf %get3A_1322, %sub3A_1327 : vector<16xf32>
      %exp3A_1329 = math.exp %sub3A_1328 : vector<16xf32>
      %add3A_1330 = arith.addf %add3A_1316, %exp3A_1329 : vector<16xf32>
      %mul3A_1331 = arith.mulf %exp3A_1329, %get3A_1326 : vector<16xf32>
      %add3A_1332 = arith.addf %add3A_1318, %mul3A_1331 : vector<16xf32>
      %add3A_1333 = arith.constant 160 : i32
      %add3A_1334 = arith.addi %mul3A_1122, %add3A_1333 : i32
      %get3A_1335 = arith.index_cast %add3A_1334 : i32 to index
      %get3A_1336 = tpu.vector_load %arg7[%get3A_1335] {strides = array<i32>} : memref<25600xf32, #tpu.memory_space<vmem>>, vector<16xf32>,
      %add3A_1337 = arith.constant 160 : i32
      %add3A_1338 = arith.addi %mul3A_1122, %add3A_1337 : i32
      %get3A_1339 = arith.index_cast %add3A_1338 : i32 to index
      %get3A_1340 = tpu.vector_load %arg8[%get3A_1339] {strides = array<i32>} : memref<25600xf32, #tpu.memory_space<vmem>>, vector<16xf32>,
      %sub3A_1341 = vector.broadcast %reduce_max3A_1188 : f32 to vector<16xf32>
      %sub3A_1342 = arith.subf %get3A_1336, %sub3A_1341 : vector<16xf32>
      %exp3A_1343 = math.exp %sub3A_1342 : vector<16xf32>
      %add3A_1344 = arith.addf %add3A_1330, %exp3A_1343 : vector<16xf32>
      %mul3A_1345 = arith.mulf %exp3A_1343, %get3A_1340 : vector<16xf32>
      %add3A_1346 = arith.addf %add3A_1332, %mul3A_1345 : vector<16xf32>
      %add3A_1347 = arith.constant 176 : i32
      %add3A_1348 = arith.addi %mul3A_1122, %add3A_1347 : i32
      %get3A_1349 = arith.index_cast %add3A_1348 : i32 to index
      %get3A_1350 = tpu.vector_load %arg7[%get3A_1349] {strides = array<i32>} : memref<25600xf32, #tpu.memory_space<vmem>>, vector<16xf32>,
      %add3A_1351 = arith.constant 176 : i32
      %add3A_1352 = arith.addi %mul3A_1122, %add3A_1351 : i32
      %get3A_1353 = arith.index_cast %add3A_1352 : i32 to index
      %get3A_1354 = tpu.vector_load %arg8[%get3A_1353] {strides = array<i32>} : memref<25600xf32, #tpu.memory_space<vmem>>, vector<16xf32>,
      %sub3A_1355 = vector.broadcast %reduce_max3A_1188 : f32 to vector<16xf32>
      %sub3A_1356 = arith.subf %get3A_1350, %sub3A_1355 : vector<16xf32>
      %exp3A_1357 = math.exp %sub3A_1356 : vector<16xf32>
      %add3A_1358 = arith.addf %add3A_1344, %exp3A_1357 : vector<16xf32>
      %mul3A_1359 = arith.mulf %exp3A_1357, %get3A_1354 : vector<16xf32>
      %add3A_1360 = arith.addf %add3A_1346, %mul3A_1359 : vector<16xf32>
      %add3A_1361 = arith.constant 184 : i32
      %add3A_1362 = arith.addi %mul3A_1122, %add3A_1361 : i32
      %get3A_1363 = arith.index_cast %add3A_1362 : i32 to index
      %get3A_1364 = tpu.vector_load %arg7[%get3A_1363] {strides = array<i32>} : memref<25600xf32, #tpu.memory_space<vmem>>, vector<16xf32>,
      %add3A_1365 = arith.constant 184 : i32
      %add3A_1366 = arith.addi %mul3A_1122, %add3A_1365 : i32
      %get3A_1367 = arith.index_cast %add3A_1366 : i32 to index
      %get3A_1368 = tpu.vector_load %arg8[%get3A_1367] {strides = array<i32>} : memref<25600xf32, #tpu.memory_space<vmem>>, vector<16xf32>,
      %sub3A_1369 = vector.broadcast %reduce_max3A_1188 : f32 to vector<16xf32>
      %sub3A_1370 = arith.subf %get3A_1364, %sub3A_1369 : vector<16xf32>
      %exp3A_1371 = math.exp %sub3A_1370 : vector<16xf32>
      %jit3A_1372 = arith.constant 0.000000e+00 : f32
      %broadcast_in_dim3A_1373 = vector.broadcast %jit3A_1372 : f32 to vector<16xf32>
      %select_n3A_1374 = arith.select %ge3A_10, %exp3A_1371, %broadcast_in_dim3A_1373 : vector<16xi1>, vector<16xf32>
      %add3A_1375 = arith.addf %add3A_1358, %select_n3A_1374 : vector<16xf32>
      %mul3A_1376 = arith.mulf %select_n3A_1374, %get3A_1368 : vector<16xf32>
      %add3A_1377 = arith.addf %add3A_1360, %mul3A_1376 : vector<16xf32>
      %eq3A_1378 = arith.constant 4 : i32
      %eq3A_1379 = vector.broadcast %eq3A_1378 : i32 to vector<16xi32>
      %eq3A_1380 = arith.cmpi eq, %iota3A, %eq3A_1379 : vector<16xi32>
      %reduce_sum3A_1381 = arith.constant true
      %reduce_sum3A_1382 = vector.broadcast %reduce_sum3A_1381 : i1 to vector<16xi1>
      %reduce_sum3A_1383 = tpu.scan <sum>, %add3A_1377 masked %reduce_sum3A_1382 : vector<16xf32>, vector<16xi1> -> vector<16xf32>
      %reduce_sum3A_1384 = vector.extract %reduce_sum3A_1383[15] : f32 from vector<16xf32>
      %broadcast_in_dim3A_1385 = vector.broadcast %reduce_sum3A_1384 : f32 to vector<16xf32>
      %select_n3A_1386 = arith.select %eq3A_1380, %broadcast_in_dim3A_1385, %select_n3A_1110 : vector<16xi1>, vector<16xf32>
      %reduce_sum3A_1387 = arith.constant true
      %reduce_sum3A_1388 = vector.broadcast %reduce_sum3A_1387 : i1 to vector<16xi1>
      %reduce_sum3A_1389 = tpu.scan <sum>, %add3A_1375 masked %reduce_sum3A_1388 : vector<16xf32>, vector<16xi1> -> vector<16xf32>
      %reduce_sum3A_1390 = vector.extract %reduce_sum3A_1389[15] : f32 from vector<16xf32>
      %broadcast_in_dim3A_1391 = vector.broadcast %reduce_sum3A_1390 : f32 to vector<16xf32>
      %select_n3A_1392 = arith.select %eq3A_1380, %broadcast_in_dim3A_1391, %select_n3A_1116 : vector<16xi1>, vector<16xf32>
      %mul3A_1393 = arith.constant 16 : i32
      %mul3A_1394 = arith.muli %scan3A_18, %mul3A_1393 : i32
      %add3A_1395 = arith.constant 5 : i32
      %add3A_1396 = arith.addi %mul3A_1394, %add3A_1395 : i32
      %mul3A_1397 = arith.constant 200 : i32
      %mul3A_1398 = arith.muli %add3A_1396, %mul3A_1397 : i32
      %get3A_1399 = arith.index_cast %mul3A_1398 : i32 to index
      %get3A_1400 = tpu.vector_load %arg7[%get3A_1399] {strides = array<i32>} : memref<25600xf32, #tpu.memory_space<vmem>>, vector<16xf32>,
      %add3A_1401 = arith.constant 16 : i32
      %add3A_1402 = arith.addi %mul3A_1398, %add3A_1401 : i32
      %get3A_1403 = arith.index_cast %add3A_1402 : i32 to index
      %get3A_1404 = tpu.vector_load %arg7[%get3A_1403] {strides = array<i32>} : memref<25600xf32, #tpu.memory_space<vmem>>, vector<16xf32>,
      %max3A_1405 = arith.maximumf %get3A_1400, %get3A_1404 : vector<16xf32>
      %add3A_1406 = arith.constant 32 : i32
      %add3A_1407 = arith.addi %mul3A_1398, %add3A_1406 : i32
      %get3A_1408 = arith.index_cast %add3A_1407 : i32 to index
      %get3A_1409 = tpu.vector_load %arg7[%get3A_1408] {strides = array<i32>} : memref<25600xf32, #tpu.memory_space<vmem>>, vector<16xf32>,
      %max3A_1410 = arith.maximumf %max3A_1405, %get3A_1409 : vector<16xf32>
      %add3A_1411 = arith.constant 48 : i32
      %add3A_1412 = arith.addi %mul3A_1398, %add3A_1411 : i32
      %get3A_1413 = arith.index_cast %add3A_1412 : i32 to index
      %get3A_1414 = tpu.vector_load %arg7[%get3A_1413] {strides = array<i32>} : memref<25600xf32, #tpu.memory_space<vmem>>, vector<16xf32>,
      %max3A_1415 = arith.maximumf %max3A_1410, %get3A_1414 : vector<16xf32>
      %add3A_1416 = arith.constant 64 : i32
      %add3A_1417 = arith.addi %mul3A_1398, %add3A_1416 : i32
      %get3A_1418 = arith.index_cast %add3A_1417 : i32 to index
      %get3A_1419 = tpu.vector_load %arg7[%get3A_1418] {strides = array<i32>} : memref<25600xf32, #tpu.memory_space<vmem>>, vector<16xf32>,
      %max3A_1420 = arith.maximumf %max3A_1415, %get3A_1419 : vector<16xf32>
      %add3A_1421 = arith.constant 80 : i32
      %add3A_1422 = arith.addi %mul3A_1398, %add3A_1421 : i32
      %get3A_1423 = arith.index_cast %add3A_1422 : i32 to index
      %get3A_1424 = tpu.vector_load %arg7[%get3A_1423] {strides = array<i32>} : memref<25600xf32, #tpu.memory_space<vmem>>, vector<16xf32>,
      %max3A_1425 = arith.maximumf %max3A_1420, %get3A_1424 : vector<16xf32>
      %add3A_1426 = arith.constant 96 : i32
      %add3A_1427 = arith.addi %mul3A_1398, %add3A_1426 : i32
      %get3A_1428 = arith.index_cast %add3A_1427 : i32 to index
      %get3A_1429 = tpu.vector_load %arg7[%get3A_1428] {strides = array<i32>} : memref<25600xf32, #tpu.memory_space<vmem>>, vector<16xf32>,
      %max3A_1430 = arith.maximumf %max3A_1425, %get3A_1429 : vector<16xf32>
      %add3A_1431 = arith.constant 112 : i32
      %add3A_1432 = arith.addi %mul3A_1398, %add3A_1431 : i32
      %get3A_1433 = arith.index_cast %add3A_1432 : i32 to index
      %get3A_1434 = tpu.vector_load %arg7[%get3A_1433] {strides = array<i32>} : memref<25600xf32, #tpu.memory_space<vmem>>, vector<16xf32>,
      %max3A_1435 = arith.maximumf %max3A_1430, %get3A_1434 : vector<16xf32>
      %add3A_1436 = arith.constant 128 : i32
      %add3A_1437 = arith.addi %mul3A_1398, %add3A_1436 : i32
      %get3A_1438 = arith.index_cast %add3A_1437 : i32 to index
      %get3A_1439 = tpu.vector_load %arg7[%get3A_1438] {strides = array<i32>} : memref<25600xf32, #tpu.memory_space<vmem>>, vector<16xf32>,
      %max3A_1440 = arith.maximumf %max3A_1435, %get3A_1439 : vector<16xf32>
      %add3A_1441 = arith.constant 144 : i32
      %add3A_1442 = arith.addi %mul3A_1398, %add3A_1441 : i32
      %get3A_1443 = arith.index_cast %add3A_1442 : i32 to index
      %get3A_1444 = tpu.vector_load %arg7[%get3A_1443] {strides = array<i32>} : memref<25600xf32, #tpu.memory_space<vmem>>, vector<16xf32>,
      %max3A_1445 = arith.maximumf %max3A_1440, %get3A_1444 : vector<16xf32>
      %add3A_1446 = arith.constant 160 : i32
      %add3A_1447 = arith.addi %mul3A_1398, %add3A_1446 : i32
      %get3A_1448 = arith.index_cast %add3A_1447 : i32 to index
      %get3A_1449 = tpu.vector_load %arg7[%get3A_1448] {strides = array<i32>} : memref<25600xf32, #tpu.memory_space<vmem>>, vector<16xf32>,
      %max3A_1450 = arith.maximumf %max3A_1445, %get3A_1449 : vector<16xf32>
      %add3A_1451 = arith.constant 176 : i32
      %add3A_1452 = arith.addi %mul3A_1398, %add3A_1451 : i32
      %get3A_1453 = arith.index_cast %add3A_1452 : i32 to index
      %get3A_1454 = tpu.vector_load %arg7[%get3A_1453] {strides = array<i32>} : memref<25600xf32, #tpu.memory_space<vmem>>, vector<16xf32>,
      %max3A_1455 = arith.maximumf %max3A_1450, %get3A_1454 : vector<16xf32>
      %add3A_1456 = arith.constant 184 : i32
      %add3A_1457 = arith.addi %mul3A_1398, %add3A_1456 : i32
      %get3A_1458 = arith.index_cast %add3A_1457 : i32 to index
      %get3A_1459 = tpu.vector_load %arg7[%get3A_1458] {strides = array<i32>} : memref<25600xf32, #tpu.memory_space<vmem>>, vector<16xf32>,
      %max3A_1460 = arith.maximumf %max3A_1455, %get3A_1459 : vector<16xf32>
      %reduce_max3A_1461 = arith.constant true
      %reduce_max3A_1462 = vector.broadcast %reduce_max3A_1461 : i1 to vector<16xi1>
      %reduce_max3A_1463 = tpu.scan <max>, %max3A_1460 masked %reduce_max3A_1462 : vector<16xf32>, vector<16xi1> -> vector<16xf32>
      %reduce_max3A_1464 = vector.extract %reduce_max3A_1463[15] : f32 from vector<16xf32>
      %broadcast_in_dim3A_1465 = arith.constant 0.000000e+00 : f32
      %broadcast_in_dim3A_1466 = vector.broadcast %broadcast_in_dim3A_1465 : f32 to vector<16xf32>
      %broadcast_in_dim3A_1467 = arith.constant 0.000000e+00 : f32
      %broadcast_in_dim3A_1468 = vector.broadcast %broadcast_in_dim3A_1467 : f32 to vector<16xf32>
      %add3A_1469 = arith.constant 0 : i32
      %add3A_1470 = arith.addi %mul3A_1398, %add3A_1469 : i32
      %get3A_1471 = arith.index_cast %add3A_1470 : i32 to index
      %get3A_1472 = tpu.vector_load %arg7[%get3A_1471] {strides = array<i32>} : memref<25600xf32, #tpu.memory_space<vmem>>, vector<16xf32>,
      %add3A_1473 = arith.constant 0 : i32
      %add3A_1474 = arith.addi %mul3A_1398, %add3A_1473 : i32
      %get3A_1475 = arith.index_cast %add3A_1474 : i32 to index
      %get3A_1476 = tpu.vector_load %arg8[%get3A_1475] {strides = array<i32>} : memref<25600xf32, #tpu.memory_space<vmem>>, vector<16xf32>,
      %sub3A_1477 = vector.broadcast %reduce_max3A_1464 : f32 to vector<16xf32>
      %sub3A_1478 = arith.subf %get3A_1472, %sub3A_1477 : vector<16xf32>
      %exp3A_1479 = math.exp %sub3A_1478 : vector<16xf32>
      %add3A_1480 = arith.addf %broadcast_in_dim3A_1466, %exp3A_1479 : vector<16xf32>
      %mul3A_1481 = arith.mulf %exp3A_1479, %get3A_1476 : vector<16xf32>
      %add3A_1482 = arith.addf %broadcast_in_dim3A_1468, %mul3A_1481 : vector<16xf32>
      %add3A_1483 = arith.constant 16 : i32
      %add3A_1484 = arith.addi %mul3A_1398, %add3A_1483 : i32
      %get3A_1485 = arith.index_cast %add3A_1484 : i32 to index
      %get3A_1486 = tpu.vector_load %arg7[%get3A_1485] {strides = array<i32>} : memref<25600xf32, #tpu.memory_space<vmem>>, vector<16xf32>,
      %add3A_1487 = arith.constant 16 : i32
      %add3A_1488 = arith.addi %mul3A_1398, %add3A_1487 : i32
      %get3A_1489 = arith.index_cast %add3A_1488 : i32 to index
      %get3A_1490 = tpu.vector_load %arg8[%get3A_1489] {strides = array<i32>} : memref<25600xf32, #tpu.memory_space<vmem>>, vector<16xf32>,
      %sub3A_1491 = vector.broadcast %reduce_max3A_1464 : f32 to vector<16xf32>
      %sub3A_1492 = arith.subf %get3A_1486, %sub3A_1491 : vector<16xf32>
      %exp3A_1493 = math.exp %sub3A_1492 : vector<16xf32>
      %add3A_1494 = arith.addf %add3A_1480, %exp3A_1493 : vector<16xf32>
      %mul3A_1495 = arith.mulf %exp3A_1493, %get3A_1490 : vector<16xf32>
      %add3A_1496 = arith.addf %add3A_1482, %mul3A_1495 : vector<16xf32>
      %add3A_1497 = arith.constant 32 : i32
      %add3A_1498 = arith.addi %mul3A_1398, %add3A_1497 : i32
      %get3A_1499 = arith.index_cast %add3A_1498 : i32 to index
      %get3A_1500 = tpu.vector_load %arg7[%get3A_1499] {strides = array<i32>} : memref<25600xf32, #tpu.memory_space<vmem>>, vector<16xf32>,
      %add3A_1501 = arith.constant 32 : i32
      %add3A_1502 = arith.addi %mul3A_1398, %add3A_1501 : i32
      %get3A_1503 = arith.index_cast %add3A_1502 : i32 to index
      %get3A_1504 = tpu.vector_load %arg8[%get3A_1503] {strides = array<i32>} : memref<25600xf32, #tpu.memory_space<vmem>>, vector<16xf32>,
      %sub3A_1505 = vector.broadcast %reduce_max3A_1464 : f32 to vector<16xf32>
      %sub3A_1506 = arith.subf %get3A_1500, %sub3A_1505 : vector<16xf32>
      %exp3A_1507 = math.exp %sub3A_1506 : vector<16xf32>
      %add3A_1508 = arith.addf %add3A_1494, %exp3A_1507 : vector<16xf32>
      %mul3A_1509 = arith.mulf %exp3A_1507, %get3A_1504 : vector<16xf32>
      %add3A_1510 = arith.addf %add3A_1496, %mul3A_1509 : vector<16xf32>
      %add3A_1511 = arith.constant 48 : i32
      %add3A_1512 = arith.addi %mul3A_1398, %add3A_1511 : i32
      %get3A_1513 = arith.index_cast %add3A_1512 : i32 to index
      %get3A_1514 = tpu.vector_load %arg7[%get3A_1513] {strides = array<i32>} : memref<25600xf32, #tpu.memory_space<vmem>>, vector<16xf32>,
      %add3A_1515 = arith.constant 48 : i32
      %add3A_1516 = arith.addi %mul3A_1398, %add3A_1515 : i32
      %get3A_1517 = arith.index_cast %add3A_1516 : i32 to index
      %get3A_1518 = tpu.vector_load %arg8[%get3A_1517] {strides = array<i32>} : memref<25600xf32, #tpu.memory_space<vmem>>, vector<16xf32>,
      %sub3A_1519 = vector.broadcast %reduce_max3A_1464 : f32 to vector<16xf32>
      %sub3A_1520 = arith.subf %get3A_1514, %sub3A_1519 : vector<16xf32>
      %exp3A_1521 = math.exp %sub3A_1520 : vector<16xf32>
      %add3A_1522 = arith.addf %add3A_1508, %exp3A_1521 : vector<16xf32>
      %mul3A_1523 = arith.mulf %exp3A_1521, %get3A_1518 : vector<16xf32>
      %add3A_1524 = arith.addf %add3A_1510, %mul3A_1523 : vector<16xf32>
      %add3A_1525 = arith.constant 64 : i32
      %add3A_1526 = arith.addi %mul3A_1398, %add3A_1525 : i32
      %get3A_1527 = arith.index_cast %add3A_1526 : i32 to index
      %get3A_1528 = tpu.vector_load %arg7[%get3A_1527] {strides = array<i32>} : memref<25600xf32, #tpu.memory_space<vmem>>, vector<16xf32>,
      %add3A_1529 = arith.constant 64 : i32
      %add3A_1530 = arith.addi %mul3A_1398, %add3A_1529 : i32
      %get3A_1531 = arith.index_cast %add3A_1530 : i32 to index
      %get3A_1532 = tpu.vector_load %arg8[%get3A_1531] {strides = array<i32>} : memref<25600xf32, #tpu.memory_space<vmem>>, vector<16xf32>,
      %sub3A_1533 = vector.broadcast %reduce_max3A_1464 : f32 to vector<16xf32>
      %sub3A_1534 = arith.subf %get3A_1528, %sub3A_1533 : vector<16xf32>
      %exp3A_1535 = math.exp %sub3A_1534 : vector<16xf32>
      %add3A_1536 = arith.addf %add3A_1522, %exp3A_1535 : vector<16xf32>
      %mul3A_1537 = arith.mulf %exp3A_1535, %get3A_1532 : vector<16xf32>
      %add3A_1538 = arith.addf %add3A_1524, %mul3A_1537 : vector<16xf32>
      %add3A_1539 = arith.constant 80 : i32
      %add3A_1540 = arith.addi %mul3A_1398, %add3A_1539 : i32
      %get3A_1541 = arith.index_cast %add3A_1540 : i32 to index
      %get3A_1542 = tpu.vector_load %arg7[%get3A_1541] {strides = array<i32>} : memref<25600xf32, #tpu.memory_space<vmem>>, vector<16xf32>,
      %add3A_1543 = arith.constant 80 : i32
      %add3A_1544 = arith.addi %mul3A_1398, %add3A_1543 : i32
      %get3A_1545 = arith.index_cast %add3A_1544 : i32 to index
      %get3A_1546 = tpu.vector_load %arg8[%get3A_1545] {strides = array<i32>} : memref<25600xf32, #tpu.memory_space<vmem>>, vector<16xf32>,
      %sub3A_1547 = vector.broadcast %reduce_max3A_1464 : f32 to vector<16xf32>
      %sub3A_1548 = arith.subf %get3A_1542, %sub3A_1547 : vector<16xf32>
      %exp3A_1549 = math.exp %sub3A_1548 : vector<16xf32>
      %add3A_1550 = arith.addf %add3A_1536, %exp3A_1549 : vector<16xf32>
      %mul3A_1551 = arith.mulf %exp3A_1549, %get3A_1546 : vector<16xf32>
      %add3A_1552 = arith.addf %add3A_1538, %mul3A_1551 : vector<16xf32>
      %add3A_1553 = arith.constant 96 : i32
      %add3A_1554 = arith.addi %mul3A_1398, %add3A_1553 : i32
      %get3A_1555 = arith.index_cast %add3A_1554 : i32 to index
      %get3A_1556 = tpu.vector_load %arg7[%get3A_1555] {strides = array<i32>} : memref<25600xf32, #tpu.memory_space<vmem>>, vector<16xf32>,
      %add3A_1557 = arith.constant 96 : i32
      %add3A_1558 = arith.addi %mul3A_1398, %add3A_1557 : i32
      %get3A_1559 = arith.index_cast %add3A_1558 : i32 to index
      %get3A_1560 = tpu.vector_load %arg8[%get3A_1559] {strides = array<i32>} : memref<25600xf32, #tpu.memory_space<vmem>>, vector<16xf32>,
      %sub3A_1561 = vector.broadcast %reduce_max3A_1464 : f32 to vector<16xf32>
      %sub3A_1562 = arith.subf %get3A_1556, %sub3A_1561 : vector<16xf32>
      %exp3A_1563 = math.exp %sub3A_1562 : vector<16xf32>
      %add3A_1564 = arith.addf %add3A_1550, %exp3A_1563 : vector<16xf32>
      %mul3A_1565 = arith.mulf %exp3A_1563, %get3A_1560 : vector<16xf32>
      %add3A_1566 = arith.addf %add3A_1552, %mul3A_1565 : vector<16xf32>
      %add3A_1567 = arith.constant 112 : i32
      %add3A_1568 = arith.addi %mul3A_1398, %add3A_1567 : i32
      %get3A_1569 = arith.index_cast %add3A_1568 : i32 to index
      %get3A_1570 = tpu.vector_load %arg7[%get3A_1569] {strides = array<i32>} : memref<25600xf32, #tpu.memory_space<vmem>>, vector<16xf32>,
      %add3A_1571 = arith.constant 112 : i32
      %add3A_1572 = arith.addi %mul3A_1398, %add3A_1571 : i32
      %get3A_1573 = arith.index_cast %add3A_1572 : i32 to index
      %get3A_1574 = tpu.vector_load %arg8[%get3A_1573] {strides = array<i32>} : memref<25600xf32, #tpu.memory_space<vmem>>, vector<16xf32>,
      %sub3A_1575 = vector.broadcast %reduce_max3A_1464 : f32 to vector<16xf32>
      %sub3A_1576 = arith.subf %get3A_1570, %sub3A_1575 : vector<16xf32>
      %exp3A_1577 = math.exp %sub3A_1576 : vector<16xf32>
      %add3A_1578 = arith.addf %add3A_1564, %exp3A_1577 : vector<16xf32>
      %mul3A_1579 = arith.mulf %exp3A_1577, %get3A_1574 : vector<16xf32>
      %add3A_1580 = arith.addf %add3A_1566, %mul3A_1579 : vector<16xf32>
      %add3A_1581 = arith.constant 128 : i32
      %add3A_1582 = arith.addi %mul3A_1398, %add3A_1581 : i32
      %get3A_1583 = arith.index_cast %add3A_1582 : i32 to index
      %get3A_1584 = tpu.vector_load %arg7[%get3A_1583] {strides = array<i32>} : memref<25600xf32, #tpu.memory_space<vmem>>, vector<16xf32>,
      %add3A_1585 = arith.constant 128 : i32
      %add3A_1586 = arith.addi %mul3A_1398, %add3A_1585 : i32
      %get3A_1587 = arith.index_cast %add3A_1586 : i32 to index
      %get3A_1588 = tpu.vector_load %arg8[%get3A_1587] {strides = array<i32>} : memref<25600xf32, #tpu.memory_space<vmem>>, vector<16xf32>,
      %sub3A_1589 = vector.broadcast %reduce_max3A_1464 : f32 to vector<16xf32>
      %sub3A_1590 = arith.subf %get3A_1584, %sub3A_1589 : vector<16xf32>
      %exp3A_1591 = math.exp %sub3A_1590 : vector<16xf32>
      %add3A_1592 = arith.addf %add3A_1578, %exp3A_1591 : vector<16xf32>
      %mul3A_1593 = arith.mulf %exp3A_1591, %get3A_1588 : vector<16xf32>
      %add3A_1594 = arith.addf %add3A_1580, %mul3A_1593 : vector<16xf32>
      %add3A_1595 = arith.constant 144 : i32
      %add3A_1596 = arith.addi %mul3A_1398, %add3A_1595 : i32
      %get3A_1597 = arith.index_cast %add3A_1596 : i32 to index
      %get3A_1598 = tpu.vector_load %arg7[%get3A_1597] {strides = array<i32>} : memref<25600xf32, #tpu.memory_space<vmem>>, vector<16xf32>,
      %add3A_1599 = arith.constant 144 : i32
      %add3A_1600 = arith.addi %mul3A_1398, %add3A_1599 : i32
      %get3A_1601 = arith.index_cast %add3A_1600 : i32 to index
      %get3A_1602 = tpu.vector_load %arg8[%get3A_1601] {strides = array<i32>} : memref<25600xf32, #tpu.memory_space<vmem>>, vector<16xf32>,
      %sub3A_1603 = vector.broadcast %reduce_max3A_1464 : f32 to vector<16xf32>
      %sub3A_1604 = arith.subf %get3A_1598, %sub3A_1603 : vector<16xf32>
      %exp3A_1605 = math.exp %sub3A_1604 : vector<16xf32>
      %add3A_1606 = arith.addf %add3A_1592, %exp3A_1605 : vector<16xf32>
      %mul3A_1607 = arith.mulf %exp3A_1605, %get3A_1602 : vector<16xf32>
      %add3A_1608 = arith.addf %add3A_1594, %mul3A_1607 : vector<16xf32>
      %add3A_1609 = arith.constant 160 : i32
      %add3A_1610 = arith.addi %mul3A_1398, %add3A_1609 : i32
      %get3A_1611 = arith.index_cast %add3A_1610 : i32 to index
      %get3A_1612 = tpu.vector_load %arg7[%get3A_1611] {strides = array<i32>} : memref<25600xf32, #tpu.memory_space<vmem>>, vector<16xf32>,
      %add3A_1613 = arith.constant 160 : i32
      %add3A_1614 = arith.addi %mul3A_1398, %add3A_1613 : i32
      %get3A_1615 = arith.index_cast %add3A_1614 : i32 to index
      %get3A_1616 = tpu.vector_load %arg8[%get3A_1615] {strides = array<i32>} : memref<25600xf32, #tpu.memory_space<vmem>>, vector<16xf32>,
      %sub3A_1617 = vector.broadcast %reduce_max3A_1464 : f32 to vector<16xf32>
      %sub3A_1618 = arith.subf %get3A_1612, %sub3A_1617 : vector<16xf32>
      %exp3A_1619 = math.exp %sub3A_1618 : vector<16xf32>
      %add3A_1620 = arith.addf %add3A_1606, %exp3A_1619 : vector<16xf32>
      %mul3A_1621 = arith.mulf %exp3A_1619, %get3A_1616 : vector<16xf32>
      %add3A_1622 = arith.addf %add3A_1608, %mul3A_1621 : vector<16xf32>
      %add3A_1623 = arith.constant 176 : i32
      %add3A_1624 = arith.addi %mul3A_1398, %add3A_1623 : i32
      %get3A_1625 = arith.index_cast %add3A_1624 : i32 to index
      %get3A_1626 = tpu.vector_load %arg7[%get3A_1625] {strides = array<i32>} : memref<25600xf32, #tpu.memory_space<vmem>>, vector<16xf32>,
      %add3A_1627 = arith.constant 176 : i32
      %add3A_1628 = arith.addi %mul3A_1398, %add3A_1627 : i32
      %get3A_1629 = arith.index_cast %add3A_1628 : i32 to index
      %get3A_1630 = tpu.vector_load %arg8[%get3A_1629] {strides = array<i32>} : memref<25600xf32, #tpu.memory_space<vmem>>, vector<16xf32>,
      %sub3A_1631 = vector.broadcast %reduce_max3A_1464 : f32 to vector<16xf32>
      %sub3A_1632 = arith.subf %get3A_1626, %sub3A_1631 : vector<16xf32>
      %exp3A_1633 = math.exp %sub3A_1632 : vector<16xf32>
      %add3A_1634 = arith.addf %add3A_1620, %exp3A_1633 : vector<16xf32>
      %mul3A_1635 = arith.mulf %exp3A_1633, %get3A_1630 : vector<16xf32>
      %add3A_1636 = arith.addf %add3A_1622, %mul3A_1635 : vector<16xf32>
      %add3A_1637 = arith.constant 184 : i32
      %add3A_1638 = arith.addi %mul3A_1398, %add3A_1637 : i32
      %get3A_1639 = arith.index_cast %add3A_1638 : i32 to index
      %get3A_1640 = tpu.vector_load %arg7[%get3A_1639] {strides = array<i32>} : memref<25600xf32, #tpu.memory_space<vmem>>, vector<16xf32>,
      %add3A_1641 = arith.constant 184 : i32
      %add3A_1642 = arith.addi %mul3A_1398, %add3A_1641 : i32
      %get3A_1643 = arith.index_cast %add3A_1642 : i32 to index
      %get3A_1644 = tpu.vector_load %arg8[%get3A_1643] {strides = array<i32>} : memref<25600xf32, #tpu.memory_space<vmem>>, vector<16xf32>,
      %sub3A_1645 = vector.broadcast %reduce_max3A_1464 : f32 to vector<16xf32>
      %sub3A_1646 = arith.subf %get3A_1640, %sub3A_1645 : vector<16xf32>
      %exp3A_1647 = math.exp %sub3A_1646 : vector<16xf32>
      %jit3A_1648 = arith.constant 0.000000e+00 : f32
      %broadcast_in_dim3A_1649 = vector.broadcast %jit3A_1648 : f32 to vector<16xf32>
      %select_n3A_1650 = arith.select %ge3A_10, %exp3A_1647, %broadcast_in_dim3A_1649 : vector<16xi1>, vector<16xf32>
      %add3A_1651 = arith.addf %add3A_1634, %select_n3A_1650 : vector<16xf32>
      %mul3A_1652 = arith.mulf %select_n3A_1650, %get3A_1644 : vector<16xf32>
      %add3A_1653 = arith.addf %add3A_1636, %mul3A_1652 : vector<16xf32>
      %eq3A_1654 = arith.constant 5 : i32
      %eq3A_1655 = vector.broadcast %eq3A_1654 : i32 to vector<16xi32>
      %eq3A_1656 = arith.cmpi eq, %iota3A, %eq3A_1655 : vector<16xi32>
      %reduce_sum3A_1657 = arith.constant true
      %reduce_sum3A_1658 = vector.broadcast %reduce_sum3A_1657 : i1 to vector<16xi1>
      %reduce_sum3A_1659 = tpu.scan <sum>, %add3A_1653 masked %reduce_sum3A_1658 : vector<16xf32>, vector<16xi1> -> vector<16xf32>
      %reduce_sum3A_1660 = vector.extract %reduce_sum3A_1659[15] : f32 from vector<16xf32>
      %broadcast_in_dim3A_1661 = vector.broadcast %reduce_sum3A_1660 : f32 to vector<16xf32>
      %select_n3A_1662 = arith.select %eq3A_1656, %broadcast_in_dim3A_1661, %select_n3A_1386 : vector<16xi1>, vector<16xf32>
      %reduce_sum3A_1663 = arith.constant true
      %reduce_sum3A_1664 = vector.broadcast %reduce_sum3A_1663 : i1 to vector<16xi1>
      %reduce_sum3A_1665 = tpu.scan <sum>, %add3A_1651 masked %reduce_sum3A_1664 : vector<16xf32>, vector<16xi1> -> vector<16xf32>
      %reduce_sum3A_1666 = vector.extract %reduce_sum3A_1665[15] : f32 from vector<16xf32>
      %broadcast_in_dim3A_1667 = vector.broadcast %reduce_sum3A_1666 : f32 to vector<16xf32>
      %select_n3A_1668 = arith.select %eq3A_1656, %broadcast_in_dim3A_1667, %select_n3A_1392 : vector<16xi1>, vector<16xf32>
      %mul3A_1669 = arith.constant 16 : i32
      %mul3A_1670 = arith.muli %scan3A_18, %mul3A_1669 : i32
      %add3A_1671 = arith.constant 6 : i32
      %add3A_1672 = arith.addi %mul3A_1670, %add3A_1671 : i32
      %mul3A_1673 = arith.constant 200 : i32
      %mul3A_1674 = arith.muli %add3A_1672, %mul3A_1673 : i32
      %get3A_1675 = arith.index_cast %mul3A_1674 : i32 to index
      %get3A_1676 = tpu.vector_load %arg7[%get3A_1675] {strides = array<i32>} : memref<25600xf32, #tpu.memory_space<vmem>>, vector<16xf32>,
      %add3A_1677 = arith.constant 16 : i32
      %add3A_1678 = arith.addi %mul3A_1674, %add3A_1677 : i32
      %get3A_1679 = arith.index_cast %add3A_1678 : i32 to index
      %get3A_1680 = tpu.vector_load %arg7[%get3A_1679] {strides = array<i32>} : memref<25600xf32, #tpu.memory_space<vmem>>, vector<16xf32>,
      %max3A_1681 = arith.maximumf %get3A_1676, %get3A_1680 : vector<16xf32>
      %add3A_1682 = arith.constant 32 : i32
      %add3A_1683 = arith.addi %mul3A_1674, %add3A_1682 : i32
      %get3A_1684 = arith.index_cast %add3A_1683 : i32 to index
      %get3A_1685 = tpu.vector_load %arg7[%get3A_1684] {strides = array<i32>} : memref<25600xf32, #tpu.memory_space<vmem>>, vector<16xf32>,
      %max3A_1686 = arith.maximumf %max3A_1681, %get3A_1685 : vector<16xf32>
      %add3A_1687 = arith.constant 48 : i32
      %add3A_1688 = arith.addi %mul3A_1674, %add3A_1687 : i32
      %get3A_1689 = arith.index_cast %add3A_1688 : i32 to index
      %get3A_1690 = tpu.vector_load %arg7[%get3A_1689] {strides = array<i32>} : memref<25600xf32, #tpu.memory_space<vmem>>, vector<16xf32>,
      %max3A_1691 = arith.maximumf %max3A_1686, %get3A_1690 : vector<16xf32>
      %add3A_1692 = arith.constant 64 : i32
      %add3A_1693 = arith.addi %mul3A_1674, %add3A_1692 : i32
      %get3A_1694 = arith.index_cast %add3A_1693 : i32 to index
      %get3A_1695 = tpu.vector_load %arg7[%get3A_1694] {strides = array<i32>} : memref<25600xf32, #tpu.memory_space<vmem>>, vector<16xf32>,
      %max3A_1696 = arith.maximumf %max3A_1691, %get3A_1695 : vector<16xf32>
      %add3A_1697 = arith.constant 80 : i32
      %add3A_1698 = arith.addi %mul3A_1674, %add3A_1697 : i32
      %get3A_1699 = arith.index_cast %add3A_1698 : i32 to index
      %get3A_1700 = tpu.vector_load %arg7[%get3A_1699] {strides = array<i32>} : memref<25600xf32, #tpu.memory_space<vmem>>, vector<16xf32>,
      %max3A_1701 = arith.maximumf %max3A_1696, %get3A_1700 : vector<16xf32>
      %add3A_1702 = arith.constant 96 : i32
      %add3A_1703 = arith.addi %mul3A_1674, %add3A_1702 : i32
      %get3A_1704 = arith.index_cast %add3A_1703 : i32 to index
      %get3A_1705 = tpu.vector_load %arg7[%get3A_1704] {strides = array<i32>} : memref<25600xf32, #tpu.memory_space<vmem>>, vector<16xf32>,
      %max3A_1706 = arith.maximumf %max3A_1701, %get3A_1705 : vector<16xf32>
      %add3A_1707 = arith.constant 112 : i32
      %add3A_1708 = arith.addi %mul3A_1674, %add3A_1707 : i32
      %get3A_1709 = arith.index_cast %add3A_1708 : i32 to index
      %get3A_1710 = tpu.vector_load %arg7[%get3A_1709] {strides = array<i32>} : memref<25600xf32, #tpu.memory_space<vmem>>, vector<16xf32>,
      %max3A_1711 = arith.maximumf %max3A_1706, %get3A_1710 : vector<16xf32>
      %add3A_1712 = arith.constant 128 : i32
      %add3A_1713 = arith.addi %mul3A_1674, %add3A_1712 : i32
      %get3A_1714 = arith.index_cast %add3A_1713 : i32 to index
      %get3A_1715 = tpu.vector_load %arg7[%get3A_1714] {strides = array<i32>} : memref<25600xf32, #tpu.memory_space<vmem>>, vector<16xf32>,
      %max3A_1716 = arith.maximumf %max3A_1711, %get3A_1715 : vector<16xf32>
      %add3A_1717 = arith.constant 144 : i32
      %add3A_1718 = arith.addi %mul3A_1674, %add3A_1717 : i32
      %get3A_1719 = arith.index_cast %add3A_1718 : i32 to index
      %get3A_1720 = tpu.vector_load %arg7[%get3A_1719] {strides = array<i32>} : memref<25600xf32, #tpu.memory_space<vmem>>, vector<16xf32>,
      %max3A_1721 = arith.maximumf %max3A_1716, %get3A_1720 : vector<16xf32>
      %add3A_1722 = arith.constant 160 : i32
      %add3A_1723 = arith.addi %mul3A_1674, %add3A_1722 : i32
      %get3A_1724 = arith.index_cast %add3A_1723 : i32 to index
      %get3A_1725 = tpu.vector_load %arg7[%get3A_1724] {strides = array<i32>} : memref<25600xf32, #tpu.memory_space<vmem>>, vector<16xf32>,
      %max3A_1726 = arith.maximumf %max3A_1721, %get3A_1725 : vector<16xf32>
      %add3A_1727 = arith.constant 176 : i32
      %add3A_1728 = arith.addi %mul3A_1674, %add3A_1727 : i32
      %get3A_1729 = arith.index_cast %add3A_1728 : i32 to index
      %get3A_1730 = tpu.vector_load %arg7[%get3A_1729] {strides = array<i32>} : memref<25600xf32, #tpu.memory_space<vmem>>, vector<16xf32>,
      %max3A_1731 = arith.maximumf %max3A_1726, %get3A_1730 : vector<16xf32>
      %add3A_1732 = arith.constant 184 : i32
      %add3A_1733 = arith.addi %mul3A_1674, %add3A_1732 : i32
      %get3A_1734 = arith.index_cast %add3A_1733 : i32 to index
      %get3A_1735 = tpu.vector_load %arg7[%get3A_1734] {strides = array<i32>} : memref<25600xf32, #tpu.memory_space<vmem>>, vector<16xf32>,
      %max3A_1736 = arith.maximumf %max3A_1731, %get3A_1735 : vector<16xf32>
      %reduce_max3A_1737 = arith.constant true
      %reduce_max3A_1738 = vector.broadcast %reduce_max3A_1737 : i1 to vector<16xi1>
      %reduce_max3A_1739 = tpu.scan <max>, %max3A_1736 masked %reduce_max3A_1738 : vector<16xf32>, vector<16xi1> -> vector<16xf32>
      %reduce_max3A_1740 = vector.extract %reduce_max3A_1739[15] : f32 from vector<16xf32>
      %broadcast_in_dim3A_1741 = arith.constant 0.000000e+00 : f32
      %broadcast_in_dim3A_1742 = vector.broadcast %broadcast_in_dim3A_1741 : f32 to vector<16xf32>
      %broadcast_in_dim3A_1743 = arith.constant 0.000000e+00 : f32
      %broadcast_in_dim3A_1744 = vector.broadcast %broadcast_in_dim3A_1743 : f32 to vector<16xf32>
      %add3A_1745 = arith.constant 0 : i32
      %add3A_1746 = arith.addi %mul3A_1674, %add3A_1745 : i32
      %get3A_1747 = arith.index_cast %add3A_1746 : i32 to index
      %get3A_1748 = tpu.vector_load %arg7[%get3A_1747] {strides = array<i32>} : memref<25600xf32, #tpu.memory_space<vmem>>, vector<16xf32>,
      %add3A_1749 = arith.constant 0 : i32
      %add3A_1750 = arith.addi %mul3A_1674, %add3A_1749 : i32
      %get3A_1751 = arith.index_cast %add3A_1750 : i32 to index
      %get3A_1752 = tpu.vector_load %arg8[%get3A_1751] {strides = array<i32>} : memref<25600xf32, #tpu.memory_space<vmem>>, vector<16xf32>,
      %sub3A_1753 = vector.broadcast %reduce_max3A_1740 : f32 to vector<16xf32>
      %sub3A_1754 = arith.subf %get3A_1748, %sub3A_1753 : vector<16xf32>
      %exp3A_1755 = math.exp %sub3A_1754 : vector<16xf32>
      %add3A_1756 = arith.addf %broadcast_in_dim3A_1742, %exp3A_1755 : vector<16xf32>
      %mul3A_1757 = arith.mulf %exp3A_1755, %get3A_1752 : vector<16xf32>
      %add3A_1758 = arith.addf %broadcast_in_dim3A_1744, %mul3A_1757 : vector<16xf32>
      %add3A_1759 = arith.constant 16 : i32
      %add3A_1760 = arith.addi %mul3A_1674, %add3A_1759 : i32
      %get3A_1761 = arith.index_cast %add3A_1760 : i32 to index
      %get3A_1762 = tpu.vector_load %arg7[%get3A_1761] {strides = array<i32>} : memref<25600xf32, #tpu.memory_space<vmem>>, vector<16xf32>,
      %add3A_1763 = arith.constant 16 : i32
      %add3A_1764 = arith.addi %mul3A_1674, %add3A_1763 : i32
      %get3A_1765 = arith.index_cast %add3A_1764 : i32 to index
      %get3A_1766 = tpu.vector_load %arg8[%get3A_1765] {strides = array<i32>} : memref<25600xf32, #tpu.memory_space<vmem>>, vector<16xf32>,
      %sub3A_1767 = vector.broadcast %reduce_max3A_1740 : f32 to vector<16xf32>
      %sub3A_1768 = arith.subf %get3A_1762, %sub3A_1767 : vector<16xf32>
      %exp3A_1769 = math.exp %sub3A_1768 : vector<16xf32>
      %add3A_1770 = arith.addf %add3A_1756, %exp3A_1769 : vector<16xf32>
      %mul3A_1771 = arith.mulf %exp3A_1769, %get3A_1766 : vector<16xf32>
      %add3A_1772 = arith.addf %add3A_1758, %mul3A_1771 : vector<16xf32>
      %add3A_1773 = arith.constant 32 : i32
      %add3A_1774 = arith.addi %mul3A_1674, %add3A_1773 : i32
      %get3A_1775 = arith.index_cast %add3A_1774 : i32 to index
      %get3A_1776 = tpu.vector_load %arg7[%get3A_1775] {strides = array<i32>} : memref<25600xf32, #tpu.memory_space<vmem>>, vector<16xf32>,
      %add3A_1777 = arith.constant 32 : i32
      %add3A_1778 = arith.addi %mul3A_1674, %add3A_1777 : i32
      %get3A_1779 = arith.index_cast %add3A_1778 : i32 to index
      %get3A_1780 = tpu.vector_load %arg8[%get3A_1779] {strides = array<i32>} : memref<25600xf32, #tpu.memory_space<vmem>>, vector<16xf32>,
      %sub3A_1781 = vector.broadcast %reduce_max3A_1740 : f32 to vector<16xf32>
      %sub3A_1782 = arith.subf %get3A_1776, %sub3A_1781 : vector<16xf32>
      %exp3A_1783 = math.exp %sub3A_1782 : vector<16xf32>
      %add3A_1784 = arith.addf %add3A_1770, %exp3A_1783 : vector<16xf32>
      %mul3A_1785 = arith.mulf %exp3A_1783, %get3A_1780 : vector<16xf32>
      %add3A_1786 = arith.addf %add3A_1772, %mul3A_1785 : vector<16xf32>
      %add3A_1787 = arith.constant 48 : i32
      %add3A_1788 = arith.addi %mul3A_1674, %add3A_1787 : i32
      %get3A_1789 = arith.index_cast %add3A_1788 : i32 to index
      %get3A_1790 = tpu.vector_load %arg7[%get3A_1789] {strides = array<i32>} : memref<25600xf32, #tpu.memory_space<vmem>>, vector<16xf32>,
      %add3A_1791 = arith.constant 48 : i32
      %add3A_1792 = arith.addi %mul3A_1674, %add3A_1791 : i32
      %get3A_1793 = arith.index_cast %add3A_1792 : i32 to index
      %get3A_1794 = tpu.vector_load %arg8[%get3A_1793] {strides = array<i32>} : memref<25600xf32, #tpu.memory_space<vmem>>, vector<16xf32>,
      %sub3A_1795 = vector.broadcast %reduce_max3A_1740 : f32 to vector<16xf32>
      %sub3A_1796 = arith.subf %get3A_1790, %sub3A_1795 : vector<16xf32>
      %exp3A_1797 = math.exp %sub3A_1796 : vector<16xf32>
      %add3A_1798 = arith.addf %add3A_1784, %exp3A_1797 : vector<16xf32>
      %mul3A_1799 = arith.mulf %exp3A_1797, %get3A_1794 : vector<16xf32>
      %add3A_1800 = arith.addf %add3A_1786, %mul3A_1799 : vector<16xf32>
      %add3A_1801 = arith.constant 64 : i32
      %add3A_1802 = arith.addi %mul3A_1674, %add3A_1801 : i32
      %get3A_1803 = arith.index_cast %add3A_1802 : i32 to index
      %get3A_1804 = tpu.vector_load %arg7[%get3A_1803] {strides = array<i32>} : memref<25600xf32, #tpu.memory_space<vmem>>, vector<16xf32>,
      %add3A_1805 = arith.constant 64 : i32
      %add3A_1806 = arith.addi %mul3A_1674, %add3A_1805 : i32
      %get3A_1807 = arith.index_cast %add3A_1806 : i32 to index
      %get3A_1808 = tpu.vector_load %arg8[%get3A_1807] {strides = array<i32>} : memref<25600xf32, #tpu.memory_space<vmem>>, vector<16xf32>,
      %sub3A_1809 = vector.broadcast %reduce_max3A_1740 : f32 to vector<16xf32>
      %sub3A_1810 = arith.subf %get3A_1804, %sub3A_1809 : vector<16xf32>
      %exp3A_1811 = math.exp %sub3A_1810 : vector<16xf32>
      %add3A_1812 = arith.addf %add3A_1798, %exp3A_1811 : vector<16xf32>
      %mul3A_1813 = arith.mulf %exp3A_1811, %get3A_1808 : vector<16xf32>
      %add3A_1814 = arith.addf %add3A_1800, %mul3A_1813 : vector<16xf32>
      %add3A_1815 = arith.constant 80 : i32
      %add3A_1816 = arith.addi %mul3A_1674, %add3A_1815 : i32
      %get3A_1817 = arith.index_cast %add3A_1816 : i32 to index
      %get3A_1818 = tpu.vector_load %arg7[%get3A_1817] {strides = array<i32>} : memref<25600xf32, #tpu.memory_space<vmem>>, vector<16xf32>,
      %add3A_1819 = arith.constant 80 : i32
      %add3A_1820 = arith.addi %mul3A_1674, %add3A_1819 : i32
      %get3A_1821 = arith.index_cast %add3A_1820 : i32 to index
      %get3A_1822 = tpu.vector_load %arg8[%get3A_1821] {strides = array<i32>} : memref<25600xf32, #tpu.memory_space<vmem>>, vector<16xf32>,
      %sub3A_1823 = vector.broadcast %reduce_max3A_1740 : f32 to vector<16xf32>
      %sub3A_1824 = arith.subf %get3A_1818, %sub3A_1823 : vector<16xf32>
      %exp3A_1825 = math.exp %sub3A_1824 : vector<16xf32>
      %add3A_1826 = arith.addf %add3A_1812, %exp3A_1825 : vector<16xf32>
      %mul3A_1827 = arith.mulf %exp3A_1825, %get3A_1822 : vector<16xf32>
      %add3A_1828 = arith.addf %add3A_1814, %mul3A_1827 : vector<16xf32>
      %add3A_1829 = arith.constant 96 : i32
      %add3A_1830 = arith.addi %mul3A_1674, %add3A_1829 : i32
      %get3A_1831 = arith.index_cast %add3A_1830 : i32 to index
      %get3A_1832 = tpu.vector_load %arg7[%get3A_1831] {strides = array<i32>} : memref<25600xf32, #tpu.memory_space<vmem>>, vector<16xf32>,
      %add3A_1833 = arith.constant 96 : i32
      %add3A_1834 = arith.addi %mul3A_1674, %add3A_1833 : i32
      %get3A_1835 = arith.index_cast %add3A_1834 : i32 to index
      %get3A_1836 = tpu.vector_load %arg8[%get3A_1835] {strides = array<i32>} : memref<25600xf32, #tpu.memory_space<vmem>>, vector<16xf32>,
      %sub3A_1837 = vector.broadcast %reduce_max3A_1740 : f32 to vector<16xf32>
      %sub3A_1838 = arith.subf %get3A_1832, %sub3A_1837 : vector<16xf32>
      %exp3A_1839 = math.exp %sub3A_1838 : vector<16xf32>
      %add3A_1840 = arith.addf %add3A_1826, %exp3A_1839 : vector<16xf32>
      %mul3A_1841 = arith.mulf %exp3A_1839, %get3A_1836 : vector<16xf32>
      %add3A_1842 = arith.addf %add3A_1828, %mul3A_1841 : vector<16xf32>
      %add3A_1843 = arith.constant 112 : i32
      %add3A_1844 = arith.addi %mul3A_1674, %add3A_1843 : i32
      %get3A_1845 = arith.index_cast %add3A_1844 : i32 to index
      %get3A_1846 = tpu.vector_load %arg7[%get3A_1845] {strides = array<i32>} : memref<25600xf32, #tpu.memory_space<vmem>>, vector<16xf32>,
      %add3A_1847 = arith.constant 112 : i32
      %add3A_1848 = arith.addi %mul3A_1674, %add3A_1847 : i32
      %get3A_1849 = arith.index_cast %add3A_1848 : i32 to index
      %get3A_1850 = tpu.vector_load %arg8[%get3A_1849] {strides = array<i32>} : memref<25600xf32, #tpu.memory_space<vmem>>, vector<16xf32>,
      %sub3A_1851 = vector.broadcast %reduce_max3A_1740 : f32 to vector<16xf32>
      %sub3A_1852 = arith.subf %get3A_1846, %sub3A_1851 : vector<16xf32>
      %exp3A_1853 = math.exp %sub3A_1852 : vector<16xf32>
      %add3A_1854 = arith.addf %add3A_1840, %exp3A_1853 : vector<16xf32>
      %mul3A_1855 = arith.mulf %exp3A_1853, %get3A_1850 : vector<16xf32>
      %add3A_1856 = arith.addf %add3A_1842, %mul3A_1855 : vector<16xf32>
      %add3A_1857 = arith.constant 128 : i32
      %add3A_1858 = arith.addi %mul3A_1674, %add3A_1857 : i32
      %get3A_1859 = arith.index_cast %add3A_1858 : i32 to index
      %get3A_1860 = tpu.vector_load %arg7[%get3A_1859] {strides = array<i32>} : memref<25600xf32, #tpu.memory_space<vmem>>, vector<16xf32>,
      %add3A_1861 = arith.constant 128 : i32
      %add3A_1862 = arith.addi %mul3A_1674, %add3A_1861 : i32
      %get3A_1863 = arith.index_cast %add3A_1862 : i32 to index
      %get3A_1864 = tpu.vector_load %arg8[%get3A_1863] {strides = array<i32>} : memref<25600xf32, #tpu.memory_space<vmem>>, vector<16xf32>,
      %sub3A_1865 = vector.broadcast %reduce_max3A_1740 : f32 to vector<16xf32>
      %sub3A_1866 = arith.subf %get3A_1860, %sub3A_1865 : vector<16xf32>
      %exp3A_1867 = math.exp %sub3A_1866 : vector<16xf32>
      %add3A_1868 = arith.addf %add3A_1854, %exp3A_1867 : vector<16xf32>
      %mul3A_1869 = arith.mulf %exp3A_1867, %get3A_1864 : vector<16xf32>
      %add3A_1870 = arith.addf %add3A_1856, %mul3A_1869 : vector<16xf32>
      %add3A_1871 = arith.constant 144 : i32
      %add3A_1872 = arith.addi %mul3A_1674, %add3A_1871 : i32
      %get3A_1873 = arith.index_cast %add3A_1872 : i32 to index
      %get3A_1874 = tpu.vector_load %arg7[%get3A_1873] {strides = array<i32>} : memref<25600xf32, #tpu.memory_space<vmem>>, vector<16xf32>,
      %add3A_1875 = arith.constant 144 : i32
      %add3A_1876 = arith.addi %mul3A_1674, %add3A_1875 : i32
      %get3A_1877 = arith.index_cast %add3A_1876 : i32 to index
      %get3A_1878 = tpu.vector_load %arg8[%get3A_1877] {strides = array<i32>} : memref<25600xf32, #tpu.memory_space<vmem>>, vector<16xf32>,
      %sub3A_1879 = vector.broadcast %reduce_max3A_1740 : f32 to vector<16xf32>
      %sub3A_1880 = arith.subf %get3A_1874, %sub3A_1879 : vector<16xf32>
      %exp3A_1881 = math.exp %sub3A_1880 : vector<16xf32>
      %add3A_1882 = arith.addf %add3A_1868, %exp3A_1881 : vector<16xf32>
      %mul3A_1883 = arith.mulf %exp3A_1881, %get3A_1878 : vector<16xf32>
      %add3A_1884 = arith.addf %add3A_1870, %mul3A_1883 : vector<16xf32>
      %add3A_1885 = arith.constant 160 : i32
      %add3A_1886 = arith.addi %mul3A_1674, %add3A_1885 : i32
      %get3A_1887 = arith.index_cast %add3A_1886 : i32 to index
      %get3A_1888 = tpu.vector_load %arg7[%get3A_1887] {strides = array<i32>} : memref<25600xf32, #tpu.memory_space<vmem>>, vector<16xf32>,
      %add3A_1889 = arith.constant 160 : i32
      %add3A_1890 = arith.addi %mul3A_1674, %add3A_1889 : i32
      %get3A_1891 = arith.index_cast %add3A_1890 : i32 to index
      %get3A_1892 = tpu.vector_load %arg8[%get3A_1891] {strides = array<i32>} : memref<25600xf32, #tpu.memory_space<vmem>>, vector<16xf32>,
      %sub3A_1893 = vector.broadcast %reduce_max3A_1740 : f32 to vector<16xf32>
      %sub3A_1894 = arith.subf %get3A_1888, %sub3A_1893 : vector<16xf32>
      %exp3A_1895 = math.exp %sub3A_1894 : vector<16xf32>
      %add3A_1896 = arith.addf %add3A_1882, %exp3A_1895 : vector<16xf32>
      %mul3A_1897 = arith.mulf %exp3A_1895, %get3A_1892 : vector<16xf32>
      %add3A_1898 = arith.addf %add3A_1884, %mul3A_1897 : vector<16xf32>
      %add3A_1899 = arith.constant 176 : i32
      %add3A_1900 = arith.addi %mul3A_1674, %add3A_1899 : i32
      %get3A_1901 = arith.index_cast %add3A_1900 : i32 to index
      %get3A_1902 = tpu.vector_load %arg7[%get3A_1901] {strides = array<i32>} : memref<25600xf32, #tpu.memory_space<vmem>>, vector<16xf32>,
      %add3A_1903 = arith.constant 176 : i32
      %add3A_1904 = arith.addi %mul3A_1674, %add3A_1903 : i32
      %get3A_1905 = arith.index_cast %add3A_1904 : i32 to index
      %get3A_1906 = tpu.vector_load %arg8[%get3A_1905] {strides = array<i32>} : memref<25600xf32, #tpu.memory_space<vmem>>, vector<16xf32>,
      %sub3A_1907 = vector.broadcast %reduce_max3A_1740 : f32 to vector<16xf32>
      %sub3A_1908 = arith.subf %get3A_1902, %sub3A_1907 : vector<16xf32>
      %exp3A_1909 = math.exp %sub3A_1908 : vector<16xf32>
      %add3A_1910 = arith.addf %add3A_1896, %exp3A_1909 : vector<16xf32>
      %mul3A_1911 = arith.mulf %exp3A_1909, %get3A_1906 : vector<16xf32>
      %add3A_1912 = arith.addf %add3A_1898, %mul3A_1911 : vector<16xf32>
      %add3A_1913 = arith.constant 184 : i32
      %add3A_1914 = arith.addi %mul3A_1674, %add3A_1913 : i32
      %get3A_1915 = arith.index_cast %add3A_1914 : i32 to index
      %get3A_1916 = tpu.vector_load %arg7[%get3A_1915] {strides = array<i32>} : memref<25600xf32, #tpu.memory_space<vmem>>, vector<16xf32>,
      %add3A_1917 = arith.constant 184 : i32
      %add3A_1918 = arith.addi %mul3A_1674, %add3A_1917 : i32
      %get3A_1919 = arith.index_cast %add3A_1918 : i32 to index
      %get3A_1920 = tpu.vector_load %arg8[%get3A_1919] {strides = array<i32>} : memref<25600xf32, #tpu.memory_space<vmem>>, vector<16xf32>,
      %sub3A_1921 = vector.broadcast %reduce_max3A_1740 : f32 to vector<16xf32>
      %sub3A_1922 = arith.subf %get3A_1916, %sub3A_1921 : vector<16xf32>
      %exp3A_1923 = math.exp %sub3A_1922 : vector<16xf32>
      %jit3A_1924 = arith.constant 0.000000e+00 : f32
      %broadcast_in_dim3A_1925 = vector.broadcast %jit3A_1924 : f32 to vector<16xf32>
      %select_n3A_1926 = arith.select %ge3A_10, %exp3A_1923, %broadcast_in_dim3A_1925 : vector<16xi1>, vector<16xf32>
      %add3A_1927 = arith.addf %add3A_1910, %select_n3A_1926 : vector<16xf32>
      %mul3A_1928 = arith.mulf %select_n3A_1926, %get3A_1920 : vector<16xf32>
      %add3A_1929 = arith.addf %add3A_1912, %mul3A_1928 : vector<16xf32>
      %eq3A_1930 = arith.constant 6 : i32
      %eq3A_1931 = vector.broadcast %eq3A_1930 : i32 to vector<16xi32>
      %eq3A_1932 = arith.cmpi eq, %iota3A, %eq3A_1931 : vector<16xi32>
      %reduce_sum3A_1933 = arith.constant true
      %reduce_sum3A_1934 = vector.broadcast %reduce_sum3A_1933 : i1 to vector<16xi1>
      %reduce_sum3A_1935 = tpu.scan <sum>, %add3A_1929 masked %reduce_sum3A_1934 : vector<16xf32>, vector<16xi1> -> vector<16xf32>
      %reduce_sum3A_1936 = vector.extract %reduce_sum3A_1935[15] : f32 from vector<16xf32>
      %broadcast_in_dim3A_1937 = vector.broadcast %reduce_sum3A_1936 : f32 to vector<16xf32>
      %select_n3A_1938 = arith.select %eq3A_1932, %broadcast_in_dim3A_1937, %select_n3A_1662 : vector<16xi1>, vector<16xf32>
      %reduce_sum3A_1939 = arith.constant true
      %reduce_sum3A_1940 = vector.broadcast %reduce_sum3A_1939 : i1 to vector<16xi1>
      %reduce_sum3A_1941 = tpu.scan <sum>, %add3A_1927 masked %reduce_sum3A_1940 : vector<16xf32>, vector<16xi1> -> vector<16xf32>
      %reduce_sum3A_1942 = vector.extract %reduce_sum3A_1941[15] : f32 from vector<16xf32>
      %broadcast_in_dim3A_1943 = vector.broadcast %reduce_sum3A_1942 : f32 to vector<16xf32>
      %select_n3A_1944 = arith.select %eq3A_1932, %broadcast_in_dim3A_1943, %select_n3A_1668 : vector<16xi1>, vector<16xf32>
      %mul3A_1945 = arith.constant 16 : i32
      %mul3A_1946 = arith.muli %scan3A_18, %mul3A_1945 : i32
      %add3A_1947 = arith.constant 7 : i32
      %add3A_1948 = arith.addi %mul3A_1946, %add3A_1947 : i32
      %mul3A_1949 = arith.constant 200 : i32
      %mul3A_1950 = arith.muli %add3A_1948, %mul3A_1949 : i32
      %get3A_1951 = arith.index_cast %mul3A_1950 : i32 to index
      %get3A_1952 = tpu.vector_load %arg7[%get3A_1951] {strides = array<i32>} : memref<25600xf32, #tpu.memory_space<vmem>>, vector<16xf32>,
      %add3A_1953 = arith.constant 16 : i32
      %add3A_1954 = arith.addi %mul3A_1950, %add3A_1953 : i32
      %get3A_1955 = arith.index_cast %add3A_1954 : i32 to index
      %get3A_1956 = tpu.vector_load %arg7[%get3A_1955] {strides = array<i32>} : memref<25600xf32, #tpu.memory_space<vmem>>, vector<16xf32>,
      %max3A_1957 = arith.maximumf %get3A_1952, %get3A_1956 : vector<16xf32>
      %add3A_1958 = arith.constant 32 : i32
      %add3A_1959 = arith.addi %mul3A_1950, %add3A_1958 : i32
      %get3A_1960 = arith.index_cast %add3A_1959 : i32 to index
      %get3A_1961 = tpu.vector_load %arg7[%get3A_1960] {strides = array<i32>} : memref<25600xf32, #tpu.memory_space<vmem>>, vector<16xf32>,
      %max3A_1962 = arith.maximumf %max3A_1957, %get3A_1961 : vector<16xf32>
      %add3A_1963 = arith.constant 48 : i32
      %add3A_1964 = arith.addi %mul3A_1950, %add3A_1963 : i32
      %get3A_1965 = arith.index_cast %add3A_1964 : i32 to index
      %get3A_1966 = tpu.vector_load %arg7[%get3A_1965] {strides = array<i32>} : memref<25600xf32, #tpu.memory_space<vmem>>, vector<16xf32>,
      %max3A_1967 = arith.maximumf %max3A_1962, %get3A_1966 : vector<16xf32>
      %add3A_1968 = arith.constant 64 : i32
      %add3A_1969 = arith.addi %mul3A_1950, %add3A_1968 : i32
      %get3A_1970 = arith.index_cast %add3A_1969 : i32 to index
      %get3A_1971 = tpu.vector_load %arg7[%get3A_1970] {strides = array<i32>} : memref<25600xf32, #tpu.memory_space<vmem>>, vector<16xf32>,
      %max3A_1972 = arith.maximumf %max3A_1967, %get3A_1971 : vector<16xf32>
      %add3A_1973 = arith.constant 80 : i32
      %add3A_1974 = arith.addi %mul3A_1950, %add3A_1973 : i32
      %get3A_1975 = arith.index_cast %add3A_1974 : i32 to index
      %get3A_1976 = tpu.vector_load %arg7[%get3A_1975] {strides = array<i32>} : memref<25600xf32, #tpu.memory_space<vmem>>, vector<16xf32>,
      %max3A_1977 = arith.maximumf %max3A_1972, %get3A_1976 : vector<16xf32>
      %add3A_1978 = arith.constant 96 : i32
      %add3A_1979 = arith.addi %mul3A_1950, %add3A_1978 : i32
      %get3A_1980 = arith.index_cast %add3A_1979 : i32 to index
      %get3A_1981 = tpu.vector_load %arg7[%get3A_1980] {strides = array<i32>} : memref<25600xf32, #tpu.memory_space<vmem>>, vector<16xf32>,
      %max3A_1982 = arith.maximumf %max3A_1977, %get3A_1981 : vector<16xf32>
      %add3A_1983 = arith.constant 112 : i32
      %add3A_1984 = arith.addi %mul3A_1950, %add3A_1983 : i32
      %get3A_1985 = arith.index_cast %add3A_1984 : i32 to index
      %get3A_1986 = tpu.vector_load %arg7[%get3A_1985] {strides = array<i32>} : memref<25600xf32, #tpu.memory_space<vmem>>, vector<16xf32>,
      %max3A_1987 = arith.maximumf %max3A_1982, %get3A_1986 : vector<16xf32>
      %add3A_1988 = arith.constant 128 : i32
      %add3A_1989 = arith.addi %mul3A_1950, %add3A_1988 : i32
      %get3A_1990 = arith.index_cast %add3A_1989 : i32 to index
      %get3A_1991 = tpu.vector_load %arg7[%get3A_1990] {strides = array<i32>} : memref<25600xf32, #tpu.memory_space<vmem>>, vector<16xf32>,
      %max3A_1992 = arith.maximumf %max3A_1987, %get3A_1991 : vector<16xf32>
      %add3A_1993 = arith.constant 144 : i32
      %add3A_1994 = arith.addi %mul3A_1950, %add3A_1993 : i32
      %get3A_1995 = arith.index_cast %add3A_1994 : i32 to index
      %get3A_1996 = tpu.vector_load %arg7[%get3A_1995] {strides = array<i32>} : memref<25600xf32, #tpu.memory_space<vmem>>, vector<16xf32>,
      %max3A_1997 = arith.maximumf %max3A_1992, %get3A_1996 : vector<16xf32>
      %add3A_1998 = arith.constant 160 : i32
      %add3A_1999 = arith.addi %mul3A_1950, %add3A_1998 : i32
      %get3A_2000 = arith.index_cast %add3A_1999 : i32 to index
      %get3A_2001 = tpu.vector_load %arg7[%get3A_2000] {strides = array<i32>} : memref<25600xf32, #tpu.memory_space<vmem>>, vector<16xf32>,
      %max3A_2002 = arith.maximumf %max3A_1997, %get3A_2001 : vector<16xf32>
      %add3A_2003 = arith.constant 176 : i32
      %add3A_2004 = arith.addi %mul3A_1950, %add3A_2003 : i32
      %get3A_2005 = arith.index_cast %add3A_2004 : i32 to index
      %get3A_2006 = tpu.vector_load %arg7[%get3A_2005] {strides = array<i32>} : memref<25600xf32, #tpu.memory_space<vmem>>, vector<16xf32>,
      %max3A_2007 = arith.maximumf %max3A_2002, %get3A_2006 : vector<16xf32>
      %add3A_2008 = arith.constant 184 : i32
      %add3A_2009 = arith.addi %mul3A_1950, %add3A_2008 : i32
      %get3A_2010 = arith.index_cast %add3A_2009 : i32 to index
      %get3A_2011 = tpu.vector_load %arg7[%get3A_2010] {strides = array<i32>} : memref<25600xf32, #tpu.memory_space<vmem>>, vector<16xf32>,
      %max3A_2012 = arith.maximumf %max3A_2007, %get3A_2011 : vector<16xf32>
      %reduce_max3A_2013 = arith.constant true
      %reduce_max3A_2014 = vector.broadcast %reduce_max3A_2013 : i1 to vector<16xi1>
      %reduce_max3A_2015 = tpu.scan <max>, %max3A_2012 masked %reduce_max3A_2014 : vector<16xf32>, vector<16xi1> -> vector<16xf32>
      %reduce_max3A_2016 = vector.extract %reduce_max3A_2015[15] : f32 from vector<16xf32>
      %broadcast_in_dim3A_2017 = arith.constant 0.000000e+00 : f32
      %broadcast_in_dim3A_2018 = vector.broadcast %broadcast_in_dim3A_2017 : f32 to vector<16xf32>
      %broadcast_in_dim3A_2019 = arith.constant 0.000000e+00 : f32
      %broadcast_in_dim3A_2020 = vector.broadcast %broadcast_in_dim3A_2019 : f32 to vector<16xf32>
      %add3A_2021 = arith.constant 0 : i32
      %add3A_2022 = arith.addi %mul3A_1950, %add3A_2021 : i32
      %get3A_2023 = arith.index_cast %add3A_2022 : i32 to index
      %get3A_2024 = tpu.vector_load %arg7[%get3A_2023] {strides = array<i32>} : memref<25600xf32, #tpu.memory_space<vmem>>, vector<16xf32>,
      %add3A_2025 = arith.constant 0 : i32
      %add3A_2026 = arith.addi %mul3A_1950, %add3A_2025 : i32
      %get3A_2027 = arith.index_cast %add3A_2026 : i32 to index
      %get3A_2028 = tpu.vector_load %arg8[%get3A_2027] {strides = array<i32>} : memref<25600xf32, #tpu.memory_space<vmem>>, vector<16xf32>,
      %sub3A_2029 = vector.broadcast %reduce_max3A_2016 : f32 to vector<16xf32>
      %sub3A_2030 = arith.subf %get3A_2024, %sub3A_2029 : vector<16xf32>
      %exp3A_2031 = math.exp %sub3A_2030 : vector<16xf32>
      %add3A_2032 = arith.addf %broadcast_in_dim3A_2018, %exp3A_2031 : vector<16xf32>
      %mul3A_2033 = arith.mulf %exp3A_2031, %get3A_2028 : vector<16xf32>
      %add3A_2034 = arith.addf %broadcast_in_dim3A_2020, %mul3A_2033 : vector<16xf32>
      %add3A_2035 = arith.constant 16 : i32
      %add3A_2036 = arith.addi %mul3A_1950, %add3A_2035 : i32
      %get3A_2037 = arith.index_cast %add3A_2036 : i32 to index
      %get3A_2038 = tpu.vector_load %arg7[%get3A_2037] {strides = array<i32>} : memref<25600xf32, #tpu.memory_space<vmem>>, vector<16xf32>,
      %add3A_2039 = arith.constant 16 : i32
      %add3A_2040 = arith.addi %mul3A_1950, %add3A_2039 : i32
      %get3A_2041 = arith.index_cast %add3A_2040 : i32 to index
      %get3A_2042 = tpu.vector_load %arg8[%get3A_2041] {strides = array<i32>} : memref<25600xf32, #tpu.memory_space<vmem>>, vector<16xf32>,
      %sub3A_2043 = vector.broadcast %reduce_max3A_2016 : f32 to vector<16xf32>
      %sub3A_2044 = arith.subf %get3A_2038, %sub3A_2043 : vector<16xf32>
      %exp3A_2045 = math.exp %sub3A_2044 : vector<16xf32>
      %add3A_2046 = arith.addf %add3A_2032, %exp3A_2045 : vector<16xf32>
      %mul3A_2047 = arith.mulf %exp3A_2045, %get3A_2042 : vector<16xf32>
      %add3A_2048 = arith.addf %add3A_2034, %mul3A_2047 : vector<16xf32>
      %add3A_2049 = arith.constant 32 : i32
      %add3A_2050 = arith.addi %mul3A_1950, %add3A_2049 : i32
      %get3A_2051 = arith.index_cast %add3A_2050 : i32 to index
      %get3A_2052 = tpu.vector_load %arg7[%get3A_2051] {strides = array<i32>} : memref<25600xf32, #tpu.memory_space<vmem>>, vector<16xf32>,
      %add3A_2053 = arith.constant 32 : i32
      %add3A_2054 = arith.addi %mul3A_1950, %add3A_2053 : i32
      %get3A_2055 = arith.index_cast %add3A_2054 : i32 to index
      %get3A_2056 = tpu.vector_load %arg8[%get3A_2055] {strides = array<i32>} : memref<25600xf32, #tpu.memory_space<vmem>>, vector<16xf32>,
      %sub3A_2057 = vector.broadcast %reduce_max3A_2016 : f32 to vector<16xf32>
      %sub3A_2058 = arith.subf %get3A_2052, %sub3A_2057 : vector<16xf32>
      %exp3A_2059 = math.exp %sub3A_2058 : vector<16xf32>
      %add3A_2060 = arith.addf %add3A_2046, %exp3A_2059 : vector<16xf32>
      %mul3A_2061 = arith.mulf %exp3A_2059, %get3A_2056 : vector<16xf32>
      %add3A_2062 = arith.addf %add3A_2048, %mul3A_2061 : vector<16xf32>
      %add3A_2063 = arith.constant 48 : i32
      %add3A_2064 = arith.addi %mul3A_1950, %add3A_2063 : i32
      %get3A_2065 = arith.index_cast %add3A_2064 : i32 to index
      %get3A_2066 = tpu.vector_load %arg7[%get3A_2065] {strides = array<i32>} : memref<25600xf32, #tpu.memory_space<vmem>>, vector<16xf32>,
      %add3A_2067 = arith.constant 48 : i32
      %add3A_2068 = arith.addi %mul3A_1950, %add3A_2067 : i32
      %get3A_2069 = arith.index_cast %add3A_2068 : i32 to index
      %get3A_2070 = tpu.vector_load %arg8[%get3A_2069] {strides = array<i32>} : memref<25600xf32, #tpu.memory_space<vmem>>, vector<16xf32>,
      %sub3A_2071 = vector.broadcast %reduce_max3A_2016 : f32 to vector<16xf32>
      %sub3A_2072 = arith.subf %get3A_2066, %sub3A_2071 : vector<16xf32>
      %exp3A_2073 = math.exp %sub3A_2072 : vector<16xf32>
      %add3A_2074 = arith.addf %add3A_2060, %exp3A_2073 : vector<16xf32>
      %mul3A_2075 = arith.mulf %exp3A_2073, %get3A_2070 : vector<16xf32>
      %add3A_2076 = arith.addf %add3A_2062, %mul3A_2075 : vector<16xf32>
      %add3A_2077 = arith.constant 64 : i32
      %add3A_2078 = arith.addi %mul3A_1950, %add3A_2077 : i32
      %get3A_2079 = arith.index_cast %add3A_2078 : i32 to index
      %get3A_2080 = tpu.vector_load %arg7[%get3A_2079] {strides = array<i32>} : memref<25600xf32, #tpu.memory_space<vmem>>, vector<16xf32>,
      %add3A_2081 = arith.constant 64 : i32
      %add3A_2082 = arith.addi %mul3A_1950, %add3A_2081 : i32
      %get3A_2083 = arith.index_cast %add3A_2082 : i32 to index
      %get3A_2084 = tpu.vector_load %arg8[%get3A_2083] {strides = array<i32>} : memref<25600xf32, #tpu.memory_space<vmem>>, vector<16xf32>,
      %sub3A_2085 = vector.broadcast %reduce_max3A_2016 : f32 to vector<16xf32>
      %sub3A_2086 = arith.subf %get3A_2080, %sub3A_2085 : vector<16xf32>
      %exp3A_2087 = math.exp %sub3A_2086 : vector<16xf32>
      %add3A_2088 = arith.addf %add3A_2074, %exp3A_2087 : vector<16xf32>
      %mul3A_2089 = arith.mulf %exp3A_2087, %get3A_2084 : vector<16xf32>
      %add3A_2090 = arith.addf %add3A_2076, %mul3A_2089 : vector<16xf32>
      %add3A_2091 = arith.constant 80 : i32
      %add3A_2092 = arith.addi %mul3A_1950, %add3A_2091 : i32
      %get3A_2093 = arith.index_cast %add3A_2092 : i32 to index
      %get3A_2094 = tpu.vector_load %arg7[%get3A_2093] {strides = array<i32>} : memref<25600xf32, #tpu.memory_space<vmem>>, vector<16xf32>,
      %add3A_2095 = arith.constant 80 : i32
      %add3A_2096 = arith.addi %mul3A_1950, %add3A_2095 : i32
      %get3A_2097 = arith.index_cast %add3A_2096 : i32 to index
      %get3A_2098 = tpu.vector_load %arg8[%get3A_2097] {strides = array<i32>} : memref<25600xf32, #tpu.memory_space<vmem>>, vector<16xf32>,
      %sub3A_2099 = vector.broadcast %reduce_max3A_2016 : f32 to vector<16xf32>
      %sub3A_2100 = arith.subf %get3A_2094, %sub3A_2099 : vector<16xf32>
      %exp3A_2101 = math.exp %sub3A_2100 : vector<16xf32>
      %add3A_2102 = arith.addf %add3A_2088, %exp3A_2101 : vector<16xf32>
      %mul3A_2103 = arith.mulf %exp3A_2101, %get3A_2098 : vector<16xf32>
      %add3A_2104 = arith.addf %add3A_2090, %mul3A_2103 : vector<16xf32>
      %add3A_2105 = arith.constant 96 : i32
      %add3A_2106 = arith.addi %mul3A_1950, %add3A_2105 : i32
      %get3A_2107 = arith.index_cast %add3A_2106 : i32 to index
      %get3A_2108 = tpu.vector_load %arg7[%get3A_2107] {strides = array<i32>} : memref<25600xf32, #tpu.memory_space<vmem>>, vector<16xf32>,
      %add3A_2109 = arith.constant 96 : i32
      %add3A_2110 = arith.addi %mul3A_1950, %add3A_2109 : i32
      %get3A_2111 = arith.index_cast %add3A_2110 : i32 to index
      %get3A_2112 = tpu.vector_load %arg8[%get3A_2111] {strides = array<i32>} : memref<25600xf32, #tpu.memory_space<vmem>>, vector<16xf32>,
      %sub3A_2113 = vector.broadcast %reduce_max3A_2016 : f32 to vector<16xf32>
      %sub3A_2114 = arith.subf %get3A_2108, %sub3A_2113 : vector<16xf32>
      %exp3A_2115 = math.exp %sub3A_2114 : vector<16xf32>
      %add3A_2116 = arith.addf %add3A_2102, %exp3A_2115 : vector<16xf32>
      %mul3A_2117 = arith.mulf %exp3A_2115, %get3A_2112 : vector<16xf32>
      %add3A_2118 = arith.addf %add3A_2104, %mul3A_2117 : vector<16xf32>
      %add3A_2119 = arith.constant 112 : i32
      %add3A_2120 = arith.addi %mul3A_1950, %add3A_2119 : i32
      %get3A_2121 = arith.index_cast %add3A_2120 : i32 to index
      %get3A_2122 = tpu.vector_load %arg7[%get3A_2121] {strides = array<i32>} : memref<25600xf32, #tpu.memory_space<vmem>>, vector<16xf32>,
      %add3A_2123 = arith.constant 112 : i32
      %add3A_2124 = arith.addi %mul3A_1950, %add3A_2123 : i32
      %get3A_2125 = arith.index_cast %add3A_2124 : i32 to index
      %get3A_2126 = tpu.vector_load %arg8[%get3A_2125] {strides = array<i32>} : memref<25600xf32, #tpu.memory_space<vmem>>, vector<16xf32>,
      %sub3A_2127 = vector.broadcast %reduce_max3A_2016 : f32 to vector<16xf32>
      %sub3A_2128 = arith.subf %get3A_2122, %sub3A_2127 : vector<16xf32>
      %exp3A_2129 = math.exp %sub3A_2128 : vector<16xf32>
      %add3A_2130 = arith.addf %add3A_2116, %exp3A_2129 : vector<16xf32>
      %mul3A_2131 = arith.mulf %exp3A_2129, %get3A_2126 : vector<16xf32>
      %add3A_2132 = arith.addf %add3A_2118, %mul3A_2131 : vector<16xf32>
      %add3A_2133 = arith.constant 128 : i32
      %add3A_2134 = arith.addi %mul3A_1950, %add3A_2133 : i32
      %get3A_2135 = arith.index_cast %add3A_2134 : i32 to index
      %get3A_2136 = tpu.vector_load %arg7[%get3A_2135] {strides = array<i32>} : memref<25600xf32, #tpu.memory_space<vmem>>, vector<16xf32>,
      %add3A_2137 = arith.constant 128 : i32
      %add3A_2138 = arith.addi %mul3A_1950, %add3A_2137 : i32
      %get3A_2139 = arith.index_cast %add3A_2138 : i32 to index
      %get3A_2140 = tpu.vector_load %arg8[%get3A_2139] {strides = array<i32>} : memref<25600xf32, #tpu.memory_space<vmem>>, vector<16xf32>,
      %sub3A_2141 = vector.broadcast %reduce_max3A_2016 : f32 to vector<16xf32>
      %sub3A_2142 = arith.subf %get3A_2136, %sub3A_2141 : vector<16xf32>
      %exp3A_2143 = math.exp %sub3A_2142 : vector<16xf32>
      %add3A_2144 = arith.addf %add3A_2130, %exp3A_2143 : vector<16xf32>
      %mul3A_2145 = arith.mulf %exp3A_2143, %get3A_2140 : vector<16xf32>
      %add3A_2146 = arith.addf %add3A_2132, %mul3A_2145 : vector<16xf32>
      %add3A_2147 = arith.constant 144 : i32
      %add3A_2148 = arith.addi %mul3A_1950, %add3A_2147 : i32
      %get3A_2149 = arith.index_cast %add3A_2148 : i32 to index
      %get3A_2150 = tpu.vector_load %arg7[%get3A_2149] {strides = array<i32>} : memref<25600xf32, #tpu.memory_space<vmem>>, vector<16xf32>,
      %add3A_2151 = arith.constant 144 : i32
      %add3A_2152 = arith.addi %mul3A_1950, %add3A_2151 : i32
      %get3A_2153 = arith.index_cast %add3A_2152 : i32 to index
      %get3A_2154 = tpu.vector_load %arg8[%get3A_2153] {strides = array<i32>} : memref<25600xf32, #tpu.memory_space<vmem>>, vector<16xf32>,
      %sub3A_2155 = vector.broadcast %reduce_max3A_2016 : f32 to vector<16xf32>
      %sub3A_2156 = arith.subf %get3A_2150, %sub3A_2155 : vector<16xf32>
      %exp3A_2157 = math.exp %sub3A_2156 : vector<16xf32>
      %add3A_2158 = arith.addf %add3A_2144, %exp3A_2157 : vector<16xf32>
      %mul3A_2159 = arith.mulf %exp3A_2157, %get3A_2154 : vector<16xf32>
      %add3A_2160 = arith.addf %add3A_2146, %mul3A_2159 : vector<16xf32>
      %add3A_2161 = arith.constant 160 : i32
      %add3A_2162 = arith.addi %mul3A_1950, %add3A_2161 : i32
      %get3A_2163 = arith.index_cast %add3A_2162 : i32 to index
      %get3A_2164 = tpu.vector_load %arg7[%get3A_2163] {strides = array<i32>} : memref<25600xf32, #tpu.memory_space<vmem>>, vector<16xf32>,
      %add3A_2165 = arith.constant 160 : i32
      %add3A_2166 = arith.addi %mul3A_1950, %add3A_2165 : i32
      %get3A_2167 = arith.index_cast %add3A_2166 : i32 to index
      %get3A_2168 = tpu.vector_load %arg8[%get3A_2167] {strides = array<i32>} : memref<25600xf32, #tpu.memory_space<vmem>>, vector<16xf32>,
      %sub3A_2169 = vector.broadcast %reduce_max3A_2016 : f32 to vector<16xf32>
      %sub3A_2170 = arith.subf %get3A_2164, %sub3A_2169 : vector<16xf32>
      %exp3A_2171 = math.exp %sub3A_2170 : vector<16xf32>
      %add3A_2172 = arith.addf %add3A_2158, %exp3A_2171 : vector<16xf32>
      %mul3A_2173 = arith.mulf %exp3A_2171, %get3A_2168 : vector<16xf32>
      %add3A_2174 = arith.addf %add3A_2160, %mul3A_2173 : vector<16xf32>
      %add3A_2175 = arith.constant 176 : i32
      %add3A_2176 = arith.addi %mul3A_1950, %add3A_2175 : i32
      %get3A_2177 = arith.index_cast %add3A_2176 : i32 to index
      %get3A_2178 = tpu.vector_load %arg7[%get3A_2177] {strides = array<i32>} : memref<25600xf32, #tpu.memory_space<vmem>>, vector<16xf32>,
      %add3A_2179 = arith.constant 176 : i32
      %add3A_2180 = arith.addi %mul3A_1950, %add3A_2179 : i32
      %get3A_2181 = arith.index_cast %add3A_2180 : i32 to index
      %get3A_2182 = tpu.vector_load %arg8[%get3A_2181] {strides = array<i32>} : memref<25600xf32, #tpu.memory_space<vmem>>, vector<16xf32>,
      %sub3A_2183 = vector.broadcast %reduce_max3A_2016 : f32 to vector<16xf32>
      %sub3A_2184 = arith.subf %get3A_2178, %sub3A_2183 : vector<16xf32>
      %exp3A_2185 = math.exp %sub3A_2184 : vector<16xf32>
      %add3A_2186 = arith.addf %add3A_2172, %exp3A_2185 : vector<16xf32>
      %mul3A_2187 = arith.mulf %exp3A_2185, %get3A_2182 : vector<16xf32>
      %add3A_2188 = arith.addf %add3A_2174, %mul3A_2187 : vector<16xf32>
      %add3A_2189 = arith.constant 184 : i32
      %add3A_2190 = arith.addi %mul3A_1950, %add3A_2189 : i32
      %get3A_2191 = arith.index_cast %add3A_2190 : i32 to index
      %get3A_2192 = tpu.vector_load %arg7[%get3A_2191] {strides = array<i32>} : memref<25600xf32, #tpu.memory_space<vmem>>, vector<16xf32>,
      %add3A_2193 = arith.constant 184 : i32
      %add3A_2194 = arith.addi %mul3A_1950, %add3A_2193 : i32
      %get3A_2195 = arith.index_cast %add3A_2194 : i32 to index
      %get3A_2196 = tpu.vector_load %arg8[%get3A_2195] {strides = array<i32>} : memref<25600xf32, #tpu.memory_space<vmem>>, vector<16xf32>,
      %sub3A_2197 = vector.broadcast %reduce_max3A_2016 : f32 to vector<16xf32>
      %sub3A_2198 = arith.subf %get3A_2192, %sub3A_2197 : vector<16xf32>
      %exp3A_2199 = math.exp %sub3A_2198 : vector<16xf32>
      %jit3A_2200 = arith.constant 0.000000e+00 : f32
      %broadcast_in_dim3A_2201 = vector.broadcast %jit3A_2200 : f32 to vector<16xf32>
      %select_n3A_2202 = arith.select %ge3A_10, %exp3A_2199, %broadcast_in_dim3A_2201 : vector<16xi1>, vector<16xf32>
      %add3A_2203 = arith.addf %add3A_2186, %select_n3A_2202 : vector<16xf32>
      %mul3A_2204 = arith.mulf %select_n3A_2202, %get3A_2196 : vector<16xf32>
      %add3A_2205 = arith.addf %add3A_2188, %mul3A_2204 : vector<16xf32>
      %eq3A_2206 = arith.constant 7 : i32
      %eq3A_2207 = vector.broadcast %eq3A_2206 : i32 to vector<16xi32>
      %eq3A_2208 = arith.cmpi eq, %iota3A, %eq3A_2207 : vector<16xi32>
      %reduce_sum3A_2209 = arith.constant true
      %reduce_sum3A_2210 = vector.broadcast %reduce_sum3A_2209 : i1 to vector<16xi1>
      %reduce_sum3A_2211 = tpu.scan <sum>, %add3A_2205 masked %reduce_sum3A_2210 : vector<16xf32>, vector<16xi1> -> vector<16xf32>
      %reduce_sum3A_2212 = vector.extract %reduce_sum3A_2211[15] : f32 from vector<16xf32>
      %broadcast_in_dim3A_2213 = vector.broadcast %reduce_sum3A_2212 : f32 to vector<16xf32>
      %select_n3A_2214 = arith.select %eq3A_2208, %broadcast_in_dim3A_2213, %select_n3A_1938 : vector<16xi1>, vector<16xf32>
      %reduce_sum3A_2215 = arith.constant true
      %reduce_sum3A_2216 = vector.broadcast %reduce_sum3A_2215 : i1 to vector<16xi1>
      %reduce_sum3A_2217 = tpu.scan <sum>, %add3A_2203 masked %reduce_sum3A_2216 : vector<16xf32>, vector<16xi1> -> vector<16xf32>
      %reduce_sum3A_2218 = vector.extract %reduce_sum3A_2217[15] : f32 from vector<16xf32>
      %broadcast_in_dim3A_2219 = vector.broadcast %reduce_sum3A_2218 : f32 to vector<16xf32>
      %select_n3A_2220 = arith.select %eq3A_2208, %broadcast_in_dim3A_2219, %select_n3A_1944 : vector<16xi1>, vector<16xf32>
      %mul3A_2221 = arith.constant 16 : i32
      %mul3A_2222 = arith.muli %scan3A_18, %mul3A_2221 : i32
      %add3A_2223 = arith.constant 8 : i32
      %add3A_2224 = arith.addi %mul3A_2222, %add3A_2223 : i32
      %mul3A_2225 = arith.constant 200 : i32
      %mul3A_2226 = arith.muli %add3A_2224, %mul3A_2225 : i32
      %get3A_2227 = arith.index_cast %mul3A_2226 : i32 to index
      %get3A_2228 = tpu.vector_load %arg7[%get3A_2227] {strides = array<i32>} : memref<25600xf32, #tpu.memory_space<vmem>>, vector<16xf32>,
      %add3A_2229 = arith.constant 16 : i32
      %add3A_2230 = arith.addi %mul3A_2226, %add3A_2229 : i32
      %get3A_2231 = arith.index_cast %add3A_2230 : i32 to index
      %get3A_2232 = tpu.vector_load %arg7[%get3A_2231] {strides = array<i32>} : memref<25600xf32, #tpu.memory_space<vmem>>, vector<16xf32>,
      %max3A_2233 = arith.maximumf %get3A_2228, %get3A_2232 : vector<16xf32>
      %add3A_2234 = arith.constant 32 : i32
      %add3A_2235 = arith.addi %mul3A_2226, %add3A_2234 : i32
      %get3A_2236 = arith.index_cast %add3A_2235 : i32 to index
      %get3A_2237 = tpu.vector_load %arg7[%get3A_2236] {strides = array<i32>} : memref<25600xf32, #tpu.memory_space<vmem>>, vector<16xf32>,
      %max3A_2238 = arith.maximumf %max3A_2233, %get3A_2237 : vector<16xf32>
      %add3A_2239 = arith.constant 48 : i32
      %add3A_2240 = arith.addi %mul3A_2226, %add3A_2239 : i32
      %get3A_2241 = arith.index_cast %add3A_2240 : i32 to index
      %get3A_2242 = tpu.vector_load %arg7[%get3A_2241] {strides = array<i32>} : memref<25600xf32, #tpu.memory_space<vmem>>, vector<16xf32>,
      %max3A_2243 = arith.maximumf %max3A_2238, %get3A_2242 : vector<16xf32>
      %add3A_2244 = arith.constant 64 : i32
      %add3A_2245 = arith.addi %mul3A_2226, %add3A_2244 : i32
      %get3A_2246 = arith.index_cast %add3A_2245 : i32 to index
      %get3A_2247 = tpu.vector_load %arg7[%get3A_2246] {strides = array<i32>} : memref<25600xf32, #tpu.memory_space<vmem>>, vector<16xf32>,
      %max3A_2248 = arith.maximumf %max3A_2243, %get3A_2247 : vector<16xf32>
      %add3A_2249 = arith.constant 80 : i32
      %add3A_2250 = arith.addi %mul3A_2226, %add3A_2249 : i32
      %get3A_2251 = arith.index_cast %add3A_2250 : i32 to index
      %get3A_2252 = tpu.vector_load %arg7[%get3A_2251] {strides = array<i32>} : memref<25600xf32, #tpu.memory_space<vmem>>, vector<16xf32>,
      %max3A_2253 = arith.maximumf %max3A_2248, %get3A_2252 : vector<16xf32>
      %add3A_2254 = arith.constant 96 : i32
      %add3A_2255 = arith.addi %mul3A_2226, %add3A_2254 : i32
      %get3A_2256 = arith.index_cast %add3A_2255 : i32 to index
      %get3A_2257 = tpu.vector_load %arg7[%get3A_2256] {strides = array<i32>} : memref<25600xf32, #tpu.memory_space<vmem>>, vector<16xf32>,
      %max3A_2258 = arith.maximumf %max3A_2253, %get3A_2257 : vector<16xf32>
      %add3A_2259 = arith.constant 112 : i32
      %add3A_2260 = arith.addi %mul3A_2226, %add3A_2259 : i32
      %get3A_2261 = arith.index_cast %add3A_2260 : i32 to index
      %get3A_2262 = tpu.vector_load %arg7[%get3A_2261] {strides = array<i32>} : memref<25600xf32, #tpu.memory_space<vmem>>, vector<16xf32>,
      %max3A_2263 = arith.maximumf %max3A_2258, %get3A_2262 : vector<16xf32>
      %add3A_2264 = arith.constant 128 : i32
      %add3A_2265 = arith.addi %mul3A_2226, %add3A_2264 : i32
      %get3A_2266 = arith.index_cast %add3A_2265 : i32 to index
      %get3A_2267 = tpu.vector_load %arg7[%get3A_2266] {strides = array<i32>} : memref<25600xf32, #tpu.memory_space<vmem>>, vector<16xf32>,
      %max3A_2268 = arith.maximumf %max3A_2263, %get3A_2267 : vector<16xf32>
      %add3A_2269 = arith.constant 144 : i32
      %add3A_2270 = arith.addi %mul3A_2226, %add3A_2269 : i32
      %get3A_2271 = arith.index_cast %add3A_2270 : i32 to index
      %get3A_2272 = tpu.vector_load %arg7[%get3A_2271] {strides = array<i32>} : memref<25600xf32, #tpu.memory_space<vmem>>, vector<16xf32>,
      %max3A_2273 = arith.maximumf %max3A_2268, %get3A_2272 : vector<16xf32>
      %add3A_2274 = arith.constant 160 : i32
      %add3A_2275 = arith.addi %mul3A_2226, %add3A_2274 : i32
      %get3A_2276 = arith.index_cast %add3A_2275 : i32 to index
      %get3A_2277 = tpu.vector_load %arg7[%get3A_2276] {strides = array<i32>} : memref<25600xf32, #tpu.memory_space<vmem>>, vector<16xf32>,
      %max3A_2278 = arith.maximumf %max3A_2273, %get3A_2277 : vector<16xf32>
      %add3A_2279 = arith.constant 176 : i32
      %add3A_2280 = arith.addi %mul3A_2226, %add3A_2279 : i32
      %get3A_2281 = arith.index_cast %add3A_2280 : i32 to index
      %get3A_2282 = tpu.vector_load %arg7[%get3A_2281] {strides = array<i32>} : memref<25600xf32, #tpu.memory_space<vmem>>, vector<16xf32>,
      %max3A_2283 = arith.maximumf %max3A_2278, %get3A_2282 : vector<16xf32>
      %add3A_2284 = arith.constant 184 : i32
      %add3A_2285 = arith.addi %mul3A_2226, %add3A_2284 : i32
      %get3A_2286 = arith.index_cast %add3A_2285 : i32 to index
      %get3A_2287 = tpu.vector_load %arg7[%get3A_2286] {strides = array<i32>} : memref<25600xf32, #tpu.memory_space<vmem>>, vector<16xf32>,
      %max3A_2288 = arith.maximumf %max3A_2283, %get3A_2287 : vector<16xf32>
      %reduce_max3A_2289 = arith.constant true
      %reduce_max3A_2290 = vector.broadcast %reduce_max3A_2289 : i1 to vector<16xi1>
      %reduce_max3A_2291 = tpu.scan <max>, %max3A_2288 masked %reduce_max3A_2290 : vector<16xf32>, vector<16xi1> -> vector<16xf32>
      %reduce_max3A_2292 = vector.extract %reduce_max3A_2291[15] : f32 from vector<16xf32>
      %broadcast_in_dim3A_2293 = arith.constant 0.000000e+00 : f32
      %broadcast_in_dim3A_2294 = vector.broadcast %broadcast_in_dim3A_2293 : f32 to vector<16xf32>
      %broadcast_in_dim3A_2295 = arith.constant 0.000000e+00 : f32
      %broadcast_in_dim3A_2296 = vector.broadcast %broadcast_in_dim3A_2295 : f32 to vector<16xf32>
      %add3A_2297 = arith.constant 0 : i32
      %add3A_2298 = arith.addi %mul3A_2226, %add3A_2297 : i32
      %get3A_2299 = arith.index_cast %add3A_2298 : i32 to index
      %get3A_2300 = tpu.vector_load %arg7[%get3A_2299] {strides = array<i32>} : memref<25600xf32, #tpu.memory_space<vmem>>, vector<16xf32>,
      %add3A_2301 = arith.constant 0 : i32
      %add3A_2302 = arith.addi %mul3A_2226, %add3A_2301 : i32
      %get3A_2303 = arith.index_cast %add3A_2302 : i32 to index
      %get3A_2304 = tpu.vector_load %arg8[%get3A_2303] {strides = array<i32>} : memref<25600xf32, #tpu.memory_space<vmem>>, vector<16xf32>,
      %sub3A_2305 = vector.broadcast %reduce_max3A_2292 : f32 to vector<16xf32>
      %sub3A_2306 = arith.subf %get3A_2300, %sub3A_2305 : vector<16xf32>
      %exp3A_2307 = math.exp %sub3A_2306 : vector<16xf32>
      %add3A_2308 = arith.addf %broadcast_in_dim3A_2294, %exp3A_2307 : vector<16xf32>
      %mul3A_2309 = arith.mulf %exp3A_2307, %get3A_2304 : vector<16xf32>
      %add3A_2310 = arith.addf %broadcast_in_dim3A_2296, %mul3A_2309 : vector<16xf32>
      %add3A_2311 = arith.constant 16 : i32
      %add3A_2312 = arith.addi %mul3A_2226, %add3A_2311 : i32
      %get3A_2313 = arith.index_cast %add3A_2312 : i32 to index
      %get3A_2314 = tpu.vector_load %arg7[%get3A_2313] {strides = array<i32>} : memref<25600xf32, #tpu.memory_space<vmem>>, vector<16xf32>,
      %add3A_2315 = arith.constant 16 : i32
      %add3A_2316 = arith.addi %mul3A_2226, %add3A_2315 : i32
      %get3A_2317 = arith.index_cast %add3A_2316 : i32 to index
      %get3A_2318 = tpu.vector_load %arg8[%get3A_2317] {strides = array<i32>} : memref<25600xf32, #tpu.memory_space<vmem>>, vector<16xf32>,
      %sub3A_2319 = vector.broadcast %reduce_max3A_2292 : f32 to vector<16xf32>
      %sub3A_2320 = arith.subf %get3A_2314, %sub3A_2319 : vector<16xf32>
      %exp3A_2321 = math.exp %sub3A_2320 : vector<16xf32>
      %add3A_2322 = arith.addf %add3A_2308, %exp3A_2321 : vector<16xf32>
      %mul3A_2323 = arith.mulf %exp3A_2321, %get3A_2318 : vector<16xf32>
      %add3A_2324 = arith.addf %add3A_2310, %mul3A_2323 : vector<16xf32>
      %add3A_2325 = arith.constant 32 : i32
      %add3A_2326 = arith.addi %mul3A_2226, %add3A_2325 : i32
      %get3A_2327 = arith.index_cast %add3A_2326 : i32 to index
      %get3A_2328 = tpu.vector_load %arg7[%get3A_2327] {strides = array<i32>} : memref<25600xf32, #tpu.memory_space<vmem>>, vector<16xf32>,
      %add3A_2329 = arith.constant 32 : i32
      %add3A_2330 = arith.addi %mul3A_2226, %add3A_2329 : i32
      %get3A_2331 = arith.index_cast %add3A_2330 : i32 to index
      %get3A_2332 = tpu.vector_load %arg8[%get3A_2331] {strides = array<i32>} : memref<25600xf32, #tpu.memory_space<vmem>>, vector<16xf32>,
      %sub3A_2333 = vector.broadcast %reduce_max3A_2292 : f32 to vector<16xf32>
      %sub3A_2334 = arith.subf %get3A_2328, %sub3A_2333 : vector<16xf32>
      %exp3A_2335 = math.exp %sub3A_2334 : vector<16xf32>
      %add3A_2336 = arith.addf %add3A_2322, %exp3A_2335 : vector<16xf32>
      %mul3A_2337 = arith.mulf %exp3A_2335, %get3A_2332 : vector<16xf32>
      %add3A_2338 = arith.addf %add3A_2324, %mul3A_2337 : vector<16xf32>
      %add3A_2339 = arith.constant 48 : i32
      %add3A_2340 = arith.addi %mul3A_2226, %add3A_2339 : i32
      %get3A_2341 = arith.index_cast %add3A_2340 : i32 to index
      %get3A_2342 = tpu.vector_load %arg7[%get3A_2341] {strides = array<i32>} : memref<25600xf32, #tpu.memory_space<vmem>>, vector<16xf32>,
      %add3A_2343 = arith.constant 48 : i32
      %add3A_2344 = arith.addi %mul3A_2226, %add3A_2343 : i32
      %get3A_2345 = arith.index_cast %add3A_2344 : i32 to index
      %get3A_2346 = tpu.vector_load %arg8[%get3A_2345] {strides = array<i32>} : memref<25600xf32, #tpu.memory_space<vmem>>, vector<16xf32>,
      %sub3A_2347 = vector.broadcast %reduce_max3A_2292 : f32 to vector<16xf32>
      %sub3A_2348 = arith.subf %get3A_2342, %sub3A_2347 : vector<16xf32>
      %exp3A_2349 = math.exp %sub3A_2348 : vector<16xf32>
      %add3A_2350 = arith.addf %add3A_2336, %exp3A_2349 : vector<16xf32>
      %mul3A_2351 = arith.mulf %exp3A_2349, %get3A_2346 : vector<16xf32>
      %add3A_2352 = arith.addf %add3A_2338, %mul3A_2351 : vector<16xf32>
      %add3A_2353 = arith.constant 64 : i32
      %add3A_2354 = arith.addi %mul3A_2226, %add3A_2353 : i32
      %get3A_2355 = arith.index_cast %add3A_2354 : i32 to index
      %get3A_2356 = tpu.vector_load %arg7[%get3A_2355] {strides = array<i32>} : memref<25600xf32, #tpu.memory_space<vmem>>, vector<16xf32>,
      %add3A_2357 = arith.constant 64 : i32
      %add3A_2358 = arith.addi %mul3A_2226, %add3A_2357 : i32
      %get3A_2359 = arith.index_cast %add3A_2358 : i32 to index
      %get3A_2360 = tpu.vector_load %arg8[%get3A_2359] {strides = array<i32>} : memref<25600xf32, #tpu.memory_space<vmem>>, vector<16xf32>,
      %sub3A_2361 = vector.broadcast %reduce_max3A_2292 : f32 to vector<16xf32>
      %sub3A_2362 = arith.subf %get3A_2356, %sub3A_2361 : vector<16xf32>
      %exp3A_2363 = math.exp %sub3A_2362 : vector<16xf32>
      %add3A_2364 = arith.addf %add3A_2350, %exp3A_2363 : vector<16xf32>
      %mul3A_2365 = arith.mulf %exp3A_2363, %get3A_2360 : vector<16xf32>
      %add3A_2366 = arith.addf %add3A_2352, %mul3A_2365 : vector<16xf32>
      %add3A_2367 = arith.constant 80 : i32
      %add3A_2368 = arith.addi %mul3A_2226, %add3A_2367 : i32
      %get3A_2369 = arith.index_cast %add3A_2368 : i32 to index
      %get3A_2370 = tpu.vector_load %arg7[%get3A_2369] {strides = array<i32>} : memref<25600xf32, #tpu.memory_space<vmem>>, vector<16xf32>,
      %add3A_2371 = arith.constant 80 : i32
      %add3A_2372 = arith.addi %mul3A_2226, %add3A_2371 : i32
      %get3A_2373 = arith.index_cast %add3A_2372 : i32 to index
      %get3A_2374 = tpu.vector_load %arg8[%get3A_2373] {strides = array<i32>} : memref<25600xf32, #tpu.memory_space<vmem>>, vector<16xf32>,
      %sub3A_2375 = vector.broadcast %reduce_max3A_2292 : f32 to vector<16xf32>
      %sub3A_2376 = arith.subf %get3A_2370, %sub3A_2375 : vector<16xf32>
      %exp3A_2377 = math.exp %sub3A_2376 : vector<16xf32>
      %add3A_2378 = arith.addf %add3A_2364, %exp3A_2377 : vector<16xf32>
      %mul3A_2379 = arith.mulf %exp3A_2377, %get3A_2374 : vector<16xf32>
      %add3A_2380 = arith.addf %add3A_2366, %mul3A_2379 : vector<16xf32>
      %add3A_2381 = arith.constant 96 : i32
      %add3A_2382 = arith.addi %mul3A_2226, %add3A_2381 : i32
      %get3A_2383 = arith.index_cast %add3A_2382 : i32 to index
      %get3A_2384 = tpu.vector_load %arg7[%get3A_2383] {strides = array<i32>} : memref<25600xf32, #tpu.memory_space<vmem>>, vector<16xf32>,
      %add3A_2385 = arith.constant 96 : i32
      %add3A_2386 = arith.addi %mul3A_2226, %add3A_2385 : i32
      %get3A_2387 = arith.index_cast %add3A_2386 : i32 to index
      %get3A_2388 = tpu.vector_load %arg8[%get3A_2387] {strides = array<i32>} : memref<25600xf32, #tpu.memory_space<vmem>>, vector<16xf32>,
      %sub3A_2389 = vector.broadcast %reduce_max3A_2292 : f32 to vector<16xf32>
      %sub3A_2390 = arith.subf %get3A_2384, %sub3A_2389 : vector<16xf32>
      %exp3A_2391 = math.exp %sub3A_2390 : vector<16xf32>
      %add3A_2392 = arith.addf %add3A_2378, %exp3A_2391 : vector<16xf32>
      %mul3A_2393 = arith.mulf %exp3A_2391, %get3A_2388 : vector<16xf32>
      %add3A_2394 = arith.addf %add3A_2380, %mul3A_2393 : vector<16xf32>
      %add3A_2395 = arith.constant 112 : i32
      %add3A_2396 = arith.addi %mul3A_2226, %add3A_2395 : i32
      %get3A_2397 = arith.index_cast %add3A_2396 : i32 to index
      %get3A_2398 = tpu.vector_load %arg7[%get3A_2397] {strides = array<i32>} : memref<25600xf32, #tpu.memory_space<vmem>>, vector<16xf32>,
      %add3A_2399 = arith.constant 112 : i32
      %add3A_2400 = arith.addi %mul3A_2226, %add3A_2399 : i32
      %get3A_2401 = arith.index_cast %add3A_2400 : i32 to index
      %get3A_2402 = tpu.vector_load %arg8[%get3A_2401] {strides = array<i32>} : memref<25600xf32, #tpu.memory_space<vmem>>, vector<16xf32>,
      %sub3A_2403 = vector.broadcast %reduce_max3A_2292 : f32 to vector<16xf32>
      %sub3A_2404 = arith.subf %get3A_2398, %sub3A_2403 : vector<16xf32>
      %exp3A_2405 = math.exp %sub3A_2404 : vector<16xf32>
      %add3A_2406 = arith.addf %add3A_2392, %exp3A_2405 : vector<16xf32>
      %mul3A_2407 = arith.mulf %exp3A_2405, %get3A_2402 : vector<16xf32>
      %add3A_2408 = arith.addf %add3A_2394, %mul3A_2407 : vector<16xf32>
      %add3A_2409 = arith.constant 128 : i32
      %add3A_2410 = arith.addi %mul3A_2226, %add3A_2409 : i32
      %get3A_2411 = arith.index_cast %add3A_2410 : i32 to index
      %get3A_2412 = tpu.vector_load %arg7[%get3A_2411] {strides = array<i32>} : memref<25600xf32, #tpu.memory_space<vmem>>, vector<16xf32>,
      %add3A_2413 = arith.constant 128 : i32
      %add3A_2414 = arith.addi %mul3A_2226, %add3A_2413 : i32
      %get3A_2415 = arith.index_cast %add3A_2414 : i32 to index
      %get3A_2416 = tpu.vector_load %arg8[%get3A_2415] {strides = array<i32>} : memref<25600xf32, #tpu.memory_space<vmem>>, vector<16xf32>,
      %sub3A_2417 = vector.broadcast %reduce_max3A_2292 : f32 to vector<16xf32>
      %sub3A_2418 = arith.subf %get3A_2412, %sub3A_2417 : vector<16xf32>
      %exp3A_2419 = math.exp %sub3A_2418 : vector<16xf32>
      %add3A_2420 = arith.addf %add3A_2406, %exp3A_2419 : vector<16xf32>
      %mul3A_2421 = arith.mulf %exp3A_2419, %get3A_2416 : vector<16xf32>
      %add3A_2422 = arith.addf %add3A_2408, %mul3A_2421 : vector<16xf32>
      %add3A_2423 = arith.constant 144 : i32
      %add3A_2424 = arith.addi %mul3A_2226, %add3A_2423 : i32
      %get3A_2425 = arith.index_cast %add3A_2424 : i32 to index
      %get3A_2426 = tpu.vector_load %arg7[%get3A_2425] {strides = array<i32>} : memref<25600xf32, #tpu.memory_space<vmem>>, vector<16xf32>,
      %add3A_2427 = arith.constant 144 : i32
      %add3A_2428 = arith.addi %mul3A_2226, %add3A_2427 : i32
      %get3A_2429 = arith.index_cast %add3A_2428 : i32 to index
      %get3A_2430 = tpu.vector_load %arg8[%get3A_2429] {strides = array<i32>} : memref<25600xf32, #tpu.memory_space<vmem>>, vector<16xf32>,
      %sub3A_2431 = vector.broadcast %reduce_max3A_2292 : f32 to vector<16xf32>
      %sub3A_2432 = arith.subf %get3A_2426, %sub3A_2431 : vector<16xf32>
      %exp3A_2433 = math.exp %sub3A_2432 : vector<16xf32>
      %add3A_2434 = arith.addf %add3A_2420, %exp3A_2433 : vector<16xf32>
      %mul3A_2435 = arith.mulf %exp3A_2433, %get3A_2430 : vector<16xf32>
      %add3A_2436 = arith.addf %add3A_2422, %mul3A_2435 : vector<16xf32>
      %add3A_2437 = arith.constant 160 : i32
      %add3A_2438 = arith.addi %mul3A_2226, %add3A_2437 : i32
      %get3A_2439 = arith.index_cast %add3A_2438 : i32 to index
      %get3A_2440 = tpu.vector_load %arg7[%get3A_2439] {strides = array<i32>} : memref<25600xf32, #tpu.memory_space<vmem>>, vector<16xf32>,
      %add3A_2441 = arith.constant 160 : i32
      %add3A_2442 = arith.addi %mul3A_2226, %add3A_2441 : i32
      %get3A_2443 = arith.index_cast %add3A_2442 : i32 to index
      %get3A_2444 = tpu.vector_load %arg8[%get3A_2443] {strides = array<i32>} : memref<25600xf32, #tpu.memory_space<vmem>>, vector<16xf32>,
      %sub3A_2445 = vector.broadcast %reduce_max3A_2292 : f32 to vector<16xf32>
      %sub3A_2446 = arith.subf %get3A_2440, %sub3A_2445 : vector<16xf32>
      %exp3A_2447 = math.exp %sub3A_2446 : vector<16xf32>
      %add3A_2448 = arith.addf %add3A_2434, %exp3A_2447 : vector<16xf32>
      %mul3A_2449 = arith.mulf %exp3A_2447, %get3A_2444 : vector<16xf32>
      %add3A_2450 = arith.addf %add3A_2436, %mul3A_2449 : vector<16xf32>
      %add3A_2451 = arith.constant 176 : i32
      %add3A_2452 = arith.addi %mul3A_2226, %add3A_2451 : i32
      %get3A_2453 = arith.index_cast %add3A_2452 : i32 to index
      %get3A_2454 = tpu.vector_load %arg7[%get3A_2453] {strides = array<i32>} : memref<25600xf32, #tpu.memory_space<vmem>>, vector<16xf32>,
      %add3A_2455 = arith.constant 176 : i32
      %add3A_2456 = arith.addi %mul3A_2226, %add3A_2455 : i32
      %get3A_2457 = arith.index_cast %add3A_2456 : i32 to index
      %get3A_2458 = tpu.vector_load %arg8[%get3A_2457] {strides = array<i32>} : memref<25600xf32, #tpu.memory_space<vmem>>, vector<16xf32>,
      %sub3A_2459 = vector.broadcast %reduce_max3A_2292 : f32 to vector<16xf32>
      %sub3A_2460 = arith.subf %get3A_2454, %sub3A_2459 : vector<16xf32>
      %exp3A_2461 = math.exp %sub3A_2460 : vector<16xf32>
      %add3A_2462 = arith.addf %add3A_2448, %exp3A_2461 : vector<16xf32>
      %mul3A_2463 = arith.mulf %exp3A_2461, %get3A_2458 : vector<16xf32>
      %add3A_2464 = arith.addf %add3A_2450, %mul3A_2463 : vector<16xf32>
      %add3A_2465 = arith.constant 184 : i32
      %add3A_2466 = arith.addi %mul3A_2226, %add3A_2465 : i32
      %get3A_2467 = arith.index_cast %add3A_2466 : i32 to index
      %get3A_2468 = tpu.vector_load %arg7[%get3A_2467] {strides = array<i32>} : memref<25600xf32, #tpu.memory_space<vmem>>, vector<16xf32>,
      %add3A_2469 = arith.constant 184 : i32
      %add3A_2470 = arith.addi %mul3A_2226, %add3A_2469 : i32
      %get3A_2471 = arith.index_cast %add3A_2470 : i32 to index
      %get3A_2472 = tpu.vector_load %arg8[%get3A_2471] {strides = array<i32>} : memref<25600xf32, #tpu.memory_space<vmem>>, vector<16xf32>,
      %sub3A_2473 = vector.broadcast %reduce_max3A_2292 : f32 to vector<16xf32>
      %sub3A_2474 = arith.subf %get3A_2468, %sub3A_2473 : vector<16xf32>
      %exp3A_2475 = math.exp %sub3A_2474 : vector<16xf32>
      %jit3A_2476 = arith.constant 0.000000e+00 : f32
      %broadcast_in_dim3A_2477 = vector.broadcast %jit3A_2476 : f32 to vector<16xf32>
      %select_n3A_2478 = arith.select %ge3A_10, %exp3A_2475, %broadcast_in_dim3A_2477 : vector<16xi1>, vector<16xf32>
      %add3A_2479 = arith.addf %add3A_2462, %select_n3A_2478 : vector<16xf32>
      %mul3A_2480 = arith.mulf %select_n3A_2478, %get3A_2472 : vector<16xf32>
      %add3A_2481 = arith.addf %add3A_2464, %mul3A_2480 : vector<16xf32>
      %eq3A_2482 = arith.constant 8 : i32
      %eq3A_2483 = vector.broadcast %eq3A_2482 : i32 to vector<16xi32>
      %eq3A_2484 = arith.cmpi eq, %iota3A, %eq3A_2483 : vector<16xi32>
      %reduce_sum3A_2485 = arith.constant true
      %reduce_sum3A_2486 = vector.broadcast %reduce_sum3A_2485 : i1 to vector<16xi1>
      %reduce_sum3A_2487 = tpu.scan <sum>, %add3A_2481 masked %reduce_sum3A_2486 : vector<16xf32>, vector<16xi1> -> vector<16xf32>
      %reduce_sum3A_2488 = vector.extract %reduce_sum3A_2487[15] : f32 from vector<16xf32>
      %broadcast_in_dim3A_2489 = vector.broadcast %reduce_sum3A_2488 : f32 to vector<16xf32>
      %select_n3A_2490 = arith.select %eq3A_2484, %broadcast_in_dim3A_2489, %select_n3A_2214 : vector<16xi1>, vector<16xf32>
      %reduce_sum3A_2491 = arith.constant true
      %reduce_sum3A_2492 = vector.broadcast %reduce_sum3A_2491 : i1 to vector<16xi1>
      %reduce_sum3A_2493 = tpu.scan <sum>, %add3A_2479 masked %reduce_sum3A_2492 : vector<16xf32>, vector<16xi1> -> vector<16xf32>
      %reduce_sum3A_2494 = vector.extract %reduce_sum3A_2493[15] : f32 from vector<16xf32>
      %broadcast_in_dim3A_2495 = vector.broadcast %reduce_sum3A_2494 : f32 to vector<16xf32>
      %select_n3A_2496 = arith.select %eq3A_2484, %broadcast_in_dim3A_2495, %select_n3A_2220 : vector<16xi1>, vector<16xf32>
      %mul3A_2497 = arith.constant 16 : i32
      %mul3A_2498 = arith.muli %scan3A_18, %mul3A_2497 : i32
      %add3A_2499 = arith.constant 9 : i32
      %add3A_2500 = arith.addi %mul3A_2498, %add3A_2499 : i32
      %mul3A_2501 = arith.constant 200 : i32
      %mul3A_2502 = arith.muli %add3A_2500, %mul3A_2501 : i32
      %get3A_2503 = arith.index_cast %mul3A_2502 : i32 to index
      %get3A_2504 = tpu.vector_load %arg7[%get3A_2503] {strides = array<i32>} : memref<25600xf32, #tpu.memory_space<vmem>>, vector<16xf32>,
      %add3A_2505 = arith.constant 16 : i32
      %add3A_2506 = arith.addi %mul3A_2502, %add3A_2505 : i32
      %get3A_2507 = arith.index_cast %add3A_2506 : i32 to index
      %get3A_2508 = tpu.vector_load %arg7[%get3A_2507] {strides = array<i32>} : memref<25600xf32, #tpu.memory_space<vmem>>, vector<16xf32>,
      %max3A_2509 = arith.maximumf %get3A_2504, %get3A_2508 : vector<16xf32>
      %add3A_2510 = arith.constant 32 : i32
      %add3A_2511 = arith.addi %mul3A_2502, %add3A_2510 : i32
      %get3A_2512 = arith.index_cast %add3A_2511 : i32 to index
      %get3A_2513 = tpu.vector_load %arg7[%get3A_2512] {strides = array<i32>} : memref<25600xf32, #tpu.memory_space<vmem>>, vector<16xf32>,
      %max3A_2514 = arith.maximumf %max3A_2509, %get3A_2513 : vector<16xf32>
      %add3A_2515 = arith.constant 48 : i32
      %add3A_2516 = arith.addi %mul3A_2502, %add3A_2515 : i32
      %get3A_2517 = arith.index_cast %add3A_2516 : i32 to index
      %get3A_2518 = tpu.vector_load %arg7[%get3A_2517] {strides = array<i32>} : memref<25600xf32, #tpu.memory_space<vmem>>, vector<16xf32>,
      %max3A_2519 = arith.maximumf %max3A_2514, %get3A_2518 : vector<16xf32>
      %add3A_2520 = arith.constant 64 : i32
      %add3A_2521 = arith.addi %mul3A_2502, %add3A_2520 : i32
      %get3A_2522 = arith.index_cast %add3A_2521 : i32 to index
      %get3A_2523 = tpu.vector_load %arg7[%get3A_2522] {strides = array<i32>} : memref<25600xf32, #tpu.memory_space<vmem>>, vector<16xf32>,
      %max3A_2524 = arith.maximumf %max3A_2519, %get3A_2523 : vector<16xf32>
      %add3A_2525 = arith.constant 80 : i32
      %add3A_2526 = arith.addi %mul3A_2502, %add3A_2525 : i32
      %get3A_2527 = arith.index_cast %add3A_2526 : i32 to index
      %get3A_2528 = tpu.vector_load %arg7[%get3A_2527] {strides = array<i32>} : memref<25600xf32, #tpu.memory_space<vmem>>, vector<16xf32>,
      %max3A_2529 = arith.maximumf %max3A_2524, %get3A_2528 : vector<16xf32>
      %add3A_2530 = arith.constant 96 : i32
      %add3A_2531 = arith.addi %mul3A_2502, %add3A_2530 : i32
      %get3A_2532 = arith.index_cast %add3A_2531 : i32 to index
      %get3A_2533 = tpu.vector_load %arg7[%get3A_2532] {strides = array<i32>} : memref<25600xf32, #tpu.memory_space<vmem>>, vector<16xf32>,
      %max3A_2534 = arith.maximumf %max3A_2529, %get3A_2533 : vector<16xf32>
      %add3A_2535 = arith.constant 112 : i32
      %add3A_2536 = arith.addi %mul3A_2502, %add3A_2535 : i32
      %get3A_2537 = arith.index_cast %add3A_2536 : i32 to index
      %get3A_2538 = tpu.vector_load %arg7[%get3A_2537] {strides = array<i32>} : memref<25600xf32, #tpu.memory_space<vmem>>, vector<16xf32>,
      %max3A_2539 = arith.maximumf %max3A_2534, %get3A_2538 : vector<16xf32>
      %add3A_2540 = arith.constant 128 : i32
      %add3A_2541 = arith.addi %mul3A_2502, %add3A_2540 : i32
      %get3A_2542 = arith.index_cast %add3A_2541 : i32 to index
      %get3A_2543 = tpu.vector_load %arg7[%get3A_2542] {strides = array<i32>} : memref<25600xf32, #tpu.memory_space<vmem>>, vector<16xf32>,
      %max3A_2544 = arith.maximumf %max3A_2539, %get3A_2543 : vector<16xf32>
      %add3A_2545 = arith.constant 144 : i32
      %add3A_2546 = arith.addi %mul3A_2502, %add3A_2545 : i32
      %get3A_2547 = arith.index_cast %add3A_2546 : i32 to index
      %get3A_2548 = tpu.vector_load %arg7[%get3A_2547] {strides = array<i32>} : memref<25600xf32, #tpu.memory_space<vmem>>, vector<16xf32>,
      %max3A_2549 = arith.maximumf %max3A_2544, %get3A_2548 : vector<16xf32>
      %add3A_2550 = arith.constant 160 : i32
      %add3A_2551 = arith.addi %mul3A_2502, %add3A_2550 : i32
      %get3A_2552 = arith.index_cast %add3A_2551 : i32 to index
      %get3A_2553 = tpu.vector_load %arg7[%get3A_2552] {strides = array<i32>} : memref<25600xf32, #tpu.memory_space<vmem>>, vector<16xf32>,
      %max3A_2554 = arith.maximumf %max3A_2549, %get3A_2553 : vector<16xf32>
      %add3A_2555 = arith.constant 176 : i32
      %add3A_2556 = arith.addi %mul3A_2502, %add3A_2555 : i32
      %get3A_2557 = arith.index_cast %add3A_2556 : i32 to index
      %get3A_2558 = tpu.vector_load %arg7[%get3A_2557] {strides = array<i32>} : memref<25600xf32, #tpu.memory_space<vmem>>, vector<16xf32>,
      %max3A_2559 = arith.maximumf %max3A_2554, %get3A_2558 : vector<16xf32>
      %add3A_2560 = arith.constant 184 : i32
      %add3A_2561 = arith.addi %mul3A_2502, %add3A_2560 : i32
      %get3A_2562 = arith.index_cast %add3A_2561 : i32 to index
      %get3A_2563 = tpu.vector_load %arg7[%get3A_2562] {strides = array<i32>} : memref<25600xf32, #tpu.memory_space<vmem>>, vector<16xf32>,
      %max3A_2564 = arith.maximumf %max3A_2559, %get3A_2563 : vector<16xf32>
      %reduce_max3A_2565 = arith.constant true
      %reduce_max3A_2566 = vector.broadcast %reduce_max3A_2565 : i1 to vector<16xi1>
      %reduce_max3A_2567 = tpu.scan <max>, %max3A_2564 masked %reduce_max3A_2566 : vector<16xf32>, vector<16xi1> -> vector<16xf32>
      %reduce_max3A_2568 = vector.extract %reduce_max3A_2567[15] : f32 from vector<16xf32>
      %broadcast_in_dim3A_2569 = arith.constant 0.000000e+00 : f32
      %broadcast_in_dim3A_2570 = vector.broadcast %broadcast_in_dim3A_2569 : f32 to vector<16xf32>
      %broadcast_in_dim3A_2571 = arith.constant 0.000000e+00 : f32
      %broadcast_in_dim3A_2572 = vector.broadcast %broadcast_in_dim3A_2571 : f32 to vector<16xf32>
      %add3A_2573 = arith.constant 0 : i32
      %add3A_2574 = arith.addi %mul3A_2502, %add3A_2573 : i32
      %get3A_2575 = arith.index_cast %add3A_2574 : i32 to index
      %get3A_2576 = tpu.vector_load %arg7[%get3A_2575] {strides = array<i32>} : memref<25600xf32, #tpu.memory_space<vmem>>, vector<16xf32>,
      %add3A_2577 = arith.constant 0 : i32
      %add3A_2578 = arith.addi %mul3A_2502, %add3A_2577 : i32
      %get3A_2579 = arith.index_cast %add3A_2578 : i32 to index
      %get3A_2580 = tpu.vector_load %arg8[%get3A_2579] {strides = array<i32>} : memref<25600xf32, #tpu.memory_space<vmem>>, vector<16xf32>,
      %sub3A_2581 = vector.broadcast %reduce_max3A_2568 : f32 to vector<16xf32>
      %sub3A_2582 = arith.subf %get3A_2576, %sub3A_2581 : vector<16xf32>
      %exp3A_2583 = math.exp %sub3A_2582 : vector<16xf32>
      %add3A_2584 = arith.addf %broadcast_in_dim3A_2570, %exp3A_2583 : vector<16xf32>
      %mul3A_2585 = arith.mulf %exp3A_2583, %get3A_2580 : vector<16xf32>
      %add3A_2586 = arith.addf %broadcast_in_dim3A_2572, %mul3A_2585 : vector<16xf32>
      %add3A_2587 = arith.constant 16 : i32
      %add3A_2588 = arith.addi %mul3A_2502, %add3A_2587 : i32
      %get3A_2589 = arith.index_cast %add3A_2588 : i32 to index
      %get3A_2590 = tpu.vector_load %arg7[%get3A_2589] {strides = array<i32>} : memref<25600xf32, #tpu.memory_space<vmem>>, vector<16xf32>,
      %add3A_2591 = arith.constant 16 : i32
      %add3A_2592 = arith.addi %mul3A_2502, %add3A_2591 : i32
      %get3A_2593 = arith.index_cast %add3A_2592 : i32 to index
      %get3A_2594 = tpu.vector_load %arg8[%get3A_2593] {strides = array<i32>} : memref<25600xf32, #tpu.memory_space<vmem>>, vector<16xf32>,
      %sub3A_2595 = vector.broadcast %reduce_max3A_2568 : f32 to vector<16xf32>
      %sub3A_2596 = arith.subf %get3A_2590, %sub3A_2595 : vector<16xf32>
      %exp3A_2597 = math.exp %sub3A_2596 : vector<16xf32>
      %add3A_2598 = arith.addf %add3A_2584, %exp3A_2597 : vector<16xf32>
      %mul3A_2599 = arith.mulf %exp3A_2597, %get3A_2594 : vector<16xf32>
      %add3A_2600 = arith.addf %add3A_2586, %mul3A_2599 : vector<16xf32>
      %add3A_2601 = arith.constant 32 : i32
      %add3A_2602 = arith.addi %mul3A_2502, %add3A_2601 : i32
      %get3A_2603 = arith.index_cast %add3A_2602 : i32 to index
      %get3A_2604 = tpu.vector_load %arg7[%get3A_2603] {strides = array<i32>} : memref<25600xf32, #tpu.memory_space<vmem>>, vector<16xf32>,
      %add3A_2605 = arith.constant 32 : i32
      %add3A_2606 = arith.addi %mul3A_2502, %add3A_2605 : i32
      %get3A_2607 = arith.index_cast %add3A_2606 : i32 to index
      %get3A_2608 = tpu.vector_load %arg8[%get3A_2607] {strides = array<i32>} : memref<25600xf32, #tpu.memory_space<vmem>>, vector<16xf32>,
      %sub3A_2609 = vector.broadcast %reduce_max3A_2568 : f32 to vector<16xf32>
      %sub3A_2610 = arith.subf %get3A_2604, %sub3A_2609 : vector<16xf32>
      %exp3A_2611 = math.exp %sub3A_2610 : vector<16xf32>
      %add3A_2612 = arith.addf %add3A_2598, %exp3A_2611 : vector<16xf32>
      %mul3A_2613 = arith.mulf %exp3A_2611, %get3A_2608 : vector<16xf32>
      %add3A_2614 = arith.addf %add3A_2600, %mul3A_2613 : vector<16xf32>
      %add3A_2615 = arith.constant 48 : i32
      %add3A_2616 = arith.addi %mul3A_2502, %add3A_2615 : i32
      %get3A_2617 = arith.index_cast %add3A_2616 : i32 to index
      %get3A_2618 = tpu.vector_load %arg7[%get3A_2617] {strides = array<i32>} : memref<25600xf32, #tpu.memory_space<vmem>>, vector<16xf32>,
      %add3A_2619 = arith.constant 48 : i32
      %add3A_2620 = arith.addi %mul3A_2502, %add3A_2619 : i32
      %get3A_2621 = arith.index_cast %add3A_2620 : i32 to index
      %get3A_2622 = tpu.vector_load %arg8[%get3A_2621] {strides = array<i32>} : memref<25600xf32, #tpu.memory_space<vmem>>, vector<16xf32>,
      %sub3A_2623 = vector.broadcast %reduce_max3A_2568 : f32 to vector<16xf32>
      %sub3A_2624 = arith.subf %get3A_2618, %sub3A_2623 : vector<16xf32>
      %exp3A_2625 = math.exp %sub3A_2624 : vector<16xf32>
      %add3A_2626 = arith.addf %add3A_2612, %exp3A_2625 : vector<16xf32>
      %mul3A_2627 = arith.mulf %exp3A_2625, %get3A_2622 : vector<16xf32>
      %add3A_2628 = arith.addf %add3A_2614, %mul3A_2627 : vector<16xf32>
      %add3A_2629 = arith.constant 64 : i32
      %add3A_2630 = arith.addi %mul3A_2502, %add3A_2629 : i32
      %get3A_2631 = arith.index_cast %add3A_2630 : i32 to index
      %get3A_2632 = tpu.vector_load %arg7[%get3A_2631] {strides = array<i32>} : memref<25600xf32, #tpu.memory_space<vmem>>, vector<16xf32>,
      %add3A_2633 = arith.constant 64 : i32
      %add3A_2634 = arith.addi %mul3A_2502, %add3A_2633 : i32
      %get3A_2635 = arith.index_cast %add3A_2634 : i32 to index
      %get3A_2636 = tpu.vector_load %arg8[%get3A_2635] {strides = array<i32>} : memref<25600xf32, #tpu.memory_space<vmem>>, vector<16xf32>,
      %sub3A_2637 = vector.broadcast %reduce_max3A_2568 : f32 to vector<16xf32>
      %sub3A_2638 = arith.subf %get3A_2632, %sub3A_2637 : vector<16xf32>
      %exp3A_2639 = math.exp %sub3A_2638 : vector<16xf32>
      %add3A_2640 = arith.addf %add3A_2626, %exp3A_2639 : vector<16xf32>
      %mul3A_2641 = arith.mulf %exp3A_2639, %get3A_2636 : vector<16xf32>
      %add3A_2642 = arith.addf %add3A_2628, %mul3A_2641 : vector<16xf32>
      %add3A_2643 = arith.constant 80 : i32
      %add3A_2644 = arith.addi %mul3A_2502, %add3A_2643 : i32
      %get3A_2645 = arith.index_cast %add3A_2644 : i32 to index
      %get3A_2646 = tpu.vector_load %arg7[%get3A_2645] {strides = array<i32>} : memref<25600xf32, #tpu.memory_space<vmem>>, vector<16xf32>,
      %add3A_2647 = arith.constant 80 : i32
      %add3A_2648 = arith.addi %mul3A_2502, %add3A_2647 : i32
      %get3A_2649 = arith.index_cast %add3A_2648 : i32 to index
      %get3A_2650 = tpu.vector_load %arg8[%get3A_2649] {strides = array<i32>} : memref<25600xf32, #tpu.memory_space<vmem>>, vector<16xf32>,
      %sub3A_2651 = vector.broadcast %reduce_max3A_2568 : f32 to vector<16xf32>
      %sub3A_2652 = arith.subf %get3A_2646, %sub3A_2651 : vector<16xf32>
      %exp3A_2653 = math.exp %sub3A_2652 : vector<16xf32>
      %add3A_2654 = arith.addf %add3A_2640, %exp3A_2653 : vector<16xf32>
      %mul3A_2655 = arith.mulf %exp3A_2653, %get3A_2650 : vector<16xf32>
      %add3A_2656 = arith.addf %add3A_2642, %mul3A_2655 : vector<16xf32>
      %add3A_2657 = arith.constant 96 : i32
      %add3A_2658 = arith.addi %mul3A_2502, %add3A_2657 : i32
      %get3A_2659 = arith.index_cast %add3A_2658 : i32 to index
      %get3A_2660 = tpu.vector_load %arg7[%get3A_2659] {strides = array<i32>} : memref<25600xf32, #tpu.memory_space<vmem>>, vector<16xf32>,
      %add3A_2661 = arith.constant 96 : i32
      %add3A_2662 = arith.addi %mul3A_2502, %add3A_2661 : i32
      %get3A_2663 = arith.index_cast %add3A_2662 : i32 to index
      %get3A_2664 = tpu.vector_load %arg8[%get3A_2663] {strides = array<i32>} : memref<25600xf32, #tpu.memory_space<vmem>>, vector<16xf32>,
      %sub3A_2665 = vector.broadcast %reduce_max3A_2568 : f32 to vector<16xf32>
      %sub3A_2666 = arith.subf %get3A_2660, %sub3A_2665 : vector<16xf32>
      %exp3A_2667 = math.exp %sub3A_2666 : vector<16xf32>
      %add3A_2668 = arith.addf %add3A_2654, %exp3A_2667 : vector<16xf32>
      %mul3A_2669 = arith.mulf %exp3A_2667, %get3A_2664 : vector<16xf32>
      %add3A_2670 = arith.addf %add3A_2656, %mul3A_2669 : vector<16xf32>
      %add3A_2671 = arith.constant 112 : i32
      %add3A_2672 = arith.addi %mul3A_2502, %add3A_2671 : i32
      %get3A_2673 = arith.index_cast %add3A_2672 : i32 to index
      %get3A_2674 = tpu.vector_load %arg7[%get3A_2673] {strides = array<i32>} : memref<25600xf32, #tpu.memory_space<vmem>>, vector<16xf32>,
      %add3A_2675 = arith.constant 112 : i32
      %add3A_2676 = arith.addi %mul3A_2502, %add3A_2675 : i32
      %get3A_2677 = arith.index_cast %add3A_2676 : i32 to index
      %get3A_2678 = tpu.vector_load %arg8[%get3A_2677] {strides = array<i32>} : memref<25600xf32, #tpu.memory_space<vmem>>, vector<16xf32>,
      %sub3A_2679 = vector.broadcast %reduce_max3A_2568 : f32 to vector<16xf32>
      %sub3A_2680 = arith.subf %get3A_2674, %sub3A_2679 : vector<16xf32>
      %exp3A_2681 = math.exp %sub3A_2680 : vector<16xf32>
      %add3A_2682 = arith.addf %add3A_2668, %exp3A_2681 : vector<16xf32>
      %mul3A_2683 = arith.mulf %exp3A_2681, %get3A_2678 : vector<16xf32>
      %add3A_2684 = arith.addf %add3A_2670, %mul3A_2683 : vector<16xf32>
      %add3A_2685 = arith.constant 128 : i32
      %add3A_2686 = arith.addi %mul3A_2502, %add3A_2685 : i32
      %get3A_2687 = arith.index_cast %add3A_2686 : i32 to index
      %get3A_2688 = tpu.vector_load %arg7[%get3A_2687] {strides = array<i32>} : memref<25600xf32, #tpu.memory_space<vmem>>, vector<16xf32>,
      %add3A_2689 = arith.constant 128 : i32
      %add3A_2690 = arith.addi %mul3A_2502, %add3A_2689 : i32
      %get3A_2691 = arith.index_cast %add3A_2690 : i32 to index
      %get3A_2692 = tpu.vector_load %arg8[%get3A_2691] {strides = array<i32>} : memref<25600xf32, #tpu.memory_space<vmem>>, vector<16xf32>,
      %sub3A_2693 = vector.broadcast %reduce_max3A_2568 : f32 to vector<16xf32>
      %sub3A_2694 = arith.subf %get3A_2688, %sub3A_2693 : vector<16xf32>
      %exp3A_2695 = math.exp %sub3A_2694 : vector<16xf32>
      %add3A_2696 = arith.addf %add3A_2682, %exp3A_2695 : vector<16xf32>
      %mul3A_2697 = arith.mulf %exp3A_2695, %get3A_2692 : vector<16xf32>
      %add3A_2698 = arith.addf %add3A_2684, %mul3A_2697 : vector<16xf32>
      %add3A_2699 = arith.constant 144 : i32
      %add3A_2700 = arith.addi %mul3A_2502, %add3A_2699 : i32
      %get3A_2701 = arith.index_cast %add3A_2700 : i32 to index
      %get3A_2702 = tpu.vector_load %arg7[%get3A_2701] {strides = array<i32>} : memref<25600xf32, #tpu.memory_space<vmem>>, vector<16xf32>,
      %add3A_2703 = arith.constant 144 : i32
      %add3A_2704 = arith.addi %mul3A_2502, %add3A_2703 : i32
      %get3A_2705 = arith.index_cast %add3A_2704 : i32 to index
      %get3A_2706 = tpu.vector_load %arg8[%get3A_2705] {strides = array<i32>} : memref<25600xf32, #tpu.memory_space<vmem>>, vector<16xf32>,
      %sub3A_2707 = vector.broadcast %reduce_max3A_2568 : f32 to vector<16xf32>
      %sub3A_2708 = arith.subf %get3A_2702, %sub3A_2707 : vector<16xf32>
      %exp3A_2709 = math.exp %sub3A_2708 : vector<16xf32>
      %add3A_2710 = arith.addf %add3A_2696, %exp3A_2709 : vector<16xf32>
      %mul3A_2711 = arith.mulf %exp3A_2709, %get3A_2706 : vector<16xf32>
      %add3A_2712 = arith.addf %add3A_2698, %mul3A_2711 : vector<16xf32>
      %add3A_2713 = arith.constant 160 : i32
      %add3A_2714 = arith.addi %mul3A_2502, %add3A_2713 : i32
      %get3A_2715 = arith.index_cast %add3A_2714 : i32 to index
      %get3A_2716 = tpu.vector_load %arg7[%get3A_2715] {strides = array<i32>} : memref<25600xf32, #tpu.memory_space<vmem>>, vector<16xf32>,
      %add3A_2717 = arith.constant 160 : i32
      %add3A_2718 = arith.addi %mul3A_2502, %add3A_2717 : i32
      %get3A_2719 = arith.index_cast %add3A_2718 : i32 to index
      %get3A_2720 = tpu.vector_load %arg8[%get3A_2719] {strides = array<i32>} : memref<25600xf32, #tpu.memory_space<vmem>>, vector<16xf32>,
      %sub3A_2721 = vector.broadcast %reduce_max3A_2568 : f32 to vector<16xf32>
      %sub3A_2722 = arith.subf %get3A_2716, %sub3A_2721 : vector<16xf32>
      %exp3A_2723 = math.exp %sub3A_2722 : vector<16xf32>
      %add3A_2724 = arith.addf %add3A_2710, %exp3A_2723 : vector<16xf32>
      %mul3A_2725 = arith.mulf %exp3A_2723, %get3A_2720 : vector<16xf32>
      %add3A_2726 = arith.addf %add3A_2712, %mul3A_2725 : vector<16xf32>
      %add3A_2727 = arith.constant 176 : i32
      %add3A_2728 = arith.addi %mul3A_2502, %add3A_2727 : i32
      %get3A_2729 = arith.index_cast %add3A_2728 : i32 to index
      %get3A_2730 = tpu.vector_load %arg7[%get3A_2729] {strides = array<i32>} : memref<25600xf32, #tpu.memory_space<vmem>>, vector<16xf32>,
      %add3A_2731 = arith.constant 176 : i32
      %add3A_2732 = arith.addi %mul3A_2502, %add3A_2731 : i32
      %get3A_2733 = arith.index_cast %add3A_2732 : i32 to index
      %get3A_2734 = tpu.vector_load %arg8[%get3A_2733] {strides = array<i32>} : memref<25600xf32, #tpu.memory_space<vmem>>, vector<16xf32>,
      %sub3A_2735 = vector.broadcast %reduce_max3A_2568 : f32 to vector<16xf32>
      %sub3A_2736 = arith.subf %get3A_2730, %sub3A_2735 : vector<16xf32>
      %exp3A_2737 = math.exp %sub3A_2736 : vector<16xf32>
      %add3A_2738 = arith.addf %add3A_2724, %exp3A_2737 : vector<16xf32>
      %mul3A_2739 = arith.mulf %exp3A_2737, %get3A_2734 : vector<16xf32>
      %add3A_2740 = arith.addf %add3A_2726, %mul3A_2739 : vector<16xf32>
      %add3A_2741 = arith.constant 184 : i32
      %add3A_2742 = arith.addi %mul3A_2502, %add3A_2741 : i32
      %get3A_2743 = arith.index_cast %add3A_2742 : i32 to index
      %get3A_2744 = tpu.vector_load %arg7[%get3A_2743] {strides = array<i32>} : memref<25600xf32, #tpu.memory_space<vmem>>, vector<16xf32>,
      %add3A_2745 = arith.constant 184 : i32
      %add3A_2746 = arith.addi %mul3A_2502, %add3A_2745 : i32
      %get3A_2747 = arith.index_cast %add3A_2746 : i32 to index
      %get3A_2748 = tpu.vector_load %arg8[%get3A_2747] {strides = array<i32>} : memref<25600xf32, #tpu.memory_space<vmem>>, vector<16xf32>,
      %sub3A_2749 = vector.broadcast %reduce_max3A_2568 : f32 to vector<16xf32>
      %sub3A_2750 = arith.subf %get3A_2744, %sub3A_2749 : vector<16xf32>
      %exp3A_2751 = math.exp %sub3A_2750 : vector<16xf32>
      %jit3A_2752 = arith.constant 0.000000e+00 : f32
      %broadcast_in_dim3A_2753 = vector.broadcast %jit3A_2752 : f32 to vector<16xf32>
      %select_n3A_2754 = arith.select %ge3A_10, %exp3A_2751, %broadcast_in_dim3A_2753 : vector<16xi1>, vector<16xf32>
      %add3A_2755 = arith.addf %add3A_2738, %select_n3A_2754 : vector<16xf32>
      %mul3A_2756 = arith.mulf %select_n3A_2754, %get3A_2748 : vector<16xf32>
      %add3A_2757 = arith.addf %add3A_2740, %mul3A_2756 : vector<16xf32>
      %eq3A_2758 = arith.constant 9 : i32
      %eq3A_2759 = vector.broadcast %eq3A_2758 : i32 to vector<16xi32>
      %eq3A_2760 = arith.cmpi eq, %iota3A, %eq3A_2759 : vector<16xi32>
      %reduce_sum3A_2761 = arith.constant true
      %reduce_sum3A_2762 = vector.broadcast %reduce_sum3A_2761 : i1 to vector<16xi1>
      %reduce_sum3A_2763 = tpu.scan <sum>, %add3A_2757 masked %reduce_sum3A_2762 : vector<16xf32>, vector<16xi1> -> vector<16xf32>
      %reduce_sum3A_2764 = vector.extract %reduce_sum3A_2763[15] : f32 from vector<16xf32>
      %broadcast_in_dim3A_2765 = vector.broadcast %reduce_sum3A_2764 : f32 to vector<16xf32>
      %select_n3A_2766 = arith.select %eq3A_2760, %broadcast_in_dim3A_2765, %select_n3A_2490 : vector<16xi1>, vector<16xf32>
      %reduce_sum3A_2767 = arith.constant true
      %reduce_sum3A_2768 = vector.broadcast %reduce_sum3A_2767 : i1 to vector<16xi1>
      %reduce_sum3A_2769 = tpu.scan <sum>, %add3A_2755 masked %reduce_sum3A_2768 : vector<16xf32>, vector<16xi1> -> vector<16xf32>
      %reduce_sum3A_2770 = vector.extract %reduce_sum3A_2769[15] : f32 from vector<16xf32>
      %broadcast_in_dim3A_2771 = vector.broadcast %reduce_sum3A_2770 : f32 to vector<16xf32>
      %select_n3A_2772 = arith.select %eq3A_2760, %broadcast_in_dim3A_2771, %select_n3A_2496 : vector<16xi1>, vector<16xf32>
      %mul3A_2773 = arith.constant 16 : i32
      %mul3A_2774 = arith.muli %scan3A_18, %mul3A_2773 : i32
      %add3A_2775 = arith.constant 10 : i32
      %add3A_2776 = arith.addi %mul3A_2774, %add3A_2775 : i32
      %mul3A_2777 = arith.constant 200 : i32
      %mul3A_2778 = arith.muli %add3A_2776, %mul3A_2777 : i32
      %get3A_2779 = arith.index_cast %mul3A_2778 : i32 to index
      %get3A_2780 = tpu.vector_load %arg7[%get3A_2779] {strides = array<i32>} : memref<25600xf32, #tpu.memory_space<vmem>>, vector<16xf32>,
      %add3A_2781 = arith.constant 16 : i32
      %add3A_2782 = arith.addi %mul3A_2778, %add3A_2781 : i32
      %get3A_2783 = arith.index_cast %add3A_2782 : i32 to index
      %get3A_2784 = tpu.vector_load %arg7[%get3A_2783] {strides = array<i32>} : memref<25600xf32, #tpu.memory_space<vmem>>, vector<16xf32>,
      %max3A_2785 = arith.maximumf %get3A_2780, %get3A_2784 : vector<16xf32>
      %add3A_2786 = arith.constant 32 : i32
      %add3A_2787 = arith.addi %mul3A_2778, %add3A_2786 : i32
      %get3A_2788 = arith.index_cast %add3A_2787 : i32 to index
      %get3A_2789 = tpu.vector_load %arg7[%get3A_2788] {strides = array<i32>} : memref<25600xf32, #tpu.memory_space<vmem>>, vector<16xf32>,
      %max3A_2790 = arith.maximumf %max3A_2785, %get3A_2789 : vector<16xf32>
      %add3A_2791 = arith.constant 48 : i32
      %add3A_2792 = arith.addi %mul3A_2778, %add3A_2791 : i32
      %get3A_2793 = arith.index_cast %add3A_2792 : i32 to index
      %get3A_2794 = tpu.vector_load %arg7[%get3A_2793] {strides = array<i32>} : memref<25600xf32, #tpu.memory_space<vmem>>, vector<16xf32>,
      %max3A_2795 = arith.maximumf %max3A_2790, %get3A_2794 : vector<16xf32>
      %add3A_2796 = arith.constant 64 : i32
      %add3A_2797 = arith.addi %mul3A_2778, %add3A_2796 : i32
      %get3A_2798 = arith.index_cast %add3A_2797 : i32 to index
      %get3A_2799 = tpu.vector_load %arg7[%get3A_2798] {strides = array<i32>} : memref<25600xf32, #tpu.memory_space<vmem>>, vector<16xf32>,
      %max3A_2800 = arith.maximumf %max3A_2795, %get3A_2799 : vector<16xf32>
      %add3A_2801 = arith.constant 80 : i32
      %add3A_2802 = arith.addi %mul3A_2778, %add3A_2801 : i32
      %get3A_2803 = arith.index_cast %add3A_2802 : i32 to index
      %get3A_2804 = tpu.vector_load %arg7[%get3A_2803] {strides = array<i32>} : memref<25600xf32, #tpu.memory_space<vmem>>, vector<16xf32>,
      %max3A_2805 = arith.maximumf %max3A_2800, %get3A_2804 : vector<16xf32>
      %add3A_2806 = arith.constant 96 : i32
      %add3A_2807 = arith.addi %mul3A_2778, %add3A_2806 : i32
      %get3A_2808 = arith.index_cast %add3A_2807 : i32 to index
      %get3A_2809 = tpu.vector_load %arg7[%get3A_2808] {strides = array<i32>} : memref<25600xf32, #tpu.memory_space<vmem>>, vector<16xf32>,
      %max3A_2810 = arith.maximumf %max3A_2805, %get3A_2809 : vector<16xf32>
      %add3A_2811 = arith.constant 112 : i32
      %add3A_2812 = arith.addi %mul3A_2778, %add3A_2811 : i32
      %get3A_2813 = arith.index_cast %add3A_2812 : i32 to index
      %get3A_2814 = tpu.vector_load %arg7[%get3A_2813] {strides = array<i32>} : memref<25600xf32, #tpu.memory_space<vmem>>, vector<16xf32>,
      %max3A_2815 = arith.maximumf %max3A_2810, %get3A_2814 : vector<16xf32>
      %add3A_2816 = arith.constant 128 : i32
      %add3A_2817 = arith.addi %mul3A_2778, %add3A_2816 : i32
      %get3A_2818 = arith.index_cast %add3A_2817 : i32 to index
      %get3A_2819 = tpu.vector_load %arg7[%get3A_2818] {strides = array<i32>} : memref<25600xf32, #tpu.memory_space<vmem>>, vector<16xf32>,
      %max3A_2820 = arith.maximumf %max3A_2815, %get3A_2819 : vector<16xf32>
      %add3A_2821 = arith.constant 144 : i32
      %add3A_2822 = arith.addi %mul3A_2778, %add3A_2821 : i32
      %get3A_2823 = arith.index_cast %add3A_2822 : i32 to index
      %get3A_2824 = tpu.vector_load %arg7[%get3A_2823] {strides = array<i32>} : memref<25600xf32, #tpu.memory_space<vmem>>, vector<16xf32>,
      %max3A_2825 = arith.maximumf %max3A_2820, %get3A_2824 : vector<16xf32>
      %add3A_2826 = arith.constant 160 : i32
      %add3A_2827 = arith.addi %mul3A_2778, %add3A_2826 : i32
      %get3A_2828 = arith.index_cast %add3A_2827 : i32 to index
      %get3A_2829 = tpu.vector_load %arg7[%get3A_2828] {strides = array<i32>} : memref<25600xf32, #tpu.memory_space<vmem>>, vector<16xf32>,
      %max3A_2830 = arith.maximumf %max3A_2825, %get3A_2829 : vector<16xf32>
      %add3A_2831 = arith.constant 176 : i32
      %add3A_2832 = arith.addi %mul3A_2778, %add3A_2831 : i32
      %get3A_2833 = arith.index_cast %add3A_2832 : i32 to index
      %get3A_2834 = tpu.vector_load %arg7[%get3A_2833] {strides = array<i32>} : memref<25600xf32, #tpu.memory_space<vmem>>, vector<16xf32>,
      %max3A_2835 = arith.maximumf %max3A_2830, %get3A_2834 : vector<16xf32>
      %add3A_2836 = arith.constant 184 : i32
      %add3A_2837 = arith.addi %mul3A_2778, %add3A_2836 : i32
      %get3A_2838 = arith.index_cast %add3A_2837 : i32 to index
      %get3A_2839 = tpu.vector_load %arg7[%get3A_2838] {strides = array<i32>} : memref<25600xf32, #tpu.memory_space<vmem>>, vector<16xf32>,
      %max3A_2840 = arith.maximumf %max3A_2835, %get3A_2839 : vector<16xf32>
      %reduce_max3A_2841 = arith.constant true
      %reduce_max3A_2842 = vector.broadcast %reduce_max3A_2841 : i1 to vector<16xi1>
      %reduce_max3A_2843 = tpu.scan <max>, %max3A_2840 masked %reduce_max3A_2842 : vector<16xf32>, vector<16xi1> -> vector<16xf32>
      %reduce_max3A_2844 = vector.extract %reduce_max3A_2843[15] : f32 from vector<16xf32>
      %broadcast_in_dim3A_2845 = arith.constant 0.000000e+00 : f32
      %broadcast_in_dim3A_2846 = vector.broadcast %broadcast_in_dim3A_2845 : f32 to vector<16xf32>
      %broadcast_in_dim3A_2847 = arith.constant 0.000000e+00 : f32
      %broadcast_in_dim3A_2848 = vector.broadcast %broadcast_in_dim3A_2847 : f32 to vector<16xf32>
      %add3A_2849 = arith.constant 0 : i32
      %add3A_2850 = arith.addi %mul3A_2778, %add3A_2849 : i32
      %get3A_2851 = arith.index_cast %add3A_2850 : i32 to index
      %get3A_2852 = tpu.vector_load %arg7[%get3A_2851] {strides = array<i32>} : memref<25600xf32, #tpu.memory_space<vmem>>, vector<16xf32>,
      %add3A_2853 = arith.constant 0 : i32
      %add3A_2854 = arith.addi %mul3A_2778, %add3A_2853 : i32
      %get3A_2855 = arith.index_cast %add3A_2854 : i32 to index
      %get3A_2856 = tpu.vector_load %arg8[%get3A_2855] {strides = array<i32>} : memref<25600xf32, #tpu.memory_space<vmem>>, vector<16xf32>,
      %sub3A_2857 = vector.broadcast %reduce_max3A_2844 : f32 to vector<16xf32>
      %sub3A_2858 = arith.subf %get3A_2852, %sub3A_2857 : vector<16xf32>
      %exp3A_2859 = math.exp %sub3A_2858 : vector<16xf32>
      %add3A_2860 = arith.addf %broadcast_in_dim3A_2846, %exp3A_2859 : vector<16xf32>
      %mul3A_2861 = arith.mulf %exp3A_2859, %get3A_2856 : vector<16xf32>
      %add3A_2862 = arith.addf %broadcast_in_dim3A_2848, %mul3A_2861 : vector<16xf32>
      %add3A_2863 = arith.constant 16 : i32
      %add3A_2864 = arith.addi %mul3A_2778, %add3A_2863 : i32
      %get3A_2865 = arith.index_cast %add3A_2864 : i32 to index
      %get3A_2866 = tpu.vector_load %arg7[%get3A_2865] {strides = array<i32>} : memref<25600xf32, #tpu.memory_space<vmem>>, vector<16xf32>,
      %add3A_2867 = arith.constant 16 : i32
      %add3A_2868 = arith.addi %mul3A_2778, %add3A_2867 : i32
      %get3A_2869 = arith.index_cast %add3A_2868 : i32 to index
      %get3A_2870 = tpu.vector_load %arg8[%get3A_2869] {strides = array<i32>} : memref<25600xf32, #tpu.memory_space<vmem>>, vector<16xf32>,
      %sub3A_2871 = vector.broadcast %reduce_max3A_2844 : f32 to vector<16xf32>
      %sub3A_2872 = arith.subf %get3A_2866, %sub3A_2871 : vector<16xf32>
      %exp3A_2873 = math.exp %sub3A_2872 : vector<16xf32>
      %add3A_2874 = arith.addf %add3A_2860, %exp3A_2873 : vector<16xf32>
      %mul3A_2875 = arith.mulf %exp3A_2873, %get3A_2870 : vector<16xf32>
      %add3A_2876 = arith.addf %add3A_2862, %mul3A_2875 : vector<16xf32>
      %add3A_2877 = arith.constant 32 : i32
      %add3A_2878 = arith.addi %mul3A_2778, %add3A_2877 : i32
      %get3A_2879 = arith.index_cast %add3A_2878 : i32 to index
      %get3A_2880 = tpu.vector_load %arg7[%get3A_2879] {strides = array<i32>} : memref<25600xf32, #tpu.memory_space<vmem>>, vector<16xf32>,
      %add3A_2881 = arith.constant 32 : i32
      %add3A_2882 = arith.addi %mul3A_2778, %add3A_2881 : i32
      %get3A_2883 = arith.index_cast %add3A_2882 : i32 to index
      %get3A_2884 = tpu.vector_load %arg8[%get3A_2883] {strides = array<i32>} : memref<25600xf32, #tpu.memory_space<vmem>>, vector<16xf32>,
      %sub3A_2885 = vector.broadcast %reduce_max3A_2844 : f32 to vector<16xf32>
      %sub3A_2886 = arith.subf %get3A_2880, %sub3A_2885 : vector<16xf32>
      %exp3A_2887 = math.exp %sub3A_2886 : vector<16xf32>
      %add3A_2888 = arith.addf %add3A_2874, %exp3A_2887 : vector<16xf32>
      %mul3A_2889 = arith.mulf %exp3A_2887, %get3A_2884 : vector<16xf32>
      %add3A_2890 = arith.addf %add3A_2876, %mul3A_2889 : vector<16xf32>
      %add3A_2891 = arith.constant 48 : i32
      %add3A_2892 = arith.addi %mul3A_2778, %add3A_2891 : i32
      %get3A_2893 = arith.index_cast %add3A_2892 : i32 to index
      %get3A_2894 = tpu.vector_load %arg7[%get3A_2893] {strides = array<i32>} : memref<25600xf32, #tpu.memory_space<vmem>>, vector<16xf32>,
      %add3A_2895 = arith.constant 48 : i32
      %add3A_2896 = arith.addi %mul3A_2778, %add3A_2895 : i32
      %get3A_2897 = arith.index_cast %add3A_2896 : i32 to index
      %get3A_2898 = tpu.vector_load %arg8[%get3A_2897] {strides = array<i32>} : memref<25600xf32, #tpu.memory_space<vmem>>, vector<16xf32>,
      %sub3A_2899 = vector.broadcast %reduce_max3A_2844 : f32 to vector<16xf32>
      %sub3A_2900 = arith.subf %get3A_2894, %sub3A_2899 : vector<16xf32>
      %exp3A_2901 = math.exp %sub3A_2900 : vector<16xf32>
      %add3A_2902 = arith.addf %add3A_2888, %exp3A_2901 : vector<16xf32>
      %mul3A_2903 = arith.mulf %exp3A_2901, %get3A_2898 : vector<16xf32>
      %add3A_2904 = arith.addf %add3A_2890, %mul3A_2903 : vector<16xf32>
      %add3A_2905 = arith.constant 64 : i32
      %add3A_2906 = arith.addi %mul3A_2778, %add3A_2905 : i32
      %get3A_2907 = arith.index_cast %add3A_2906 : i32 to index
      %get3A_2908 = tpu.vector_load %arg7[%get3A_2907] {strides = array<i32>} : memref<25600xf32, #tpu.memory_space<vmem>>, vector<16xf32>,
      %add3A_2909 = arith.constant 64 : i32
      %add3A_2910 = arith.addi %mul3A_2778, %add3A_2909 : i32
      %get3A_2911 = arith.index_cast %add3A_2910 : i32 to index
      %get3A_2912 = tpu.vector_load %arg8[%get3A_2911] {strides = array<i32>} : memref<25600xf32, #tpu.memory_space<vmem>>, vector<16xf32>,
      %sub3A_2913 = vector.broadcast %reduce_max3A_2844 : f32 to vector<16xf32>
      %sub3A_2914 = arith.subf %get3A_2908, %sub3A_2913 : vector<16xf32>
      %exp3A_2915 = math.exp %sub3A_2914 : vector<16xf32>
      %add3A_2916 = arith.addf %add3A_2902, %exp3A_2915 : vector<16xf32>
      %mul3A_2917 = arith.mulf %exp3A_2915, %get3A_2912 : vector<16xf32>
      %add3A_2918 = arith.addf %add3A_2904, %mul3A_2917 : vector<16xf32>
      %add3A_2919 = arith.constant 80 : i32
      %add3A_2920 = arith.addi %mul3A_2778, %add3A_2919 : i32
      %get3A_2921 = arith.index_cast %add3A_2920 : i32 to index
      %get3A_2922 = tpu.vector_load %arg7[%get3A_2921] {strides = array<i32>} : memref<25600xf32, #tpu.memory_space<vmem>>, vector<16xf32>,
      %add3A_2923 = arith.constant 80 : i32
      %add3A_2924 = arith.addi %mul3A_2778, %add3A_2923 : i32
      %get3A_2925 = arith.index_cast %add3A_2924 : i32 to index
      %get3A_2926 = tpu.vector_load %arg8[%get3A_2925] {strides = array<i32>} : memref<25600xf32, #tpu.memory_space<vmem>>, vector<16xf32>,
      %sub3A_2927 = vector.broadcast %reduce_max3A_2844 : f32 to vector<16xf32>
      %sub3A_2928 = arith.subf %get3A_2922, %sub3A_2927 : vector<16xf32>
      %exp3A_2929 = math.exp %sub3A_2928 : vector<16xf32>
      %add3A_2930 = arith.addf %add3A_2916, %exp3A_2929 : vector<16xf32>
      %mul3A_2931 = arith.mulf %exp3A_2929, %get3A_2926 : vector<16xf32>
      %add3A_2932 = arith.addf %add3A_2918, %mul3A_2931 : vector<16xf32>
      %add3A_2933 = arith.constant 96 : i32
      %add3A_2934 = arith.addi %mul3A_2778, %add3A_2933 : i32
      %get3A_2935 = arith.index_cast %add3A_2934 : i32 to index
      %get3A_2936 = tpu.vector_load %arg7[%get3A_2935] {strides = array<i32>} : memref<25600xf32, #tpu.memory_space<vmem>>, vector<16xf32>,
      %add3A_2937 = arith.constant 96 : i32
      %add3A_2938 = arith.addi %mul3A_2778, %add3A_2937 : i32
      %get3A_2939 = arith.index_cast %add3A_2938 : i32 to index
      %get3A_2940 = tpu.vector_load %arg8[%get3A_2939] {strides = array<i32>} : memref<25600xf32, #tpu.memory_space<vmem>>, vector<16xf32>,
      %sub3A_2941 = vector.broadcast %reduce_max3A_2844 : f32 to vector<16xf32>
      %sub3A_2942 = arith.subf %get3A_2936, %sub3A_2941 : vector<16xf32>
      %exp3A_2943 = math.exp %sub3A_2942 : vector<16xf32>
      %add3A_2944 = arith.addf %add3A_2930, %exp3A_2943 : vector<16xf32>
      %mul3A_2945 = arith.mulf %exp3A_2943, %get3A_2940 : vector<16xf32>
      %add3A_2946 = arith.addf %add3A_2932, %mul3A_2945 : vector<16xf32>
      %add3A_2947 = arith.constant 112 : i32
      %add3A_2948 = arith.addi %mul3A_2778, %add3A_2947 : i32
      %get3A_2949 = arith.index_cast %add3A_2948 : i32 to index
      %get3A_2950 = tpu.vector_load %arg7[%get3A_2949] {strides = array<i32>} : memref<25600xf32, #tpu.memory_space<vmem>>, vector<16xf32>,
      %add3A_2951 = arith.constant 112 : i32
      %add3A_2952 = arith.addi %mul3A_2778, %add3A_2951 : i32
      %get3A_2953 = arith.index_cast %add3A_2952 : i32 to index
      %get3A_2954 = tpu.vector_load %arg8[%get3A_2953] {strides = array<i32>} : memref<25600xf32, #tpu.memory_space<vmem>>, vector<16xf32>,
      %sub3A_2955 = vector.broadcast %reduce_max3A_2844 : f32 to vector<16xf32>
      %sub3A_2956 = arith.subf %get3A_2950, %sub3A_2955 : vector<16xf32>
      %exp3A_2957 = math.exp %sub3A_2956 : vector<16xf32>
      %add3A_2958 = arith.addf %add3A_2944, %exp3A_2957 : vector<16xf32>
      %mul3A_2959 = arith.mulf %exp3A_2957, %get3A_2954 : vector<16xf32>
      %add3A_2960 = arith.addf %add3A_2946, %mul3A_2959 : vector<16xf32>
      %add3A_2961 = arith.constant 128 : i32
      %add3A_2962 = arith.addi %mul3A_2778, %add3A_2961 : i32
      %get3A_2963 = arith.index_cast %add3A_2962 : i32 to index
      %get3A_2964 = tpu.vector_load %arg7[%get3A_2963] {strides = array<i32>} : memref<25600xf32, #tpu.memory_space<vmem>>, vector<16xf32>,
      %add3A_2965 = arith.constant 128 : i32
      %add3A_2966 = arith.addi %mul3A_2778, %add3A_2965 : i32
      %get3A_2967 = arith.index_cast %add3A_2966 : i32 to index
      %get3A_2968 = tpu.vector_load %arg8[%get3A_2967] {strides = array<i32>} : memref<25600xf32, #tpu.memory_space<vmem>>, vector<16xf32>,
      %sub3A_2969 = vector.broadcast %reduce_max3A_2844 : f32 to vector<16xf32>
      %sub3A_2970 = arith.subf %get3A_2964, %sub3A_2969 : vector<16xf32>
      %exp3A_2971 = math.exp %sub3A_2970 : vector<16xf32>
      %add3A_2972 = arith.addf %add3A_2958, %exp3A_2971 : vector<16xf32>
      %mul3A_2973 = arith.mulf %exp3A_2971, %get3A_2968 : vector<16xf32>
      %add3A_2974 = arith.addf %add3A_2960, %mul3A_2973 : vector<16xf32>
      %add3A_2975 = arith.constant 144 : i32
      %add3A_2976 = arith.addi %mul3A_2778, %add3A_2975 : i32
      %get3A_2977 = arith.index_cast %add3A_2976 : i32 to index
      %get3A_2978 = tpu.vector_load %arg7[%get3A_2977] {strides = array<i32>} : memref<25600xf32, #tpu.memory_space<vmem>>, vector<16xf32>,
      %add3A_2979 = arith.constant 144 : i32
      %add3A_2980 = arith.addi %mul3A_2778, %add3A_2979 : i32
      %get3A_2981 = arith.index_cast %add3A_2980 : i32 to index
      %get3A_2982 = tpu.vector_load %arg8[%get3A_2981] {strides = array<i32>} : memref<25600xf32, #tpu.memory_space<vmem>>, vector<16xf32>,
      %sub3A_2983 = vector.broadcast %reduce_max3A_2844 : f32 to vector<16xf32>
      %sub3A_2984 = arith.subf %get3A_2978, %sub3A_2983 : vector<16xf32>
      %exp3A_2985 = math.exp %sub3A_2984 : vector<16xf32>
      %add3A_2986 = arith.addf %add3A_2972, %exp3A_2985 : vector<16xf32>
      %mul3A_2987 = arith.mulf %exp3A_2985, %get3A_2982 : vector<16xf32>
      %add3A_2988 = arith.addf %add3A_2974, %mul3A_2987 : vector<16xf32>
      %add3A_2989 = arith.constant 160 : i32
      %add3A_2990 = arith.addi %mul3A_2778, %add3A_2989 : i32
      %get3A_2991 = arith.index_cast %add3A_2990 : i32 to index
      %get3A_2992 = tpu.vector_load %arg7[%get3A_2991] {strides = array<i32>} : memref<25600xf32, #tpu.memory_space<vmem>>, vector<16xf32>,
      %add3A_2993 = arith.constant 160 : i32
      %add3A_2994 = arith.addi %mul3A_2778, %add3A_2993 : i32
      %get3A_2995 = arith.index_cast %add3A_2994 : i32 to index
      %get3A_2996 = tpu.vector_load %arg8[%get3A_2995] {strides = array<i32>} : memref<25600xf32, #tpu.memory_space<vmem>>, vector<16xf32>,
      %sub3A_2997 = vector.broadcast %reduce_max3A_2844 : f32 to vector<16xf32>
      %sub3A_2998 = arith.subf %get3A_2992, %sub3A_2997 : vector<16xf32>
      %exp3A_2999 = math.exp %sub3A_2998 : vector<16xf32>
      %add3A_3000 = arith.addf %add3A_2986, %exp3A_2999 : vector<16xf32>
      %mul3A_3001 = arith.mulf %exp3A_2999, %get3A_2996 : vector<16xf32>
      %add3A_3002 = arith.addf %add3A_2988, %mul3A_3001 : vector<16xf32>
      %add3A_3003 = arith.constant 176 : i32
      %add3A_3004 = arith.addi %mul3A_2778, %add3A_3003 : i32
      %get3A_3005 = arith.index_cast %add3A_3004 : i32 to index
      %get3A_3006 = tpu.vector_load %arg7[%get3A_3005] {strides = array<i32>} : memref<25600xf32, #tpu.memory_space<vmem>>, vector<16xf32>,
      %add3A_3007 = arith.constant 176 : i32
      %add3A_3008 = arith.addi %mul3A_2778, %add3A_3007 : i32
      %get3A_3009 = arith.index_cast %add3A_3008 : i32 to index
      %get3A_3010 = tpu.vector_load %arg8[%get3A_3009] {strides = array<i32>} : memref<25600xf32, #tpu.memory_space<vmem>>, vector<16xf32>,
      %sub3A_3011 = vector.broadcast %reduce_max3A_2844 : f32 to vector<16xf32>
      %sub3A_3012 = arith.subf %get3A_3006, %sub3A_3011 : vector<16xf32>
      %exp3A_3013 = math.exp %sub3A_3012 : vector<16xf32>
      %add3A_3014 = arith.addf %add3A_3000, %exp3A_3013 : vector<16xf32>
      %mul3A_3015 = arith.mulf %exp3A_3013, %get3A_3010 : vector<16xf32>
      %add3A_3016 = arith.addf %add3A_3002, %mul3A_3015 : vector<16xf32>
      %add3A_3017 = arith.constant 184 : i32
      %add3A_3018 = arith.addi %mul3A_2778, %add3A_3017 : i32
      %get3A_3019 = arith.index_cast %add3A_3018 : i32 to index
      %get3A_3020 = tpu.vector_load %arg7[%get3A_3019] {strides = array<i32>} : memref<25600xf32, #tpu.memory_space<vmem>>, vector<16xf32>,
      %add3A_3021 = arith.constant 184 : i32
      %add3A_3022 = arith.addi %mul3A_2778, %add3A_3021 : i32
      %get3A_3023 = arith.index_cast %add3A_3022 : i32 to index
      %get3A_3024 = tpu.vector_load %arg8[%get3A_3023] {strides = array<i32>} : memref<25600xf32, #tpu.memory_space<vmem>>, vector<16xf32>,
      %sub3A_3025 = vector.broadcast %reduce_max3A_2844 : f32 to vector<16xf32>
      %sub3A_3026 = arith.subf %get3A_3020, %sub3A_3025 : vector<16xf32>
      %exp3A_3027 = math.exp %sub3A_3026 : vector<16xf32>
      %jit3A_3028 = arith.constant 0.000000e+00 : f32
      %broadcast_in_dim3A_3029 = vector.broadcast %jit3A_3028 : f32 to vector<16xf32>
      %select_n3A_3030 = arith.select %ge3A_10, %exp3A_3027, %broadcast_in_dim3A_3029 : vector<16xi1>, vector<16xf32>
      %add3A_3031 = arith.addf %add3A_3014, %select_n3A_3030 : vector<16xf32>
      %mul3A_3032 = arith.mulf %select_n3A_3030, %get3A_3024 : vector<16xf32>
      %add3A_3033 = arith.addf %add3A_3016, %mul3A_3032 : vector<16xf32>
      %eq3A_3034 = arith.constant 10 : i32
      %eq3A_3035 = vector.broadcast %eq3A_3034 : i32 to vector<16xi32>
      %eq3A_3036 = arith.cmpi eq, %iota3A, %eq3A_3035 : vector<16xi32>
      %reduce_sum3A_3037 = arith.constant true
      %reduce_sum3A_3038 = vector.broadcast %reduce_sum3A_3037 : i1 to vector<16xi1>
      %reduce_sum3A_3039 = tpu.scan <sum>, %add3A_3033 masked %reduce_sum3A_3038 : vector<16xf32>, vector<16xi1> -> vector<16xf32>
      %reduce_sum3A_3040 = vector.extract %reduce_sum3A_3039[15] : f32 from vector<16xf32>
      %broadcast_in_dim3A_3041 = vector.broadcast %reduce_sum3A_3040 : f32 to vector<16xf32>
      %select_n3A_3042 = arith.select %eq3A_3036, %broadcast_in_dim3A_3041, %select_n3A_2766 : vector<16xi1>, vector<16xf32>
      %reduce_sum3A_3043 = arith.constant true
      %reduce_sum3A_3044 = vector.broadcast %reduce_sum3A_3043 : i1 to vector<16xi1>
      %reduce_sum3A_3045 = tpu.scan <sum>, %add3A_3031 masked %reduce_sum3A_3044 : vector<16xf32>, vector<16xi1> -> vector<16xf32>
      %reduce_sum3A_3046 = vector.extract %reduce_sum3A_3045[15] : f32 from vector<16xf32>
      %broadcast_in_dim3A_3047 = vector.broadcast %reduce_sum3A_3046 : f32 to vector<16xf32>
      %select_n3A_3048 = arith.select %eq3A_3036, %broadcast_in_dim3A_3047, %select_n3A_2772 : vector<16xi1>, vector<16xf32>
      %mul3A_3049 = arith.constant 16 : i32
      %mul3A_3050 = arith.muli %scan3A_18, %mul3A_3049 : i32
      %add3A_3051 = arith.constant 11 : i32
      %add3A_3052 = arith.addi %mul3A_3050, %add3A_3051 : i32
      %mul3A_3053 = arith.constant 200 : i32
      %mul3A_3054 = arith.muli %add3A_3052, %mul3A_3053 : i32
      %get3A_3055 = arith.index_cast %mul3A_3054 : i32 to index
      %get3A_3056 = tpu.vector_load %arg7[%get3A_3055] {strides = array<i32>} : memref<25600xf32, #tpu.memory_space<vmem>>, vector<16xf32>,
      %add3A_3057 = arith.constant 16 : i32
      %add3A_3058 = arith.addi %mul3A_3054, %add3A_3057 : i32
      %get3A_3059 = arith.index_cast %add3A_3058 : i32 to index
      %get3A_3060 = tpu.vector_load %arg7[%get3A_3059] {strides = array<i32>} : memref<25600xf32, #tpu.memory_space<vmem>>, vector<16xf32>,
      %max3A_3061 = arith.maximumf %get3A_3056, %get3A_3060 : vector<16xf32>
      %add3A_3062 = arith.constant 32 : i32
      %add3A_3063 = arith.addi %mul3A_3054, %add3A_3062 : i32
      %get3A_3064 = arith.index_cast %add3A_3063 : i32 to index
      %get3A_3065 = tpu.vector_load %arg7[%get3A_3064] {strides = array<i32>} : memref<25600xf32, #tpu.memory_space<vmem>>, vector<16xf32>,
      %max3A_3066 = arith.maximumf %max3A_3061, %get3A_3065 : vector<16xf32>
      %add3A_3067 = arith.constant 48 : i32
      %add3A_3068 = arith.addi %mul3A_3054, %add3A_3067 : i32
      %get3A_3069 = arith.index_cast %add3A_3068 : i32 to index
      %get3A_3070 = tpu.vector_load %arg7[%get3A_3069] {strides = array<i32>} : memref<25600xf32, #tpu.memory_space<vmem>>, vector<16xf32>,
      %max3A_3071 = arith.maximumf %max3A_3066, %get3A_3070 : vector<16xf32>
      %add3A_3072 = arith.constant 64 : i32
      %add3A_3073 = arith.addi %mul3A_3054, %add3A_3072 : i32
      %get3A_3074 = arith.index_cast %add3A_3073 : i32 to index
      %get3A_3075 = tpu.vector_load %arg7[%get3A_3074] {strides = array<i32>} : memref<25600xf32, #tpu.memory_space<vmem>>, vector<16xf32>,
      %max3A_3076 = arith.maximumf %max3A_3071, %get3A_3075 : vector<16xf32>
      %add3A_3077 = arith.constant 80 : i32
      %add3A_3078 = arith.addi %mul3A_3054, %add3A_3077 : i32
      %get3A_3079 = arith.index_cast %add3A_3078 : i32 to index
      %get3A_3080 = tpu.vector_load %arg7[%get3A_3079] {strides = array<i32>} : memref<25600xf32, #tpu.memory_space<vmem>>, vector<16xf32>,
      %max3A_3081 = arith.maximumf %max3A_3076, %get3A_3080 : vector<16xf32>
      %add3A_3082 = arith.constant 96 : i32
      %add3A_3083 = arith.addi %mul3A_3054, %add3A_3082 : i32
      %get3A_3084 = arith.index_cast %add3A_3083 : i32 to index
      %get3A_3085 = tpu.vector_load %arg7[%get3A_3084] {strides = array<i32>} : memref<25600xf32, #tpu.memory_space<vmem>>, vector<16xf32>,
      %max3A_3086 = arith.maximumf %max3A_3081, %get3A_3085 : vector<16xf32>
      %add3A_3087 = arith.constant 112 : i32
      %add3A_3088 = arith.addi %mul3A_3054, %add3A_3087 : i32
      %get3A_3089 = arith.index_cast %add3A_3088 : i32 to index
      %get3A_3090 = tpu.vector_load %arg7[%get3A_3089] {strides = array<i32>} : memref<25600xf32, #tpu.memory_space<vmem>>, vector<16xf32>,
      %max3A_3091 = arith.maximumf %max3A_3086, %get3A_3090 : vector<16xf32>
      %add3A_3092 = arith.constant 128 : i32
      %add3A_3093 = arith.addi %mul3A_3054, %add3A_3092 : i32
      %get3A_3094 = arith.index_cast %add3A_3093 : i32 to index
      %get3A_3095 = tpu.vector_load %arg7[%get3A_3094] {strides = array<i32>} : memref<25600xf32, #tpu.memory_space<vmem>>, vector<16xf32>,
      %max3A_3096 = arith.maximumf %max3A_3091, %get3A_3095 : vector<16xf32>
      %add3A_3097 = arith.constant 144 : i32
      %add3A_3098 = arith.addi %mul3A_3054, %add3A_3097 : i32
      %get3A_3099 = arith.index_cast %add3A_3098 : i32 to index
      %get3A_3100 = tpu.vector_load %arg7[%get3A_3099] {strides = array<i32>} : memref<25600xf32, #tpu.memory_space<vmem>>, vector<16xf32>,
      %max3A_3101 = arith.maximumf %max3A_3096, %get3A_3100 : vector<16xf32>
      %add3A_3102 = arith.constant 160 : i32
      %add3A_3103 = arith.addi %mul3A_3054, %add3A_3102 : i32
      %get3A_3104 = arith.index_cast %add3A_3103 : i32 to index
      %get3A_3105 = tpu.vector_load %arg7[%get3A_3104] {strides = array<i32>} : memref<25600xf32, #tpu.memory_space<vmem>>, vector<16xf32>,
      %max3A_3106 = arith.maximumf %max3A_3101, %get3A_3105 : vector<16xf32>
      %add3A_3107 = arith.constant 176 : i32
      %add3A_3108 = arith.addi %mul3A_3054, %add3A_3107 : i32
      %get3A_3109 = arith.index_cast %add3A_3108 : i32 to index
      %get3A_3110 = tpu.vector_load %arg7[%get3A_3109] {strides = array<i32>} : memref<25600xf32, #tpu.memory_space<vmem>>, vector<16xf32>,
      %max3A_3111 = arith.maximumf %max3A_3106, %get3A_3110 : vector<16xf32>
      %add3A_3112 = arith.constant 184 : i32
      %add3A_3113 = arith.addi %mul3A_3054, %add3A_3112 : i32
      %get3A_3114 = arith.index_cast %add3A_3113 : i32 to index
      %get3A_3115 = tpu.vector_load %arg7[%get3A_3114] {strides = array<i32>} : memref<25600xf32, #tpu.memory_space<vmem>>, vector<16xf32>,
      %max3A_3116 = arith.maximumf %max3A_3111, %get3A_3115 : vector<16xf32>
      %reduce_max3A_3117 = arith.constant true
      %reduce_max3A_3118 = vector.broadcast %reduce_max3A_3117 : i1 to vector<16xi1>
      %reduce_max3A_3119 = tpu.scan <max>, %max3A_3116 masked %reduce_max3A_3118 : vector<16xf32>, vector<16xi1> -> vector<16xf32>
      %reduce_max3A_3120 = vector.extract %reduce_max3A_3119[15] : f32 from vector<16xf32>
      %broadcast_in_dim3A_3121 = arith.constant 0.000000e+00 : f32
      %broadcast_in_dim3A_3122 = vector.broadcast %broadcast_in_dim3A_3121 : f32 to vector<16xf32>
      %broadcast_in_dim3A_3123 = arith.constant 0.000000e+00 : f32
      %broadcast_in_dim3A_3124 = vector.broadcast %broadcast_in_dim3A_3123 : f32 to vector<16xf32>
      %add3A_3125 = arith.constant 0 : i32
      %add3A_3126 = arith.addi %mul3A_3054, %add3A_3125 : i32
      %get3A_3127 = arith.index_cast %add3A_3126 : i32 to index
      %get3A_3128 = tpu.vector_load %arg7[%get3A_3127] {strides = array<i32>} : memref<25600xf32, #tpu.memory_space<vmem>>, vector<16xf32>,
      %add3A_3129 = arith.constant 0 : i32
      %add3A_3130 = arith.addi %mul3A_3054, %add3A_3129 : i32
      %get3A_3131 = arith.index_cast %add3A_3130 : i32 to index
      %get3A_3132 = tpu.vector_load %arg8[%get3A_3131] {strides = array<i32>} : memref<25600xf32, #tpu.memory_space<vmem>>, vector<16xf32>,
      %sub3A_3133 = vector.broadcast %reduce_max3A_3120 : f32 to vector<16xf32>
      %sub3A_3134 = arith.subf %get3A_3128, %sub3A_3133 : vector<16xf32>
      %exp3A_3135 = math.exp %sub3A_3134 : vector<16xf32>
      %add3A_3136 = arith.addf %broadcast_in_dim3A_3122, %exp3A_3135 : vector<16xf32>
      %mul3A_3137 = arith.mulf %exp3A_3135, %get3A_3132 : vector<16xf32>
      %add3A_3138 = arith.addf %broadcast_in_dim3A_3124, %mul3A_3137 : vector<16xf32>
      %add3A_3139 = arith.constant 16 : i32
      %add3A_3140 = arith.addi %mul3A_3054, %add3A_3139 : i32
      %get3A_3141 = arith.index_cast %add3A_3140 : i32 to index
      %get3A_3142 = tpu.vector_load %arg7[%get3A_3141] {strides = array<i32>} : memref<25600xf32, #tpu.memory_space<vmem>>, vector<16xf32>,
      %add3A_3143 = arith.constant 16 : i32
      %add3A_3144 = arith.addi %mul3A_3054, %add3A_3143 : i32
      %get3A_3145 = arith.index_cast %add3A_3144 : i32 to index
      %get3A_3146 = tpu.vector_load %arg8[%get3A_3145] {strides = array<i32>} : memref<25600xf32, #tpu.memory_space<vmem>>, vector<16xf32>,
      %sub3A_3147 = vector.broadcast %reduce_max3A_3120 : f32 to vector<16xf32>
      %sub3A_3148 = arith.subf %get3A_3142, %sub3A_3147 : vector<16xf32>
      %exp3A_3149 = math.exp %sub3A_3148 : vector<16xf32>
      %add3A_3150 = arith.addf %add3A_3136, %exp3A_3149 : vector<16xf32>
      %mul3A_3151 = arith.mulf %exp3A_3149, %get3A_3146 : vector<16xf32>
      %add3A_3152 = arith.addf %add3A_3138, %mul3A_3151 : vector<16xf32>
      %add3A_3153 = arith.constant 32 : i32
      %add3A_3154 = arith.addi %mul3A_3054, %add3A_3153 : i32
      %get3A_3155 = arith.index_cast %add3A_3154 : i32 to index
      %get3A_3156 = tpu.vector_load %arg7[%get3A_3155] {strides = array<i32>} : memref<25600xf32, #tpu.memory_space<vmem>>, vector<16xf32>,
      %add3A_3157 = arith.constant 32 : i32
      %add3A_3158 = arith.addi %mul3A_3054, %add3A_3157 : i32
      %get3A_3159 = arith.index_cast %add3A_3158 : i32 to index
      %get3A_3160 = tpu.vector_load %arg8[%get3A_3159] {strides = array<i32>} : memref<25600xf32, #tpu.memory_space<vmem>>, vector<16xf32>,
      %sub3A_3161 = vector.broadcast %reduce_max3A_3120 : f32 to vector<16xf32>
      %sub3A_3162 = arith.subf %get3A_3156, %sub3A_3161 : vector<16xf32>
      %exp3A_3163 = math.exp %sub3A_3162 : vector<16xf32>
      %add3A_3164 = arith.addf %add3A_3150, %exp3A_3163 : vector<16xf32>
      %mul3A_3165 = arith.mulf %exp3A_3163, %get3A_3160 : vector<16xf32>
      %add3A_3166 = arith.addf %add3A_3152, %mul3A_3165 : vector<16xf32>
      %add3A_3167 = arith.constant 48 : i32
      %add3A_3168 = arith.addi %mul3A_3054, %add3A_3167 : i32
      %get3A_3169 = arith.index_cast %add3A_3168 : i32 to index
      %get3A_3170 = tpu.vector_load %arg7[%get3A_3169] {strides = array<i32>} : memref<25600xf32, #tpu.memory_space<vmem>>, vector<16xf32>,
      %add3A_3171 = arith.constant 48 : i32
      %add3A_3172 = arith.addi %mul3A_3054, %add3A_3171 : i32
      %get3A_3173 = arith.index_cast %add3A_3172 : i32 to index
      %get3A_3174 = tpu.vector_load %arg8[%get3A_3173] {strides = array<i32>} : memref<25600xf32, #tpu.memory_space<vmem>>, vector<16xf32>,
      %sub3A_3175 = vector.broadcast %reduce_max3A_3120 : f32 to vector<16xf32>
      %sub3A_3176 = arith.subf %get3A_3170, %sub3A_3175 : vector<16xf32>
      %exp3A_3177 = math.exp %sub3A_3176 : vector<16xf32>
      %add3A_3178 = arith.addf %add3A_3164, %exp3A_3177 : vector<16xf32>
      %mul3A_3179 = arith.mulf %exp3A_3177, %get3A_3174 : vector<16xf32>
      %add3A_3180 = arith.addf %add3A_3166, %mul3A_3179 : vector<16xf32>
      %add3A_3181 = arith.constant 64 : i32
      %add3A_3182 = arith.addi %mul3A_3054, %add3A_3181 : i32
      %get3A_3183 = arith.index_cast %add3A_3182 : i32 to index
      %get3A_3184 = tpu.vector_load %arg7[%get3A_3183] {strides = array<i32>} : memref<25600xf32, #tpu.memory_space<vmem>>, vector<16xf32>,
      %add3A_3185 = arith.constant 64 : i32
      %add3A_3186 = arith.addi %mul3A_3054, %add3A_3185 : i32
      %get3A_3187 = arith.index_cast %add3A_3186 : i32 to index
      %get3A_3188 = tpu.vector_load %arg8[%get3A_3187] {strides = array<i32>} : memref<25600xf32, #tpu.memory_space<vmem>>, vector<16xf32>,
      %sub3A_3189 = vector.broadcast %reduce_max3A_3120 : f32 to vector<16xf32>
      %sub3A_3190 = arith.subf %get3A_3184, %sub3A_3189 : vector<16xf32>
      %exp3A_3191 = math.exp %sub3A_3190 : vector<16xf32>
      %add3A_3192 = arith.addf %add3A_3178, %exp3A_3191 : vector<16xf32>
      %mul3A_3193 = arith.mulf %exp3A_3191, %get3A_3188 : vector<16xf32>
      %add3A_3194 = arith.addf %add3A_3180, %mul3A_3193 : vector<16xf32>
      %add3A_3195 = arith.constant 80 : i32
      %add3A_3196 = arith.addi %mul3A_3054, %add3A_3195 : i32
      %get3A_3197 = arith.index_cast %add3A_3196 : i32 to index
      %get3A_3198 = tpu.vector_load %arg7[%get3A_3197] {strides = array<i32>} : memref<25600xf32, #tpu.memory_space<vmem>>, vector<16xf32>,
      %add3A_3199 = arith.constant 80 : i32
      %add3A_3200 = arith.addi %mul3A_3054, %add3A_3199 : i32
      %get3A_3201 = arith.index_cast %add3A_3200 : i32 to index
      %get3A_3202 = tpu.vector_load %arg8[%get3A_3201] {strides = array<i32>} : memref<25600xf32, #tpu.memory_space<vmem>>, vector<16xf32>,
      %sub3A_3203 = vector.broadcast %reduce_max3A_3120 : f32 to vector<16xf32>
      %sub3A_3204 = arith.subf %get3A_3198, %sub3A_3203 : vector<16xf32>
      %exp3A_3205 = math.exp %sub3A_3204 : vector<16xf32>
      %add3A_3206 = arith.addf %add3A_3192, %exp3A_3205 : vector<16xf32>
      %mul3A_3207 = arith.mulf %exp3A_3205, %get3A_3202 : vector<16xf32>
      %add3A_3208 = arith.addf %add3A_3194, %mul3A_3207 : vector<16xf32>
      %add3A_3209 = arith.constant 96 : i32
      %add3A_3210 = arith.addi %mul3A_3054, %add3A_3209 : i32
      %get3A_3211 = arith.index_cast %add3A_3210 : i32 to index
      %get3A_3212 = tpu.vector_load %arg7[%get3A_3211] {strides = array<i32>} : memref<25600xf32, #tpu.memory_space<vmem>>, vector<16xf32>,
      %add3A_3213 = arith.constant 96 : i32
      %add3A_3214 = arith.addi %mul3A_3054, %add3A_3213 : i32
      %get3A_3215 = arith.index_cast %add3A_3214 : i32 to index
      %get3A_3216 = tpu.vector_load %arg8[%get3A_3215] {strides = array<i32>} : memref<25600xf32, #tpu.memory_space<vmem>>, vector<16xf32>,
      %sub3A_3217 = vector.broadcast %reduce_max3A_3120 : f32 to vector<16xf32>
      %sub3A_3218 = arith.subf %get3A_3212, %sub3A_3217 : vector<16xf32>
      %exp3A_3219 = math.exp %sub3A_3218 : vector<16xf32>
      %add3A_3220 = arith.addf %add3A_3206, %exp3A_3219 : vector<16xf32>
      %mul3A_3221 = arith.mulf %exp3A_3219, %get3A_3216 : vector<16xf32>
      %add3A_3222 = arith.addf %add3A_3208, %mul3A_3221 : vector<16xf32>
      %add3A_3223 = arith.constant 112 : i32
      %add3A_3224 = arith.addi %mul3A_3054, %add3A_3223 : i32
      %get3A_3225 = arith.index_cast %add3A_3224 : i32 to index
      %get3A_3226 = tpu.vector_load %arg7[%get3A_3225] {strides = array<i32>} : memref<25600xf32, #tpu.memory_space<vmem>>, vector<16xf32>,
      %add3A_3227 = arith.constant 112 : i32
      %add3A_3228 = arith.addi %mul3A_3054, %add3A_3227 : i32
      %get3A_3229 = arith.index_cast %add3A_3228 : i32 to index
      %get3A_3230 = tpu.vector_load %arg8[%get3A_3229] {strides = array<i32>} : memref<25600xf32, #tpu.memory_space<vmem>>, vector<16xf32>,
      %sub3A_3231 = vector.broadcast %reduce_max3A_3120 : f32 to vector<16xf32>
      %sub3A_3232 = arith.subf %get3A_3226, %sub3A_3231 : vector<16xf32>
      %exp3A_3233 = math.exp %sub3A_3232 : vector<16xf32>
      %add3A_3234 = arith.addf %add3A_3220, %exp3A_3233 : vector<16xf32>
      %mul3A_3235 = arith.mulf %exp3A_3233, %get3A_3230 : vector<16xf32>
      %add3A_3236 = arith.addf %add3A_3222, %mul3A_3235 : vector<16xf32>
      %add3A_3237 = arith.constant 128 : i32
      %add3A_3238 = arith.addi %mul3A_3054, %add3A_3237 : i32
      %get3A_3239 = arith.index_cast %add3A_3238 : i32 to index
      %get3A_3240 = tpu.vector_load %arg7[%get3A_3239] {strides = array<i32>} : memref<25600xf32, #tpu.memory_space<vmem>>, vector<16xf32>,
      %add3A_3241 = arith.constant 128 : i32
      %add3A_3242 = arith.addi %mul3A_3054, %add3A_3241 : i32
      %get3A_3243 = arith.index_cast %add3A_3242 : i32 to index
      %get3A_3244 = tpu.vector_load %arg8[%get3A_3243] {strides = array<i32>} : memref<25600xf32, #tpu.memory_space<vmem>>, vector<16xf32>,
      %sub3A_3245 = vector.broadcast %reduce_max3A_3120 : f32 to vector<16xf32>
      %sub3A_3246 = arith.subf %get3A_3240, %sub3A_3245 : vector<16xf32>
      %exp3A_3247 = math.exp %sub3A_3246 : vector<16xf32>
      %add3A_3248 = arith.addf %add3A_3234, %exp3A_3247 : vector<16xf32>
      %mul3A_3249 = arith.mulf %exp3A_3247, %get3A_3244 : vector<16xf32>
      %add3A_3250 = arith.addf %add3A_3236, %mul3A_3249 : vector<16xf32>
      %add3A_3251 = arith.constant 144 : i32
      %add3A_3252 = arith.addi %mul3A_3054, %add3A_3251 : i32
      %get3A_3253 = arith.index_cast %add3A_3252 : i32 to index
      %get3A_3254 = tpu.vector_load %arg7[%get3A_3253] {strides = array<i32>} : memref<25600xf32, #tpu.memory_space<vmem>>, vector<16xf32>,
      %add3A_3255 = arith.constant 144 : i32
      %add3A_3256 = arith.addi %mul3A_3054, %add3A_3255 : i32
      %get3A_3257 = arith.index_cast %add3A_3256 : i32 to index
      %get3A_3258 = tpu.vector_load %arg8[%get3A_3257] {strides = array<i32>} : memref<25600xf32, #tpu.memory_space<vmem>>, vector<16xf32>,
      %sub3A_3259 = vector.broadcast %reduce_max3A_3120 : f32 to vector<16xf32>
      %sub3A_3260 = arith.subf %get3A_3254, %sub3A_3259 : vector<16xf32>
      %exp3A_3261 = math.exp %sub3A_3260 : vector<16xf32>
      %add3A_3262 = arith.addf %add3A_3248, %exp3A_3261 : vector<16xf32>
      %mul3A_3263 = arith.mulf %exp3A_3261, %get3A_3258 : vector<16xf32>
      %add3A_3264 = arith.addf %add3A_3250, %mul3A_3263 : vector<16xf32>
      %add3A_3265 = arith.constant 160 : i32
      %add3A_3266 = arith.addi %mul3A_3054, %add3A_3265 : i32
      %get3A_3267 = arith.index_cast %add3A_3266 : i32 to index
      %get3A_3268 = tpu.vector_load %arg7[%get3A_3267] {strides = array<i32>} : memref<25600xf32, #tpu.memory_space<vmem>>, vector<16xf32>,
      %add3A_3269 = arith.constant 160 : i32
      %add3A_3270 = arith.addi %mul3A_3054, %add3A_3269 : i32
      %get3A_3271 = arith.index_cast %add3A_3270 : i32 to index
      %get3A_3272 = tpu.vector_load %arg8[%get3A_3271] {strides = array<i32>} : memref<25600xf32, #tpu.memory_space<vmem>>, vector<16xf32>,
      %sub3A_3273 = vector.broadcast %reduce_max3A_3120 : f32 to vector<16xf32>
      %sub3A_3274 = arith.subf %get3A_3268, %sub3A_3273 : vector<16xf32>
      %exp3A_3275 = math.exp %sub3A_3274 : vector<16xf32>
      %add3A_3276 = arith.addf %add3A_3262, %exp3A_3275 : vector<16xf32>
      %mul3A_3277 = arith.mulf %exp3A_3275, %get3A_3272 : vector<16xf32>
      %add3A_3278 = arith.addf %add3A_3264, %mul3A_3277 : vector<16xf32>
      %add3A_3279 = arith.constant 176 : i32
      %add3A_3280 = arith.addi %mul3A_3054, %add3A_3279 : i32
      %get3A_3281 = arith.index_cast %add3A_3280 : i32 to index
      %get3A_3282 = tpu.vector_load %arg7[%get3A_3281] {strides = array<i32>} : memref<25600xf32, #tpu.memory_space<vmem>>, vector<16xf32>,
      %add3A_3283 = arith.constant 176 : i32
      %add3A_3284 = arith.addi %mul3A_3054, %add3A_3283 : i32
      %get3A_3285 = arith.index_cast %add3A_3284 : i32 to index
      %get3A_3286 = tpu.vector_load %arg8[%get3A_3285] {strides = array<i32>} : memref<25600xf32, #tpu.memory_space<vmem>>, vector<16xf32>,
      %sub3A_3287 = vector.broadcast %reduce_max3A_3120 : f32 to vector<16xf32>
      %sub3A_3288 = arith.subf %get3A_3282, %sub3A_3287 : vector<16xf32>
      %exp3A_3289 = math.exp %sub3A_3288 : vector<16xf32>
      %add3A_3290 = arith.addf %add3A_3276, %exp3A_3289 : vector<16xf32>
      %mul3A_3291 = arith.mulf %exp3A_3289, %get3A_3286 : vector<16xf32>
      %add3A_3292 = arith.addf %add3A_3278, %mul3A_3291 : vector<16xf32>
      %add3A_3293 = arith.constant 184 : i32
      %add3A_3294 = arith.addi %mul3A_3054, %add3A_3293 : i32
      %get3A_3295 = arith.index_cast %add3A_3294 : i32 to index
      %get3A_3296 = tpu.vector_load %arg7[%get3A_3295] {strides = array<i32>} : memref<25600xf32, #tpu.memory_space<vmem>>, vector<16xf32>,
      %add3A_3297 = arith.constant 184 : i32
      %add3A_3298 = arith.addi %mul3A_3054, %add3A_3297 : i32
      %get3A_3299 = arith.index_cast %add3A_3298 : i32 to index
      %get3A_3300 = tpu.vector_load %arg8[%get3A_3299] {strides = array<i32>} : memref<25600xf32, #tpu.memory_space<vmem>>, vector<16xf32>,
      %sub3A_3301 = vector.broadcast %reduce_max3A_3120 : f32 to vector<16xf32>
      %sub3A_3302 = arith.subf %get3A_3296, %sub3A_3301 : vector<16xf32>
      %exp3A_3303 = math.exp %sub3A_3302 : vector<16xf32>
      %jit3A_3304 = arith.constant 0.000000e+00 : f32
      %broadcast_in_dim3A_3305 = vector.broadcast %jit3A_3304 : f32 to vector<16xf32>
      %select_n3A_3306 = arith.select %ge3A_10, %exp3A_3303, %broadcast_in_dim3A_3305 : vector<16xi1>, vector<16xf32>
      %add3A_3307 = arith.addf %add3A_3290, %select_n3A_3306 : vector<16xf32>
      %mul3A_3308 = arith.mulf %select_n3A_3306, %get3A_3300 : vector<16xf32>
      %add3A_3309 = arith.addf %add3A_3292, %mul3A_3308 : vector<16xf32>
      %eq3A_3310 = arith.constant 11 : i32
      %eq3A_3311 = vector.broadcast %eq3A_3310 : i32 to vector<16xi32>
      %eq3A_3312 = arith.cmpi eq, %iota3A, %eq3A_3311 : vector<16xi32>
      %reduce_sum3A_3313 = arith.constant true
      %reduce_sum3A_3314 = vector.broadcast %reduce_sum3A_3313 : i1 to vector<16xi1>
      %reduce_sum3A_3315 = tpu.scan <sum>, %add3A_3309 masked %reduce_sum3A_3314 : vector<16xf32>, vector<16xi1> -> vector<16xf32>
      %reduce_sum3A_3316 = vector.extract %reduce_sum3A_3315[15] : f32 from vector<16xf32>
      %broadcast_in_dim3A_3317 = vector.broadcast %reduce_sum3A_3316 : f32 to vector<16xf32>
      %select_n3A_3318 = arith.select %eq3A_3312, %broadcast_in_dim3A_3317, %select_n3A_3042 : vector<16xi1>, vector<16xf32>
      %reduce_sum3A_3319 = arith.constant true
      %reduce_sum3A_3320 = vector.broadcast %reduce_sum3A_3319 : i1 to vector<16xi1>
      %reduce_sum3A_3321 = tpu.scan <sum>, %add3A_3307 masked %reduce_sum3A_3320 : vector<16xf32>, vector<16xi1> -> vector<16xf32>
      %reduce_sum3A_3322 = vector.extract %reduce_sum3A_3321[15] : f32 from vector<16xf32>
      %broadcast_in_dim3A_3323 = vector.broadcast %reduce_sum3A_3322 : f32 to vector<16xf32>
      %select_n3A_3324 = arith.select %eq3A_3312, %broadcast_in_dim3A_3323, %select_n3A_3048 : vector<16xi1>, vector<16xf32>
      %mul3A_3325 = arith.constant 16 : i32
      %mul3A_3326 = arith.muli %scan3A_18, %mul3A_3325 : i32
      %add3A_3327 = arith.constant 12 : i32
      %add3A_3328 = arith.addi %mul3A_3326, %add3A_3327 : i32
      %mul3A_3329 = arith.constant 200 : i32
      %mul3A_3330 = arith.muli %add3A_3328, %mul3A_3329 : i32
      %get3A_3331 = arith.index_cast %mul3A_3330 : i32 to index
      %get3A_3332 = tpu.vector_load %arg7[%get3A_3331] {strides = array<i32>} : memref<25600xf32, #tpu.memory_space<vmem>>, vector<16xf32>,
      %add3A_3333 = arith.constant 16 : i32
      %add3A_3334 = arith.addi %mul3A_3330, %add3A_3333 : i32
      %get3A_3335 = arith.index_cast %add3A_3334 : i32 to index
      %get3A_3336 = tpu.vector_load %arg7[%get3A_3335] {strides = array<i32>} : memref<25600xf32, #tpu.memory_space<vmem>>, vector<16xf32>,
      %max3A_3337 = arith.maximumf %get3A_3332, %get3A_3336 : vector<16xf32>
      %add3A_3338 = arith.constant 32 : i32
      %add3A_3339 = arith.addi %mul3A_3330, %add3A_3338 : i32
      %get3A_3340 = arith.index_cast %add3A_3339 : i32 to index
      %get3A_3341 = tpu.vector_load %arg7[%get3A_3340] {strides = array<i32>} : memref<25600xf32, #tpu.memory_space<vmem>>, vector<16xf32>,
      %max3A_3342 = arith.maximumf %max3A_3337, %get3A_3341 : vector<16xf32>
      %add3A_3343 = arith.constant 48 : i32
      %add3A_3344 = arith.addi %mul3A_3330, %add3A_3343 : i32
      %get3A_3345 = arith.index_cast %add3A_3344 : i32 to index
      %get3A_3346 = tpu.vector_load %arg7[%get3A_3345] {strides = array<i32>} : memref<25600xf32, #tpu.memory_space<vmem>>, vector<16xf32>,
      %max3A_3347 = arith.maximumf %max3A_3342, %get3A_3346 : vector<16xf32>
      %add3A_3348 = arith.constant 64 : i32
      %add3A_3349 = arith.addi %mul3A_3330, %add3A_3348 : i32
      %get3A_3350 = arith.index_cast %add3A_3349 : i32 to index
      %get3A_3351 = tpu.vector_load %arg7[%get3A_3350] {strides = array<i32>} : memref<25600xf32, #tpu.memory_space<vmem>>, vector<16xf32>,
      %max3A_3352 = arith.maximumf %max3A_3347, %get3A_3351 : vector<16xf32>
      %add3A_3353 = arith.constant 80 : i32
      %add3A_3354 = arith.addi %mul3A_3330, %add3A_3353 : i32
      %get3A_3355 = arith.index_cast %add3A_3354 : i32 to index
      %get3A_3356 = tpu.vector_load %arg7[%get3A_3355] {strides = array<i32>} : memref<25600xf32, #tpu.memory_space<vmem>>, vector<16xf32>,
      %max3A_3357 = arith.maximumf %max3A_3352, %get3A_3356 : vector<16xf32>
      %add3A_3358 = arith.constant 96 : i32
      %add3A_3359 = arith.addi %mul3A_3330, %add3A_3358 : i32
      %get3A_3360 = arith.index_cast %add3A_3359 : i32 to index
      %get3A_3361 = tpu.vector_load %arg7[%get3A_3360] {strides = array<i32>} : memref<25600xf32, #tpu.memory_space<vmem>>, vector<16xf32>,
      %max3A_3362 = arith.maximumf %max3A_3357, %get3A_3361 : vector<16xf32>
      %add3A_3363 = arith.constant 112 : i32
      %add3A_3364 = arith.addi %mul3A_3330, %add3A_3363 : i32
      %get3A_3365 = arith.index_cast %add3A_3364 : i32 to index
      %get3A_3366 = tpu.vector_load %arg7[%get3A_3365] {strides = array<i32>} : memref<25600xf32, #tpu.memory_space<vmem>>, vector<16xf32>,
      %max3A_3367 = arith.maximumf %max3A_3362, %get3A_3366 : vector<16xf32>
      %add3A_3368 = arith.constant 128 : i32
      %add3A_3369 = arith.addi %mul3A_3330, %add3A_3368 : i32
      %get3A_3370 = arith.index_cast %add3A_3369 : i32 to index
      %get3A_3371 = tpu.vector_load %arg7[%get3A_3370] {strides = array<i32>} : memref<25600xf32, #tpu.memory_space<vmem>>, vector<16xf32>,
      %max3A_3372 = arith.maximumf %max3A_3367, %get3A_3371 : vector<16xf32>
      %add3A_3373 = arith.constant 144 : i32
      %add3A_3374 = arith.addi %mul3A_3330, %add3A_3373 : i32
      %get3A_3375 = arith.index_cast %add3A_3374 : i32 to index
      %get3A_3376 = tpu.vector_load %arg7[%get3A_3375] {strides = array<i32>} : memref<25600xf32, #tpu.memory_space<vmem>>, vector<16xf32>,
      %max3A_3377 = arith.maximumf %max3A_3372, %get3A_3376 : vector<16xf32>
      %add3A_3378 = arith.constant 160 : i32
      %add3A_3379 = arith.addi %mul3A_3330, %add3A_3378 : i32
      %get3A_3380 = arith.index_cast %add3A_3379 : i32 to index
      %get3A_3381 = tpu.vector_load %arg7[%get3A_3380] {strides = array<i32>} : memref<25600xf32, #tpu.memory_space<vmem>>, vector<16xf32>,
      %max3A_3382 = arith.maximumf %max3A_3377, %get3A_3381 : vector<16xf32>
      %add3A_3383 = arith.constant 176 : i32
      %add3A_3384 = arith.addi %mul3A_3330, %add3A_3383 : i32
      %get3A_3385 = arith.index_cast %add3A_3384 : i32 to index
      %get3A_3386 = tpu.vector_load %arg7[%get3A_3385] {strides = array<i32>} : memref<25600xf32, #tpu.memory_space<vmem>>, vector<16xf32>,
      %max3A_3387 = arith.maximumf %max3A_3382, %get3A_3386 : vector<16xf32>
      %add3A_3388 = arith.constant 184 : i32
      %add3A_3389 = arith.addi %mul3A_3330, %add3A_3388 : i32
      %get3A_3390 = arith.index_cast %add3A_3389 : i32 to index
      %get3A_3391 = tpu.vector_load %arg7[%get3A_3390] {strides = array<i32>} : memref<25600xf32, #tpu.memory_space<vmem>>, vector<16xf32>,
      %max3A_3392 = arith.maximumf %max3A_3387, %get3A_3391 : vector<16xf32>
      %reduce_max3A_3393 = arith.constant true
      %reduce_max3A_3394 = vector.broadcast %reduce_max3A_3393 : i1 to vector<16xi1>
      %reduce_max3A_3395 = tpu.scan <max>, %max3A_3392 masked %reduce_max3A_3394 : vector<16xf32>, vector<16xi1> -> vector<16xf32>
      %reduce_max3A_3396 = vector.extract %reduce_max3A_3395[15] : f32 from vector<16xf32>
      %broadcast_in_dim3A_3397 = arith.constant 0.000000e+00 : f32
      %broadcast_in_dim3A_3398 = vector.broadcast %broadcast_in_dim3A_3397 : f32 to vector<16xf32>
      %broadcast_in_dim3A_3399 = arith.constant 0.000000e+00 : f32
      %broadcast_in_dim3A_3400 = vector.broadcast %broadcast_in_dim3A_3399 : f32 to vector<16xf32>
      %add3A_3401 = arith.constant 0 : i32
      %add3A_3402 = arith.addi %mul3A_3330, %add3A_3401 : i32
      %get3A_3403 = arith.index_cast %add3A_3402 : i32 to index
      %get3A_3404 = tpu.vector_load %arg7[%get3A_3403] {strides = array<i32>} : memref<25600xf32, #tpu.memory_space<vmem>>, vector<16xf32>,
      %add3A_3405 = arith.constant 0 : i32
      %add3A_3406 = arith.addi %mul3A_3330, %add3A_3405 : i32
      %get3A_3407 = arith.index_cast %add3A_3406 : i32 to index
      %get3A_3408 = tpu.vector_load %arg8[%get3A_3407] {strides = array<i32>} : memref<25600xf32, #tpu.memory_space<vmem>>, vector<16xf32>,
      %sub3A_3409 = vector.broadcast %reduce_max3A_3396 : f32 to vector<16xf32>
      %sub3A_3410 = arith.subf %get3A_3404, %sub3A_3409 : vector<16xf32>
      %exp3A_3411 = math.exp %sub3A_3410 : vector<16xf32>
      %add3A_3412 = arith.addf %broadcast_in_dim3A_3398, %exp3A_3411 : vector<16xf32>
      %mul3A_3413 = arith.mulf %exp3A_3411, %get3A_3408 : vector<16xf32>
      %add3A_3414 = arith.addf %broadcast_in_dim3A_3400, %mul3A_3413 : vector<16xf32>
      %add3A_3415 = arith.constant 16 : i32
      %add3A_3416 = arith.addi %mul3A_3330, %add3A_3415 : i32
      %get3A_3417 = arith.index_cast %add3A_3416 : i32 to index
      %get3A_3418 = tpu.vector_load %arg7[%get3A_3417] {strides = array<i32>} : memref<25600xf32, #tpu.memory_space<vmem>>, vector<16xf32>,
      %add3A_3419 = arith.constant 16 : i32
      %add3A_3420 = arith.addi %mul3A_3330, %add3A_3419 : i32
      %get3A_3421 = arith.index_cast %add3A_3420 : i32 to index
      %get3A_3422 = tpu.vector_load %arg8[%get3A_3421] {strides = array<i32>} : memref<25600xf32, #tpu.memory_space<vmem>>, vector<16xf32>,
      %sub3A_3423 = vector.broadcast %reduce_max3A_3396 : f32 to vector<16xf32>
      %sub3A_3424 = arith.subf %get3A_3418, %sub3A_3423 : vector<16xf32>
      %exp3A_3425 = math.exp %sub3A_3424 : vector<16xf32>
      %add3A_3426 = arith.addf %add3A_3412, %exp3A_3425 : vector<16xf32>
      %mul3A_3427 = arith.mulf %exp3A_3425, %get3A_3422 : vector<16xf32>
      %add3A_3428 = arith.addf %add3A_3414, %mul3A_3427 : vector<16xf32>
      %add3A_3429 = arith.constant 32 : i32
      %add3A_3430 = arith.addi %mul3A_3330, %add3A_3429 : i32
      %get3A_3431 = arith.index_cast %add3A_3430 : i32 to index
      %get3A_3432 = tpu.vector_load %arg7[%get3A_3431] {strides = array<i32>} : memref<25600xf32, #tpu.memory_space<vmem>>, vector<16xf32>,
      %add3A_3433 = arith.constant 32 : i32
      %add3A_3434 = arith.addi %mul3A_3330, %add3A_3433 : i32
      %get3A_3435 = arith.index_cast %add3A_3434 : i32 to index
      %get3A_3436 = tpu.vector_load %arg8[%get3A_3435] {strides = array<i32>} : memref<25600xf32, #tpu.memory_space<vmem>>, vector<16xf32>,
      %sub3A_3437 = vector.broadcast %reduce_max3A_3396 : f32 to vector<16xf32>
      %sub3A_3438 = arith.subf %get3A_3432, %sub3A_3437 : vector<16xf32>
      %exp3A_3439 = math.exp %sub3A_3438 : vector<16xf32>
      %add3A_3440 = arith.addf %add3A_3426, %exp3A_3439 : vector<16xf32>
      %mul3A_3441 = arith.mulf %exp3A_3439, %get3A_3436 : vector<16xf32>
      %add3A_3442 = arith.addf %add3A_3428, %mul3A_3441 : vector<16xf32>
      %add3A_3443 = arith.constant 48 : i32
      %add3A_3444 = arith.addi %mul3A_3330, %add3A_3443 : i32
      %get3A_3445 = arith.index_cast %add3A_3444 : i32 to index
      %get3A_3446 = tpu.vector_load %arg7[%get3A_3445] {strides = array<i32>} : memref<25600xf32, #tpu.memory_space<vmem>>, vector<16xf32>,
      %add3A_3447 = arith.constant 48 : i32
      %add3A_3448 = arith.addi %mul3A_3330, %add3A_3447 : i32
      %get3A_3449 = arith.index_cast %add3A_3448 : i32 to index
      %get3A_3450 = tpu.vector_load %arg8[%get3A_3449] {strides = array<i32>} : memref<25600xf32, #tpu.memory_space<vmem>>, vector<16xf32>,
      %sub3A_3451 = vector.broadcast %reduce_max3A_3396 : f32 to vector<16xf32>
      %sub3A_3452 = arith.subf %get3A_3446, %sub3A_3451 : vector<16xf32>
      %exp3A_3453 = math.exp %sub3A_3452 : vector<16xf32>
      %add3A_3454 = arith.addf %add3A_3440, %exp3A_3453 : vector<16xf32>
      %mul3A_3455 = arith.mulf %exp3A_3453, %get3A_3450 : vector<16xf32>
      %add3A_3456 = arith.addf %add3A_3442, %mul3A_3455 : vector<16xf32>
      %add3A_3457 = arith.constant 64 : i32
      %add3A_3458 = arith.addi %mul3A_3330, %add3A_3457 : i32
      %get3A_3459 = arith.index_cast %add3A_3458 : i32 to index
      %get3A_3460 = tpu.vector_load %arg7[%get3A_3459] {strides = array<i32>} : memref<25600xf32, #tpu.memory_space<vmem>>, vector<16xf32>,
      %add3A_3461 = arith.constant 64 : i32
      %add3A_3462 = arith.addi %mul3A_3330, %add3A_3461 : i32
      %get3A_3463 = arith.index_cast %add3A_3462 : i32 to index
      %get3A_3464 = tpu.vector_load %arg8[%get3A_3463] {strides = array<i32>} : memref<25600xf32, #tpu.memory_space<vmem>>, vector<16xf32>,
      %sub3A_3465 = vector.broadcast %reduce_max3A_3396 : f32 to vector<16xf32>
      %sub3A_3466 = arith.subf %get3A_3460, %sub3A_3465 : vector<16xf32>
      %exp3A_3467 = math.exp %sub3A_3466 : vector<16xf32>
      %add3A_3468 = arith.addf %add3A_3454, %exp3A_3467 : vector<16xf32>
      %mul3A_3469 = arith.mulf %exp3A_3467, %get3A_3464 : vector<16xf32>
      %add3A_3470 = arith.addf %add3A_3456, %mul3A_3469 : vector<16xf32>
      %add3A_3471 = arith.constant 80 : i32
      %add3A_3472 = arith.addi %mul3A_3330, %add3A_3471 : i32
      %get3A_3473 = arith.index_cast %add3A_3472 : i32 to index
      %get3A_3474 = tpu.vector_load %arg7[%get3A_3473] {strides = array<i32>} : memref<25600xf32, #tpu.memory_space<vmem>>, vector<16xf32>,
      %add3A_3475 = arith.constant 80 : i32
      %add3A_3476 = arith.addi %mul3A_3330, %add3A_3475 : i32
      %get3A_3477 = arith.index_cast %add3A_3476 : i32 to index
      %get3A_3478 = tpu.vector_load %arg8[%get3A_3477] {strides = array<i32>} : memref<25600xf32, #tpu.memory_space<vmem>>, vector<16xf32>,
      %sub3A_3479 = vector.broadcast %reduce_max3A_3396 : f32 to vector<16xf32>
      %sub3A_3480 = arith.subf %get3A_3474, %sub3A_3479 : vector<16xf32>
      %exp3A_3481 = math.exp %sub3A_3480 : vector<16xf32>
      %add3A_3482 = arith.addf %add3A_3468, %exp3A_3481 : vector<16xf32>
      %mul3A_3483 = arith.mulf %exp3A_3481, %get3A_3478 : vector<16xf32>
      %add3A_3484 = arith.addf %add3A_3470, %mul3A_3483 : vector<16xf32>
      %add3A_3485 = arith.constant 96 : i32
      %add3A_3486 = arith.addi %mul3A_3330, %add3A_3485 : i32
      %get3A_3487 = arith.index_cast %add3A_3486 : i32 to index
      %get3A_3488 = tpu.vector_load %arg7[%get3A_3487] {strides = array<i32>} : memref<25600xf32, #tpu.memory_space<vmem>>, vector<16xf32>,
      %add3A_3489 = arith.constant 96 : i32
      %add3A_3490 = arith.addi %mul3A_3330, %add3A_3489 : i32
      %get3A_3491 = arith.index_cast %add3A_3490 : i32 to index
      %get3A_3492 = tpu.vector_load %arg8[%get3A_3491] {strides = array<i32>} : memref<25600xf32, #tpu.memory_space<vmem>>, vector<16xf32>,
      %sub3A_3493 = vector.broadcast %reduce_max3A_3396 : f32 to vector<16xf32>
      %sub3A_3494 = arith.subf %get3A_3488, %sub3A_3493 : vector<16xf32>
      %exp3A_3495 = math.exp %sub3A_3494 : vector<16xf32>
      %add3A_3496 = arith.addf %add3A_3482, %exp3A_3495 : vector<16xf32>
      %mul3A_3497 = arith.mulf %exp3A_3495, %get3A_3492 : vector<16xf32>
      %add3A_3498 = arith.addf %add3A_3484, %mul3A_3497 : vector<16xf32>
      %add3A_3499 = arith.constant 112 : i32
      %add3A_3500 = arith.addi %mul3A_3330, %add3A_3499 : i32
      %get3A_3501 = arith.index_cast %add3A_3500 : i32 to index
      %get3A_3502 = tpu.vector_load %arg7[%get3A_3501] {strides = array<i32>} : memref<25600xf32, #tpu.memory_space<vmem>>, vector<16xf32>,
      %add3A_3503 = arith.constant 112 : i32
      %add3A_3504 = arith.addi %mul3A_3330, %add3A_3503 : i32
      %get3A_3505 = arith.index_cast %add3A_3504 : i32 to index
      %get3A_3506 = tpu.vector_load %arg8[%get3A_3505] {strides = array<i32>} : memref<25600xf32, #tpu.memory_space<vmem>>, vector<16xf32>,
      %sub3A_3507 = vector.broadcast %reduce_max3A_3396 : f32 to vector<16xf32>
      %sub3A_3508 = arith.subf %get3A_3502, %sub3A_3507 : vector<16xf32>
      %exp3A_3509 = math.exp %sub3A_3508 : vector<16xf32>
      %add3A_3510 = arith.addf %add3A_3496, %exp3A_3509 : vector<16xf32>
      %mul3A_3511 = arith.mulf %exp3A_3509, %get3A_3506 : vector<16xf32>
      %add3A_3512 = arith.addf %add3A_3498, %mul3A_3511 : vector<16xf32>
      %add3A_3513 = arith.constant 128 : i32
      %add3A_3514 = arith.addi %mul3A_3330, %add3A_3513 : i32
      %get3A_3515 = arith.index_cast %add3A_3514 : i32 to index
      %get3A_3516 = tpu.vector_load %arg7[%get3A_3515] {strides = array<i32>} : memref<25600xf32, #tpu.memory_space<vmem>>, vector<16xf32>,
      %add3A_3517 = arith.constant 128 : i32
      %add3A_3518 = arith.addi %mul3A_3330, %add3A_3517 : i32
      %get3A_3519 = arith.index_cast %add3A_3518 : i32 to index
      %get3A_3520 = tpu.vector_load %arg8[%get3A_3519] {strides = array<i32>} : memref<25600xf32, #tpu.memory_space<vmem>>, vector<16xf32>,
      %sub3A_3521 = vector.broadcast %reduce_max3A_3396 : f32 to vector<16xf32>
      %sub3A_3522 = arith.subf %get3A_3516, %sub3A_3521 : vector<16xf32>
      %exp3A_3523 = math.exp %sub3A_3522 : vector<16xf32>
      %add3A_3524 = arith.addf %add3A_3510, %exp3A_3523 : vector<16xf32>
      %mul3A_3525 = arith.mulf %exp3A_3523, %get3A_3520 : vector<16xf32>
      %add3A_3526 = arith.addf %add3A_3512, %mul3A_3525 : vector<16xf32>
      %add3A_3527 = arith.constant 144 : i32
      %add3A_3528 = arith.addi %mul3A_3330, %add3A_3527 : i32
      %get3A_3529 = arith.index_cast %add3A_3528 : i32 to index
      %get3A_3530 = tpu.vector_load %arg7[%get3A_3529] {strides = array<i32>} : memref<25600xf32, #tpu.memory_space<vmem>>, vector<16xf32>,
      %add3A_3531 = arith.constant 144 : i32
      %add3A_3532 = arith.addi %mul3A_3330, %add3A_3531 : i32
      %get3A_3533 = arith.index_cast %add3A_3532 : i32 to index
      %get3A_3534 = tpu.vector_load %arg8[%get3A_3533] {strides = array<i32>} : memref<25600xf32, #tpu.memory_space<vmem>>, vector<16xf32>,
      %sub3A_3535 = vector.broadcast %reduce_max3A_3396 : f32 to vector<16xf32>
      %sub3A_3536 = arith.subf %get3A_3530, %sub3A_3535 : vector<16xf32>
      %exp3A_3537 = math.exp %sub3A_3536 : vector<16xf32>
      %add3A_3538 = arith.addf %add3A_3524, %exp3A_3537 : vector<16xf32>
      %mul3A_3539 = arith.mulf %exp3A_3537, %get3A_3534 : vector<16xf32>
      %add3A_3540 = arith.addf %add3A_3526, %mul3A_3539 : vector<16xf32>
      %add3A_3541 = arith.constant 160 : i32
      %add3A_3542 = arith.addi %mul3A_3330, %add3A_3541 : i32
      %get3A_3543 = arith.index_cast %add3A_3542 : i32 to index
      %get3A_3544 = tpu.vector_load %arg7[%get3A_3543] {strides = array<i32>} : memref<25600xf32, #tpu.memory_space<vmem>>, vector<16xf32>,
      %add3A_3545 = arith.constant 160 : i32
      %add3A_3546 = arith.addi %mul3A_3330, %add3A_3545 : i32
      %get3A_3547 = arith.index_cast %add3A_3546 : i32 to index
      %get3A_3548 = tpu.vector_load %arg8[%get3A_3547] {strides = array<i32>} : memref<25600xf32, #tpu.memory_space<vmem>>, vector<16xf32>,
      %sub3A_3549 = vector.broadcast %reduce_max3A_3396 : f32 to vector<16xf32>
      %sub3A_3550 = arith.subf %get3A_3544, %sub3A_3549 : vector<16xf32>
      %exp3A_3551 = math.exp %sub3A_3550 : vector<16xf32>
      %add3A_3552 = arith.addf %add3A_3538, %exp3A_3551 : vector<16xf32>
      %mul3A_3553 = arith.mulf %exp3A_3551, %get3A_3548 : vector<16xf32>
      %add3A_3554 = arith.addf %add3A_3540, %mul3A_3553 : vector<16xf32>
      %add3A_3555 = arith.constant 176 : i32
      %add3A_3556 = arith.addi %mul3A_3330, %add3A_3555 : i32
      %get3A_3557 = arith.index_cast %add3A_3556 : i32 to index
      %get3A_3558 = tpu.vector_load %arg7[%get3A_3557] {strides = array<i32>} : memref<25600xf32, #tpu.memory_space<vmem>>, vector<16xf32>,
      %add3A_3559 = arith.constant 176 : i32
      %add3A_3560 = arith.addi %mul3A_3330, %add3A_3559 : i32
      %get3A_3561 = arith.index_cast %add3A_3560 : i32 to index
      %get3A_3562 = tpu.vector_load %arg8[%get3A_3561] {strides = array<i32>} : memref<25600xf32, #tpu.memory_space<vmem>>, vector<16xf32>,
      %sub3A_3563 = vector.broadcast %reduce_max3A_3396 : f32 to vector<16xf32>
      %sub3A_3564 = arith.subf %get3A_3558, %sub3A_3563 : vector<16xf32>
      %exp3A_3565 = math.exp %sub3A_3564 : vector<16xf32>
      %add3A_3566 = arith.addf %add3A_3552, %exp3A_3565 : vector<16xf32>
      %mul3A_3567 = arith.mulf %exp3A_3565, %get3A_3562 : vector<16xf32>
      %add3A_3568 = arith.addf %add3A_3554, %mul3A_3567 : vector<16xf32>
      %add3A_3569 = arith.constant 184 : i32
      %add3A_3570 = arith.addi %mul3A_3330, %add3A_3569 : i32
      %get3A_3571 = arith.index_cast %add3A_3570 : i32 to index
      %get3A_3572 = tpu.vector_load %arg7[%get3A_3571] {strides = array<i32>} : memref<25600xf32, #tpu.memory_space<vmem>>, vector<16xf32>,
      %add3A_3573 = arith.constant 184 : i32
      %add3A_3574 = arith.addi %mul3A_3330, %add3A_3573 : i32
      %get3A_3575 = arith.index_cast %add3A_3574 : i32 to index
      %get3A_3576 = tpu.vector_load %arg8[%get3A_3575] {strides = array<i32>} : memref<25600xf32, #tpu.memory_space<vmem>>, vector<16xf32>,
      %sub3A_3577 = vector.broadcast %reduce_max3A_3396 : f32 to vector<16xf32>
      %sub3A_3578 = arith.subf %get3A_3572, %sub3A_3577 : vector<16xf32>
      %exp3A_3579 = math.exp %sub3A_3578 : vector<16xf32>
      %jit3A_3580 = arith.constant 0.000000e+00 : f32
      %broadcast_in_dim3A_3581 = vector.broadcast %jit3A_3580 : f32 to vector<16xf32>
      %select_n3A_3582 = arith.select %ge3A_10, %exp3A_3579, %broadcast_in_dim3A_3581 : vector<16xi1>, vector<16xf32>
      %add3A_3583 = arith.addf %add3A_3566, %select_n3A_3582 : vector<16xf32>
      %mul3A_3584 = arith.mulf %select_n3A_3582, %get3A_3576 : vector<16xf32>
      %add3A_3585 = arith.addf %add3A_3568, %mul3A_3584 : vector<16xf32>
      %eq3A_3586 = arith.constant 12 : i32
      %eq3A_3587 = vector.broadcast %eq3A_3586 : i32 to vector<16xi32>
      %eq3A_3588 = arith.cmpi eq, %iota3A, %eq3A_3587 : vector<16xi32>
      %reduce_sum3A_3589 = arith.constant true
      %reduce_sum3A_3590 = vector.broadcast %reduce_sum3A_3589 : i1 to vector<16xi1>
      %reduce_sum3A_3591 = tpu.scan <sum>, %add3A_3585 masked %reduce_sum3A_3590 : vector<16xf32>, vector<16xi1> -> vector<16xf32>
      %reduce_sum3A_3592 = vector.extract %reduce_sum3A_3591[15] : f32 from vector<16xf32>
      %broadcast_in_dim3A_3593 = vector.broadcast %reduce_sum3A_3592 : f32 to vector<16xf32>
      %select_n3A_3594 = arith.select %eq3A_3588, %broadcast_in_dim3A_3593, %select_n3A_3318 : vector<16xi1>, vector<16xf32>
      %reduce_sum3A_3595 = arith.constant true
      %reduce_sum3A_3596 = vector.broadcast %reduce_sum3A_3595 : i1 to vector<16xi1>
      %reduce_sum3A_3597 = tpu.scan <sum>, %add3A_3583 masked %reduce_sum3A_3596 : vector<16xf32>, vector<16xi1> -> vector<16xf32>
      %reduce_sum3A_3598 = vector.extract %reduce_sum3A_3597[15] : f32 from vector<16xf32>
      %broadcast_in_dim3A_3599 = vector.broadcast %reduce_sum3A_3598 : f32 to vector<16xf32>
      %select_n3A_3600 = arith.select %eq3A_3588, %broadcast_in_dim3A_3599, %select_n3A_3324 : vector<16xi1>, vector<16xf32>
      %mul3A_3601 = arith.constant 16 : i32
      %mul3A_3602 = arith.muli %scan3A_18, %mul3A_3601 : i32
      %add3A_3603 = arith.constant 13 : i32
      %add3A_3604 = arith.addi %mul3A_3602, %add3A_3603 : i32
      %mul3A_3605 = arith.constant 200 : i32
      %mul3A_3606 = arith.muli %add3A_3604, %mul3A_3605 : i32
      %get3A_3607 = arith.index_cast %mul3A_3606 : i32 to index
      %get3A_3608 = tpu.vector_load %arg7[%get3A_3607] {strides = array<i32>} : memref<25600xf32, #tpu.memory_space<vmem>>, vector<16xf32>,
      %add3A_3609 = arith.constant 16 : i32
      %add3A_3610 = arith.addi %mul3A_3606, %add3A_3609 : i32
      %get3A_3611 = arith.index_cast %add3A_3610 : i32 to index
      %get3A_3612 = tpu.vector_load %arg7[%get3A_3611] {strides = array<i32>} : memref<25600xf32, #tpu.memory_space<vmem>>, vector<16xf32>,
      %max3A_3613 = arith.maximumf %get3A_3608, %get3A_3612 : vector<16xf32>
      %add3A_3614 = arith.constant 32 : i32
      %add3A_3615 = arith.addi %mul3A_3606, %add3A_3614 : i32
      %get3A_3616 = arith.index_cast %add3A_3615 : i32 to index
      %get3A_3617 = tpu.vector_load %arg7[%get3A_3616] {strides = array<i32>} : memref<25600xf32, #tpu.memory_space<vmem>>, vector<16xf32>,
      %max3A_3618 = arith.maximumf %max3A_3613, %get3A_3617 : vector<16xf32>
      %add3A_3619 = arith.constant 48 : i32
      %add3A_3620 = arith.addi %mul3A_3606, %add3A_3619 : i32
      %get3A_3621 = arith.index_cast %add3A_3620 : i32 to index
      %get3A_3622 = tpu.vector_load %arg7[%get3A_3621] {strides = array<i32>} : memref<25600xf32, #tpu.memory_space<vmem>>, vector<16xf32>,
      %max3A_3623 = arith.maximumf %max3A_3618, %get3A_3622 : vector<16xf32>
      %add3A_3624 = arith.constant 64 : i32
      %add3A_3625 = arith.addi %mul3A_3606, %add3A_3624 : i32
      %get3A_3626 = arith.index_cast %add3A_3625 : i32 to index
      %get3A_3627 = tpu.vector_load %arg7[%get3A_3626] {strides = array<i32>} : memref<25600xf32, #tpu.memory_space<vmem>>, vector<16xf32>,
      %max3A_3628 = arith.maximumf %max3A_3623, %get3A_3627 : vector<16xf32>
      %add3A_3629 = arith.constant 80 : i32
      %add3A_3630 = arith.addi %mul3A_3606, %add3A_3629 : i32
      %get3A_3631 = arith.index_cast %add3A_3630 : i32 to index
      %get3A_3632 = tpu.vector_load %arg7[%get3A_3631] {strides = array<i32>} : memref<25600xf32, #tpu.memory_space<vmem>>, vector<16xf32>,
      %max3A_3633 = arith.maximumf %max3A_3628, %get3A_3632 : vector<16xf32>
      %add3A_3634 = arith.constant 96 : i32
      %add3A_3635 = arith.addi %mul3A_3606, %add3A_3634 : i32
      %get3A_3636 = arith.index_cast %add3A_3635 : i32 to index
      %get3A_3637 = tpu.vector_load %arg7[%get3A_3636] {strides = array<i32>} : memref<25600xf32, #tpu.memory_space<vmem>>, vector<16xf32>,
      %max3A_3638 = arith.maximumf %max3A_3633, %get3A_3637 : vector<16xf32>
      %add3A_3639 = arith.constant 112 : i32
      %add3A_3640 = arith.addi %mul3A_3606, %add3A_3639 : i32
      %get3A_3641 = arith.index_cast %add3A_3640 : i32 to index
      %get3A_3642 = tpu.vector_load %arg7[%get3A_3641] {strides = array<i32>} : memref<25600xf32, #tpu.memory_space<vmem>>, vector<16xf32>,
      %max3A_3643 = arith.maximumf %max3A_3638, %get3A_3642 : vector<16xf32>
      %add3A_3644 = arith.constant 128 : i32
      %add3A_3645 = arith.addi %mul3A_3606, %add3A_3644 : i32
      %get3A_3646 = arith.index_cast %add3A_3645 : i32 to index
      %get3A_3647 = tpu.vector_load %arg7[%get3A_3646] {strides = array<i32>} : memref<25600xf32, #tpu.memory_space<vmem>>, vector<16xf32>,
      %max3A_3648 = arith.maximumf %max3A_3643, %get3A_3647 : vector<16xf32>
      %add3A_3649 = arith.constant 144 : i32
      %add3A_3650 = arith.addi %mul3A_3606, %add3A_3649 : i32
      %get3A_3651 = arith.index_cast %add3A_3650 : i32 to index
      %get3A_3652 = tpu.vector_load %arg7[%get3A_3651] {strides = array<i32>} : memref<25600xf32, #tpu.memory_space<vmem>>, vector<16xf32>,
      %max3A_3653 = arith.maximumf %max3A_3648, %get3A_3652 : vector<16xf32>
      %add3A_3654 = arith.constant 160 : i32
      %add3A_3655 = arith.addi %mul3A_3606, %add3A_3654 : i32
      %get3A_3656 = arith.index_cast %add3A_3655 : i32 to index
      %get3A_3657 = tpu.vector_load %arg7[%get3A_3656] {strides = array<i32>} : memref<25600xf32, #tpu.memory_space<vmem>>, vector<16xf32>,
      %max3A_3658 = arith.maximumf %max3A_3653, %get3A_3657 : vector<16xf32>
      %add3A_3659 = arith.constant 176 : i32
      %add3A_3660 = arith.addi %mul3A_3606, %add3A_3659 : i32
      %get3A_3661 = arith.index_cast %add3A_3660 : i32 to index
      %get3A_3662 = tpu.vector_load %arg7[%get3A_3661] {strides = array<i32>} : memref<25600xf32, #tpu.memory_space<vmem>>, vector<16xf32>,
      %max3A_3663 = arith.maximumf %max3A_3658, %get3A_3662 : vector<16xf32>
      %add3A_3664 = arith.constant 184 : i32
      %add3A_3665 = arith.addi %mul3A_3606, %add3A_3664 : i32
      %get3A_3666 = arith.index_cast %add3A_3665 : i32 to index
      %get3A_3667 = tpu.vector_load %arg7[%get3A_3666] {strides = array<i32>} : memref<25600xf32, #tpu.memory_space<vmem>>, vector<16xf32>,
      %max3A_3668 = arith.maximumf %max3A_3663, %get3A_3667 : vector<16xf32>
      %reduce_max3A_3669 = arith.constant true
      %reduce_max3A_3670 = vector.broadcast %reduce_max3A_3669 : i1 to vector<16xi1>
      %reduce_max3A_3671 = tpu.scan <max>, %max3A_3668 masked %reduce_max3A_3670 : vector<16xf32>, vector<16xi1> -> vector<16xf32>
      %reduce_max3A_3672 = vector.extract %reduce_max3A_3671[15] : f32 from vector<16xf32>
      %broadcast_in_dim3A_3673 = arith.constant 0.000000e+00 : f32
      %broadcast_in_dim3A_3674 = vector.broadcast %broadcast_in_dim3A_3673 : f32 to vector<16xf32>
      %broadcast_in_dim3A_3675 = arith.constant 0.000000e+00 : f32
      %broadcast_in_dim3A_3676 = vector.broadcast %broadcast_in_dim3A_3675 : f32 to vector<16xf32>
      %add3A_3677 = arith.constant 0 : i32
      %add3A_3678 = arith.addi %mul3A_3606, %add3A_3677 : i32
      %get3A_3679 = arith.index_cast %add3A_3678 : i32 to index
      %get3A_3680 = tpu.vector_load %arg7[%get3A_3679] {strides = array<i32>} : memref<25600xf32, #tpu.memory_space<vmem>>, vector<16xf32>,
      %add3A_3681 = arith.constant 0 : i32
      %add3A_3682 = arith.addi %mul3A_3606, %add3A_3681 : i32
      %get3A_3683 = arith.index_cast %add3A_3682 : i32 to index
      %get3A_3684 = tpu.vector_load %arg8[%get3A_3683] {strides = array<i32>} : memref<25600xf32, #tpu.memory_space<vmem>>, vector<16xf32>,
      %sub3A_3685 = vector.broadcast %reduce_max3A_3672 : f32 to vector<16xf32>
      %sub3A_3686 = arith.subf %get3A_3680, %sub3A_3685 : vector<16xf32>
      %exp3A_3687 = math.exp %sub3A_3686 : vector<16xf32>
      %add3A_3688 = arith.addf %broadcast_in_dim3A_3674, %exp3A_3687 : vector<16xf32>
      %mul3A_3689 = arith.mulf %exp3A_3687, %get3A_3684 : vector<16xf32>
      %add3A_3690 = arith.addf %broadcast_in_dim3A_3676, %mul3A_3689 : vector<16xf32>
      %add3A_3691 = arith.constant 16 : i32
      %add3A_3692 = arith.addi %mul3A_3606, %add3A_3691 : i32
      %get3A_3693 = arith.index_cast %add3A_3692 : i32 to index
      %get3A_3694 = tpu.vector_load %arg7[%get3A_3693] {strides = array<i32>} : memref<25600xf32, #tpu.memory_space<vmem>>, vector<16xf32>,
      %add3A_3695 = arith.constant 16 : i32
      %add3A_3696 = arith.addi %mul3A_3606, %add3A_3695 : i32
      %get3A_3697 = arith.index_cast %add3A_3696 : i32 to index
      %get3A_3698 = tpu.vector_load %arg8[%get3A_3697] {strides = array<i32>} : memref<25600xf32, #tpu.memory_space<vmem>>, vector<16xf32>,
      %sub3A_3699 = vector.broadcast %reduce_max3A_3672 : f32 to vector<16xf32>
      %sub3A_3700 = arith.subf %get3A_3694, %sub3A_3699 : vector<16xf32>
      %exp3A_3701 = math.exp %sub3A_3700 : vector<16xf32>
      %add3A_3702 = arith.addf %add3A_3688, %exp3A_3701 : vector<16xf32>
      %mul3A_3703 = arith.mulf %exp3A_3701, %get3A_3698 : vector<16xf32>
      %add3A_3704 = arith.addf %add3A_3690, %mul3A_3703 : vector<16xf32>
      %add3A_3705 = arith.constant 32 : i32
      %add3A_3706 = arith.addi %mul3A_3606, %add3A_3705 : i32
      %get3A_3707 = arith.index_cast %add3A_3706 : i32 to index
      %get3A_3708 = tpu.vector_load %arg7[%get3A_3707] {strides = array<i32>} : memref<25600xf32, #tpu.memory_space<vmem>>, vector<16xf32>,
      %add3A_3709 = arith.constant 32 : i32
      %add3A_3710 = arith.addi %mul3A_3606, %add3A_3709 : i32
      %get3A_3711 = arith.index_cast %add3A_3710 : i32 to index
      %get3A_3712 = tpu.vector_load %arg8[%get3A_3711] {strides = array<i32>} : memref<25600xf32, #tpu.memory_space<vmem>>, vector<16xf32>,
      %sub3A_3713 = vector.broadcast %reduce_max3A_3672 : f32 to vector<16xf32>
      %sub3A_3714 = arith.subf %get3A_3708, %sub3A_3713 : vector<16xf32>
      %exp3A_3715 = math.exp %sub3A_3714 : vector<16xf32>
      %add3A_3716 = arith.addf %add3A_3702, %exp3A_3715 : vector<16xf32>
      %mul3A_3717 = arith.mulf %exp3A_3715, %get3A_3712 : vector<16xf32>
      %add3A_3718 = arith.addf %add3A_3704, %mul3A_3717 : vector<16xf32>
      %add3A_3719 = arith.constant 48 : i32
      %add3A_3720 = arith.addi %mul3A_3606, %add3A_3719 : i32
      %get3A_3721 = arith.index_cast %add3A_3720 : i32 to index
      %get3A_3722 = tpu.vector_load %arg7[%get3A_3721] {strides = array<i32>} : memref<25600xf32, #tpu.memory_space<vmem>>, vector<16xf32>,
      %add3A_3723 = arith.constant 48 : i32
      %add3A_3724 = arith.addi %mul3A_3606, %add3A_3723 : i32
      %get3A_3725 = arith.index_cast %add3A_3724 : i32 to index
      %get3A_3726 = tpu.vector_load %arg8[%get3A_3725] {strides = array<i32>} : memref<25600xf32, #tpu.memory_space<vmem>>, vector<16xf32>,
      %sub3A_3727 = vector.broadcast %reduce_max3A_3672 : f32 to vector<16xf32>
      %sub3A_3728 = arith.subf %get3A_3722, %sub3A_3727 : vector<16xf32>
      %exp3A_3729 = math.exp %sub3A_3728 : vector<16xf32>
      %add3A_3730 = arith.addf %add3A_3716, %exp3A_3729 : vector<16xf32>
      %mul3A_3731 = arith.mulf %exp3A_3729, %get3A_3726 : vector<16xf32>
      %add3A_3732 = arith.addf %add3A_3718, %mul3A_3731 : vector<16xf32>
      %add3A_3733 = arith.constant 64 : i32
      %add3A_3734 = arith.addi %mul3A_3606, %add3A_3733 : i32
      %get3A_3735 = arith.index_cast %add3A_3734 : i32 to index
      %get3A_3736 = tpu.vector_load %arg7[%get3A_3735] {strides = array<i32>} : memref<25600xf32, #tpu.memory_space<vmem>>, vector<16xf32>,
      %add3A_3737 = arith.constant 64 : i32
      %add3A_3738 = arith.addi %mul3A_3606, %add3A_3737 : i32
      %get3A_3739 = arith.index_cast %add3A_3738 : i32 to index
      %get3A_3740 = tpu.vector_load %arg8[%get3A_3739] {strides = array<i32>} : memref<25600xf32, #tpu.memory_space<vmem>>, vector<16xf32>,
      %sub3A_3741 = vector.broadcast %reduce_max3A_3672 : f32 to vector<16xf32>
      %sub3A_3742 = arith.subf %get3A_3736, %sub3A_3741 : vector<16xf32>
      %exp3A_3743 = math.exp %sub3A_3742 : vector<16xf32>
      %add3A_3744 = arith.addf %add3A_3730, %exp3A_3743 : vector<16xf32>
      %mul3A_3745 = arith.mulf %exp3A_3743, %get3A_3740 : vector<16xf32>
      %add3A_3746 = arith.addf %add3A_3732, %mul3A_3745 : vector<16xf32>
      %add3A_3747 = arith.constant 80 : i32
      %add3A_3748 = arith.addi %mul3A_3606, %add3A_3747 : i32
      %get3A_3749 = arith.index_cast %add3A_3748 : i32 to index
      %get3A_3750 = tpu.vector_load %arg7[%get3A_3749] {strides = array<i32>} : memref<25600xf32, #tpu.memory_space<vmem>>, vector<16xf32>,
      %add3A_3751 = arith.constant 80 : i32
      %add3A_3752 = arith.addi %mul3A_3606, %add3A_3751 : i32
      %get3A_3753 = arith.index_cast %add3A_3752 : i32 to index
      %get3A_3754 = tpu.vector_load %arg8[%get3A_3753] {strides = array<i32>} : memref<25600xf32, #tpu.memory_space<vmem>>, vector<16xf32>,
      %sub3A_3755 = vector.broadcast %reduce_max3A_3672 : f32 to vector<16xf32>
      %sub3A_3756 = arith.subf %get3A_3750, %sub3A_3755 : vector<16xf32>
      %exp3A_3757 = math.exp %sub3A_3756 : vector<16xf32>
      %add3A_3758 = arith.addf %add3A_3744, %exp3A_3757 : vector<16xf32>
      %mul3A_3759 = arith.mulf %exp3A_3757, %get3A_3754 : vector<16xf32>
      %add3A_3760 = arith.addf %add3A_3746, %mul3A_3759 : vector<16xf32>
      %add3A_3761 = arith.constant 96 : i32
      %add3A_3762 = arith.addi %mul3A_3606, %add3A_3761 : i32
      %get3A_3763 = arith.index_cast %add3A_3762 : i32 to index
      %get3A_3764 = tpu.vector_load %arg7[%get3A_3763] {strides = array<i32>} : memref<25600xf32, #tpu.memory_space<vmem>>, vector<16xf32>,
      %add3A_3765 = arith.constant 96 : i32
      %add3A_3766 = arith.addi %mul3A_3606, %add3A_3765 : i32
      %get3A_3767 = arith.index_cast %add3A_3766 : i32 to index
      %get3A_3768 = tpu.vector_load %arg8[%get3A_3767] {strides = array<i32>} : memref<25600xf32, #tpu.memory_space<vmem>>, vector<16xf32>,
      %sub3A_3769 = vector.broadcast %reduce_max3A_3672 : f32 to vector<16xf32>
      %sub3A_3770 = arith.subf %get3A_3764, %sub3A_3769 : vector<16xf32>
      %exp3A_3771 = math.exp %sub3A_3770 : vector<16xf32>
      %add3A_3772 = arith.addf %add3A_3758, %exp3A_3771 : vector<16xf32>
      %mul3A_3773 = arith.mulf %exp3A_3771, %get3A_3768 : vector<16xf32>
      %add3A_3774 = arith.addf %add3A_3760, %mul3A_3773 : vector<16xf32>
      %add3A_3775 = arith.constant 112 : i32
      %add3A_3776 = arith.addi %mul3A_3606, %add3A_3775 : i32
      %get3A_3777 = arith.index_cast %add3A_3776 : i32 to index
      %get3A_3778 = tpu.vector_load %arg7[%get3A_3777] {strides = array<i32>} : memref<25600xf32, #tpu.memory_space<vmem>>, vector<16xf32>,
      %add3A_3779 = arith.constant 112 : i32
      %add3A_3780 = arith.addi %mul3A_3606, %add3A_3779 : i32
      %get3A_3781 = arith.index_cast %add3A_3780 : i32 to index
      %get3A_3782 = tpu.vector_load %arg8[%get3A_3781] {strides = array<i32>} : memref<25600xf32, #tpu.memory_space<vmem>>, vector<16xf32>,
      %sub3A_3783 = vector.broadcast %reduce_max3A_3672 : f32 to vector<16xf32>
      %sub3A_3784 = arith.subf %get3A_3778, %sub3A_3783 : vector<16xf32>
      %exp3A_3785 = math.exp %sub3A_3784 : vector<16xf32>
      %add3A_3786 = arith.addf %add3A_3772, %exp3A_3785 : vector<16xf32>
      %mul3A_3787 = arith.mulf %exp3A_3785, %get3A_3782 : vector<16xf32>
      %add3A_3788 = arith.addf %add3A_3774, %mul3A_3787 : vector<16xf32>
      %add3A_3789 = arith.constant 128 : i32
      %add3A_3790 = arith.addi %mul3A_3606, %add3A_3789 : i32
      %get3A_3791 = arith.index_cast %add3A_3790 : i32 to index
      %get3A_3792 = tpu.vector_load %arg7[%get3A_3791] {strides = array<i32>} : memref<25600xf32, #tpu.memory_space<vmem>>, vector<16xf32>,
      %add3A_3793 = arith.constant 128 : i32
      %add3A_3794 = arith.addi %mul3A_3606, %add3A_3793 : i32
      %get3A_3795 = arith.index_cast %add3A_3794 : i32 to index
      %get3A_3796 = tpu.vector_load %arg8[%get3A_3795] {strides = array<i32>} : memref<25600xf32, #tpu.memory_space<vmem>>, vector<16xf32>,
      %sub3A_3797 = vector.broadcast %reduce_max3A_3672 : f32 to vector<16xf32>
      %sub3A_3798 = arith.subf %get3A_3792, %sub3A_3797 : vector<16xf32>
      %exp3A_3799 = math.exp %sub3A_3798 : vector<16xf32>
      %add3A_3800 = arith.addf %add3A_3786, %exp3A_3799 : vector<16xf32>
      %mul3A_3801 = arith.mulf %exp3A_3799, %get3A_3796 : vector<16xf32>
      %add3A_3802 = arith.addf %add3A_3788, %mul3A_3801 : vector<16xf32>
      %add3A_3803 = arith.constant 144 : i32
      %add3A_3804 = arith.addi %mul3A_3606, %add3A_3803 : i32
      %get3A_3805 = arith.index_cast %add3A_3804 : i32 to index
      %get3A_3806 = tpu.vector_load %arg7[%get3A_3805] {strides = array<i32>} : memref<25600xf32, #tpu.memory_space<vmem>>, vector<16xf32>,
      %add3A_3807 = arith.constant 144 : i32
      %add3A_3808 = arith.addi %mul3A_3606, %add3A_3807 : i32
      %get3A_3809 = arith.index_cast %add3A_3808 : i32 to index
      %get3A_3810 = tpu.vector_load %arg8[%get3A_3809] {strides = array<i32>} : memref<25600xf32, #tpu.memory_space<vmem>>, vector<16xf32>,
      %sub3A_3811 = vector.broadcast %reduce_max3A_3672 : f32 to vector<16xf32>
      %sub3A_3812 = arith.subf %get3A_3806, %sub3A_3811 : vector<16xf32>
      %exp3A_3813 = math.exp %sub3A_3812 : vector<16xf32>
      %add3A_3814 = arith.addf %add3A_3800, %exp3A_3813 : vector<16xf32>
      %mul3A_3815 = arith.mulf %exp3A_3813, %get3A_3810 : vector<16xf32>
      %add3A_3816 = arith.addf %add3A_3802, %mul3A_3815 : vector<16xf32>
      %add3A_3817 = arith.constant 160 : i32
      %add3A_3818 = arith.addi %mul3A_3606, %add3A_3817 : i32
      %get3A_3819 = arith.index_cast %add3A_3818 : i32 to index
      %get3A_3820 = tpu.vector_load %arg7[%get3A_3819] {strides = array<i32>} : memref<25600xf32, #tpu.memory_space<vmem>>, vector<16xf32>,
      %add3A_3821 = arith.constant 160 : i32
      %add3A_3822 = arith.addi %mul3A_3606, %add3A_3821 : i32
      %get3A_3823 = arith.index_cast %add3A_3822 : i32 to index
      %get3A_3824 = tpu.vector_load %arg8[%get3A_3823] {strides = array<i32>} : memref<25600xf32, #tpu.memory_space<vmem>>, vector<16xf32>,
      %sub3A_3825 = vector.broadcast %reduce_max3A_3672 : f32 to vector<16xf32>
      %sub3A_3826 = arith.subf %get3A_3820, %sub3A_3825 : vector<16xf32>
      %exp3A_3827 = math.exp %sub3A_3826 : vector<16xf32>
      %add3A_3828 = arith.addf %add3A_3814, %exp3A_3827 : vector<16xf32>
      %mul3A_3829 = arith.mulf %exp3A_3827, %get3A_3824 : vector<16xf32>
      %add3A_3830 = arith.addf %add3A_3816, %mul3A_3829 : vector<16xf32>
      %add3A_3831 = arith.constant 176 : i32
      %add3A_3832 = arith.addi %mul3A_3606, %add3A_3831 : i32
      %get3A_3833 = arith.index_cast %add3A_3832 : i32 to index
      %get3A_3834 = tpu.vector_load %arg7[%get3A_3833] {strides = array<i32>} : memref<25600xf32, #tpu.memory_space<vmem>>, vector<16xf32>,
      %add3A_3835 = arith.constant 176 : i32
      %add3A_3836 = arith.addi %mul3A_3606, %add3A_3835 : i32
      %get3A_3837 = arith.index_cast %add3A_3836 : i32 to index
      %get3A_3838 = tpu.vector_load %arg8[%get3A_3837] {strides = array<i32>} : memref<25600xf32, #tpu.memory_space<vmem>>, vector<16xf32>,
      %sub3A_3839 = vector.broadcast %reduce_max3A_3672 : f32 to vector<16xf32>
      %sub3A_3840 = arith.subf %get3A_3834, %sub3A_3839 : vector<16xf32>
      %exp3A_3841 = math.exp %sub3A_3840 : vector<16xf32>
      %add3A_3842 = arith.addf %add3A_3828, %exp3A_3841 : vector<16xf32>
      %mul3A_3843 = arith.mulf %exp3A_3841, %get3A_3838 : vector<16xf32>
      %add3A_3844 = arith.addf %add3A_3830, %mul3A_3843 : vector<16xf32>
      %add3A_3845 = arith.constant 184 : i32
      %add3A_3846 = arith.addi %mul3A_3606, %add3A_3845 : i32
      %get3A_3847 = arith.index_cast %add3A_3846 : i32 to index
      %get3A_3848 = tpu.vector_load %arg7[%get3A_3847] {strides = array<i32>} : memref<25600xf32, #tpu.memory_space<vmem>>, vector<16xf32>,
      %add3A_3849 = arith.constant 184 : i32
      %add3A_3850 = arith.addi %mul3A_3606, %add3A_3849 : i32
      %get3A_3851 = arith.index_cast %add3A_3850 : i32 to index
      %get3A_3852 = tpu.vector_load %arg8[%get3A_3851] {strides = array<i32>} : memref<25600xf32, #tpu.memory_space<vmem>>, vector<16xf32>,
      %sub3A_3853 = vector.broadcast %reduce_max3A_3672 : f32 to vector<16xf32>
      %sub3A_3854 = arith.subf %get3A_3848, %sub3A_3853 : vector<16xf32>
      %exp3A_3855 = math.exp %sub3A_3854 : vector<16xf32>
      %jit3A_3856 = arith.constant 0.000000e+00 : f32
      %broadcast_in_dim3A_3857 = vector.broadcast %jit3A_3856 : f32 to vector<16xf32>
      %select_n3A_3858 = arith.select %ge3A_10, %exp3A_3855, %broadcast_in_dim3A_3857 : vector<16xi1>, vector<16xf32>
      %add3A_3859 = arith.addf %add3A_3842, %select_n3A_3858 : vector<16xf32>
      %mul3A_3860 = arith.mulf %select_n3A_3858, %get3A_3852 : vector<16xf32>
      %add3A_3861 = arith.addf %add3A_3844, %mul3A_3860 : vector<16xf32>
      %eq3A_3862 = arith.constant 13 : i32
      %eq3A_3863 = vector.broadcast %eq3A_3862 : i32 to vector<16xi32>
      %eq3A_3864 = arith.cmpi eq, %iota3A, %eq3A_3863 : vector<16xi32>
      %reduce_sum3A_3865 = arith.constant true
      %reduce_sum3A_3866 = vector.broadcast %reduce_sum3A_3865 : i1 to vector<16xi1>
      %reduce_sum3A_3867 = tpu.scan <sum>, %add3A_3861 masked %reduce_sum3A_3866 : vector<16xf32>, vector<16xi1> -> vector<16xf32>
      %reduce_sum3A_3868 = vector.extract %reduce_sum3A_3867[15] : f32 from vector<16xf32>
      %broadcast_in_dim3A_3869 = vector.broadcast %reduce_sum3A_3868 : f32 to vector<16xf32>
      %select_n3A_3870 = arith.select %eq3A_3864, %broadcast_in_dim3A_3869, %select_n3A_3594 : vector<16xi1>, vector<16xf32>
      %reduce_sum3A_3871 = arith.constant true
      %reduce_sum3A_3872 = vector.broadcast %reduce_sum3A_3871 : i1 to vector<16xi1>
      %reduce_sum3A_3873 = tpu.scan <sum>, %add3A_3859 masked %reduce_sum3A_3872 : vector<16xf32>, vector<16xi1> -> vector<16xf32>
      %reduce_sum3A_3874 = vector.extract %reduce_sum3A_3873[15] : f32 from vector<16xf32>
      %broadcast_in_dim3A_3875 = vector.broadcast %reduce_sum3A_3874 : f32 to vector<16xf32>
      %select_n3A_3876 = arith.select %eq3A_3864, %broadcast_in_dim3A_3875, %select_n3A_3600 : vector<16xi1>, vector<16xf32>
      %mul3A_3877 = arith.constant 16 : i32
      %mul3A_3878 = arith.muli %scan3A_18, %mul3A_3877 : i32
      %add3A_3879 = arith.constant 14 : i32
      %add3A_3880 = arith.addi %mul3A_3878, %add3A_3879 : i32
      %mul3A_3881 = arith.constant 200 : i32
      %mul3A_3882 = arith.muli %add3A_3880, %mul3A_3881 : i32
      %get3A_3883 = arith.index_cast %mul3A_3882 : i32 to index
      %get3A_3884 = tpu.vector_load %arg7[%get3A_3883] {strides = array<i32>} : memref<25600xf32, #tpu.memory_space<vmem>>, vector<16xf32>,
      %add3A_3885 = arith.constant 16 : i32
      %add3A_3886 = arith.addi %mul3A_3882, %add3A_3885 : i32
      %get3A_3887 = arith.index_cast %add3A_3886 : i32 to index
      %get3A_3888 = tpu.vector_load %arg7[%get3A_3887] {strides = array<i32>} : memref<25600xf32, #tpu.memory_space<vmem>>, vector<16xf32>,
      %max3A_3889 = arith.maximumf %get3A_3884, %get3A_3888 : vector<16xf32>
      %add3A_3890 = arith.constant 32 : i32
      %add3A_3891 = arith.addi %mul3A_3882, %add3A_3890 : i32
      %get3A_3892 = arith.index_cast %add3A_3891 : i32 to index
      %get3A_3893 = tpu.vector_load %arg7[%get3A_3892] {strides = array<i32>} : memref<25600xf32, #tpu.memory_space<vmem>>, vector<16xf32>,
      %max3A_3894 = arith.maximumf %max3A_3889, %get3A_3893 : vector<16xf32>
      %add3A_3895 = arith.constant 48 : i32
      %add3A_3896 = arith.addi %mul3A_3882, %add3A_3895 : i32
      %get3A_3897 = arith.index_cast %add3A_3896 : i32 to index
      %get3A_3898 = tpu.vector_load %arg7[%get3A_3897] {strides = array<i32>} : memref<25600xf32, #tpu.memory_space<vmem>>, vector<16xf32>,
      %max3A_3899 = arith.maximumf %max3A_3894, %get3A_3898 : vector<16xf32>
      %add3A_3900 = arith.constant 64 : i32
      %add3A_3901 = arith.addi %mul3A_3882, %add3A_3900 : i32
      %get3A_3902 = arith.index_cast %add3A_3901 : i32 to index
      %get3A_3903 = tpu.vector_load %arg7[%get3A_3902] {strides = array<i32>} : memref<25600xf32, #tpu.memory_space<vmem>>, vector<16xf32>,
      %max3A_3904 = arith.maximumf %max3A_3899, %get3A_3903 : vector<16xf32>
      %add3A_3905 = arith.constant 80 : i32
      %add3A_3906 = arith.addi %mul3A_3882, %add3A_3905 : i32
      %get3A_3907 = arith.index_cast %add3A_3906 : i32 to index
      %get3A_3908 = tpu.vector_load %arg7[%get3A_3907] {strides = array<i32>} : memref<25600xf32, #tpu.memory_space<vmem>>, vector<16xf32>,
      %max3A_3909 = arith.maximumf %max3A_3904, %get3A_3908 : vector<16xf32>
      %add3A_3910 = arith.constant 96 : i32
      %add3A_3911 = arith.addi %mul3A_3882, %add3A_3910 : i32
      %get3A_3912 = arith.index_cast %add3A_3911 : i32 to index
      %get3A_3913 = tpu.vector_load %arg7[%get3A_3912] {strides = array<i32>} : memref<25600xf32, #tpu.memory_space<vmem>>, vector<16xf32>,
      %max3A_3914 = arith.maximumf %max3A_3909, %get3A_3913 : vector<16xf32>
      %add3A_3915 = arith.constant 112 : i32
      %add3A_3916 = arith.addi %mul3A_3882, %add3A_3915 : i32
      %get3A_3917 = arith.index_cast %add3A_3916 : i32 to index
      %get3A_3918 = tpu.vector_load %arg7[%get3A_3917] {strides = array<i32>} : memref<25600xf32, #tpu.memory_space<vmem>>, vector<16xf32>,
      %max3A_3919 = arith.maximumf %max3A_3914, %get3A_3918 : vector<16xf32>
      %add3A_3920 = arith.constant 128 : i32
      %add3A_3921 = arith.addi %mul3A_3882, %add3A_3920 : i32
      %get3A_3922 = arith.index_cast %add3A_3921 : i32 to index
      %get3A_3923 = tpu.vector_load %arg7[%get3A_3922] {strides = array<i32>} : memref<25600xf32, #tpu.memory_space<vmem>>, vector<16xf32>,
      %max3A_3924 = arith.maximumf %max3A_3919, %get3A_3923 : vector<16xf32>
      %add3A_3925 = arith.constant 144 : i32
      %add3A_3926 = arith.addi %mul3A_3882, %add3A_3925 : i32
      %get3A_3927 = arith.index_cast %add3A_3926 : i32 to index
      %get3A_3928 = tpu.vector_load %arg7[%get3A_3927] {strides = array<i32>} : memref<25600xf32, #tpu.memory_space<vmem>>, vector<16xf32>,
      %max3A_3929 = arith.maximumf %max3A_3924, %get3A_3928 : vector<16xf32>
      %add3A_3930 = arith.constant 160 : i32
      %add3A_3931 = arith.addi %mul3A_3882, %add3A_3930 : i32
      %get3A_3932 = arith.index_cast %add3A_3931 : i32 to index
      %get3A_3933 = tpu.vector_load %arg7[%get3A_3932] {strides = array<i32>} : memref<25600xf32, #tpu.memory_space<vmem>>, vector<16xf32>,
      %max3A_3934 = arith.maximumf %max3A_3929, %get3A_3933 : vector<16xf32>
      %add3A_3935 = arith.constant 176 : i32
      %add3A_3936 = arith.addi %mul3A_3882, %add3A_3935 : i32
      %get3A_3937 = arith.index_cast %add3A_3936 : i32 to index
      %get3A_3938 = tpu.vector_load %arg7[%get3A_3937] {strides = array<i32>} : memref<25600xf32, #tpu.memory_space<vmem>>, vector<16xf32>,
      %max3A_3939 = arith.maximumf %max3A_3934, %get3A_3938 : vector<16xf32>
      %add3A_3940 = arith.constant 184 : i32
      %add3A_3941 = arith.addi %mul3A_3882, %add3A_3940 : i32
      %get3A_3942 = arith.index_cast %add3A_3941 : i32 to index
      %get3A_3943 = tpu.vector_load %arg7[%get3A_3942] {strides = array<i32>} : memref<25600xf32, #tpu.memory_space<vmem>>, vector<16xf32>,
      %max3A_3944 = arith.maximumf %max3A_3939, %get3A_3943 : vector<16xf32>
      %reduce_max3A_3945 = arith.constant true
      %reduce_max3A_3946 = vector.broadcast %reduce_max3A_3945 : i1 to vector<16xi1>
      %reduce_max3A_3947 = tpu.scan <max>, %max3A_3944 masked %reduce_max3A_3946 : vector<16xf32>, vector<16xi1> -> vector<16xf32>
      %reduce_max3A_3948 = vector.extract %reduce_max3A_3947[15] : f32 from vector<16xf32>
      %broadcast_in_dim3A_3949 = arith.constant 0.000000e+00 : f32
      %broadcast_in_dim3A_3950 = vector.broadcast %broadcast_in_dim3A_3949 : f32 to vector<16xf32>
      %broadcast_in_dim3A_3951 = arith.constant 0.000000e+00 : f32
      %broadcast_in_dim3A_3952 = vector.broadcast %broadcast_in_dim3A_3951 : f32 to vector<16xf32>
      %add3A_3953 = arith.constant 0 : i32
      %add3A_3954 = arith.addi %mul3A_3882, %add3A_3953 : i32
      %get3A_3955 = arith.index_cast %add3A_3954 : i32 to index
      %get3A_3956 = tpu.vector_load %arg7[%get3A_3955] {strides = array<i32>} : memref<25600xf32, #tpu.memory_space<vmem>>, vector<16xf32>,
      %add3A_3957 = arith.constant 0 : i32
      %add3A_3958 = arith.addi %mul3A_3882, %add3A_3957 : i32
      %get3A_3959 = arith.index_cast %add3A_3958 : i32 to index
      %get3A_3960 = tpu.vector_load %arg8[%get3A_3959] {strides = array<i32>} : memref<25600xf32, #tpu.memory_space<vmem>>, vector<16xf32>,
      %sub3A_3961 = vector.broadcast %reduce_max3A_3948 : f32 to vector<16xf32>
      %sub3A_3962 = arith.subf %get3A_3956, %sub3A_3961 : vector<16xf32>
      %exp3A_3963 = math.exp %sub3A_3962 : vector<16xf32>
      %add3A_3964 = arith.addf %broadcast_in_dim3A_3950, %exp3A_3963 : vector<16xf32>
      %mul3A_3965 = arith.mulf %exp3A_3963, %get3A_3960 : vector<16xf32>
      %add3A_3966 = arith.addf %broadcast_in_dim3A_3952, %mul3A_3965 : vector<16xf32>
      %add3A_3967 = arith.constant 16 : i32
      %add3A_3968 = arith.addi %mul3A_3882, %add3A_3967 : i32
      %get3A_3969 = arith.index_cast %add3A_3968 : i32 to index
      %get3A_3970 = tpu.vector_load %arg7[%get3A_3969] {strides = array<i32>} : memref<25600xf32, #tpu.memory_space<vmem>>, vector<16xf32>,
      %add3A_3971 = arith.constant 16 : i32
      %add3A_3972 = arith.addi %mul3A_3882, %add3A_3971 : i32
      %get3A_3973 = arith.index_cast %add3A_3972 : i32 to index
      %get3A_3974 = tpu.vector_load %arg8[%get3A_3973] {strides = array<i32>} : memref<25600xf32, #tpu.memory_space<vmem>>, vector<16xf32>,
      %sub3A_3975 = vector.broadcast %reduce_max3A_3948 : f32 to vector<16xf32>
      %sub3A_3976 = arith.subf %get3A_3970, %sub3A_3975 : vector<16xf32>
      %exp3A_3977 = math.exp %sub3A_3976 : vector<16xf32>
      %add3A_3978 = arith.addf %add3A_3964, %exp3A_3977 : vector<16xf32>
      %mul3A_3979 = arith.mulf %exp3A_3977, %get3A_3974 : vector<16xf32>
      %add3A_3980 = arith.addf %add3A_3966, %mul3A_3979 : vector<16xf32>
      %add3A_3981 = arith.constant 32 : i32
      %add3A_3982 = arith.addi %mul3A_3882, %add3A_3981 : i32
      %get3A_3983 = arith.index_cast %add3A_3982 : i32 to index
      %get3A_3984 = tpu.vector_load %arg7[%get3A_3983] {strides = array<i32>} : memref<25600xf32, #tpu.memory_space<vmem>>, vector<16xf32>,
      %add3A_3985 = arith.constant 32 : i32
      %add3A_3986 = arith.addi %mul3A_3882, %add3A_3985 : i32
      %get3A_3987 = arith.index_cast %add3A_3986 : i32 to index
      %get3A_3988 = tpu.vector_load %arg8[%get3A_3987] {strides = array<i32>} : memref<25600xf32, #tpu.memory_space<vmem>>, vector<16xf32>,
      %sub3A_3989 = vector.broadcast %reduce_max3A_3948 : f32 to vector<16xf32>
      %sub3A_3990 = arith.subf %get3A_3984, %sub3A_3989 : vector<16xf32>
      %exp3A_3991 = math.exp %sub3A_3990 : vector<16xf32>
      %add3A_3992 = arith.addf %add3A_3978, %exp3A_3991 : vector<16xf32>
      %mul3A_3993 = arith.mulf %exp3A_3991, %get3A_3988 : vector<16xf32>
      %add3A_3994 = arith.addf %add3A_3980, %mul3A_3993 : vector<16xf32>
      %add3A_3995 = arith.constant 48 : i32
      %add3A_3996 = arith.addi %mul3A_3882, %add3A_3995 : i32
      %get3A_3997 = arith.index_cast %add3A_3996 : i32 to index
      %get3A_3998 = tpu.vector_load %arg7[%get3A_3997] {strides = array<i32>} : memref<25600xf32, #tpu.memory_space<vmem>>, vector<16xf32>,
      %add3A_3999 = arith.constant 48 : i32
      %add3A_4000 = arith.addi %mul3A_3882, %add3A_3999 : i32
      %get3A_4001 = arith.index_cast %add3A_4000 : i32 to index
      %get3A_4002 = tpu.vector_load %arg8[%get3A_4001] {strides = array<i32>} : memref<25600xf32, #tpu.memory_space<vmem>>, vector<16xf32>,
      %sub3A_4003 = vector.broadcast %reduce_max3A_3948 : f32 to vector<16xf32>
      %sub3A_4004 = arith.subf %get3A_3998, %sub3A_4003 : vector<16xf32>
      %exp3A_4005 = math.exp %sub3A_4004 : vector<16xf32>
      %add3A_4006 = arith.addf %add3A_3992, %exp3A_4005 : vector<16xf32>
      %mul3A_4007 = arith.mulf %exp3A_4005, %get3A_4002 : vector<16xf32>
      %add3A_4008 = arith.addf %add3A_3994, %mul3A_4007 : vector<16xf32>
      %add3A_4009 = arith.constant 64 : i32
      %add3A_4010 = arith.addi %mul3A_3882, %add3A_4009 : i32
      %get3A_4011 = arith.index_cast %add3A_4010 : i32 to index
      %get3A_4012 = tpu.vector_load %arg7[%get3A_4011] {strides = array<i32>} : memref<25600xf32, #tpu.memory_space<vmem>>, vector<16xf32>,
      %add3A_4013 = arith.constant 64 : i32
      %add3A_4014 = arith.addi %mul3A_3882, %add3A_4013 : i32
      %get3A_4015 = arith.index_cast %add3A_4014 : i32 to index
      %get3A_4016 = tpu.vector_load %arg8[%get3A_4015] {strides = array<i32>} : memref<25600xf32, #tpu.memory_space<vmem>>, vector<16xf32>,
      %sub3A_4017 = vector.broadcast %reduce_max3A_3948 : f32 to vector<16xf32>
      %sub3A_4018 = arith.subf %get3A_4012, %sub3A_4017 : vector<16xf32>
      %exp3A_4019 = math.exp %sub3A_4018 : vector<16xf32>
      %add3A_4020 = arith.addf %add3A_4006, %exp3A_4019 : vector<16xf32>
      %mul3A_4021 = arith.mulf %exp3A_4019, %get3A_4016 : vector<16xf32>
      %add3A_4022 = arith.addf %add3A_4008, %mul3A_4021 : vector<16xf32>
      %add3A_4023 = arith.constant 80 : i32
      %add3A_4024 = arith.addi %mul3A_3882, %add3A_4023 : i32
      %get3A_4025 = arith.index_cast %add3A_4024 : i32 to index
      %get3A_4026 = tpu.vector_load %arg7[%get3A_4025] {strides = array<i32>} : memref<25600xf32, #tpu.memory_space<vmem>>, vector<16xf32>,
      %add3A_4027 = arith.constant 80 : i32
      %add3A_4028 = arith.addi %mul3A_3882, %add3A_4027 : i32
      %get3A_4029 = arith.index_cast %add3A_4028 : i32 to index
      %get3A_4030 = tpu.vector_load %arg8[%get3A_4029] {strides = array<i32>} : memref<25600xf32, #tpu.memory_space<vmem>>, vector<16xf32>,
      %sub3A_4031 = vector.broadcast %reduce_max3A_3948 : f32 to vector<16xf32>
      %sub3A_4032 = arith.subf %get3A_4026, %sub3A_4031 : vector<16xf32>
      %exp3A_4033 = math.exp %sub3A_4032 : vector<16xf32>
      %add3A_4034 = arith.addf %add3A_4020, %exp3A_4033 : vector<16xf32>
      %mul3A_4035 = arith.mulf %exp3A_4033, %get3A_4030 : vector<16xf32>
      %add3A_4036 = arith.addf %add3A_4022, %mul3A_4035 : vector<16xf32>
      %add3A_4037 = arith.constant 96 : i32
      %add3A_4038 = arith.addi %mul3A_3882, %add3A_4037 : i32
      %get3A_4039 = arith.index_cast %add3A_4038 : i32 to index
      %get3A_4040 = tpu.vector_load %arg7[%get3A_4039] {strides = array<i32>} : memref<25600xf32, #tpu.memory_space<vmem>>, vector<16xf32>,
      %add3A_4041 = arith.constant 96 : i32
      %add3A_4042 = arith.addi %mul3A_3882, %add3A_4041 : i32
      %get3A_4043 = arith.index_cast %add3A_4042 : i32 to index
      %get3A_4044 = tpu.vector_load %arg8[%get3A_4043] {strides = array<i32>} : memref<25600xf32, #tpu.memory_space<vmem>>, vector<16xf32>,
      %sub3A_4045 = vector.broadcast %reduce_max3A_3948 : f32 to vector<16xf32>
      %sub3A_4046 = arith.subf %get3A_4040, %sub3A_4045 : vector<16xf32>
      %exp3A_4047 = math.exp %sub3A_4046 : vector<16xf32>
      %add3A_4048 = arith.addf %add3A_4034, %exp3A_4047 : vector<16xf32>
      %mul3A_4049 = arith.mulf %exp3A_4047, %get3A_4044 : vector<16xf32>
      %add3A_4050 = arith.addf %add3A_4036, %mul3A_4049 : vector<16xf32>
      %add3A_4051 = arith.constant 112 : i32
      %add3A_4052 = arith.addi %mul3A_3882, %add3A_4051 : i32
      %get3A_4053 = arith.index_cast %add3A_4052 : i32 to index
      %get3A_4054 = tpu.vector_load %arg7[%get3A_4053] {strides = array<i32>} : memref<25600xf32, #tpu.memory_space<vmem>>, vector<16xf32>,
      %add3A_4055 = arith.constant 112 : i32
      %add3A_4056 = arith.addi %mul3A_3882, %add3A_4055 : i32
      %get3A_4057 = arith.index_cast %add3A_4056 : i32 to index
      %get3A_4058 = tpu.vector_load %arg8[%get3A_4057] {strides = array<i32>} : memref<25600xf32, #tpu.memory_space<vmem>>, vector<16xf32>,
      %sub3A_4059 = vector.broadcast %reduce_max3A_3948 : f32 to vector<16xf32>
      %sub3A_4060 = arith.subf %get3A_4054, %sub3A_4059 : vector<16xf32>
      %exp3A_4061 = math.exp %sub3A_4060 : vector<16xf32>
      %add3A_4062 = arith.addf %add3A_4048, %exp3A_4061 : vector<16xf32>
      %mul3A_4063 = arith.mulf %exp3A_4061, %get3A_4058 : vector<16xf32>
      %add3A_4064 = arith.addf %add3A_4050, %mul3A_4063 : vector<16xf32>
      %add3A_4065 = arith.constant 128 : i32
      %add3A_4066 = arith.addi %mul3A_3882, %add3A_4065 : i32
      %get3A_4067 = arith.index_cast %add3A_4066 : i32 to index
      %get3A_4068 = tpu.vector_load %arg7[%get3A_4067] {strides = array<i32>} : memref<25600xf32, #tpu.memory_space<vmem>>, vector<16xf32>,
      %add3A_4069 = arith.constant 128 : i32
      %add3A_4070 = arith.addi %mul3A_3882, %add3A_4069 : i32
      %get3A_4071 = arith.index_cast %add3A_4070 : i32 to index
      %get3A_4072 = tpu.vector_load %arg8[%get3A_4071] {strides = array<i32>} : memref<25600xf32, #tpu.memory_space<vmem>>, vector<16xf32>,
      %sub3A_4073 = vector.broadcast %reduce_max3A_3948 : f32 to vector<16xf32>
      %sub3A_4074 = arith.subf %get3A_4068, %sub3A_4073 : vector<16xf32>
      %exp3A_4075 = math.exp %sub3A_4074 : vector<16xf32>
      %add3A_4076 = arith.addf %add3A_4062, %exp3A_4075 : vector<16xf32>
      %mul3A_4077 = arith.mulf %exp3A_4075, %get3A_4072 : vector<16xf32>
      %add3A_4078 = arith.addf %add3A_4064, %mul3A_4077 : vector<16xf32>
      %add3A_4079 = arith.constant 144 : i32
      %add3A_4080 = arith.addi %mul3A_3882, %add3A_4079 : i32
      %get3A_4081 = arith.index_cast %add3A_4080 : i32 to index
      %get3A_4082 = tpu.vector_load %arg7[%get3A_4081] {strides = array<i32>} : memref<25600xf32, #tpu.memory_space<vmem>>, vector<16xf32>,
      %add3A_4083 = arith.constant 144 : i32
      %add3A_4084 = arith.addi %mul3A_3882, %add3A_4083 : i32
      %get3A_4085 = arith.index_cast %add3A_4084 : i32 to index
      %get3A_4086 = tpu.vector_load %arg8[%get3A_4085] {strides = array<i32>} : memref<25600xf32, #tpu.memory_space<vmem>>, vector<16xf32>,
      %sub3A_4087 = vector.broadcast %reduce_max3A_3948 : f32 to vector<16xf32>
      %sub3A_4088 = arith.subf %get3A_4082, %sub3A_4087 : vector<16xf32>
      %exp3A_4089 = math.exp %sub3A_4088 : vector<16xf32>
      %add3A_4090 = arith.addf %add3A_4076, %exp3A_4089 : vector<16xf32>
      %mul3A_4091 = arith.mulf %exp3A_4089, %get3A_4086 : vector<16xf32>
      %add3A_4092 = arith.addf %add3A_4078, %mul3A_4091 : vector<16xf32>
      %add3A_4093 = arith.constant 160 : i32
      %add3A_4094 = arith.addi %mul3A_3882, %add3A_4093 : i32
      %get3A_4095 = arith.index_cast %add3A_4094 : i32 to index
      %get3A_4096 = tpu.vector_load %arg7[%get3A_4095] {strides = array<i32>} : memref<25600xf32, #tpu.memory_space<vmem>>, vector<16xf32>,
      %add3A_4097 = arith.constant 160 : i32
      %add3A_4098 = arith.addi %mul3A_3882, %add3A_4097 : i32
      %get3A_4099 = arith.index_cast %add3A_4098 : i32 to index
      %get3A_4100 = tpu.vector_load %arg8[%get3A_4099] {strides = array<i32>} : memref<25600xf32, #tpu.memory_space<vmem>>, vector<16xf32>,
      %sub3A_4101 = vector.broadcast %reduce_max3A_3948 : f32 to vector<16xf32>
      %sub3A_4102 = arith.subf %get3A_4096, %sub3A_4101 : vector<16xf32>
      %exp3A_4103 = math.exp %sub3A_4102 : vector<16xf32>
      %add3A_4104 = arith.addf %add3A_4090, %exp3A_4103 : vector<16xf32>
      %mul3A_4105 = arith.mulf %exp3A_4103, %get3A_4100 : vector<16xf32>
      %add3A_4106 = arith.addf %add3A_4092, %mul3A_4105 : vector<16xf32>
      %add3A_4107 = arith.constant 176 : i32
      %add3A_4108 = arith.addi %mul3A_3882, %add3A_4107 : i32
      %get3A_4109 = arith.index_cast %add3A_4108 : i32 to index
      %get3A_4110 = tpu.vector_load %arg7[%get3A_4109] {strides = array<i32>} : memref<25600xf32, #tpu.memory_space<vmem>>, vector<16xf32>,
      %add3A_4111 = arith.constant 176 : i32
      %add3A_4112 = arith.addi %mul3A_3882, %add3A_4111 : i32
      %get3A_4113 = arith.index_cast %add3A_4112 : i32 to index
      %get3A_4114 = tpu.vector_load %arg8[%get3A_4113] {strides = array<i32>} : memref<25600xf32, #tpu.memory_space<vmem>>, vector<16xf32>,
      %sub3A_4115 = vector.broadcast %reduce_max3A_3948 : f32 to vector<16xf32>
      %sub3A_4116 = arith.subf %get3A_4110, %sub3A_4115 : vector<16xf32>
      %exp3A_4117 = math.exp %sub3A_4116 : vector<16xf32>
      %add3A_4118 = arith.addf %add3A_4104, %exp3A_4117 : vector<16xf32>
      %mul3A_4119 = arith.mulf %exp3A_4117, %get3A_4114 : vector<16xf32>
      %add3A_4120 = arith.addf %add3A_4106, %mul3A_4119 : vector<16xf32>
      %add3A_4121 = arith.constant 184 : i32
      %add3A_4122 = arith.addi %mul3A_3882, %add3A_4121 : i32
      %get3A_4123 = arith.index_cast %add3A_4122 : i32 to index
      %get3A_4124 = tpu.vector_load %arg7[%get3A_4123] {strides = array<i32>} : memref<25600xf32, #tpu.memory_space<vmem>>, vector<16xf32>,
      %add3A_4125 = arith.constant 184 : i32
      %add3A_4126 = arith.addi %mul3A_3882, %add3A_4125 : i32
      %get3A_4127 = arith.index_cast %add3A_4126 : i32 to index
      %get3A_4128 = tpu.vector_load %arg8[%get3A_4127] {strides = array<i32>} : memref<25600xf32, #tpu.memory_space<vmem>>, vector<16xf32>,
      %sub3A_4129 = vector.broadcast %reduce_max3A_3948 : f32 to vector<16xf32>
      %sub3A_4130 = arith.subf %get3A_4124, %sub3A_4129 : vector<16xf32>
      %exp3A_4131 = math.exp %sub3A_4130 : vector<16xf32>
      %jit3A_4132 = arith.constant 0.000000e+00 : f32
      %broadcast_in_dim3A_4133 = vector.broadcast %jit3A_4132 : f32 to vector<16xf32>
      %select_n3A_4134 = arith.select %ge3A_10, %exp3A_4131, %broadcast_in_dim3A_4133 : vector<16xi1>, vector<16xf32>
      %add3A_4135 = arith.addf %add3A_4118, %select_n3A_4134 : vector<16xf32>
      %mul3A_4136 = arith.mulf %select_n3A_4134, %get3A_4128 : vector<16xf32>
      %add3A_4137 = arith.addf %add3A_4120, %mul3A_4136 : vector<16xf32>
      %eq3A_4138 = arith.constant 14 : i32
      %eq3A_4139 = vector.broadcast %eq3A_4138 : i32 to vector<16xi32>
      %eq3A_4140 = arith.cmpi eq, %iota3A, %eq3A_4139 : vector<16xi32>
      %reduce_sum3A_4141 = arith.constant true
      %reduce_sum3A_4142 = vector.broadcast %reduce_sum3A_4141 : i1 to vector<16xi1>
      %reduce_sum3A_4143 = tpu.scan <sum>, %add3A_4137 masked %reduce_sum3A_4142 : vector<16xf32>, vector<16xi1> -> vector<16xf32>
      %reduce_sum3A_4144 = vector.extract %reduce_sum3A_4143[15] : f32 from vector<16xf32>
      %broadcast_in_dim3A_4145 = vector.broadcast %reduce_sum3A_4144 : f32 to vector<16xf32>
      %select_n3A_4146 = arith.select %eq3A_4140, %broadcast_in_dim3A_4145, %select_n3A_3870 : vector<16xi1>, vector<16xf32>
      %reduce_sum3A_4147 = arith.constant true
      %reduce_sum3A_4148 = vector.broadcast %reduce_sum3A_4147 : i1 to vector<16xi1>
      %reduce_sum3A_4149 = tpu.scan <sum>, %add3A_4135 masked %reduce_sum3A_4148 : vector<16xf32>, vector<16xi1> -> vector<16xf32>
      %reduce_sum3A_4150 = vector.extract %reduce_sum3A_4149[15] : f32 from vector<16xf32>
      %broadcast_in_dim3A_4151 = vector.broadcast %reduce_sum3A_4150 : f32 to vector<16xf32>
      %select_n3A_4152 = arith.select %eq3A_4140, %broadcast_in_dim3A_4151, %select_n3A_3876 : vector<16xi1>, vector<16xf32>
      %mul3A_4153 = arith.constant 16 : i32
      %mul3A_4154 = arith.muli %scan3A_18, %mul3A_4153 : i32
      %add3A_4155 = arith.constant 15 : i32
      %add3A_4156 = arith.addi %mul3A_4154, %add3A_4155 : i32
      %mul3A_4157 = arith.constant 200 : i32
      %mul3A_4158 = arith.muli %add3A_4156, %mul3A_4157 : i32
      %get3A_4159 = arith.index_cast %mul3A_4158 : i32 to index
      %get3A_4160 = tpu.vector_load %arg7[%get3A_4159] {strides = array<i32>} : memref<25600xf32, #tpu.memory_space<vmem>>, vector<16xf32>,
      %add3A_4161 = arith.constant 16 : i32
      %add3A_4162 = arith.addi %mul3A_4158, %add3A_4161 : i32
      %get3A_4163 = arith.index_cast %add3A_4162 : i32 to index
      %get3A_4164 = tpu.vector_load %arg7[%get3A_4163] {strides = array<i32>} : memref<25600xf32, #tpu.memory_space<vmem>>, vector<16xf32>,
      %max3A_4165 = arith.maximumf %get3A_4160, %get3A_4164 : vector<16xf32>
      %add3A_4166 = arith.constant 32 : i32
      %add3A_4167 = arith.addi %mul3A_4158, %add3A_4166 : i32
      %get3A_4168 = arith.index_cast %add3A_4167 : i32 to index
      %get3A_4169 = tpu.vector_load %arg7[%get3A_4168] {strides = array<i32>} : memref<25600xf32, #tpu.memory_space<vmem>>, vector<16xf32>,
      %max3A_4170 = arith.maximumf %max3A_4165, %get3A_4169 : vector<16xf32>
      %add3A_4171 = arith.constant 48 : i32
      %add3A_4172 = arith.addi %mul3A_4158, %add3A_4171 : i32
      %get3A_4173 = arith.index_cast %add3A_4172 : i32 to index
      %get3A_4174 = tpu.vector_load %arg7[%get3A_4173] {strides = array<i32>} : memref<25600xf32, #tpu.memory_space<vmem>>, vector<16xf32>,
      %max3A_4175 = arith.maximumf %max3A_4170, %get3A_4174 : vector<16xf32>
      %add3A_4176 = arith.constant 64 : i32
      %add3A_4177 = arith.addi %mul3A_4158, %add3A_4176 : i32
      %get3A_4178 = arith.index_cast %add3A_4177 : i32 to index
      %get3A_4179 = tpu.vector_load %arg7[%get3A_4178] {strides = array<i32>} : memref<25600xf32, #tpu.memory_space<vmem>>, vector<16xf32>,
      %max3A_4180 = arith.maximumf %max3A_4175, %get3A_4179 : vector<16xf32>
      %add3A_4181 = arith.constant 80 : i32
      %add3A_4182 = arith.addi %mul3A_4158, %add3A_4181 : i32
      %get3A_4183 = arith.index_cast %add3A_4182 : i32 to index
      %get3A_4184 = tpu.vector_load %arg7[%get3A_4183] {strides = array<i32>} : memref<25600xf32, #tpu.memory_space<vmem>>, vector<16xf32>,
      %max3A_4185 = arith.maximumf %max3A_4180, %get3A_4184 : vector<16xf32>
      %add3A_4186 = arith.constant 96 : i32
      %add3A_4187 = arith.addi %mul3A_4158, %add3A_4186 : i32
      %get3A_4188 = arith.index_cast %add3A_4187 : i32 to index
      %get3A_4189 = tpu.vector_load %arg7[%get3A_4188] {strides = array<i32>} : memref<25600xf32, #tpu.memory_space<vmem>>, vector<16xf32>,
      %max3A_4190 = arith.maximumf %max3A_4185, %get3A_4189 : vector<16xf32>
      %add3A_4191 = arith.constant 112 : i32
      %add3A_4192 = arith.addi %mul3A_4158, %add3A_4191 : i32
      %get3A_4193 = arith.index_cast %add3A_4192 : i32 to index
      %get3A_4194 = tpu.vector_load %arg7[%get3A_4193] {strides = array<i32>} : memref<25600xf32, #tpu.memory_space<vmem>>, vector<16xf32>,
      %max3A_4195 = arith.maximumf %max3A_4190, %get3A_4194 : vector<16xf32>
      %add3A_4196 = arith.constant 128 : i32
      %add3A_4197 = arith.addi %mul3A_4158, %add3A_4196 : i32
      %get3A_4198 = arith.index_cast %add3A_4197 : i32 to index
      %get3A_4199 = tpu.vector_load %arg7[%get3A_4198] {strides = array<i32>} : memref<25600xf32, #tpu.memory_space<vmem>>, vector<16xf32>,
      %max3A_4200 = arith.maximumf %max3A_4195, %get3A_4199 : vector<16xf32>
      %add3A_4201 = arith.constant 144 : i32
      %add3A_4202 = arith.addi %mul3A_4158, %add3A_4201 : i32
      %get3A_4203 = arith.index_cast %add3A_4202 : i32 to index
      %get3A_4204 = tpu.vector_load %arg7[%get3A_4203] {strides = array<i32>} : memref<25600xf32, #tpu.memory_space<vmem>>, vector<16xf32>,
      %max3A_4205 = arith.maximumf %max3A_4200, %get3A_4204 : vector<16xf32>
      %add3A_4206 = arith.constant 160 : i32
      %add3A_4207 = arith.addi %mul3A_4158, %add3A_4206 : i32
      %get3A_4208 = arith.index_cast %add3A_4207 : i32 to index
      %get3A_4209 = tpu.vector_load %arg7[%get3A_4208] {strides = array<i32>} : memref<25600xf32, #tpu.memory_space<vmem>>, vector<16xf32>,
      %max3A_4210 = arith.maximumf %max3A_4205, %get3A_4209 : vector<16xf32>
      %add3A_4211 = arith.constant 176 : i32
      %add3A_4212 = arith.addi %mul3A_4158, %add3A_4211 : i32
      %get3A_4213 = arith.index_cast %add3A_4212 : i32 to index
      %get3A_4214 = tpu.vector_load %arg7[%get3A_4213] {strides = array<i32>} : memref<25600xf32, #tpu.memory_space<vmem>>, vector<16xf32>,
      %max3A_4215 = arith.maximumf %max3A_4210, %get3A_4214 : vector<16xf32>
      %add3A_4216 = arith.constant 184 : i32
      %add3A_4217 = arith.addi %mul3A_4158, %add3A_4216 : i32
      %get3A_4218 = arith.index_cast %add3A_4217 : i32 to index
      %get3A_4219 = tpu.vector_load %arg7[%get3A_4218] {strides = array<i32>} : memref<25600xf32, #tpu.memory_space<vmem>>, vector<16xf32>,
      %max3A_4220 = arith.maximumf %max3A_4215, %get3A_4219 : vector<16xf32>
      %reduce_max3A_4221 = arith.constant true
      %reduce_max3A_4222 = vector.broadcast %reduce_max3A_4221 : i1 to vector<16xi1>
      %reduce_max3A_4223 = tpu.scan <max>, %max3A_4220 masked %reduce_max3A_4222 : vector<16xf32>, vector<16xi1> -> vector<16xf32>
      %reduce_max3A_4224 = vector.extract %reduce_max3A_4223[15] : f32 from vector<16xf32>
      %broadcast_in_dim3A_4225 = arith.constant 0.000000e+00 : f32
      %broadcast_in_dim3A_4226 = vector.broadcast %broadcast_in_dim3A_4225 : f32 to vector<16xf32>
      %broadcast_in_dim3A_4227 = arith.constant 0.000000e+00 : f32
      %broadcast_in_dim3A_4228 = vector.broadcast %broadcast_in_dim3A_4227 : f32 to vector<16xf32>
      %add3A_4229 = arith.constant 0 : i32
      %add3A_4230 = arith.addi %mul3A_4158, %add3A_4229 : i32
      %get3A_4231 = arith.index_cast %add3A_4230 : i32 to index
      %get3A_4232 = tpu.vector_load %arg7[%get3A_4231] {strides = array<i32>} : memref<25600xf32, #tpu.memory_space<vmem>>, vector<16xf32>,
      %add3A_4233 = arith.constant 0 : i32
      %add3A_4234 = arith.addi %mul3A_4158, %add3A_4233 : i32
      %get3A_4235 = arith.index_cast %add3A_4234 : i32 to index
      %get3A_4236 = tpu.vector_load %arg8[%get3A_4235] {strides = array<i32>} : memref<25600xf32, #tpu.memory_space<vmem>>, vector<16xf32>,
      %sub3A_4237 = vector.broadcast %reduce_max3A_4224 : f32 to vector<16xf32>
      %sub3A_4238 = arith.subf %get3A_4232, %sub3A_4237 : vector<16xf32>
      %exp3A_4239 = math.exp %sub3A_4238 : vector<16xf32>
      %add3A_4240 = arith.addf %broadcast_in_dim3A_4226, %exp3A_4239 : vector<16xf32>
      %mul3A_4241 = arith.mulf %exp3A_4239, %get3A_4236 : vector<16xf32>
      %add3A_4242 = arith.addf %broadcast_in_dim3A_4228, %mul3A_4241 : vector<16xf32>
      %add3A_4243 = arith.constant 16 : i32
      %add3A_4244 = arith.addi %mul3A_4158, %add3A_4243 : i32
      %get3A_4245 = arith.index_cast %add3A_4244 : i32 to index
      %get3A_4246 = tpu.vector_load %arg7[%get3A_4245] {strides = array<i32>} : memref<25600xf32, #tpu.memory_space<vmem>>, vector<16xf32>,
      %add3A_4247 = arith.constant 16 : i32
      %add3A_4248 = arith.addi %mul3A_4158, %add3A_4247 : i32
      %get3A_4249 = arith.index_cast %add3A_4248 : i32 to index
      %get3A_4250 = tpu.vector_load %arg8[%get3A_4249] {strides = array<i32>} : memref<25600xf32, #tpu.memory_space<vmem>>, vector<16xf32>,
      %sub3A_4251 = vector.broadcast %reduce_max3A_4224 : f32 to vector<16xf32>
      %sub3A_4252 = arith.subf %get3A_4246, %sub3A_4251 : vector<16xf32>
      %exp3A_4253 = math.exp %sub3A_4252 : vector<16xf32>
      %add3A_4254 = arith.addf %add3A_4240, %exp3A_4253 : vector<16xf32>
      %mul3A_4255 = arith.mulf %exp3A_4253, %get3A_4250 : vector<16xf32>
      %add3A_4256 = arith.addf %add3A_4242, %mul3A_4255 : vector<16xf32>
      %add3A_4257 = arith.constant 32 : i32
      %add3A_4258 = arith.addi %mul3A_4158, %add3A_4257 : i32
      %get3A_4259 = arith.index_cast %add3A_4258 : i32 to index
      %get3A_4260 = tpu.vector_load %arg7[%get3A_4259] {strides = array<i32>} : memref<25600xf32, #tpu.memory_space<vmem>>, vector<16xf32>,
      %add3A_4261 = arith.constant 32 : i32
      %add3A_4262 = arith.addi %mul3A_4158, %add3A_4261 : i32
      %get3A_4263 = arith.index_cast %add3A_4262 : i32 to index
      %get3A_4264 = tpu.vector_load %arg8[%get3A_4263] {strides = array<i32>} : memref<25600xf32, #tpu.memory_space<vmem>>, vector<16xf32>,
      %sub3A_4265 = vector.broadcast %reduce_max3A_4224 : f32 to vector<16xf32>
      %sub3A_4266 = arith.subf %get3A_4260, %sub3A_4265 : vector<16xf32>
      %exp3A_4267 = math.exp %sub3A_4266 : vector<16xf32>
      %add3A_4268 = arith.addf %add3A_4254, %exp3A_4267 : vector<16xf32>
      %mul3A_4269 = arith.mulf %exp3A_4267, %get3A_4264 : vector<16xf32>
      %add3A_4270 = arith.addf %add3A_4256, %mul3A_4269 : vector<16xf32>
      %add3A_4271 = arith.constant 48 : i32
      %add3A_4272 = arith.addi %mul3A_4158, %add3A_4271 : i32
      %get3A_4273 = arith.index_cast %add3A_4272 : i32 to index
      %get3A_4274 = tpu.vector_load %arg7[%get3A_4273] {strides = array<i32>} : memref<25600xf32, #tpu.memory_space<vmem>>, vector<16xf32>,
      %add3A_4275 = arith.constant 48 : i32
      %add3A_4276 = arith.addi %mul3A_4158, %add3A_4275 : i32
      %get3A_4277 = arith.index_cast %add3A_4276 : i32 to index
      %get3A_4278 = tpu.vector_load %arg8[%get3A_4277] {strides = array<i32>} : memref<25600xf32, #tpu.memory_space<vmem>>, vector<16xf32>,
      %sub3A_4279 = vector.broadcast %reduce_max3A_4224 : f32 to vector<16xf32>
      %sub3A_4280 = arith.subf %get3A_4274, %sub3A_4279 : vector<16xf32>
      %exp3A_4281 = math.exp %sub3A_4280 : vector<16xf32>
      %add3A_4282 = arith.addf %add3A_4268, %exp3A_4281 : vector<16xf32>
      %mul3A_4283 = arith.mulf %exp3A_4281, %get3A_4278 : vector<16xf32>
      %add3A_4284 = arith.addf %add3A_4270, %mul3A_4283 : vector<16xf32>
      %add3A_4285 = arith.constant 64 : i32
      %add3A_4286 = arith.addi %mul3A_4158, %add3A_4285 : i32
      %get3A_4287 = arith.index_cast %add3A_4286 : i32 to index
      %get3A_4288 = tpu.vector_load %arg7[%get3A_4287] {strides = array<i32>} : memref<25600xf32, #tpu.memory_space<vmem>>, vector<16xf32>,
      %add3A_4289 = arith.constant 64 : i32
      %add3A_4290 = arith.addi %mul3A_4158, %add3A_4289 : i32
      %get3A_4291 = arith.index_cast %add3A_4290 : i32 to index
      %get3A_4292 = tpu.vector_load %arg8[%get3A_4291] {strides = array<i32>} : memref<25600xf32, #tpu.memory_space<vmem>>, vector<16xf32>,
      %sub3A_4293 = vector.broadcast %reduce_max3A_4224 : f32 to vector<16xf32>
      %sub3A_4294 = arith.subf %get3A_4288, %sub3A_4293 : vector<16xf32>
      %exp3A_4295 = math.exp %sub3A_4294 : vector<16xf32>
      %add3A_4296 = arith.addf %add3A_4282, %exp3A_4295 : vector<16xf32>
      %mul3A_4297 = arith.mulf %exp3A_4295, %get3A_4292 : vector<16xf32>
      %add3A_4298 = arith.addf %add3A_4284, %mul3A_4297 : vector<16xf32>
      %add3A_4299 = arith.constant 80 : i32
      %add3A_4300 = arith.addi %mul3A_4158, %add3A_4299 : i32
      %get3A_4301 = arith.index_cast %add3A_4300 : i32 to index
      %get3A_4302 = tpu.vector_load %arg7[%get3A_4301] {strides = array<i32>} : memref<25600xf32, #tpu.memory_space<vmem>>, vector<16xf32>,
      %add3A_4303 = arith.constant 80 : i32
      %add3A_4304 = arith.addi %mul3A_4158, %add3A_4303 : i32
      %get3A_4305 = arith.index_cast %add3A_4304 : i32 to index
      %get3A_4306 = tpu.vector_load %arg8[%get3A_4305] {strides = array<i32>} : memref<25600xf32, #tpu.memory_space<vmem>>, vector<16xf32>,
      %sub3A_4307 = vector.broadcast %reduce_max3A_4224 : f32 to vector<16xf32>
      %sub3A_4308 = arith.subf %get3A_4302, %sub3A_4307 : vector<16xf32>
      %exp3A_4309 = math.exp %sub3A_4308 : vector<16xf32>
      %add3A_4310 = arith.addf %add3A_4296, %exp3A_4309 : vector<16xf32>
      %mul3A_4311 = arith.mulf %exp3A_4309, %get3A_4306 : vector<16xf32>
      %add3A_4312 = arith.addf %add3A_4298, %mul3A_4311 : vector<16xf32>
      %add3A_4313 = arith.constant 96 : i32
      %add3A_4314 = arith.addi %mul3A_4158, %add3A_4313 : i32
      %get3A_4315 = arith.index_cast %add3A_4314 : i32 to index
      %get3A_4316 = tpu.vector_load %arg7[%get3A_4315] {strides = array<i32>} : memref<25600xf32, #tpu.memory_space<vmem>>, vector<16xf32>,
      %add3A_4317 = arith.constant 96 : i32
      %add3A_4318 = arith.addi %mul3A_4158, %add3A_4317 : i32
      %get3A_4319 = arith.index_cast %add3A_4318 : i32 to index
      %get3A_4320 = tpu.vector_load %arg8[%get3A_4319] {strides = array<i32>} : memref<25600xf32, #tpu.memory_space<vmem>>, vector<16xf32>,
      %sub3A_4321 = vector.broadcast %reduce_max3A_4224 : f32 to vector<16xf32>
      %sub3A_4322 = arith.subf %get3A_4316, %sub3A_4321 : vector<16xf32>
      %exp3A_4323 = math.exp %sub3A_4322 : vector<16xf32>
      %add3A_4324 = arith.addf %add3A_4310, %exp3A_4323 : vector<16xf32>
      %mul3A_4325 = arith.mulf %exp3A_4323, %get3A_4320 : vector<16xf32>
      %add3A_4326 = arith.addf %add3A_4312, %mul3A_4325 : vector<16xf32>
      %add3A_4327 = arith.constant 112 : i32
      %add3A_4328 = arith.addi %mul3A_4158, %add3A_4327 : i32
      %get3A_4329 = arith.index_cast %add3A_4328 : i32 to index
      %get3A_4330 = tpu.vector_load %arg7[%get3A_4329] {strides = array<i32>} : memref<25600xf32, #tpu.memory_space<vmem>>, vector<16xf32>,
      %add3A_4331 = arith.constant 112 : i32
      %add3A_4332 = arith.addi %mul3A_4158, %add3A_4331 : i32
      %get3A_4333 = arith.index_cast %add3A_4332 : i32 to index
      %get3A_4334 = tpu.vector_load %arg8[%get3A_4333] {strides = array<i32>} : memref<25600xf32, #tpu.memory_space<vmem>>, vector<16xf32>,
      %sub3A_4335 = vector.broadcast %reduce_max3A_4224 : f32 to vector<16xf32>
      %sub3A_4336 = arith.subf %get3A_4330, %sub3A_4335 : vector<16xf32>
      %exp3A_4337 = math.exp %sub3A_4336 : vector<16xf32>
      %add3A_4338 = arith.addf %add3A_4324, %exp3A_4337 : vector<16xf32>
      %mul3A_4339 = arith.mulf %exp3A_4337, %get3A_4334 : vector<16xf32>
      %add3A_4340 = arith.addf %add3A_4326, %mul3A_4339 : vector<16xf32>
      %add3A_4341 = arith.constant 128 : i32
      %add3A_4342 = arith.addi %mul3A_4158, %add3A_4341 : i32
      %get3A_4343 = arith.index_cast %add3A_4342 : i32 to index
      %get3A_4344 = tpu.vector_load %arg7[%get3A_4343] {strides = array<i32>} : memref<25600xf32, #tpu.memory_space<vmem>>, vector<16xf32>,
      %add3A_4345 = arith.constant 128 : i32
      %add3A_4346 = arith.addi %mul3A_4158, %add3A_4345 : i32
      %get3A_4347 = arith.index_cast %add3A_4346 : i32 to index
      %get3A_4348 = tpu.vector_load %arg8[%get3A_4347] {strides = array<i32>} : memref<25600xf32, #tpu.memory_space<vmem>>, vector<16xf32>,
      %sub3A_4349 = vector.broadcast %reduce_max3A_4224 : f32 to vector<16xf32>
      %sub3A_4350 = arith.subf %get3A_4344, %sub3A_4349 : vector<16xf32>
      %exp3A_4351 = math.exp %sub3A_4350 : vector<16xf32>
      %add3A_4352 = arith.addf %add3A_4338, %exp3A_4351 : vector<16xf32>
      %mul3A_4353 = arith.mulf %exp3A_4351, %get3A_4348 : vector<16xf32>
      %add3A_4354 = arith.addf %add3A_4340, %mul3A_4353 : vector<16xf32>
      %add3A_4355 = arith.constant 144 : i32
      %add3A_4356 = arith.addi %mul3A_4158, %add3A_4355 : i32
      %get3A_4357 = arith.index_cast %add3A_4356 : i32 to index
      %get3A_4358 = tpu.vector_load %arg7[%get3A_4357] {strides = array<i32>} : memref<25600xf32, #tpu.memory_space<vmem>>, vector<16xf32>,
      %add3A_4359 = arith.constant 144 : i32
      %add3A_4360 = arith.addi %mul3A_4158, %add3A_4359 : i32
      %get3A_4361 = arith.index_cast %add3A_4360 : i32 to index
      %get3A_4362 = tpu.vector_load %arg8[%get3A_4361] {strides = array<i32>} : memref<25600xf32, #tpu.memory_space<vmem>>, vector<16xf32>,
      %sub3A_4363 = vector.broadcast %reduce_max3A_4224 : f32 to vector<16xf32>
      %sub3A_4364 = arith.subf %get3A_4358, %sub3A_4363 : vector<16xf32>
      %exp3A_4365 = math.exp %sub3A_4364 : vector<16xf32>
      %add3A_4366 = arith.addf %add3A_4352, %exp3A_4365 : vector<16xf32>
      %mul3A_4367 = arith.mulf %exp3A_4365, %get3A_4362 : vector<16xf32>
      %add3A_4368 = arith.addf %add3A_4354, %mul3A_4367 : vector<16xf32>
      %add3A_4369 = arith.constant 160 : i32
      %add3A_4370 = arith.addi %mul3A_4158, %add3A_4369 : i32
      %get3A_4371 = arith.index_cast %add3A_4370 : i32 to index
      %get3A_4372 = tpu.vector_load %arg7[%get3A_4371] {strides = array<i32>} : memref<25600xf32, #tpu.memory_space<vmem>>, vector<16xf32>,
      %add3A_4373 = arith.constant 160 : i32
      %add3A_4374 = arith.addi %mul3A_4158, %add3A_4373 : i32
      %get3A_4375 = arith.index_cast %add3A_4374 : i32 to index
      %get3A_4376 = tpu.vector_load %arg8[%get3A_4375] {strides = array<i32>} : memref<25600xf32, #tpu.memory_space<vmem>>, vector<16xf32>,
      %sub3A_4377 = vector.broadcast %reduce_max3A_4224 : f32 to vector<16xf32>
      %sub3A_4378 = arith.subf %get3A_4372, %sub3A_4377 : vector<16xf32>
      %exp3A_4379 = math.exp %sub3A_4378 : vector<16xf32>
      %add3A_4380 = arith.addf %add3A_4366, %exp3A_4379 : vector<16xf32>
      %mul3A_4381 = arith.mulf %exp3A_4379, %get3A_4376 : vector<16xf32>
      %add3A_4382 = arith.addf %add3A_4368, %mul3A_4381 : vector<16xf32>
      %add3A_4383 = arith.constant 176 : i32
      %add3A_4384 = arith.addi %mul3A_4158, %add3A_4383 : i32
      %get3A_4385 = arith.index_cast %add3A_4384 : i32 to index
      %get3A_4386 = tpu.vector_load %arg7[%get3A_4385] {strides = array<i32>} : memref<25600xf32, #tpu.memory_space<vmem>>, vector<16xf32>,
      %add3A_4387 = arith.constant 176 : i32
      %add3A_4388 = arith.addi %mul3A_4158, %add3A_4387 : i32
      %get3A_4389 = arith.index_cast %add3A_4388 : i32 to index
      %get3A_4390 = tpu.vector_load %arg8[%get3A_4389] {strides = array<i32>} : memref<25600xf32, #tpu.memory_space<vmem>>, vector<16xf32>,
      %sub3A_4391 = vector.broadcast %reduce_max3A_4224 : f32 to vector<16xf32>
      %sub3A_4392 = arith.subf %get3A_4386, %sub3A_4391 : vector<16xf32>
      %exp3A_4393 = math.exp %sub3A_4392 : vector<16xf32>
      %add3A_4394 = arith.addf %add3A_4380, %exp3A_4393 : vector<16xf32>
      %mul3A_4395 = arith.mulf %exp3A_4393, %get3A_4390 : vector<16xf32>
      %add3A_4396 = arith.addf %add3A_4382, %mul3A_4395 : vector<16xf32>
      %add3A_4397 = arith.constant 184 : i32
      %add3A_4398 = arith.addi %mul3A_4158, %add3A_4397 : i32
      %get3A_4399 = arith.index_cast %add3A_4398 : i32 to index
      %get3A_4400 = tpu.vector_load %arg7[%get3A_4399] {strides = array<i32>} : memref<25600xf32, #tpu.memory_space<vmem>>, vector<16xf32>,
      %add3A_4401 = arith.constant 184 : i32
      %add3A_4402 = arith.addi %mul3A_4158, %add3A_4401 : i32
      %get3A_4403 = arith.index_cast %add3A_4402 : i32 to index
      %get3A_4404 = tpu.vector_load %arg8[%get3A_4403] {strides = array<i32>} : memref<25600xf32, #tpu.memory_space<vmem>>, vector<16xf32>,
      %sub3A_4405 = vector.broadcast %reduce_max3A_4224 : f32 to vector<16xf32>
      %sub3A_4406 = arith.subf %get3A_4400, %sub3A_4405 : vector<16xf32>
      %exp3A_4407 = math.exp %sub3A_4406 : vector<16xf32>
      %jit3A_4408 = arith.constant 0.000000e+00 : f32
      %broadcast_in_dim3A_4409 = vector.broadcast %jit3A_4408 : f32 to vector<16xf32>
      %select_n3A_4410 = arith.select %ge3A_10, %exp3A_4407, %broadcast_in_dim3A_4409 : vector<16xi1>, vector<16xf32>
      %add3A_4411 = arith.addf %add3A_4394, %select_n3A_4410 : vector<16xf32>
      %mul3A_4412 = arith.mulf %select_n3A_4410, %get3A_4404 : vector<16xf32>
      %add3A_4413 = arith.addf %add3A_4396, %mul3A_4412 : vector<16xf32>
      %eq3A_4414 = arith.constant 15 : i32
      %eq3A_4415 = vector.broadcast %eq3A_4414 : i32 to vector<16xi32>
      %eq3A_4416 = arith.cmpi eq, %iota3A, %eq3A_4415 : vector<16xi32>
      %reduce_sum3A_4417 = arith.constant true
      %reduce_sum3A_4418 = vector.broadcast %reduce_sum3A_4417 : i1 to vector<16xi1>
      %reduce_sum3A_4419 = tpu.scan <sum>, %add3A_4413 masked %reduce_sum3A_4418 : vector<16xf32>, vector<16xi1> -> vector<16xf32>
      %reduce_sum3A_4420 = vector.extract %reduce_sum3A_4419[15] : f32 from vector<16xf32>
      %broadcast_in_dim3A_4421 = vector.broadcast %reduce_sum3A_4420 : f32 to vector<16xf32>
      %select_n3A_4422 = arith.select %eq3A_4416, %broadcast_in_dim3A_4421, %select_n3A_4146 : vector<16xi1>, vector<16xf32>
      %reduce_sum3A_4423 = arith.constant true
      %reduce_sum3A_4424 = vector.broadcast %reduce_sum3A_4423 : i1 to vector<16xi1>
      %reduce_sum3A_4425 = tpu.scan <sum>, %add3A_4411 masked %reduce_sum3A_4424 : vector<16xf32>, vector<16xi1> -> vector<16xf32>
      %reduce_sum3A_4426 = vector.extract %reduce_sum3A_4425[15] : f32 from vector<16xf32>
      %broadcast_in_dim3A_4427 = vector.broadcast %reduce_sum3A_4426 : f32 to vector<16xf32>
      %select_n3A_4428 = arith.select %eq3A_4416, %broadcast_in_dim3A_4427, %select_n3A_4152 : vector<16xi1>, vector<16xf32>
      %div3A = arith.divf %select_n3A_4422, %select_n3A_4428 : vector<16xf32>
      %neg3A = arith.constant 0.000000e+00 : f32
      %neg3A_4429 = vector.broadcast %neg3A : f32 to vector<16xf32>
      %neg3A_4430 = arith.subf %neg3A_4429, %div3A : vector<16xf32>
      %exp3A_4431 = math.exp %neg3A_4430 : vector<16xf32>
      %add3A_4432 = arith.constant 1.000000e+00 : f32
      %add3A_4433 = vector.broadcast %add3A_4432 : f32 to vector<16xf32>
      %add3A_4434 = arith.addf %add3A_4433, %exp3A_4431 : vector<16xf32>
      %div3A_4435 = arith.constant 1.000000e+00 : f32
      %div3A_4436 = vector.broadcast %div3A_4435 : f32 to vector<16xf32>
      %div3A_4437 = arith.divf %div3A_4436, %add3A_4434 : vector<16xf32>
      %mul3A_4438 = arith.constant 16 : i32
      %mul3A_4439 = arith.muli %scan3A_18, %mul3A_4438 : i32
      %swap3A = arith.index_cast %mul3A_4439 : i32 to index
      %swap3A_4440 = tpu.vector_load %arg9[%swap3A] {strides = array<i32>} : memref<128xf32, #tpu.memory_space<vmem>>, vector<16xf32>,
      tpu.vector_store %arg9[%swap3A], %div3A_4437 {strides = array<i32>} : memref<128xf32, #tpu.memory_space<vmem>>, vector<16xf32>,
    }
    %scan3A_15 = arith.constant 8 : i32
    %mul3A_16 = arith.constant 128 : i32
    %mul3A_17 = arith.muli %add3A, %mul3A_16 : i32
    "tpu.region"() ({
      %run_scoped3A = tpu.sem_alloc : memref<!tpu.dma_semaphore, #tpu.memory_space<semaphore_mem>>
      %dma_start3A_18 = tpu.memref_slice %arg5[%mul3A_17] : memref<4096xf32, #tpu.memory_space<hbm>> -> memref<128xf32, #tpu.memory_space<hbm>>
      %dma_start3A_19 = tpu.memref_slice %arg5[%mul3A_17] : memref<4096xf32, #tpu.memory_space<hbm>> -> memref<128xf32, #tpu.memory_space<hbm>>
      tpu.enqueue_dma source(%arg9 : memref<128xf32, #tpu.memory_space<vmem>>) target(%dma_start3A_19 : memref<128xf32, #tpu.memory_space<hbm>>) target_semaphore(%run_scoped3A : memref<!tpu.dma_semaphore, #tpu.memory_space<semaphore_mem>>)
      %dma_wait3A_20 = tpu.memref_slice %arg5[%mul3A_17] : memref<4096xf32, #tpu.memory_space<hbm>> -> memref<128xf32, #tpu.memory_space<hbm>>
      %dma_wait3A_21 = tpu.memref_slice %arg5[%mul3A_17] : memref<4096xf32, #tpu.memory_space<hbm>> -> memref<128xf32, #tpu.memory_space<hbm>>
      tpu.wait_dma2 semaphore(%run_scoped3A : memref<!tpu.dma_semaphore, #tpu.memory_space<semaphore_mem>>) src(%arg9 : memref<128xf32, #tpu.memory_space<vmem>>) dst(%dma_wait3A_21 : memref<128xf32, #tpu.memory_space<hbm>>)
      tpu.yield
    }) : () -> ()
    return
  }
}

module attributes {stable_mosaic.version = 14 : i64} {
  func.func @_proj_body(%arg0: i32, %arg1: memref<2x64xf32, #tpu.memory_space<vmem>>, %arg2: memref<16384x64xf32, #tpu.memory_space<vmem>>, %arg3: memref<16384xf32, #tpu.memory_space<vmem>>, %arg4: memref<16384xf32, #tpu.memory_space<vmem>>) attributes {dimension_semantics = [#tpu.dimension_semantics<arbitrary>], iteration_bounds = array<i64: 62>, scalar_prefetch = 0 : i64, scratch_operands = 0 : i64, tpu.core_type = #tpu.core_type<tc>, window_params = [{pipeline_mode = #tpu.pipeline_mode<synchronous>, transform_indices = @transform_0, window_bounds = array<i64: 2, 64>}, {transform_indices = @transform_1, window_bounds = array<i64: 16384, 64>}, {transform_indices = @transform_2, window_bounds = array<i64: 16384>}, {transform_indices = @transform_3, window_bounds = array<i64: 16384>}]} {
    %get3A = arith.constant 0 : index
    %get3A_0 = arith.constant 0 : index
    %get3A_1 = vector.load %arg1[%get3A, %get3A_0] : memref<2x64xf32, #tpu.memory_space<vmem>>, vector<2x64xf32>
    %get3A_2 = arith.constant 0 : index
    %get3A_3 = arith.constant 0 : index
    %get3A_4 = vector.load %arg2[%get3A_2, %get3A_3] : memref<16384x64xf32, #tpu.memory_space<vmem>>, vector<16384x64xf32>
    %dot_general3A = arith.constant dense<0.000000e+00> : vector<2x16384xf32>
    %dot_general3A_5 = tpu.matmul %get3A_1, %get3A_4, %dot_general3A {dimension_numbers = #tpu.dot_dimension_numbers<[1], [1], [0], [0], [0, 0, 1, 0], [], []>, transpose_lhs_hint = false} : vector<2x64xf32>, vector<16384x64xf32>, vector<2x16384xf32> -> vector<2x16384xf32>
    %slice3A = vector.extract_strided_slice %dot_general3A_5 {offsets = [0, 0], sizes = [1, 16384], strides = [1, 1]} : vector<2x16384xf32> to vector<1x16384xf32>
    %squeeze3A = vector.shape_cast %slice3A : vector<1x16384xf32> to vector<16384xf32>
    %swap3A = arith.constant 0 : index
    %swap3A_6 = vector.load %arg3[%swap3A] : memref<16384xf32, #tpu.memory_space<vmem>>, vector<16384xf32>
    tpu.vector_store %arg3[%swap3A], %squeeze3A {strides = array<i32>} : memref<16384xf32, #tpu.memory_space<vmem>>, vector<16384xf32>,
    %slice3A_7 = vector.extract_strided_slice %dot_general3A_5 {offsets = [1, 0], sizes = [1, 16384], strides = [1, 1]} : vector<2x16384xf32> to vector<1x16384xf32>
    %squeeze3A_8 = vector.shape_cast %slice3A_7 : vector<1x16384xf32> to vector<16384xf32>
    %swap3A_9 = arith.constant 0 : index
    %swap3A_10 = vector.load %arg4[%swap3A_9] : memref<16384xf32, #tpu.memory_space<vmem>>, vector<16384xf32>
    tpu.vector_store %arg4[%swap3A_9], %squeeze3A_8 {strides = array<i32>} : memref<16384xf32, #tpu.memory_space<vmem>>, vector<16384xf32>,
    return
  }
  func.func @transform_0(%arg0: i32) -> (i32, i32) {
    %c0_i32 = arith.constant 0 : i32
    %c0_i32_0 = arith.constant 0 : i32
    %c0_i32_1 = arith.constant 0 : i32
    return %c0_i32, %c0_i32_0 : i32, i32
  }
  func.func @transform_1(%arg0: i32) -> (i32, i32) {
    %c0_i32 = arith.constant 0 : i32
    %c0_i32_0 = arith.constant 0 : i32
    return %arg0, %c0_i32 : i32, i32
  }
  func.func @transform_2(%arg0: i32) -> i32 {
    %c0_i32 = arith.constant 0 : i32
    return %arg0 : i32
  }
  func.func @transform_3(%arg0: i32) -> i32 {
    %c0_i32 = arith.constant 0 : i32
    return %arg0 : i32
  }
}

</mosaic_0001>

<sc_bundles>
// kernel: kernel.4.cloned.1.call-start
scs
__scs_entry_jumppad:
0x0: {  	(pc) =	sbr.rel $0x88, $3  }
0x1: {  	(tag) =	ssettag $0x0;
	lr =	simm.s32 $0x1  }
0x2: {  	[smem:$0x3F9D] =	sst lr;
	_ =	strace $0xD0000000  }
0x3: {  	_ = 	snop  }
0x4: {  	_ = 	snop  }
0x5: {  	_ = 	snop  }
0x6: {  	_ = 	snop  }
0x7: {  	_ = 	snop  }
__scs_overlays_trampoline_lowered:
0x8: {  	[smem:$0x3FAC] =	sst s0  }
0x9: {  	[smem:$0x3FAD] =	sst s1  }
0xa: {  	[smem:$0x3FAE] =	sst s2  }
0xb: {  	[smem:$0x3FAF] =	sst s3  }
0xc: {  	[smem:$0x3FB0] =	sst s4  }
0xd: {  	[smem:$0x3FB1] =	sst s5  }
0xe: {  	[smem:$0x3FB2] =	sst s6  }
0xf: {  	[smem:$0x3FB3] =	sst s7  }
0x10: {  	[smem:$0x3FB4] =	sst s8  }
0x11: {  	[smem:$0x3FB5] =	sst s9;
	s0 =	simm.s32 @!p0 $0x0  }
0x12: {  	s1 =	sld [smem:$0x3F9B];
	s0 =	simm.s32 @p0 $0x1  }
0x13: {  	[smem:$0x3FB6] =	sst s0;
	s0 =	simm.s32 @!p1 $0x0  }
0x14: {  	s2 =	sld [smem:$0x3F9A];
	s0 =	simm.s32 @p1 $0x1  }
0x15: {  	[smem:$0x3FB7] =	sst s0;
	s0 =	simm.s32 @!p2 $0x0  }
0x16: {  	s3 =	sld [smem:$0x3FDB];
	s0 =	simm.s32 @p2 $0x1  }
0x17: {  	s4 =	simm.s32 $0x1BF5;
	[smem:$0x3FB9] =	sst s0  }
0x18: {  	s0 =	sld [smem:$0x3F9C];
	_ =	swait.ge [sflag:s4], $0x0  }
0x19: {  	s7 =	sld [smem:$0x3F9D]  }
0x1a: {  	s8 =	sadd.s32 $0xFFFFE003, lr  }
0x1b: {  	s9 =	sadd.s32 $0xFFFFFEF7, lr;
	s5 =	simm.s32 $0xFFFFFFFF;
	p2 =	slt.u32 s8, $0xFFFFF086  }
0x1c: {  	p1 =	slt.u32 s9, $0xF7A;
	s5 =	simm.s32 @!p2 $0x0  }
0x1d: {  	s5 =	simm.s32 @p1 $0x1;
	p0 =	seq.s32 s7, s2  }
0x1e: {  	s7 =	smul.u32 @!p0 $0xF7A, s2;
	p2 =	seq.s32 @!p0 s5, $0x0  }
0x1f: {  	s9 =	smul.u32 $0xF7A, s1;
	s8 =	simm.s32 @!p0 $0x1BF5;
	p2 =	por !p2, p0  }
0x20: {  	[sflag:s8] =	ssyncset.s32 @!p0 $0xFFFFF086;
	s6 =	sadd.s32 @!p0 s3, s7;
	s7 =	simm.s32 @!p0 $0x108  }
0x21: {  	s3 =	sadd.s32 s3, s9;
	s6 =	sadd.s32 @!p0 $0x88, s6;
	s7 =	simm.s32 @p2 $0x1082  }
0x22: {  	[simem:s7], [sflag:s8] =	dma.local @!p0 [hbm:s6], $0xF7A  }
0x23: {  	s9 =	sor.u32 $0xD0000000, s2;
	s6 =	simm.s32 $0x108;
	_ =	swait.ge @!p0 [sflag:s8], $0x0  }
0x24: {  	s3 =	sadd.s32 $0x88, s3;
	s6 =	simm.s32 @!p1 $0x1082;
	[sflag:s4] =	ssyncset.s32 $0xFFFFF086  }
0x25: {  	[simem:s6], [sflag:s4] =	dma.local [hbm:s3], $0xF7A  }
0x26: {  	[smem:$0x3F9D] =	sst s1;
	(tag) =	ssettag s2;
	_ =	strace s9  }
0x27: {  	s1 =	sld [smem:$0x3FAD]  }
0x28: {  	s2 =	sld [smem:$0x3FAE]  }
0x29: {  	s4 =	sld [smem:$0x3FB0]  }
0x2a: {  	p0 =	seq.s32 s5, $0x0;
	s5 =	sld [smem:$0x3FB1]  }
0x2b: {  	s6 =	sld [smem:$0x3FB2]  }
0x2c: {  	s7 =	sld [smem:$0x3FB3]  }
0x2d: {  	s3 =	simm.s32 $0x108;
	s8 =	sld [smem:$0x3FB4]  }
0x2e: {  	s3 =	simm.s32 @!p0 $0x1082;
	s9 =	sld [smem:$0x3FB5]  }
0x2f: {  	lr =	sadd.s32 s0, s3;
	s0 =	sld [smem:$0x3FAC]  }
0x30: {  	s3 =	sld [smem:$0x3FAF]  }
0x31: {  	[smem:$0x3FB8] =	sst s10  }
0x32: {  	s10 =	sld [smem:$0x3FB6];
	_ =	sdelay $0x3  }
0x33: {  	p0 =	seq.s32 s10, $0x1;
	s10 =	sld [smem:$0x3FB8];
	_ =	sdelay $0x3  }
0x34: {  	[smem:$0x3FB8] =	sst s10  }
0x35: {  	s10 =	sld [smem:$0x3FB7];
	_ =	sdelay $0x3  }
0x36: {  	p1 =	seq.s32 s10, $0x1;
	s10 =	sld [smem:$0x3FB8];
	_ =	sdelay $0x3  }
0x37: {  	[smem:$0x3FB8] =	sst s10  }
0x38: {  	s10 =	sld [smem:$0x3FB9]  }
0x39: {  	_ = 	snop;
	(pc) =	sbr.ind lr, $3  }
0x3a: {  	_ = 	snop  }
0x3b: {  	_ = 	snop  }
0x3c: {  	p2 =	seq.s32 s10, $0x1;
	s10 =	sld [smem:$0x3FB8]  }
0x3d: {  	_ =	shalt  }
0x3e: {  	_ =	shalt  }
0x3f: {  	_ =	shalt  }
0x40: {  	_ =	shalt  }
0x41: {  	_ =	shalt  }
0x42: {  	_ =	shalt  }
0x43: {  	_ =	shalt  }
0x44: {  	_ =	shalt  }
0x45: {  	_ =	shalt  }
0x46: {  	_ =	shalt  }
0x47: {  	_ =	shalt  }
0x48: {  	_ =	shalt  }
0x49: {  	_ =	shalt  }
0x4a: {  	_ =	shalt  }
0x4b: {  	_ =	shalt  }
0x4c: {  	_ =	shalt  }
0x4d: {  	_ =	shalt  }
0x4e: {  	_ =	shalt  }
0x4f: {  	_ =	shalt  }
0x50: {  	_ =	shalt  }
0x51: {  	_ =	shalt  }
0x52: {  	_ =	shalt  }
0x53: {  	_ =	shalt  }
0x54: {  	_ =	shalt  }
0x55: {  	_ =	shalt  }
0x56: {  	_ =	shalt  }
0x57: {  	_ =	shalt  }
0x58: {  	_ =	shalt  }
0x59: {  	_ =	shalt  }
0x5a: {  	_ =	shalt  }
0x5b: {  	_ =	shalt  }
0x5c: {  	_ =	shalt  }
0x5d: {  	_ =	shalt  }
0x5e: {  	_ =	shalt  }
0x5f: {  	_ =	shalt  }
0x60: {  	_ =	shalt  }
0x61: {  	_ =	shalt  }
0x62: {  	_ =	shalt  }
0x63: {  	_ =	shalt  }
0x64: {  	_ =	shalt  }
0x65: {  	_ =	shalt  }
0x66: {  	_ =	shalt  }
0x67: {  	_ =	shalt  }
0x68: {  	_ =	shalt  }
0x69: {  	_ =	shalt  }
0x6a: {  	_ =	shalt  }
0x6b: {  	_ =	shalt  }
0x6c: {  	_ =	shalt  }
0x6d: {  	_ =	shalt  }
0x6e: {  	_ =	shalt  }
0x6f: {  	_ =	shalt  }
0x70: {  	_ =	shalt  }
0x71: {  	_ =	shalt  }
0x72: {  	_ =	shalt  }
0x73: {  	_ =	shalt  }
0x74: {  	_ =	shalt  }
0x75: {  	_ =	shalt  }
0x76: {  	_ =	shalt  }
0x77: {  	_ =	shalt  }
0x78: {  	_ =	shalt  }
0x79: {  	_ =	shalt  }
0x7a: {  	_ =	shalt  }
0x7b: {  	_ =	shalt  }
0x7c: {  	_ =	shalt  }
0x7d: {  	_ =	shalt  }
0x7e: {  	_ =	shalt  }
0x7f: {  	_ =	shalt  }
0x80: {  	_ =	shalt  }
0x81: {  	_ =	shalt  }
0x82: {  	_ =	shalt  }
0x83: {  	_ =	shalt  }
0x84: {  	_ =	shalt  }
0x85: {  	_ =	shalt  }
0x86: {  	_ =	shalt  }
0x87: {  	_ =	shalt  }
.Lfunc_end0:
.L_simem_size_0:
called_computation_lowered:
.L_overlay_start_0:
0x88: {  	s2 =	sld [smem:$0x3FD9]  }
0x89: {  	s3 =	sld [smem:$0x3FFE];
	_ =	sdelay $0x1  }
0x8a: {  	s1 =	srdreg.scid  }
0x8b: {  	s0 =	sand.u32 $0x1, s1  }
0x8c: {  	s17 =	sshll.u32 s0, $0xA;
	s2 =	sadd.s32 s3, s2  }
0x8d: {  	s2 =	sadd.s32 s2, s17  }
0x8e: {  	[smem:$0x3FC4] =	sst s2  }
0x8f: {  	_ = 	snop  }
0x90: {  	s2 =	sld [smem:$0x3FD0];
	(tm) =	ssettm $0x1  }
0x91: {  	s18 =	sld [smem:$0x3FFB];
	_ =	sdelay $0x3  }
0x92: {  	_ =	strace s18  }
0x93: {  	s3 =	sld [smem:$0x3FFC];
	_ =	sdelay $0x3  }
0x94: {  	_ =	strace s3  }
0x95: {  	s3 =	sld [smem:$0x3FFD];
	_ =	sdelay $0x3  }
0x96: {  	_ =	strace s3  }
0x97: {  	_ =	strace $0x8FFFFFFF  }
0x98: {  	s19 =	sld [smem:$0x3FDB];
	_ =	sdelay $0x1  }
0x99: {  	s4 =	simm.s32 $_scs_section_size  }
0x9a: {  	s5 =	simm.s32 $_size__tile_overlayer_lowered;
	s6 =	simm.s32 $_tile_overlayer_lowered  }
0x9b: {  	s22 =	simm.s32 $0x1BFF;
	s21 =	sshll.u32 s6, $0x1;
	s3 =	sadd.s32 s4, s19  }
0x9c: {  	s7 =	simm.s32 $0x0;
	s20 =	sshll.u32 s5, $0x1;
	s5 =	sadd.s32 s21, s3  }
0x9d: {  	[timem:s7], [sflag:s22] =	dma.local [hbm:s5], s20  }
0x9e: {  	_ =	swait.ge [sflag:s22], s20  }
0x9f: {  	s4 =	ssub.s32 $0x0, s20;
	[sflag:s22] =	ssyncset.done $0x0  }
0xa0: {  	[sflag:s22] =	ssyncadd.s32 s4;
	_ =	sdelay $0x1  }
0xa1: {  	s23 =	simm.s32 $0x1B8B  }
0xa2: {  	_ =	swait.ge [sflag:s23], $0x1  }
0xa3: {  	[sflag:s23] =	ssyncset.done $0x0  }
0xa4: {  	s25 =	simm.s32 $0x1B8E;
	s24 =	sld [smem:$0x3FFE];
	[sflag:s23] =	ssyncadd.s32 $0xFFFFFFFF  }
0xa5: {  	s26 =	simm.s32 $execute0_lowered;
	[smem:$0x3FD2] =	sst s25  }
0xa6: {  	s5 =	sshll.u32 s26, $0x1;
	_ =	strace $0x80000046;
	[dreg:$0x1] =	wrdreg $0xFFFFFFFF  }
0xa7: {  	s28 =	simm.s32 $_size_execute0_lowered;
	s3 =	sadd.s32 s3, s5;
	[dreg:$0x0] =	wrdreg $0x0  }
0xa8: {  	s5 =	sshll.u32 s28, $0x1;
	[dreg:$0x2] =	wrdreg s3  }
0xa9: {  	[dreg:$0x3] =	wrdreg s5  }
0xaa: {  	[dreg:$0x4] =	wrdreg $0xC0  }
0xab: {  	_ =	task [dreg:s7], $0x5FFFF  }
0xac: {  	[dreg:$0x1] =	wrdreg $0xFFFFFFFF  }
0xad: {  	[dreg:$0x0] =	wrdreg $0x60  }
0xae: {  	[dreg:$0x2] =	wrdreg s24  }
0xaf: {  	[dreg:$0x3] =	wrdreg s2  }
0xb0: {  	[dreg:$0x4] =	wrdreg $0x9  }
0xb1: {  	_ =	task.clear_ibuf [dreg:s7], $0x5FFFF;
	_ =	strace $0x90000046  }
0xb2: {  	s29 =	simm.s32 $0x9;
	_ =	strace $0x80000048  }
0xb3: {  	_ =	swait.ge [sflag:s29], $0x1  }
0xb4: {  	[sflag:s29] =	ssyncadd.s32 $0xFFFFFFFF  }
0xb5: {  	_ =	strace $0x90000048  }
0xb6: {  	_ =	sfence  }
0xb7: {  	s30 =	sld [smem:$0x0];
	_ =	sdelay $0x2  }
0xb8: {  	s31 =	sshll.u32 s1, $0xD;
	s1 =	sshrl.u32 s1, $0x2  }
0xb9: {  	s3 =	sand.u32 $0x4000, s31;
	s1 =	sadd.s32 s1, s30  }
0xba: {  	s0 =	sor.u32 s3, s0;
	s1 =	sshll.u32 s1, $0x11  }
0xbb: {  	s0 =	sor.u32 s1, s0  }
0xbc: {  	s0 =	sadd.s32 $0x8F2B, s0  }
0xbd: {  	[sflag:s0] =	ssyncadd.remote.s32 $0x1  }
0xbe: {  	_ =	sfence.sel $0xFFFF  }
0xbf: {  	[dreg:$0x0] =	wrdreg $0xFFFFFFFF;
	(pc) =	sbr.abs _section_cstart, $3  }
0xc0: {  	[dreg:$0x1] =	wrdreg $0xFFFFFFFF  }
0xc1: {  	_ =	task.clear_ibuf [dreg:s7], $0x2FFFF;
	_ =	strace $0x9FFFFFFF  }
0xc2: {  	(tm) =	ssettm $0x7FFFFFFF  }
0xc3: {  	_ =	shalt  }
tec
execute0_lowered:
.L_overlay_start_1:
0x0: {  	(tag) =	ssettag $0x1  }
0x1: {  	s1 =	srdreg.scid;
	s4 =	rddreg [dreg:$0x0]  }
0x2: {  	s0 =	stileid.u32;
	s6 =	rddreg [dreg:$0x1];
	s2 =	simm.s32 $0x0  }
0x3: {  	s10 =	simm.s32 $0xC800;
	s11 =	simm.s32 $0x1;
	s12 =	simm.s32 $0x2  }
0x4: {  	s13 =	simm.s32 $0x12C00;
	s3 =	sand.u32 $0x1, s1;
	s1 =	rddreg [dreg:$0x2]  }
0x5: {  	s14 =	simm.s32 $0x0;
	s31 =	sshll.u32 s0, $0x1;
	[smem:$0x7FF] =	sst s2  }
0x6: {  	vm0 =	vmmov $0xff;
	vm1 =	vmmov $0x1;
	vm2 =	vmmov $0x3;
	s7 =	sor.u32 s3, s31;
	_ =	strace $0x80000047;
	s8 =	ssub.s32 $0x2, s3  }
0x7: {  	vm3 =	vmmov $0x7;
	vm4 =	vmmov $0xf;
	vm5 =	vmmov $0x1f;
	s5 =	smul.u32 $0xC80, s7;
	s9 =	sshrl.u32 s8, $0x1;
	s7 =	sshll.u32 s7, $0x4  }
0x8: {  	vm6 =	vmmov $0x3f;
	vm7 =	vmmov $0x7f;
	vm8 =	vmmov $0x1ff;
	s3 =	sadd.s32 $0x1000, s4;
	s8 =	ssub.s32 s8, s9;
	s6 =	sadd.s32 s6, s7  }
0x9: {  	vm9 =	vmmov $0x3ff;
	vm10 =	vmmov $0x7ff;
	vm11 =	vmmov $0xfff;
	s9 =	simm.s32 $0x6400;
	s5 =	sadd.s32 s5, s4;
	s4 =	sadd.s32 $0x20000, s4  }
0xa: {  	vm12 =	vmmov $0x1fff;
	vm13 =	vmmov $0x3fff;
	vm14 =	vmmov $0x7fff;
	s7 =	smax.u32 s8, $0x1;
	s8 =	simm.s32 $0x3;
	s5 =	sadd.s32 $0xF43400, s5  }
.LBB2_1:
0xb: {  	[tilespmem:s2], [sflag:$0x3] =	stream.linear.gather [hbm4b:s5+s2], $0x6400, $0x38;
	[tilespmem:$0x12C80] =	vst v63  }
0xc: {  	_ =	swait.ge [sflag:s8], $0x6400  }
0xd: {  	[sflag:s8] =	ssyncset.done $0x0  }
0xe: {  	[sflag:s8] =	ssyncadd.s32 $0xFFFF9C00  }
0xf: {  	[tilespmem:s9], [sflag:$0x1] =	stream.indirect.gather [hbm4b:s3+s9], $0x1, s2, s9, $0xb8;
	[tilespmem:$0x12C80] =	vst v63  }
0x10: {  	_ = 	snop  }
0x11: {  	[tilespmem:s10], [sflag:$0x2] =	stream.indirect.gather [hbm4b:s4+s9], $0x1, s2, s9, $0xb8;
	[tilespmem:$0x12C80] =	vst v63  }
0x12: {  	_ =	swait.ge [sflag:s11], $0x6400  }
0x13: {  	[sflag:s11] =	ssyncset.done $0x0  }
0x14: {  	[sflag:s11] =	ssyncadd.s32 $0xFFFF9C00  }
0x15: {  	_ =	swait.ge [sflag:s12], $0x6400  }
0x16: {  	[sflag:s12] =	ssyncset.done $0x0  }
0x17: {  	s15 =	simm.s32 $0x0;
	[sflag:s12] =	ssyncadd.s32 $0xFFFF9C00  }
.LBB2_2:
0x18: {  	s16 =	smul.u32 $0xC80, s15;
	_ =	sdelay $0x1  }
0x19: {  	v0 =	vld [tilespmem:s16+$0x6400]  }
0x1a: {  	v1 =	vld [tilespmem:s16+$0x6410]  }
0x1b: {  	v2 =	vld [tilespmem:s16+$0x6420]  }
0x1c: {  	v3 =	vld [tilespmem:s16+$0x6430]  }
0x1d: {  	v4 =	vld [tilespmem:s16+$0x6440]  }
0x1e: {  	v10 =	vld [tilespmem:s16+$0x6450]  }
0x1f: {  	v11 =	vld [tilespmem:s16+$0x6460];
	v5 =	vmax.f32 v0, v1  }
0x20: {  	v12 =	vld [tilespmem:s16+$0x6470];
	v5 =	vmax.f32 v5, v2  }
0x21: {  	v13 =	vld [tilespmem:s16+$0x6480];
	v5 =	vmax.f32 v5, v3  }
0x22: {  	v14 =	vld [tilespmem:s16+$0x6490];
	v5 =	vmax.f32 v5, v4  }
0x23: {  	v15 =	vld [tilespmem:s16+$0x64A0];
	v5 =	vmax.f32 v5, v10  }
0x24: {  	v16 =	vld [tilespmem:s16+$0x64B0];
	v5 =	vmax.f32 v5, v11  }
0x25: {  	v17 =	vld [tilespmem:s16+$0x64B8];
	v5 =	vmax.f32 v5, v12  }
0x26: {  	v5 =	vmax.f32 v5, v13  }
0x27: {  	v5 =	vmax.f32 v5, v14  }
0x28: {  	v5 =	vmax.f32 v5, v15  }
0x29: {  	v5 =	vmax.f32 v5, v16  }
0x2a: {  	v5 =	vmax.f32 v5, v17  }
0x2b: {  	(xrf0) =	vmax.scan.msk.f32 $0xffff, v5;
	_ =	sdelay $0x4  }
0x2c: {  	v19 =	vld [tilespmem:s16+$0xC800]  }
0x2d: {  	v21 =	vld [tilespmem:s16+$0x64C8];
	v5, _, _ =	vpop (xrf0)  }
0x2e: {  	v22 =	vld [tilespmem:s16+$0x64D8];
	v18 =	vbroadcast v5, $0xF  }
0x2f: {  	v23 =	vld [tilespmem:s16+$0x64E8]  }
0x30: {  	v9 =	vld [tilespmem:s16+$0x64F8];
	v0 =	vsub.f32 v0, v18  }
0x31: {  	v8 =	vld [tilespmem:s16+$0x6508]  }
0x32: {  	v6 =	vld [tilespmem:s16+$0x6518];
	v35 =	vsub.f32 v1, v18;
	v0 =	vmul.f32 $1.442695020e+00, v0  }
0x33: {  	v7 =	vld [tilespmem:s16+$0x6528];
	v38 =	vmax.f32 v21, v22;
	v36 =	vsub.f32 v2, v18;
	v39 =	vsub.f32 v3, v18  }
0x34: {  	v1 =	vmax.f32 v38, v23;
	v3 =	vld [tilespmem:s16+$0x6538];
	(erf) = vpow2.f32 v0;
	v0 =	vmul.f32 $1.442695020e+00, v35  }
0x35: {  	v5 =	vld [tilespmem:s16+$0x6548];
	v24 =	vsub.f32 v4, v18;
	v40 =	vmax.f32 v1, v9  }
0x36: {  	v4 =	vld [tilespmem:s16+$0x6558];
	v37 =	vmul.f32 $1.442695020e+00, v36;
	(erf) = vpow2.f32 v0;
	v0 =	vmax.f32 v40, v8  }
0x37: {  	v2 =	vld [tilespmem:s16+$0x6568];
	v10 =	vsub.f32 v10, v18;
	v0 =	vmax.f32 v0, v6  }
0x38: {  	v1 =	vld [tilespmem:s16+$0x6578];
	v41 =	vmul.f32 $1.442695020e+00, v39;
	(erf) = vpow2.f32 v37;
	v0 =	vmax.f32 v0, v7  }
0x39: {  	v11 =	vsub.f32 v11, v18;
	v24 =	vmul.f32 $1.442695020e+00, v24;
	v26 =	vmax.f32 v0, v3;
	v0 =	vld [tilespmem:s16+$0x6580]  }
0x3a: {  	v12 =	vsub.f32 v12, v18;
	(erf) = vpow2.f32 v41;
	v42 =	vmax.f32 v26, v5  }
0x3b: {  	v20 =	vld [tilespmem:s16+$0xC810];
	v52 =	vsub.f32 v13, v18;
	(erf) = vpow2.f32 v24;
	v24 =	vmax.f32 v42, v4  }
0x3c: {  	v58 =	vsub.f32 v14, v18;
	v10 =	vmul.f32 $1.442695020e+00, v10;
	v24 =	vmax.f32 v24, v2  }
0x3d: {  	v43 =	vld [tilespmem:s16+$0xC820];
	v11 =	vmul.f32 $1.442695020e+00, v11;
	v51 =	vmul.f32 $1.442695020e+00, v12;
	v25 =	vpop (erf);
	v24 =	vmax.f32 v24, v1  }
0x3e: {  	(erf) = vpow2.f32 v10;
	v19 =	vmul.f32 v25, v19;
	v44 =	vmax.f32 v24, v0  }
0x3f: {  	v28 =	vld [tilespmem:s16+$0xC830];
	v61 =	vsub.f32 v15, v18;
	(erf) = vpow2.f32 v11;
	v25 =	vadd.f32 $0.0e+00, v25;
	v27 =	vpop (erf);
	(xrf0) =	vmax.scan.msk.f32 $0xffff, v44  }
0x40: {  	v50 =	vld [tilespmem:s16+$0xC840];
	(erf) = vpow2.f32 v51;
	v19 =	vadd.f32 $0.0e+00, v19;
	v20 =	vmul.f32 v27, v20  }
0x41: {  	v16 =	vsub.f32 v16, v18;
	v57 =	vmul.f32 $1.442695020e+00, v52;
	v25 =	vadd.f32 v25, v27;
	v45 =	vpop (erf)  }
0x42: {  	v60 =	vmul.f32 $1.442695020e+00, v58;
	v48 =	vmul.f32 v45, v43;
	v46 =	vadd.f32 v19, v20  }
0x43: {  	v56 =	vld [tilespmem:s16+$0xC850];
	v16 =	vmul.f32 $1.442695020e+00, v16;
	v27 =	vmul.f32 $1.442695020e+00, v61;
	v49 =	vpop (erf);
	v47 =	vadd.f32 v25, v45  }
0x44: {  	v54 =	vmul.f32 v49, v28;
	v55 =	vpop (erf);
	(erf) = vpow2.f32 v57;
	v10 =	vadd.f32 v46, v48  }
0x45: {  	v30 =	vld [tilespmem:s16+$0xC870];
	v28 =	vsub.f32 v17, v18;
	v63 =	vmul.f32 v55, v50;
	v53 =	vadd.f32 v47, v49;
	v62, _, _ =	vpop (xrf0)  }
0x46: {  	v25 =	vld [tilespmem:s16+$0xC860];
	(erf) = vpow2.f32 v60;
	v59 =	vadd.f32 v10, v54;
	v10 =	vbroadcast v62, $0xF  }
0x47: {  	v26 =	vpop (erf);
	(erf) = vpow2.f32 v27;
	v31 =	vmul.f32 $1.442695020e+00, v28;
	v13 =	vadd.f32 v53, v55  }
0x48: {  	v34 =	vld [tilespmem:s16+$0xC880];
	v29 =	vmul.f32 v26, v56;
	v33 =	vpop (erf);
	(erf) = vpow2.f32 v16;
	v21 =	vsub.f32 v21, v10  }
0x49: {  	v40 =	vld [tilespmem:s16+$0xC8A0];
	v39 =	vpop (erf);
	(erf) = vpow2.f32 v31;
	v14 =	vadd.f32 v59, v63;
	v32 =	vadd.f32 v13, v26  }
0x4a: {  	v37 =	vld [tilespmem:s16+$0xC890];
	v41 =	vmul.f32 v30, v39;
	v45 =	vsub.f32 v22, v10;
	v51 =	vsub.f32 v23, v10  }
0x4b: {  	v42 =	vld [tilespmem:s16+$0xC8B0];
	v36 =	vmul.f32 v25, v33;
	v9 =	vsub.f32 v9, v10;
	v8 =	vsub.f32 v8, v10  }
0x4c: {  	v24 =	vld [tilespmem:s16+$0x65B0];
	v6 =	vsub.f32 v6, v10;
	v31 =	vsub.f32 v7, v10;
	v35 =	vmul.f32 $1.442695020e+00, v21  }
0x4d: {  	v44 =	vld [tilespmem:s16+$0xC8C8];
	v14 =	vadd.f32 v14, v29;
	v38 =	vadd.f32 v32, v33;
	v20 =	vmul.f32 $1.442695020e+00, v45  }
0x4e: {  	v19 =	vld [tilespmem:s16+$0x6590];
	v61 =	vsub.f32 v3, v10;
	v9 =	vmul.f32 $1.442695020e+00, v9;
	v8 =	vmul.f32 $1.442695020e+00, v8  }
0x4f: {  	v46 =	vld [tilespmem:s16+$0xC8D8];
	v43 =	vpop (erf);
	(erf) = vpow2.f32 v35;
	v14 =	vadd.f32 v14, v36;
	v11 =	vadd.f32 v38, v39  }
0x50: {  	v48 =	vld [tilespmem:s16+$0xC8E8];
	v5 =	vsub.f32 v5, v10;
	v15 =	vmul.f32 v34, v43;
	v47 =	vpop (erf);
	(erf) = vpow2.f32 v20  }
0x51: {  	v62 =	vld [tilespmem:s16+$0xC8F8];
	v20 =	vmul.f32 $1.442695020e+00, v51;
	v14 =	vadd.f32 v14, v41;
	v11 =	vadd.f32 v11, v43  }
0x52: {  	v22 =	vld [tilespmem:s16+$0x65A0];
	v4 =	vsub.f32 v4, v10;
	v58 =	vmul.f32 $1.442695020e+00, v6;
	v49 =	vmul.f32 v37, v47  }
0x53: {  	v13 =	vld [tilespmem:s16+$0x65C0];
	(erf) = vpow2.f32 v20;
	v14 =	vadd.f32 v14, v15;
	v11 =	vadd.f32 v11, v47  }
0x54: {  	v7 =	vld [tilespmem:s16+$0x6640];
	v2 =	vsub.f32 v2, v10;
	v60 =	vmul.f32 $1.442695020e+00, v31;
	v50 =	vpop (erf);
	(erf) = vpow2.f32 v9  }
0x55: {  	v52 =	vmul.f32 v40, v50;
	v53 =	vpop (erf);
	v14 =	vadd.f32 v14, v49;
	v12 =	vadd.f32 v11, v50;
	v11 =	vld [tilespmem:s16+$0x65D0]  }
0x56: {  	v1 =	vsub.f32 v1, v10;
	v33 =	vmul.f32 $1.442695020e+00, v61;
	v25 =	vpop (erf);
	v15 =	vld [tilespmem:s16+$0x65E0];
	(erf) = vpow2.f32 v8  }
0x57: {  	v5 =	vmul.f32 $1.442695020e+00, v5;
	v56 =	vmax.f32 v19, v22;
	v54 =	vadd.f32 v14, v52;
	v14 =	vld [tilespmem:s16+$0x65F0]  }
0x58: {  	v4 =	vmul.f32 $1.442695020e+00, v4;
	v57 =	vmax.f32 v56, v24;
	v28 =	vadd.f32 v12, v53;
	v12 =	vld [tilespmem:s16+$0x6600];
	v55 =	vpop (erf)  }
0x59: {  	v20 =	vmax.f32 v57, v13;
	v9 =	vld [tilespmem:s16+$0x6610];
	(erf) = vpow2.f32 v58;
	v18 =	vmul.f32 v55, v44  }
0x5a: {  	v6 =	vld [tilespmem:s16+$0x6620];
	(erf) = vpow2.f32 v60;
	v29 =	vadd.f32 $0.0e+00, v55;
	v30 =	vpop (erf);
	v20 =	vmax.f32 v20, v11  }
0x5b: {  	v8 =	vld [tilespmem:s16+$0x6630];
	v16 =	vmul.f32 v30, v46;
	v18 =	vadd.f32 $0.0e+00, v18;
	v59 =	vmax.f32 v20, v15  }
0x5c: {  	v34 =	vld [tilespmem:s16+$0xC908];
	(erf) = vpow2.f32 v33;
	v29 =	vadd.f32 v29, v30;
	v63 =	vpop (erf);
	v20 =	vmax.f32 v59, v14  }
0x5d: {  	v3 =	vld [tilespmem:s16+$0x6648];
	v21 =	vmul.f32 v63, v48;
	v35 =	vpop (erf);
	v20 =	vmax.f32 v20, v12;
	v16 =	vadd.f32 v18, v16  }
0x5e: {  	v36 =	vld [tilespmem:s16+$0xC918];
	v29 =	vadd.f32 v29, v63;
	v18 =	vmul.f32 v35, v62;
	v20 =	vmax.f32 v20, v9  }
0x5f: {  	v38 =	vpop (erf);
	(erf) = vpow2.f32 v5;
	v20 =	vmax.f32 v20, v6;
	v16 =	vadd.f32 v16, v21  }
0x60: {  	v39 =	vld [tilespmem:s16+$0xC928];
	v17 =	vmul.f32 v42, v53;
	v37 =	vadd.f32 v29, v35;
	v20 =	vmax.f32 v20, v8  }
0x61: {  	v40 =	vmul.f32 v38, v34;
	v20 =	vmax.f32 v20, v7;
	v16 =	vadd.f32 v16, v18  }
0x62: {  	v43 =	vld [tilespmem:s16+$0xC938];
	v42 =	vpop (erf);
	(erf) = vpow2.f32 v4;
	v41 =	vadd.f32 v37, v38;
	v20 =	vmax.f32 v20, v3  }
0x63: {  	v2 =	vmul.f32 $1.442695020e+00, v2;
	v45 =	vmul.f32 v42, v36;
	(xrf0) =	vmax.scan.msk.f32 $0xffff, v20;
	v44 =	vadd.f32 v16, v40  }
0x64: {  	v1 =	vmul.f32 $1.442695020e+00, v1;
	v26 =	vadd.f32 v54, v17;
	v46 =	vld [tilespmem:s16+$0xC948];
	v47 =	vpop (erf);
	v17 =	vadd.f32 v41, v42  }
0x65: {  	v5 =	vld [tilespmem:s16+$0xC8B8];
	(erf) = vpow2.f32 v2;
	v49 =	vmul.f32 v39, v47;
	v4 =	vadd.f32 v44, v45  }
0x66: {  	v0 =	vsub.f32 v0, v10;
	v32 =	vld [tilespmem:s16+$0x6658];
	v54 =	vpop (erf);
	v17 =	vadd.f32 v17, v47  }
0x67: {  	v33 =	vld [tilespmem:s16+$0x6668];
	(erf) = vpow2.f32 v1;
	v56 =	vmul.f32 v43, v54;
	v53 =	vadd.f32 v4, v49  }
0x68: {  	v0 =	vmul.f32 $1.442695020e+00, v0;
	v48 =	vld [tilespmem:s16+$0xC958];
	v60 =	vpop (erf);
	v4 =	vadd.f32 v17, v54  }
0x69: {  	v59 =	vsel vm0, $0x0, v25;
	v62 =	vmul.f32 v46, v60;
	v51, _, _ =	vpop (xrf0);
	v2 =	vadd.f32 v53, v56  }
0x6a: {  	v50 =	vld [tilespmem:s16+$0xC968];
	v5 =	vmul.f32 v5, v59;
	v4 =	vadd.f32 v4, v60;
	v30 =	vbroadcast v51, $0xF  }
0x6b: {  	(erf) = vpow2.f32 v0;
	v0 =	vadd.f32 v28, v59;
	v63 =	vpop (erf);
	v2 =	vadd.f32 v2, v62  }
0x6c: {  	v52 =	vld [tilespmem:s16+$0xC978];
	v42 =	vmax.f32 v32, v33;
	v4 =	vadd.f32 v4, v63;
	v57 =	vsub.f32 v19, v30  }
0x6d: {  	v58 =	vld [tilespmem:s16+$0xC9A0];
	v37 =	vmul.f32 v48, v63;
	v36 =	vsub.f32 v22, v30;
	v39 =	vsub.f32 v24, v30  }
0x6e: {  	v55 =	vld [tilespmem:s16+$0xC990];
	v40 =	vpop (erf);
	v13 =	vsub.f32 v13, v30;
	v48 =	vsub.f32 v11, v30;
	v1 =	vmul.f32 $1.442695020e+00, v57  }
0x6f: {  	v10 =	vmul.f32 v50, v40;
	v19 =	vld [tilespmem:s16+$0x6678];
	v15 =	vsub.f32 v15, v30;
	v14 =	vsub.f32 v14, v30  }
0x70: {  	v20 =	vld [tilespmem:s16+$0x6688];
	v43 =	vpop (erf);
	v12 =	vsub.f32 v12, v30;
	v38 =	vmul.f32 $1.442695020e+00, v36;
	(erf) = vpow2.f32 v1  }
0x71: {  	v22 =	vld [tilespmem:s16+$0x6698];
	v46 =	vmul.f32 v52, v43;
	v9 =	vsub.f32 v9, v30;
	v6 =	vsub.f32 v6, v30  }
0x72: {  	v18 =	vld [tilespmem:s16+$0x66A8];
	v8 =	vsub.f32 v8, v30;
	v7 =	vsub.f32 v7, v30;
	(erf) = vpow2.f32 v38  }
0x73: {  	v17 =	vld [tilespmem:s16+$0x66B8];
	v3 =	vsub.f32 v3, v30;
	v2 =	vadd.f32 v2, v37;
	v41 =	vmul.f32 $1.442695020e+00, v39  }
0x74: {  	v16 =	vld [tilespmem:s16+$0x66C8];
	v4 =	vadd.f32 v4, v40;
	v44 =	vmul.f32 $1.442695020e+00, v13;
	v45 =	vmax.f32 v42, v19  }
0x75: {  	v13 =	vld [tilespmem:s16+$0x66D8];
	v52 =	vmul.f32 $1.442695020e+00, v48;
	(erf) = vpow2.f32 v41;
	v47 =	vmax.f32 v45, v20  }
0x76: {  	v11 =	vld [tilespmem:s16+$0x66E8];
	v15 =	vmul.f32 $1.442695020e+00, v15;
	v2 =	vadd.f32 v2, v10;
	v10 =	vmax.f32 v47, v22  }
0x77: {  	v14 =	vmul.f32 $1.442695020e+00, v14;
	(erf) = vpow2.f32 v44;
	v50 =	vmax.f32 v10, v18;
	v10 =	vld [tilespmem:s16+$0x66F8]  }
0x78: {  	v49 =	vpop (erf);
	v23 =	vadd.f32 v4, v43;
	v1 =	vadd.f32 v26, v5;
	v5 =	vld [tilespmem:s16+$0x6708];
	v4 =	vmax.f32 v50, v17  }
0x79: {  	v12 =	vmul.f32 $1.442695020e+00, v12;
	v54 =	vmax.f32 v4, v16;
	v4 =	vld [tilespmem:s16+$0x6710];
	v51 =	vpop (erf);
	(erf) = vpow2.f32 v52  }
0x7a: {  	v61 =	vld [tilespmem:s16+$0xC9B0];
	v9 =	vmul.f32 $1.442695020e+00, v9;
	v53 =	vmul.f32 v51, v55;
	v55 =	vmax.f32 v54, v13  }
0x7b: {  	v6 =	vmul.f32 $1.442695020e+00, v6;
	v56 =	vpop (erf);
	(erf) = vpow2.f32 v15;
	v24 =	vmax.f32 v55, v11  }
0x7c: {  	v57 =	vld [tilespmem:s16+$0xC9C0];
	v28 =	vadd.f32 v2, v46;
	v2 =	vadd.f32 $0.0e+00, v51;
	v24 =	vmax.f32 v24, v10  }
0x7d: {  	v21 =	vmul.f32 v56, v58;
	v27 =	vadd.f32 $0.0e+00, v53;
	v59 =	vmax.f32 v24, v5  }
0x7e: {  	v35 =	vld [tilespmem:s16+$0xC9D0];
	v58 =	vpop (erf);
	(erf) = vpow2.f32 v14;
	v2 =	vadd.f32 v2, v56;
	v15 =	vmax.f32 v59, v4  }
0x7f: {  	v8 =	vmul.f32 $1.442695020e+00, v8;
	v38 =	vld [tilespmem:s16+$0xC980];
	v60 =	vmul.f32 v58, v61;
	v21 =	vadd.f32 v27, v21;
	(xrf0) =	vmax.scan.msk.f32 $0xffff, v15  }
0x80: {  	v37 =	vld [tilespmem:s16+$0xC9E0];
	v7 =	vmul.f32 $1.442695020e+00, v7;
	v3 =	vmul.f32 $1.442695020e+00, v3;
	v62 =	vpop (erf);
	v63 =	vadd.f32 v2, v58  }
0x81: {  	(erf) = vpow2.f32 v12;
	v34 =	vmul.f32 v62, v57;
	v21 =	vadd.f32 v21, v60  }
0x82: {  	v61 =	vsel vm0, $0x0, v49;
	(erf) = vpow2.f32 v9;
	v36 =	vadd.f32 v63, v62;
	v39 =	vpop (erf)  }
0x83: {  	v25 =	vld [tilespmem:s16+$0x6730];
	v2 =	vadd.f32 v23, v61;
	v21 =	vadd.f32 v21, v34;
	v42 =	vmul.f32 v39, v35  }
0x84: {  	v41 =	vld [tilespmem:s16+$0xC9F0];
	(erf) = vpow2.f32 v6;
	v59 =	vmul.f32 v38, v61;
	v40 =	vadd.f32 v36, v39;
	v45 =	vpop (erf)  }
0x85: {  	v26 =	vld [tilespmem:s16+$0x6720];
	(erf) = vpow2.f32 v8;
	v47 =	vmul.f32 v45, v37;
	v44, _, _ =	vpop (xrf0);
	v21 =	vadd.f32 v21, v42  }
0x86: {  	v43 =	vld [tilespmem:s16+$0xCA00];
	(erf) = vpow2.f32 v7;
	v12 =	vadd.f32 v40, v45;
	v24 =	vbroadcast v44, $0xF  }
0x87: {  	v46 =	vld [tilespmem:s16+$0xCA10];
	v52 =	vpop (erf);
	(erf) = vpow2.f32 v3;
	v3 =	vadd.f32 v28, v59;
	v9 =	vadd.f32 v21, v47  }
0x88: {  	v56 =	vadd.f32 v12, v52;
	v50 =	vsub.f32 v32, v24  }
0x89: {  	v48 =	vld [tilespmem:s16+$0xCA20];
	v14 =	vmul.f32 v41, v52;
	v58 =	vsub.f32 v33, v24;
	v19 =	vsub.f32 v19, v24  }
0x8a: {  	v51 =	vld [tilespmem:s16+$0xCA58];
	v57 =	vpop (erf);
	v40 =	vmax.f32 v26, v25;
	v37 =	vsub.f32 v20, v24;
	v22 =	vsub.f32 v22, v24  }
0x8b: {  	v54 =	vld [tilespmem:s16+$0xCA68];
	v60 =	vmul.f32 v43, v57;
	v61 =	vpop (erf);
	v18 =	vsub.f32 v18, v24;
	v17 =	vsub.f32 v17, v24  }
0x8c: {  	v55 =	vld [tilespmem:s16+$0xCA78];
	v62 =	vmul.f32 v46, v61;
	v16 =	vsub.f32 v16, v24;
	v13 =	vsub.f32 v13, v24  }
0x8d: {  	v49 =	vld [tilespmem:s16+$0xCA30];
	v36 =	vpop (erf);
	v11 =	vsub.f32 v11, v24;
	v10 =	vsub.f32 v10, v24;
	v53 =	vmul.f32 $1.442695020e+00, v50  }
0x8e: {  	v23 =	vld [tilespmem:s16+$0x6740];
	v38 =	vmul.f32 v48, v36;
	v5 =	vsub.f32 v5, v24;
	v4 =	vsub.f32 v4, v24  }
0x8f: {  	v21 =	vld [tilespmem:s16+$0x6750];
	v9 =	vadd.f32 v9, v14;
	v7 =	vmul.f32 $1.442695020e+00, v58;
	(erf) = vpow2.f32 v53  }
0x90: {  	v12 =	vadd.f32 v56, v57;
	v63 =	vmul.f32 $1.442695020e+00, v19;
	v19 =	vld [tilespmem:s16+$0x6760];
	v28 =	vmul.f32 $1.442695020e+00, v37  }
0x91: {  	v20 =	vld [tilespmem:s16+$0x6770];
	v22 =	vmul.f32 $1.442695020e+00, v22;
	v9 =	vadd.f32 v9, v60;
	(erf) = vpow2.f32 v7  }
0x92: {  	v14 =	vld [tilespmem:s16+$0x6780];
	v18 =	vmul.f32 $1.442695020e+00, v18;
	v17 =	vmul.f32 $1.442695020e+00, v17;
	v12 =	vadd.f32 v12, v61  }
0x93: {  	v15 =	vld [tilespmem:s16+$0x6790];
	v39 =	vpop (erf);
	v9 =	vadd.f32 v9, v62;
	v7 =	vmax.f32 v40, v23;
	(erf) = vpow2.f32 v63  }
0x94: {  	v16 =	vmul.f32 $1.442695020e+00, v16;
	v41 =	vpop (erf);
	v27 =	vadd.f32 v12, v36;
	v12 =	vld [tilespmem:s16+$0x67A0];
	v7 =	vmax.f32 v7, v21  }
0x95: {  	v34 =	vpop (erf);
	v31 =	vadd.f32 v9, v38;
	(erf) = vpow2.f32 v28;
	v7 =	vmax.f32 v7, v19;
	v9 =	vld [tilespmem:s16+$0x67B0]  }
0x96: {  	v8 =	vld [tilespmem:s16+$0x67C0];
	v13 =	vmul.f32 $1.442695020e+00, v13;
	v11 =	vmul.f32 $1.442695020e+00, v11;
	v7 =	vmax.f32 v7, v20  }
0x97: {  	v5 =	vmul.f32 $1.442695020e+00, v5;
	v4 =	vmul.f32 $1.442695020e+00, v4;
	v43 =	vmax.f32 v7, v14;
	v7 =	vld [tilespmem:s16+$0x67D0]  }
0x98: {  	v6 =	vld [tilespmem:s16+$0x67D8];
	v32 =	vmul.f32 v49, v39;
	v35 =	vpop (erf);
	(erf) = vpow2.f32 v22;
	v22 =	vmax.f32 v43, v15  }
0x99: {  	v42 =	vmul.f32 v35, v51;
	v22 =	vmax.f32 v22, v12;
	(erf) = vpow2.f32 v18  }
0x9a: {  	v37 =	vld [tilespmem:s16+$0xCA88];
	v35 =	vadd.f32 $0.0e+00, v35;
	v36 =	vpop (erf);
	v22 =	vmax.f32 v22, v9;
	(erf) = vpow2.f32 v17  }
0x9b: {  	v48 =	vld [tilespmem:s16+$0xCA40];
	v29 =	vmul.f32 v36, v54;
	v28 =	vadd.f32 $0.0e+00, v42;
	v44 =	vmax.f32 v22, v8  }
0x9c: {  	v45 =	vpop (erf);
	v35 =	vadd.f32 v35, v36;
	(erf) = vpow2.f32 v16;
	v18 =	vmax.f32 v44, v7  }
0x9d: {  	v46 =	vld [tilespmem:s16+$0xCA98];
	v47 =	vmul.f32 v45, v55;
	v28 =	vadd.f32 v28, v29;
	v18 =	vmax.f32 v18, v6  }
0x9e: {  	v62 =	vmul.f32 $1.442695020e+00, v10;
	v27 =	vadd.f32 v27, v39;
	v38 =	vpop (erf);
	v55 =	vld [tilespmem:s16+$0xCAA8];
	v49 =	vadd.f32 v35, v45;
	(xrf0) =	vmax.scan.msk.f32 $0xffff, v18  }
0x9f: {  	v53 =	vadd.f32 v31, v32;
	v51 =	vmul.f32 v38, v37;
	v50 =	vadd.f32 v28, v47  }
0xa0: {  	v57 =	vmul.f32 v48, v41;
	v56 =	vadd.f32 v27, v41;
	v17 =	vadd.f32 v49, v38  }
0xa1: {  	v43 =	vsel vm0, $0x0, v34;
	(erf) = vpow2.f32 v13;
	v52 =	vpop (erf);
	v18 =	vadd.f32 v50, v51  }
0xa2: {  	v63 =	vld [tilespmem:s16+$0xCA48];
	(erf) = vpow2.f32 v11;
	v54 =	vmul.f32 v52, v46;
	v17 =	vadd.f32 v17, v52;
	v60 =	vpop (erf)  }
0xa3: {  	v61 =	vld [tilespmem:s16+$0xCAC8];
	v16 =	vadd.f32 v53, v57;
	(erf) = vpow2.f32 v62;
	v28 =	vmul.f32 v60, v55;
	v35 =	vpop (erf)  }
0xa4: {  	(erf) = vpow2.f32 v5;
	v18 =	vadd.f32 v18, v54;
	v59, _, _ =	vpop (xrf0);
	v17 =	vadd.f32 v17, v60  }
0xa5: {  	v58 =	vld [tilespmem:s16+$0xCAB8];
	v38 =	vpop (erf);
	(erf) = vpow2.f32 v4;
	v4 =	vadd.f32 v56, v43;
	v10 =	vbroadcast v59, $0xF  }
0xa6: {  	v33 =	vld [tilespmem:s16+$0xCB30];
	v18 =	vadd.f32 v18, v28;
	v17 =	vadd.f32 v17, v35  }
0xa7: {  	v24 =	vld [tilespmem:s16+$0x67F8];
	v11 =	vmul.f32 v63, v43;
	v26 =	vsub.f32 v26, v10;
	v45 =	vsub.f32 v25, v10  }
0xa8: {  	v31 =	vld [tilespmem:s16+$0x67E8];
	v41 =	vmul.f32 v61, v38;
	v23 =	vsub.f32 v23, v10;
	v21 =	vsub.f32 v21, v10  }
0xa9: {  	v36 =	vld [tilespmem:s16+$0xCAD8];
	v61 =	vsub.f32 v19, v10;
	v63 =	vsub.f32 v20, v10;
	v40 =	vmul.f32 $1.442695020e+00, v26  }
0xaa: {  	v42 =	vld [tilespmem:s16+$0xCB20];
	v27 =	vmul.f32 v58, v35;
	v14 =	vsub.f32 v14, v10;
	v17 =	vadd.f32 v17, v38  }
0xab: {  	v37 =	vld [tilespmem:s16+$0xCAE8];
	v44 =	vpop (erf);
	v15 =	vsub.f32 v15, v10;
	v5 =	vmul.f32 $1.442695020e+00, v45;
	(erf) = vpow2.f32 v40  }
0xac: {  	v18 =	vadd.f32 v18, v27;
	v26 =	vld [tilespmem:s16+$0x6808];
	v47 =	vadd.f32 v17, v44  }
0xad: {  	v12 =	vsub.f32 v12, v10;
	v49 =	vpop (erf);
	(erf) = vpow2.f32 v5;
	v5 =	vadd.f32 v16, v11;
	v16 =	vld [tilespmem:s16+$0x6818]  }
0xae: {  	v46 =	vmul.f32 v36, v44;
	v18 =	vadd.f32 v18, v41;
	v17 =	vld [tilespmem:s16+$0x6828];
	v51 =	vadd.f32 v47, v49  }
0xaf: {  	v9 =	vsub.f32 v9, v10;
	v8 =	vsub.f32 v8, v10;
	v52 =	vpop (erf);
	v11 =	vld [tilespmem:s16+$0x6838]  }
0xb0: {  	v56 =	vmax.f32 v31, v24;
	v48 =	vadd.f32 v18, v46;
	v18 =	vld [tilespmem:s16+$0x6848];
	v13 =	vadd.f32 v51, v52  }
0xb1: {  	v23 =	vmul.f32 $1.442695020e+00, v23;
	v58 =	vmul.f32 $1.442695020e+00, v21;
	v21 =	vld [tilespmem:s16+$0x6858];
	v55 =	vpop (erf);
	v59 =	vmax.f32 v56, v26  }
0xb2: {  	v7 =	vsub.f32 v7, v10;
	v32 =	vadd.f32 v13, v55;
	v13 =	vld [tilespmem:s16+$0x6868];
	v62 =	vmax.f32 v59, v16  }
0xb3: {  	v19 =	vld [tilespmem:s16+$0x6878];
	v6 =	vsub.f32 v6, v10;
	v30 =	vpop (erf);
	(erf) = vpow2.f32 v23;
	v40 =	vmax.f32 v62, v17  }
0xb4: {  	v20 =	vld [tilespmem:s16+$0x6888];
	v34 =	vmul.f32 $1.442695020e+00, v63;
	(erf) = vpow2.f32 v58;
	v43 =	vmax.f32 v40, v11;
	v57 =	vpop (erf)  }
0xb5: {  	v22 =	vld [tilespmem:s16+$0x6898];
	v27 =	vmax.f32 v43, v18;
	v60 =	vmul.f32 v57, v42;
	v42 =	vmul.f32 $1.442695020e+00, v61  }
0xb6: {  	v14 =	vmul.f32 $1.442695020e+00, v14;
	v15 =	vmul.f32 $1.442695020e+00, v15;
	v23 =	vld [tilespmem:s16+$0x68A0];
	v27 =	vmax.f32 v27, v21  }
0xb7: {  	v39 =	vld [tilespmem:s16+$0xCAF8];
	v50 =	vmul.f32 v37, v49;
	v27 =	vmax.f32 v27, v13;
	(erf) = vpow2.f32 v42  }
0xb8: {  	v25 =	vld [tilespmem:s16+$0xCB40];
	v12 =	vmul.f32 $1.442695020e+00, v12;
	v27 =	vmax.f32 v27, v19;
	(erf) = vpow2.f32 v34  }
0xb9: {  	v9 =	vmul.f32 $1.442695020e+00, v9;
	v46 =	vld [tilespmem:s16+$0xCB08];
	v53 =	vadd.f32 v48, v50;
	v45 =	vpop (erf);
	v27 =	vmax.f32 v27, v20  }
0xba: {  	v48 =	vld [tilespmem:s16+$0xCB50];
	v41 =	vadd.f32 $0.0e+00, v57;
	v33 =	vmul.f32 v45, v33;
	v27 =	vmax.f32 v27, v22  }
0xbb: {  	v44 =	vadd.f32 $0.0e+00, v60;
	(erf) = vpow2.f32 v14;
	v50 =	vmax.f32 v27, v23  }
0xbc: {  	v54 =	vmul.f32 v39, v52;
	v49 =	vpop (erf);
	v47 =	vadd.f32 v41, v45;
	(erf) = vpow2.f32 v15;
	(xrf0) =	vmax.scan.msk.f32 $0xffff, v50  }
0xbd: {  	v8 =	vmul.f32 $1.442695020e+00, v8;
	v39 =	vld [tilespmem:s16+$0xCB60];
	v25 =	vmul.f32 v49, v25;
	v33 =	vadd.f32 v44, v33  }
0xbe: {  	v29 =	vadd.f32 v53, v54;
	v54 =	vld [tilespmem:s16+$0xCB70];
	v51 =	vmul.f32 v46, v55;
	v53 =	vpop (erf);
	v52 =	vadd.f32 v47, v49  }
0xbf: {  	v10 =	vld [tilespmem:s16+$0x6950];
	v56 =	vmul.f32 v53, v48;
	v55 =	vadd.f32 v33, v25;
	(erf) = vpow2.f32 v12  }
0xc0: {  	v63 =	vld [tilespmem:s16+$0xCBB0];
	v7 =	vmul.f32 $1.442695020e+00, v7;
	v6 =	vmul.f32 $1.442695020e+00, v6;
	v28 =	vadd.f32 v52, v53;
	v59 =	vpop (erf)  }
0xc1: {  	v30 =	vsel vm0, $0x0, v30;
	v57 =	vld [tilespmem:s16+$0xCB80];
	v14 =	vadd.f32 v55, v56;
	(erf) = vpow2.f32 v9;
	v62 =	vpop (erf)  }
0xc2: {  	v37 =	vld [tilespmem:s16+$0xCB10];
	v61 =	vmul.f32 v59, v39;
	v15 =	vadd.f32 v28, v59;
	v46, _, _ =	vpop (xrf0);
	(erf) = vpow2.f32 v8  }
0xc3: {  	v58 =	vld [tilespmem:s16+$0xCB90];
	v29 =	vadd.f32 v29, v51;
	v43 =	vmul.f32 v62, v54;
	v39 =	vbroadcast v46, $0xF  }
0xc4: {  	v60 =	vld [tilespmem:s16+$0xCBA0];
	v49 =	vpop (erf);
	(erf) = vpow2.f32 v7;
	v12 =	vadd.f32 v14, v61;
	v47 =	vadd.f32 v15, v62  }
0xc5: {  	v40 =	vld [tilespmem:s16+$0x68D0];
	v51 =	vpop (erf);
	(erf) = vpow2.f32 v6;
	v6 =	vadd.f32 v32, v30;
	v52 =	vsub.f32 v31, v39  }
0xc6: {  	v45 =	vld [tilespmem:s16+$0xCBD0];
	v50 =	vmul.f32 v57, v49;
	v57 =	vsub.f32 v24, v39;
	v26 =	vsub.f32 v26, v39  }
0xc7: {  	v28 =	vld [tilespmem:s16+$0x68B0];
	v30 =	vmul.f32 v37, v30;
	v16 =	vsub.f32 v16, v39;
	v17 =	vsub.f32 v17, v39  }
0xc8: {  	v31 =	vld [tilespmem:s16+$0x68C0];
	v53 =	vmul.f32 v58, v51;
	v56 =	vpop (erf);
	v11 =	vsub.f32 v11, v39;
	v18 =	vsub.f32 v18, v39  }
0xc9: {  	v41 =	vld [tilespmem:s16+$0x68E0];
	v13 =	vsub.f32 v13, v39;
	v58 =	vmul.f32 v60, v56;
	v54 =	vmul.f32 $1.442695020e+00, v52  }
0xca: {  	v44 =	vld [tilespmem:s16+$0xCBC0];
	v48 =	vadd.f32 v12, v43;
	v59 =	vmul.f32 $1.442695020e+00, v57;
	v26 =	vmul.f32 $1.442695020e+00, v26  }
0xcb: {  	v27 =	vld [tilespmem:s16+$0x68F0];
	v12 =	vadd.f32 v47, v49;
	v16 =	vmul.f32 $1.442695020e+00, v16;
	v17 =	vmul.f32 $1.442695020e+00, v17  }
0xcc: {  	v25 =	vld [tilespmem:s16+$0x6900];
	v11 =	vmul.f32 $1.442695020e+00, v11;
	v52 =	vsub.f32 v21, v39;
	v8 =	vadd.f32 v48, v50  }
0xcd: {  	v24 =	vld [tilespmem:s16+$0x6910];
	v55 =	vadd.f32 v12, v51;
	(erf) = vpow2.f32 v54;
	v60 =	vmax.f32 v28, v31  }
0xce: {  	v15 =	vld [tilespmem:s16+$0x6920];
	v54 =	vmul.f32 $1.442695020e+00, v18;
	v8 =	vadd.f32 v8, v53;
	v61 =	vpop (erf);
	v12 =	vmax.f32 v60, v40  }
0xcf: {  	v9 =	vadd.f32 v55, v56;
	v62 =	vmul.f32 v63, v61;
	v63 =	vmax.f32 v12, v41;
	v12 =	vld [tilespmem:s16+$0x6930]  }
0xd0: {  	v14 =	vld [tilespmem:s16+$0x6940];
	(erf) = vpow2.f32 v59;
	v8 =	vadd.f32 v8, v58;
	v7 =	vmax.f32 v63, v27  }
0xd1: {  	v34 =	vld [tilespmem:s16+$0xCBE8];
	v56 =	vmul.f32 $1.442695020e+00, v52;
	v9 =	vadd.f32 v9, v61;
	v7 =	vmax.f32 v7, v25  }
0xd2: {  	v59 =	vmul.f32 $1.442695020e+00, v13;
	v42 =	vpop (erf);
	v32 =	vadd.f32 v8, v62;
	v8 =	vld [tilespmem:s16+$0x6960];
	v7 =	vmax.f32 v7, v24  }
0xd3: {  	(erf) = vpow2.f32 v26;
	v33 =	vadd.f32 v9, v42;
	v9 =	vld [tilespmem:s16+$0x6968];
	v7 =	vmax.f32 v7, v15  }
0xd4: {  	v60 =	vsub.f32 v20, v39;
	v43 =	vmul.f32 v44, v42;
	v46 =	vmax.f32 v7, v12  }
0xd5: {  	v48 =	vld [tilespmem:s16+$0xCBF8];
	v44 =	vpop (erf);
	(erf) = vpow2.f32 v16;
	v58 =	vsub.f32 v19, v39;
	v26 =	vmax.f32 v46, v14  }
0xd6: {  	v45 =	vmul.f32 v45, v44;
	v37 =	vpop (erf);
	(erf) = vpow2.f32 v17;
	v26 =	vmax.f32 v26, v10  }
0xd7: {  	v63 =	vsub.f32 v22, v39;
	(erf) = vpow2.f32 v11;
	v47 =	vpop (erf);
	v26 =	vmax.f32 v26, v8  }
0xd8: {  	v50 =	vld [tilespmem:s16+$0xCC08];
	v17 =	vmul.f32 $1.442695020e+00, v58;
	v34 =	vmul.f32 v47, v34;
	v26 =	vmax.f32 v26, v9  }
0xd9: {  	(erf) = vpow2.f32 v54;
	v7 =	vadd.f32 v29, v30;
	v30 =	vadd.f32 $0.0e+00, v47;
	v49 =	vpop (erf);
	(xrf0) =	vmax.scan.msk.f32 $0xffff, v26  }
0xda: {  	v62 =	vld [tilespmem:s16+$0xCC18];
	(erf) = vpow2.f32 v56;
	v51 =	vmul.f32 v49, v48;
	v34 =	vadd.f32 $0.0e+00, v34  }
0xdb: {  	v29 =	vadd.f32 v33, v44;
	(erf) = vpow2.f32 v59;
	v30 =	vadd.f32 v30, v49  }
0xdc: {  	v35 =	vld [tilespmem:s16+$0xCC28];
	v33 =	vmul.f32 $1.442695020e+00, v60;
	(erf) = vpow2.f32 v17;
	v55 =	vpop (erf);
	v53 =	vadd.f32 v34, v51  }
0xdd: {  	v57 =	vmul.f32 v55, v50;
	v34 =	vsub.f32 v23, v39;
	v39 =	vadd.f32 v30, v55  }
0xde: {  	v36 =	vmul.f32 $1.442695020e+00, v63;
	v32 =	vadd.f32 v32, v43;
	v44 =	vld [tilespmem:s16+$0xCC38];
	(erf) = vpow2.f32 v33;
	v43 =	vpop (erf)  }
0xdf: {  	v19 =	vmul.f32 v43, v62;
	v16 =	vadd.f32 v53, v57;
	v13 =	vadd.f32 v39, v43;
	v61, _, _ =	vpop (xrf0)  }
0xe0: {  	v32 =	vadd.f32 v32, v45;
	(erf) = vpow2.f32 v36;
	v47 =	vpop (erf);
	v18 =	vbroadcast v61, $0xF  }
0xe1: {  	v52 =	vmul.f32 v47, v35;
	v16 =	vadd.f32 v16, v19;
	v11 =	vadd.f32 v13, v47  }
0xe2: {  	v62 =	vsel vm0, $0x0, v37;
	v42 =	vmul.f32 $1.442695020e+00, v34;
	v53 =	vpop (erf);
	v38 =	vsub.f32 v28, v18  }
0xe3: {  	v48 =	vld [tilespmem:s16+$0xCC48];
	v59 =	vmul.f32 v53, v44;
	v58 =	vadd.f32 v16, v52;
	v11 =	vadd.f32 v11, v53  }
0xe4: {  	v51 =	vld [tilespmem:s16+$0xCBD8];
	v46 =	vsub.f32 v31, v18;
	v50 =	vsub.f32 v40, v18;
	v45 =	vmul.f32 $1.442695020e+00, v38  }
0xe5: {  	v26 =	vld [tilespmem:s16+$0x6988];
	(erf) = vpow2.f32 v42;
	v54 =	vpop (erf);
	v57 =	vsub.f32 v41, v18;
	v13 =	vadd.f32 v58, v59  }
0xe6: {  	v55 =	vld [tilespmem:s16+$0xCC58];
	v23 =	vadd.f32 v11, v54;
	v49 =	vmul.f32 $1.442695020e+00, v46;
	(erf) = vpow2.f32 v45  }
0xe7: {  	v43 =	vld [tilespmem:s16+$0xCCB0];
	v11 =	vadd.f32 v29, v62;
	v52 =	vsub.f32 v25, v18  }
0xe8: {  	v39 =	vld [tilespmem:s16+$0x69B8];
	v24 =	vsub.f32 v24, v18;
	v56 =	vmul.f32 $1.442695020e+00, v50;
	(erf) = vpow2.f32 v49  }
0xe9: {  	v47 =	vld [tilespmem:s16+$0xCCC0];
	v44 =	vmul.f32 v51, v62;
	v60 =	vpop (erf);
	v15 =	vsub.f32 v15, v18;
	v12 =	vsub.f32 v12, v18  }
0xea: {  	v51 =	vld [tilespmem:s16+$0xCCF0];
	v63 =	vpop (erf);
	v41 =	vmul.f32 $1.442695020e+00, v57;
	v45 =	vsub.f32 v27, v18;
	(erf) = vpow2.f32 v56  }
0xeb: {  	v61 =	vld [tilespmem:s16+$0xCC68];
	v42 =	vmul.f32 v48, v54;
	v36 =	vpop (erf);
	v14 =	vsub.f32 v14, v18;
	v10 =	vsub.f32 v10, v18  }
0xec: {  	v48 =	vld [tilespmem:s16+$0xCCD0];
	v8 =	vsub.f32 v8, v18;
	v20 =	vpop (erf);
	v17 =	vmul.f32 $1.442695020e+00, v45;
	(erf) = vpow2.f32 v41  }
0xed: {  	v40 =	vld [tilespmem:s16+$0xCC78];
	v9 =	vsub.f32 v9, v18;
	v16 =	vadd.f32 v13, v42;
	v19 =	vpop (erf)  }
0xee: {  	v58 =	vld [tilespmem:s16+$0xCD20];
	v46 =	vmul.f32 v55, v60;
	v13 =	vadd.f32 v32, v44;
	v29 =	vpop (erf);
	(erf) = vpow2.f32 v17  }
0xef: {  	v23 =	vadd.f32 v23, v60;
	v50 =	vld [tilespmem:s16+$0xCCE0];
	v60 =	vmul.f32 $1.442695020e+00, v24;
	v17 =	vmul.f32 $1.442695020e+00, v52;
	v49 =	vpop (erf)  }
0xf0: {  	v55 =	vld [tilespmem:s16+$0xCD00];
	v15 =	vmul.f32 $1.442695020e+00, v15;
	v12 =	vmul.f32 $1.442695020e+00, v12;
	v53 =	vadd.f32 $0.0e+00, v49  }
0xf1: {  	v24 =	vld [tilespmem:s16+$0x6978];
	v16 =	vadd.f32 v16, v46;
	(erf) = vpow2.f32 v17;
	v21 =	vmul.f32 v49, v43;
	v54 =	vpop (erf)  }
0xf2: {  	v38 =	vld [tilespmem:s16+$0x69A8];
	v31 =	vmul.f32 v61, v63;
	v25 =	vadd.f32 v23, v63;
	v23 =	vadd.f32 v53, v54  }
0xf3: {  	v27 =	vld [tilespmem:s16+$0x6998];
	(erf) = vpow2.f32 v60;
	v30 =	vmul.f32 v54, v47;
	v57 =	vpop (erf);
	v21 =	vadd.f32 $0.0e+00, v21  }
0xf4: {  	v14 =	vmul.f32 $1.442695020e+00, v14;
	v18 =	vld [tilespmem:s16+$0x6A18];
	v31 =	vadd.f32 v16, v31;
	v23 =	vadd.f32 v23, v57  }
0xf5: {  	v56 =	vld [tilespmem:s16+$0xCD10];
	(erf) = vpow2.f32 v15;
	v22 =	vmul.f32 v57, v48;
	v59 =	vpop (erf);
	v21 =	vadd.f32 v21, v30  }
0xf6: {  	v44 =	vmax.f32 v24, v26;
	v17 =	vld [tilespmem:s16+$0x69C8];
	(erf) = vpow2.f32 v12;
	v16 =	vadd.f32 v23, v59  }
0xf7: {  	(erf) = vpow2.f32 v14;
	v14 =	vld [tilespmem:s16+$0x6A28];
	v61 =	vmul.f32 v59, v50;
	v62 =	vpop (erf);
	v21 =	vadd.f32 v21, v22  }
0xf8: {  	v10 =	vmul.f32 $1.442695020e+00, v10;
	v12 =	vmax.f32 v44, v27;
	v63 =	vadd.f32 v16, v62;
	v16 =	vld [tilespmem:s16+$0x69D8]  }
0xf9: {  	v12 =	vmax.f32 v12, v38;
	v43 =	vmul.f32 v62, v51;
	v23 =	vld [tilespmem:s16+$0x69E8];
	v21 =	vadd.f32 v21, v61  }
0xfa: {  	v8 =	vmul.f32 $1.442695020e+00, v8;
	v12 =	vmax.f32 v12, v39;
	v45 =	vpop (erf);
	v22 =	vld [tilespmem:s16+$0x69F8]  }
0xfb: {  	(erf) = vpow2.f32 v10;
	v46 =	vmul.f32 v45, v55;
	v15 =	vadd.f32 v21, v43;
	v21 =	vld [tilespmem:s16+$0x6A08]  }
0xfc: {  	v9 =	vmul.f32 $1.442695020e+00, v9;
	v30 =	vld [tilespmem:s16+$0xCD30];
	v47 =	vmax.f32 v12, v17;
	(erf) = vpow2.f32 v8;
	v49 =	vpop (erf)  }
0xfd: {  	v53 =	vld [tilespmem:s16+$0xCD40];
	v37 =	vmul.f32 v56, v49;
	v48 =	vadd.f32 v15, v46;
	v10 =	vmax.f32 v47, v16  }
0xfe: {  	(erf) = vpow2.f32 v9;
	v52 =	vpop (erf);
	v51 =	vadd.f32 v63, v45;
	v15 =	vld [tilespmem:s16+$0x6A30];
	v50 =	vmax.f32 v10, v23  }
0xff: {  	v28 =	vld [tilespmem:s16+$0xCC88];
	v34 =	vmul.f32 v58, v52;
	v12 =	vadd.f32 v48, v37;
	v8 =	vmax.f32 v50, v22  }
0x100: {  	v35 =	vmul.f32 v40, v36;
	v57 =	vld [tilespmem:s16+$0xCD50];
	v56 =	vpop (erf);
	v10 =	vadd.f32 v51, v49;
	v8 =	vmax.f32 v8, v21  }
0x101: {  	(xrf2) =	vadd.scan.msk.f32 $0xffff, v1;
	v54 =	vld [tilespmem:s16+$0xCC98];
	v30 =	vmul.f32 v30, v56;
	v12 =	vadd.f32 v12, v34;
	v8 =	vmax.f32 v8, v18  }
0x102: {  	(xrf2) =	vadd.scan.msk.f32 $0xffff, v0;
	v25 =	vadd.f32 v25, v36;
	v61 =	vld [tilespmem:s16+$0xCD60];
	v60 =	vpop (erf);
	v10 =	vadd.f32 v10, v52;
	v8 =	vmax.f32 v8, v14  }
0x103: {  	(xrf2) =	vadd.scan.msk.f32 $0xffff, v3;
	v58 =	vld [tilespmem:s16+$0xCCA0];
	v62 =	vmul.f32 v53, v60;
	v12 =	vadd.f32 v12, v30;
	v8 =	vmax.f32 v8, v15  }
0x104: {  	v55 =	vadd.f32 v31, v35;
	v59 =	vmul.f32 v28, v20;
	v35 =	vpop (erf);
	v34 =	vadd.f32 v10, v56;
	(xrf0) =	vmax.scan.msk.f32 $0xffff, v8  }
0x105: {  	(xrf2) =	vadd.scan.msk.f32 $0xffff, v2;
	v36 =	vld [tilespmem:s16+$0xCD68];
	v42 =	vsel vm0, $0x0, v29;
	v41 =	vmul.f32 v57, v35;
	v40 =	vadd.f32 v12, v62  }
0x106: {  	(xrf2) =	vadd.scan.msk.f32 $0xffff, v5;
	v1 =	vadd.f32 v55, v59;
	v63 =	vmul.f32 v54, v19;
	v43 =	vpop (erf);
	v3 =	vadd.f32 v34, v60  }
0x107: {  	(xrf2) =	vadd.scan.msk.f32 $0xffff, v4;
	v37 =	vadd.f32 v25, v20;
	v45 =	vmul.f32 v61, v43;
	v44 =	vadd.f32 v40, v41  }
0x108: {  	(xrf2) =	vadd.scan.msk.f32 $0xffff, v7;
	v1 =	vadd.f32 v1, v63;
	v0 =	vmul.f32 v58, v42;
	v46 =	vpop (erf);
	v3 =	vadd.f32 v3, v35  }
0x109: {  	(xrf2) =	vadd.scan.msk.f32 $0xffff, v6;
	v5 =	vadd.f32 v37, v19;
	v47 =	vsel vm0, $0x0, v46;
	v7 =	vadd.f32 v44, v45  }
0x10a: {  	(xrf2) =	vadd.scan.msk.f32 $0xffff, v13;
	v1 =	vadd.f32 v1, v0;
	v48 =	vmul.f32 v36, v47;
	v3 =	vadd.f32 v3, v43;
	v49, _, _ =	vpop (xrf0)  }
0x10b: {  	(xrf2) =	vadd.scan.msk.f32 $0xffff, v11;
	v2 =	vadd.f32 v5, v42;
	v25 =	vbroadcast v49, $0xF  }
0x10c: {  	v0, _, _ =	vpop (xrf2);
	(xrf2) =	vadd.scan.msk.f32 $0xffff, v1;
	v50 =	vadd.f32 v7, v48  }
0x10d: {  	v51 =	vadd.f32 v3, v47;
	v7, _, _ =	vpop (xrf2);
	(xrf2) =	vadd.scan.msk.f32 $0xffff, v2;
	v52 =	vsub.f32 v24, v25  }
0x10e: {  	v3, _, _ =	vpop (xrf2);
	(xrf2) =	vadd.scan.msk.f32 $0xffff, v50;
	v53 =	vsub.f32 v26, v25  }
0x10f: {  	v55 =	vsub.f32 v27, v25;
	v8, _, _ =	vpop (xrf2);
	(xrf2) =	vadd.scan.msk.f32 $0xffff, v51;
	v54 =	vmul.f32 $1.442695020e+00, v52  }
0x110: {  	v57 =	vsub.f32 v38, v25;
	v6, _, _ =	vpop (xrf2);
	v56 =	vmul.f32 $1.442695020e+00, v53  }
0x111: {  	v59 =	vsub.f32 v39, v25;
	v58 =	vmul.f32 $1.442695020e+00, v55;
	v9, _, _ =	vpop (xrf2);
	(erf) = vpow2.f32 v54  }
0x112: {  	v10 =	vmul.f32 $1.442695020e+00, v57;
	v1, _, _ =	vpop (xrf2);
	(erf) = vpow2.f32 v56  }
0x113: {  	v60 =	vmul.f32 $1.442695020e+00, v59;
	v12, _, _ =	vpop (xrf2);
	(erf) = vpow2.f32 v58  }
0x114: {  	v5, _, _ =	vpop (xrf2);
	(erf) = vpow2.f32 v10  }
0x115: {  	v13, _, _ =	vpop (xrf2);
	(erf) = vpow2.f32 v60  }
0x116: {  	v4, _, _ =	vpop (xrf2)  }
0x117: {  	v10, _, _ =	vpop (xrf2)  }
0x118: {  	v2, _, _ =	vpop (xrf2)  }
0x119: {  	v11, _, _ =	vpop (xrf2)  }
0x11a: {  	v63 =	vld [tilespmem:s16+$0xCD88];
	v62 =	vpop (erf)  }
0x11b: {  	v61 =	vld [tilespmem:s16+$0xCD78];
	v48 =	vpop (erf)  }
0x11c: {  	v49 =	vld [tilespmem:s16+$0xCD98];
	v50 =	vpop (erf)  }
0x11d: {  	v51 =	vld [tilespmem:s16+$0xCDA8];
	v52 =	vpop (erf)  }
0x11e: {  	v53 =	vld [tilespmem:s16+$0xCDB8];
	v54 =	vpop (erf)  }
0x11f: {  	v55 =	vld [tilespmem:s16+$0x6A40]  }
0x120: {  	v37 =	vld [tilespmem:s16+$0x6A50]  }
0x121: {  	v38 =	vld [tilespmem:s16+$0x6A60]  }
0x122: {  	v17 =	vsub.f32 v17, v25;
	v16 =	vsub.f32 v16, v25;
	v39 =	vld [tilespmem:s16+$0x6A70]  }
0x123: {  	v23 =	vsub.f32 v23, v25;
	v22 =	vsub.f32 v22, v25;
	v40 =	vld [tilespmem:s16+$0x6A80]  }
0x124: {  	v21 =	vsub.f32 v21, v25;
	v18 =	vsub.f32 v18, v25;
	v41 =	vld [tilespmem:s16+$0x6A90]  }
0x125: {  	v57 =	vmul.f32 $1.442695020e+00, v17;
	v45 =	vmul.f32 $1.442695020e+00, v16;
	v30 =	vld [tilespmem:s16+$0x6AA0];
	v56 =	vmax.f32 v55, v37  }
0x126: {  	v23 =	vmul.f32 $1.442695020e+00, v23;
	v22 =	vmul.f32 $1.442695020e+00, v22;
	v26 =	vld [tilespmem:s16+$0x6AB0];
	v24 =	vmax.f32 v56, v38  }
0x127: {  	v21 =	vmul.f32 $1.442695020e+00, v21;
	v19 =	vmul.f32 v62, v61;
	v42 =	vmax.f32 v24, v39;
	v24 =	vld [tilespmem:s16+$0x6AC0]  }
0x128: {  	v18 =	vmul.f32 $1.442695020e+00, v18;
	v17 =	vld [tilespmem:s16+$0x6AD0];
	(erf) = vpow2.f32 v57;
	v42 =	vmax.f32 v42, v40  }
0x129: {  	v43 =	vadd.f32 $0.0e+00, v62;
	v44 =	vadd.f32 $0.0e+00, v19;
	v19 =	vld [tilespmem:s16+$0x6AE0];
	v42 =	vmax.f32 v42, v41  }
0x12a: {  	v27 =	vmul.f32 v48, v63;
	v20 =	vld [tilespmem:s16+$0x6AF0];
	(erf) = vpow2.f32 v45;
	v42 =	vmax.f32 v42, v30  }
0x12b: {  	v28 =	vadd.f32 v43, v48;
	v29 =	vmul.f32 v50, v49;
	v16 =	vld [tilespmem:s16+$0x6AF8];
	v42 =	vmax.f32 v42, v26  }
0x12c: {  	v27 =	vadd.f32 v44, v27;
	(erf) = vpow2.f32 v23;
	v42 =	vmax.f32 v42, v24  }
0x12d: {  	v28 =	vadd.f32 v28, v50;
	v59 =	vld [tilespmem:s16+$0xCDC8];
	(erf) = vpow2.f32 v22;
	v42 =	vmax.f32 v42, v17  }
0x12e: {  	v60 =	vmul.f32 v52, v51;
	v27 =	vadd.f32 v27, v29;
	v58 =	vmax.f32 v42, v19  }
0x12f: {  	v62 =	vmul.f32 v54, v53;
	v43 =	vld [tilespmem:s16+$0xCDD8];
	v61 =	vadd.f32 v28, v52;
	v31 =	vmax.f32 v58, v20  }
0x130: {  	v27 =	vadd.f32 v27, v60;
	(erf) = vpow2.f32 v21;
	v31 =	vmax.f32 v31, v16  }
0x131: {  	v14 =	vsub.f32 v14, v25;
	v46 =	vld [tilespmem:s16+$0xCDE8];
	v44 =	vadd.f32 v61, v54;
	v63 =	vpop (erf);
	(xrf0) =	vmax.scan.msk.f32 $0xffff, v31  }
0x132: {  	(erf) = vpow2.f32 v18;
	v27 =	vadd.f32 v27, v62;
	v45 =	vmul.f32 v63, v59  }
0x133: {  	v48 =	vld [tilespmem:s16+$0xCDF8];
	v47 =	vpop (erf);
	v22 =	vadd.f32 v44, v63  }
0x134: {  	v14 =	vmul.f32 $1.442695020e+00, v14;
	v51 =	vmul.f32 v43, v47;
	v23 =	vadd.f32 v27, v45  }
0x135: {  	v49 =	vld [tilespmem:s16+$0xCE08];
	v54 =	vpop (erf);
	v21 =	vadd.f32 v22, v47  }
0x136: {  	(erf) = vpow2.f32 v14;
	v56 =	vpop (erf);
	v53 =	vadd.f32 v23, v51;
	v23 =	vmul.f32 v46, v54  }
0x137: {  	v52 =	vld [tilespmem:s16+$0xCE18];
	v21 =	vadd.f32 v21, v54;
	v50, _, _ =	vpop (xrf0)  }
0x138: {  	v59 =	vmul.f32 v48, v56;
	v22 =	vadd.f32 v53, v23;
	v18 =	vbroadcast v50, $0xF  }
0x139: {  	v15 =	vsub.f32 v15, v25;
	v34 =	vld [tilespmem:s16+$0xCE28];
	v60 =	vpop (erf);
	v21 =	vadd.f32 v21, v56  }
0x13a: {  	v35 =	vld [tilespmem:s16+$0xCE50];
	v27 =	vmul.f32 v49, v60;
	v23 =	vadd.f32 v22, v59;
	v55 =	vsub.f32 v55, v18  }
0x13b: {  	v15 =	vmul.f32 $1.442695020e+00, v15;
	v32 =	vld [tilespmem:s16+$0x6B08];
	v63 =	vpop (erf);
	v21 =	vadd.f32 v21, v60  }
0x13c: {  	v33 =	vld [tilespmem:s16+$0x6B58];
	v44 =	vmul.f32 v52, v63;
	v23 =	vadd.f32 v23, v27;
	v57 =	vmul.f32 $1.442695020e+00, v55  }
0x13d: {  	(erf) = vpow2.f32 v15;
	v46 =	vadd.f32 v21, v63;
	v58 =	vsub.f32 v37, v18;
	v37 =	vld [tilespmem:s16+$0x6B18]  }
0x13e: {  	v23 =	vadd.f32 v23, v44;
	v62 =	vsub.f32 v38, v18;
	v38 =	vld [tilespmem:s16+$0x6B28];
	(erf) = vpow2.f32 v57  }
0x13f: {  	v22 =	vld [tilespmem:s16+$0x6B38];
	v50 =	vpop (erf);
	v43 =	vsub.f32 v39, v18;
	v47 =	vsub.f32 v40, v18;
	v61 =	vmul.f32 $1.442695020e+00, v58  }
0x140: {  	v15 =	vld [tilespmem:s16+$0x6B48];
	v34 =	vmul.f32 v34, v50;
	v52 =	vsub.f32 v41, v18;
	v41 =	vadd.f32 v46, v50  }
0x141: {  	v25 =	vld [tilespmem:s16+$0x6B78];
	v26 =	vsub.f32 v26, v18;
	v42 =	vmul.f32 $1.442695020e+00, v62;
	(erf) = vpow2.f32 v61  }
0x142: {  	v31 =	vld [tilespmem:s16+$0x6B68];
	v24 =	vsub.f32 v24, v18;
	v17 =	vsub.f32 v17, v18;
	v48 =	vmax.f32 v32, v37  }
0x143: {  	v29 =	vld [tilespmem:s16+$0xCE40];
	v45 =	vmul.f32 $1.442695020e+00, v43;
	(erf) = vpow2.f32 v42;
	v49 =	vmax.f32 v48, v38  }
0x144: {  	v21 =	vld [tilespmem:s16+$0x6B88];
	v19 =	vsub.f32 v19, v18;
	v20 =	vsub.f32 v20, v18;
	v14 =	vmax.f32 v49, v22  }
0x145: {  	v27 =	vld [tilespmem:s16+$0x6B98];
	v51 =	vmul.f32 $1.442695020e+00, v47;
	(erf) = vpow2.f32 v45;
	v14 =	vmax.f32 v14, v15  }
0x146: {  	v36 =	vld [tilespmem:s16+$0xCE60];
	v54 =	vmul.f32 $1.442695020e+00, v52;
	v57 =	vsub.f32 v30, v18;
	v42 =	vpop (erf);
	v14 =	vmax.f32 v14, v33  }
0x147: {  	v28 =	vld [tilespmem:s16+$0x6BA8];
	v26 =	vmul.f32 $1.442695020e+00, v26;
	(erf) = vpow2.f32 v51;
	v14 =	vmax.f32 v14, v31;
	v53 =	vpop (erf)  }
0x148: {  	v39 =	vmul.f32 $1.442695020e+00, v57;
	v14 =	vmax.f32 v14, v25;
	v43 =	vmul.f32 v53, v29;
	v29 =	vld [tilespmem:s16+$0x6BB8]  }
0x149: {  	v24 =	vmul.f32 $1.442695020e+00, v24;
	v30 =	vld [tilespmem:s16+$0x6BC0];
	(erf) = vpow2.f32 v54;
	v14 =	vmax.f32 v14, v21  }
0x14a: {  	v58 =	vld [tilespmem:s16+$0xCE70];
	v14 =	vmax.f32 v14, v27;
	(erf) = vpow2.f32 v39;
	v55 =	vadd.f32 $0.0e+00, v53;
	v56 =	vpop (erf)  }
0x14b: {  	(erf) = vpow2.f32 v26;
	v35 =	vmul.f32 v56, v35;
	v43 =	vadd.f32 $0.0e+00, v43  }
0x14c: {  	v60 =	vld [tilespmem:s16+$0xCE80];
	v17 =	vmul.f32 $1.442695020e+00, v17;
	v14 =	vmax.f32 v14, v28;
	v59 =	vpop (erf);
	v40 =	vadd.f32 v55, v56  }
0x14d: {  	v36 =	vmul.f32 v59, v36;
	v35 =	vadd.f32 v43, v35;
	v14 =	vmax.f32 v14, v29  }
0x14e: {  	v63 =	vld [tilespmem:s16+$0xCE90];
	v62 =	vpop (erf);
	(erf) = vpow2.f32 v24;
	v61 =	vadd.f32 v40, v59;
	v14 =	vmax.f32 v14, v30  }
0x14f: {  	v44 =	vld [tilespmem:s16+$0xCE30];
	v16 =	vsub.f32 v16, v18;
	v48 =	vmul.f32 v62, v58;
	v35 =	vadd.f32 v35, v36;
	(xrf0) =	vmax.scan.msk.f32 $0xffff, v14  }
0x150: {  	v19 =	vmul.f32 $1.442695020e+00, v19;
	v53 =	vld [tilespmem:s16+$0xCEA0];
	v50 =	vpop (erf);
	(erf) = vpow2.f32 v17;
	v49 =	vadd.f32 v61, v62  }
0x151: {  	v39 =	vadd.f32 v23, v34;
	v55 =	vld [tilespmem:s16+$0xCEB0];
	v52 =	vmul.f32 v50, v60;
	v51 =	vadd.f32 v35, v48  }
0x152: {  	v47 =	vld [tilespmem:s16+$0x6BD0];
	v26 =	vsel vm0, $0x0, v42;
	v54 =	vpop (erf);
	(erf) = vpow2.f32 v19;
	v23 =	vadd.f32 v49, v50  }
0x153: {  	v40 =	vld [tilespmem:s16+$0xCEC0];
	v56 =	vmul.f32 v54, v63;
	v61 =	vmul.f32 $1.442695020e+00, v20;
	v59 =	vpop (erf);
	v34 =	vadd.f32 v51, v52  }
0x154: {  	v14 =	vadd.f32 v41, v26;
	v35 =	vmul.f32 $1.442695020e+00, v16;
	v48 =	vld [tilespmem:s16+$0x6BE0];
	v50 =	vpop (erf);
	v23 =	vadd.f32 v23, v54  }
0x155: {  	v41 =	vld [tilespmem:s16+$0xCED0];
	(erf) = vpow2.f32 v61;
	v60 =	vmul.f32 v53, v59;
	v57 =	vadd.f32 v34, v56;
	v58, _, _ =	vpop (xrf0)  }
0x156: {  	v16 =	vld [tilespmem:s16+$0x6BF0];
	v52 =	vmul.f32 v55, v50;
	v63 =	vadd.f32 v23, v59;
	v46 =	vbroadcast v58, $0xF  }
0x157: {  	(erf) = vpow2.f32 v35;
	v55 =	vmul.f32 v44, v26;
	v56 =	vpop (erf);
	v49 =	vadd.f32 v57, v60  }
0x158: {  	v45 =	vld [tilespmem:s16+$0xCF08];
	v40 =	vmul.f32 v40, v56;
	v20 =	vadd.f32 v63, v50;
	v62 =	vsub.f32 v32, v46  }
0x159: {  	v42 =	vld [tilespmem:s16+$0xCEE0];
	v61 =	vpop (erf);
	v58 =	vmax.f32 v47, v48;
	v53 =	vsub.f32 v37, v46;
	v54 =	vsub.f32 v38, v46  }
0x15a: {  	v35 =	vld [tilespmem:s16+$0x6C00];
	v41 =	vmul.f32 v41, v61;
	v18 =	vadd.f32 v49, v52;
	v57 =	vadd.f32 v20, v56  }
0x15b: {  	v34 =	vld [tilespmem:s16+$0x6C10];
	v59 =	vsub.f32 v22, v46;
	v20 =	vmax.f32 v58, v16;
	v15 =	vsub.f32 v15, v46  }
0x15c: {  	v32 =	vld [tilespmem:s16+$0x6C20];
	v33 =	vsub.f32 v33, v46;
	v31 =	vsub.f32 v31, v46;
	v51 =	vmul.f32 $1.442695020e+00, v62  }
0x15d: {  	v24 =	vld [tilespmem:s16+$0x6C30];
	v25 =	vsub.f32 v25, v46;
	v21 =	vsub.f32 v21, v46;
	v19 =	vmul.f32 $1.442695020e+00, v53  }
0x15e: {  	v26 =	vld [tilespmem:s16+$0x6C40];
	v27 =	vsub.f32 v27, v46;
	v17 =	vmul.f32 $1.442695020e+00, v54;
	(erf) = vpow2.f32 v51  }
0x15f: {  	v23 =	vld [tilespmem:s16+$0x6C50];
	v29 =	vsub.f32 v29, v46;
	v60 =	vmax.f32 v20, v35;
	(erf) = vpow2.f32 v19  }
0x160: {  	v22 =	vld [tilespmem:s16+$0x6C60];
	v19 =	vmul.f32 $1.442695020e+00, v59;
	(erf) = vpow2.f32 v17;
	v17 =	vmax.f32 v60, v34  }
0x161: {  	v20 =	vld [tilespmem:s16+$0x6C70];
	v40 =	vadd.f32 v18, v40;
	v50 =	vmul.f32 $1.442695020e+00, v15;
	v17 =	vmax.f32 v17, v32  }
0x162: {  	v15 =	vadd.f32 v39, v55;
	v62 =	vpop (erf);
	(erf) = vpow2.f32 v19;
	v19 =	vld [tilespmem:s16+$0x6C80];
	v17 =	vmax.f32 v17, v24  }
0x163: {  	v63 =	vadd.f32 v57, v61;
	v18 =	vld [tilespmem:s16+$0x6C88];
	v33 =	vmul.f32 $1.442695020e+00, v33;
	v49 =	vpop (erf);
	v17 =	vmax.f32 v17, v26  }
0x164: {  	v31 =	vmul.f32 $1.442695020e+00, v31;
	v38 =	vpop (erf);
	(erf) = vpow2.f32 v50;
	v17 =	vmax.f32 v17, v23  }
0x165: {  	v36 =	vld [tilespmem:s16+$0xCF18];
	v25 =	vmul.f32 $1.442695020e+00, v25;
	v21 =	vmul.f32 $1.442695020e+00, v21;
	v17 =	vmax.f32 v17, v22  }
0x166: {  	v54 =	vld [tilespmem:s16+$0xCF28];
	v29 =	vmul.f32 $1.442695020e+00, v29;
	v51 =	vadd.f32 v40, v41;
	v17 =	vmax.f32 v17, v20  }
0x167: {  	v56 =	vld [tilespmem:s16+$0xCF38];
	v37 =	vadd.f32 v63, v62;
	v42 =	vmul.f32 v42, v62;
	v52 =	vpop (erf);
	v17 =	vmax.f32 v17, v19  }
0x168: {  	(erf) = vpow2.f32 v33;
	v53 =	vmul.f32 v52, v45;
	v17 =	vmax.f32 v17, v18  }
0x169: {  	v58 =	vld [tilespmem:s16+$0xCF48];
	v40 =	vadd.f32 $0.0e+00, v52;
	v55 =	vpop (erf);
	(erf) = vpow2.f32 v31;
	v52 =	vsub.f32 v28, v46;
	(xrf0) =	vmax.scan.msk.f32 $0xffff, v17  }
0x16a: {  	v36 =	vmul.f32 v55, v36;
	v57 =	vpop (erf);
	(erf) = vpow2.f32 v25;
	v41 =	vadd.f32 $0.0e+00, v53  }
0x16b: {  	v40 =	vadd.f32 v40, v55;
	v61 =	vmul.f32 v57, v54;
	v62 =	vpop (erf);
	v55 =	vmul.f32 $1.442695020e+00, v27  }
0x16c: {  	v39 =	vadd.f32 v51, v42;
	(erf) = vpow2.f32 v21;
	v45 =	vmul.f32 v62, v56  }
0x16d: {  	v50 =	vpop (erf);
	v56 =	vld [tilespmem:s16+$0xCEF0];
	v59 =	vadd.f32 v41, v36;
	v60 =	vadd.f32 v40, v57;
	v57 =	vmul.f32 $1.442695020e+00, v52  }
0x16e: {  	v51 =	vmul.f32 v50, v58;
	v58 =	vsub.f32 v30, v46;
	(erf) = vpow2.f32 v55  }
0x16f: {  	v17 =	vadd.f32 v59, v61;
	v63 =	vadd.f32 v60, v62;
	(erf) = vpow2.f32 v57;
	v53, _, _ =	vpop (xrf0)  }
0x170: {  	v37 =	vadd.f32 v37, v49;
	v54 =	vld [tilespmem:s16+$0xCF58];
	v61 =	vmul.f32 $1.442695020e+00, v58;
	v27 =	vbroadcast v53, $0xF  }
0x171: {  	v42 =	vld [tilespmem:s16+$0xCEF8];
	v58 =	vsel vm0, $0x0, v38;
	v17 =	vadd.f32 v17, v45;
	v33 =	vadd.f32 v63, v50  }
0x172: {  	v59 =	vld [tilespmem:s16+$0xCF68];
	v62 =	vpop (erf);
	v28 =	vmul.f32 v56, v49;
	v60 =	vsub.f32 v47, v27;
	v45 =	vsub.f32 v48, v27  }
0x173: {  	v31 =	vld [tilespmem:s16+$0x6CB8];
	(erf) = vpow2.f32 v29;
	v17 =	vadd.f32 v17, v51;
	v48 =	vadd.f32 v33, v62  }
0x174: {  	v63 =	vld [tilespmem:s16+$0xCF78];
	(erf) = vpow2.f32 v61;
	v16 =	vsub.f32 v16, v27;
	v28 =	vadd.f32 v39, v28  }
0x175: {  	v25 =	vld [tilespmem:s16+$0x6D38];
	v46 =	vmul.f32 v62, v54;
	v34 =	vsub.f32 v34, v27;
	v26 =	vsub.f32 v26, v27  }
0x176: {  	v50 =	vpop (erf);
	v47 =	vld [tilespmem:s16+$0xCF88];
	v23 =	vsub.f32 v23, v27;
	v22 =	vsub.f32 v22, v27;
	v44 =	vmul.f32 $1.442695020e+00, v60  }
0x177: {  	v55 =	vld [tilespmem:s16+$0xCFD0];
	v30 =	vmul.f32 v59, v50;
	v52 =	vmul.f32 $1.442695020e+00, v45;
	v17 =	vadd.f32 v17, v46  }
0x178: {  	v51 =	vld [tilespmem:s16+$0xCF98];
	v54 =	vpop (erf);
	v20 =	vsub.f32 v20, v27;
	v21 =	vadd.f32 v48, v50;
	(erf) = vpow2.f32 v44  }
0x179: {  	v36 =	vld [tilespmem:s16+$0x6CE8];
	v56 =	vmul.f32 v63, v54;
	v17 =	vadd.f32 v17, v30;
	(erf) = vpow2.f32 v52  }
0x17a: {  	v53 =	vld [tilespmem:s16+$0xCFA8];
	v19 =	vsub.f32 v19, v27;
	v59 =	vpop (erf);
	v62 =	vmul.f32 $1.442695020e+00, v16;
	v16 =	vadd.f32 v37, v58  }
0x17b: {  	v37 =	vld [tilespmem:s16+$0x6C98];
	v21 =	vadd.f32 v21, v54;
	v60 =	vmul.f32 v47, v59;
	v17 =	vadd.f32 v17, v56  }
0x17c: {  	v45 =	vld [tilespmem:s16+$0x6CA8];
	v34 =	vmul.f32 $1.442695020e+00, v34;
	v26 =	vmul.f32 $1.442695020e+00, v26;
	v61 =	vpop (erf);
	v52 =	vsub.f32 v35, v27  }
0x17d: {  	v57 =	vld [tilespmem:s16+$0xCFE0];
	v33 =	vmul.f32 v51, v61;
	v21 =	vadd.f32 v21, v59;
	v29 =	vadd.f32 v17, v60  }
0x17e: {  	v38 =	vld [tilespmem:s16+$0xCFF0];
	v18 =	vsub.f32 v18, v27;
	v30 =	vmul.f32 v42, v58;
	v63 =	vpop (erf);
	(erf) = vpow2.f32 v62  }
0x17f: {  	v39 =	vld [tilespmem:s16+$0x6CC8];
	v42 =	vpop (erf);
	v21 =	vadd.f32 v21, v61;
	v47 =	vadd.f32 v29, v33;
	v29 =	vmul.f32 $1.442695020e+00, v52  }
0x180: {  	v41 =	vmul.f32 v53, v63;
	v59 =	vsub.f32 v32, v27;
	v46 =	vpop (erf);
	v17 =	vadd.f32 v28, v30;
	v30 =	vld [tilespmem:s16+$0x6CD8]  }
0x181: {  	v44 =	vld [tilespmem:s16+$0xD000];
	v56 =	vmax.f32 v37, v45;
	v48 =	vadd.f32 v21, v63;
	(erf) = vpow2.f32 v29;
	v33 =	vpop (erf)  }
0x182: {  	(erf) = vpow2.f32 v34;
	v53 =	vmul.f32 v33, v55;
	v54 =	vadd.f32 $0.0e+00, v33;
	v55 =	vpop (erf);
	v33 =	vld [tilespmem:s16+$0x6CF8]  }
0x183: {  	v35 =	vld [tilespmem:s16+$0x6D08];
	v52 =	vmul.f32 $1.442695020e+00, v59;
	v40 =	vmul.f32 v55, v57;
	v57 =	vmax.f32 v56, v31  }
0x184: {  	v29 =	vld [tilespmem:s16+$0x6D18];
	v21 =	vadd.f32 $0.0e+00, v53;
	v60 =	vmax.f32 v57, v39;
	v53 =	vsub.f32 v24, v27  }
0x185: {  	v28 =	vld [tilespmem:s16+$0x6D28];
	(erf) = vpow2.f32 v52;
	v58 =	vadd.f32 v54, v55;
	v62 =	vmax.f32 v60, v30  }
0x186: {  	v24 =	vld [tilespmem:s16+$0x6D48];
	v61 =	vadd.f32 v21, v40;
	v21 =	vmax.f32 v62, v36;
	v54 =	vmul.f32 $1.442695020e+00, v53  }
0x187: {  	v23 =	vmul.f32 $1.442695020e+00, v23;
	v22 =	vmul.f32 $1.442695020e+00, v22;
	v63 =	vpop (erf);
	v57 =	vld [tilespmem:s16+$0xD010];
	v21 =	vmax.f32 v21, v33  }
0x188: {  	v34 =	vmul.f32 v63, v38;
	v55 =	vmax.f32 v21, v35;
	v21 =	vld [tilespmem:s16+$0x6D50];
	(erf) = vpow2.f32 v54  }
0x189: {  	v43 =	vadd.f32 v58, v63;
	v56 =	vmax.f32 v55, v29;
	(erf) = vpow2.f32 v26  }
0x18a: {  	v20 =	vmul.f32 $1.442695020e+00, v20;
	v32 =	vadd.f32 v61, v34;
	v61 =	vld [tilespmem:s16+$0xD020];
	v59 =	vpop (erf);
	v38 =	vmax.f32 v56, v28  }
0x18b: {  	v62 =	vld [tilespmem:s16+$0xCFB8];
	v60 =	vadd.f32 v43, v59;
	v34 =	vmul.f32 v59, v44;
	v63 =	vpop (erf);
	v58 =	vmax.f32 v38, v25  }
0x18c: {  	v52 =	vld [tilespmem:s16+$0xD030];
	(erf) = vpow2.f32 v23;
	v51 =	vmul.f32 v63, v57;
	v26 =	vmax.f32 v58, v24  }
0x18d: {  	v55 =	vld [tilespmem:s16+$0xD040];
	(erf) = vpow2.f32 v22;
	v50 =	vadd.f32 v32, v34;
	v26 =	vmax.f32 v26, v21  }
0x18e: {  	v19 =	vmul.f32 $1.442695020e+00, v19;
	v59 =	vld [tilespmem:s16+$0xCFC0];
	v54 =	vpop (erf);
	v38 =	vadd.f32 v60, v63;
	(erf) = vpow2.f32 v20;
	(xrf0) =	vmax.scan.msk.f32 $0xffff, v26  }
0x18f: {  	v18 =	vmul.f32 $1.442695020e+00, v18;
	v53 =	vadd.f32 v50, v51;
	v26 =	vmul.f32 v54, v61  }
0x190: {  	v23 =	vadd.f32 v47, v41;
	v56 =	vmul.f32 v62, v42;
	v38 =	vadd.f32 v38, v54  }
0x191: {  	v20 =	vadd.f32 v48, v42;
	v22 =	vadd.f32 v53, v26;
	v53 =	vsel vm0, $0x0, v46;
	v57 =	vpop (erf)  }
0x192: {  	v60 =	vadd.f32 v38, v57;
	v34 =	vmul.f32 v52, v57;
	v62 =	vpop (erf);
	(erf) = vpow2.f32 v19  }
0x193: {  	v48 =	vadd.f32 v23, v56;
	v50 =	vld [tilespmem:s16+$0xD070];
	v57 =	vmul.f32 v59, v53;
	v49 =	vmul.f32 v55, v62  }
0x194: {  	v27 =	vld [tilespmem:s16+$0x6E10];
	(erf) = vpow2.f32 v18;
	v61, _, _ =	vpop (xrf0);
	v22 =	vadd.f32 v22, v34;
	v26 =	vadd.f32 v60, v62  }
0x195: {  	v58 =	vld [tilespmem:s16+$0xD050];
	v51 =	vpop (erf);
	v18 =	vadd.f32 v20, v53;
	v19 =	vadd.f32 v48, v57;
	v40 =	vbroadcast v61, $0xF  }
0x196: {  	v41 =	vld [tilespmem:s16+$0xD098];
	v55 =	vpop (erf);
	v22 =	vadd.f32 v22, v49;
	v26 =	vadd.f32 v26, v51  }
0x197: {  	v63 =	vld [tilespmem:s16+$0xD060];
	v59 =	vpop (erf);
	v37 =	vsub.f32 v37, v40;
	v60 =	vsub.f32 v45, v40  }
0x198: {  	v43 =	vld [tilespmem:s16+$0x6D60];
	v62 =	vmul.f32 v50, v59;
	v48 =	vsub.f32 v31, v40;
	v50 =	vsub.f32 v39, v40  }
0x199: {  	v52 =	vld [tilespmem:s16+$0xD080];
	v36 =	vsub.f32 v36, v40;
	v33 =	vsub.f32 v33, v40  }
0x19a: {  	v54 =	vmul.f32 v58, v51;
	v45 =	vld [tilespmem:s16+$0x6D70];
	v35 =	vsub.f32 v35, v40;
	v29 =	vsub.f32 v29, v40  }
0x19b: {  	v46 =	vld [tilespmem:s16+$0x6D80];
	v28 =	vsub.f32 v28, v40;
	v25 =	vsub.f32 v25, v40;
	v56 =	vmul.f32 $1.442695020e+00, v37  }
0x19c: {  	v58 =	vmul.f32 v63, v55;
	v22 =	vadd.f32 v22, v54;
	v26 =	vadd.f32 v26, v55;
	v37 =	vld [tilespmem:s16+$0x6D90]  }
0x19d: {  	v38 =	vld [tilespmem:s16+$0x6DA0];
	v24 =	vsub.f32 v24, v40;
	v44 =	vmul.f32 $1.442695020e+00, v60;
	(erf) = vpow2.f32 v56  }
0x19e: {  	v51 =	vmul.f32 $1.442695020e+00, v48;
	v61 =	vadd.f32 v22, v58;
	v63 =	vadd.f32 v26, v59;
	v26 =	vld [tilespmem:s16+$0x6DB0];
	v47 =	vpop (erf)  }
0x19f: {  	v34 =	vld [tilespmem:s16+$0x6DC0];
	v49 =	vmul.f32 v52, v47;
	(erf) = vpow2.f32 v44;
	v52 =	vmax.f32 v43, v45  }
0x1a0: {  	v32 =	vld [tilespmem:s16+$0x6DD0];
	v55 =	vsub.f32 v30, v40;
	v53 =	vmul.f32 $1.442695020e+00, v50;
	v23 =	vmax.f32 v52, v46  }
0x1a1: {  	v31 =	vld [tilespmem:s16+$0x6DE0];
	v20 =	vadd.f32 v61, v62;
	(erf) = vpow2.f32 v51;
	v23 =	vmax.f32 v23, v37  }
0x1a2: {  	v21 =	vsub.f32 v21, v40;
	v30 =	vld [tilespmem:s16+$0x6DF0];
	v22 =	vmul.f32 $1.442695020e+00, v55;
	v56 =	vmax.f32 v23, v38  }
0x1a3: {  	v44 =	vadd.f32 v20, v49;
	(erf) = vpow2.f32 v53;
	v23 =	vld [tilespmem:s16+$0x6E00];
	v20 =	vmax.f32 v56, v26  }
0x1a4: {  	v42 =	vld [tilespmem:s16+$0xD0A8];
	v36 =	vmul.f32 $1.442695020e+00, v36;
	v33 =	vmul.f32 $1.442695020e+00, v33;
	v20 =	vmax.f32 v20, v34  }
0x1a5: {  	v35 =	vmul.f32 $1.442695020e+00, v35;
	v54 =	vpop (erf);
	(erf) = vpow2.f32 v22;
	v22 =	vld [tilespmem:s16+$0x6E18];
	v20 =	vmax.f32 v20, v32  }
0x1a6: {  	v29 =	vmul.f32 $1.442695020e+00, v29;
	v28 =	vmul.f32 $1.442695020e+00, v28;
	v59 =	vld [tilespmem:s16+$0xD0B8];
	v20 =	vmax.f32 v20, v31;
	v57 =	vpop (erf)  }
0x1a7: {  	(erf) = vpow2.f32 v36;
	v20 =	vmax.f32 v20, v30;
	v41 =	vmul.f32 v57, v41  }
0x1a8: {  	v39 =	vadd.f32 v63, v47;
	v62 =	vld [tilespmem:s16+$0xD0C8];
	v58 =	vadd.f32 $0.0e+00, v57;
	v60 =	vpop (erf);
	v20 =	vmax.f32 v20, v23  }
0x1a9: {  	v53 =	vld [tilespmem:s16+$0xD088];
	v42 =	vmul.f32 v60, v42;
	v20 =	vmax.f32 v20, v27;
	v41 =	vadd.f32 $0.0e+00, v41  }
0x1aa: {  	v51 =	vld [tilespmem:s16+$0xD0D8];
	(erf) = vpow2.f32 v33;
	v63 =	vpop (erf);
	v61 =	vadd.f32 v58, v60;
	v20 =	vmax.f32 v20, v22  }
0x1ab: {  	v47 =	vsel vm0, $0x0, v54;
	v54 =	vmul.f32 v63, v59;
	(xrf0) =	vmax.scan.msk.f32 $0xffff, v20;
	v41 =	vadd.f32 v41, v42  }
0x1ac: {  	v25 =	vmul.f32 $1.442695020e+00, v25;
	v24 =	vmul.f32 $1.442695020e+00, v24;
	v57 =	vld [tilespmem:s16+$0xD0E8];
	v56 =	vpop (erf);
	v55 =	vadd.f32 v61, v63  }
0x1ad: {  	v21 =	vmul.f32 $1.442695020e+00, v21;
	v59 =	vmul.f32 v56, v62;
	v58 =	vadd.f32 v41, v54  }
0x1ae: {  	v33 =	vmul.f32 v53, v47;
	(erf) = vpow2.f32 v35;
	v60 =	vpop (erf);
	v35 =	vadd.f32 v55, v56  }
0x1af: {  	(erf) = vpow2.f32 v29;
	v62 =	vmul.f32 v60, v51;
	v61 =	vadd.f32 v58, v59  }
0x1b0: {  	v48 =	vld [tilespmem:s16+$0xD138];
	v20 =	vadd.f32 v39, v47;
	(erf) = vpow2.f32 v28;
	v35 =	vadd.f32 v35, v60;
	v52 =	vpop (erf)  }
0x1b1: {  	v63 =	vld [tilespmem:s16+$0xD0F8];
	(erf) = vpow2.f32 v25;
	v55 =	vmul.f32 v52, v57;
	v57, _, _ =	vpop (xrf0);
	v54 =	vadd.f32 v61, v62  }
0x1b2: {  	v49 =	vld [tilespmem:s16+$0xD170];
	(erf) = vpow2.f32 v24;
	v35 =	vadd.f32 v35, v52;
	v39 =	vbroadcast v57, $0xF  }
0x1b3: {  	v36 =	vld [tilespmem:s16+$0x6E58];
	v59 =	vpop (erf);
	(erf) = vpow2.f32 v21;
	v21 =	vadd.f32 v44, v33;
	v28 =	vadd.f32 v54, v55  }
0x1b4: {  	v53 =	vld [tilespmem:s16+$0xD108];
	v43 =	vsub.f32 v43, v39;
	v29 =	vadd.f32 v35, v59  }
0x1b5: {  	v56 =	vld [tilespmem:s16+$0xD118];
	v50 =	vsub.f32 v45, v39;
	v55 =	vsub.f32 v46, v39  }
0x1b6: {  	v47 =	vld [tilespmem:s16+$0x6E38];
	v60 =	vmul.f32 v63, v59;
	v59 =	vsub.f32 v37, v39;
	v38 =	vsub.f32 v38, v39  }
0x1b7: {  	v41 =	vld [tilespmem:s16+$0xD160];
	v34 =	vsub.f32 v34, v39;
	v32 =	vsub.f32 v32, v39  }
0x1b8: {  	v58 =	vld [tilespmem:s16+$0xD128];
	v61 =	vpop (erf);
	v31 =	vsub.f32 v31, v39;
	v30 =	vsub.f32 v30, v39  }
0x1b9: {  	v33 =	vld [tilespmem:s16+$0x6E98];
	v23 =	vsub.f32 v23, v39;
	v42 =	vpop (erf);
	v63 =	vmul.f32 $1.442695020e+00, v43;
	v40 =	vadd.f32 v29, v61  }
0x1ba: {  	v45 =	vld [tilespmem:s16+$0x6E28];
	v62 =	vmul.f32 v53, v61;
	v25 =	vadd.f32 v28, v60;
	v51 =	vmul.f32 v56, v42  }
0x1bb: {  	v54 =	vmul.f32 $1.442695020e+00, v50;
	(erf) = vpow2.f32 v63;
	v52 =	vadd.f32 v40, v42;
	v42 =	vld [tilespmem:s16+$0x6E48]  }
0x1bc: {  	v35 =	vld [tilespmem:s16+$0x6E68];
	v57 =	vmul.f32 $1.442695020e+00, v55;
	v38 =	vmul.f32 $1.442695020e+00, v38;
	v25 =	vadd.f32 v25, v62  }
0x1bd: {  	v37 =	vld [tilespmem:s16+$0x6E78];
	v27 =	vsub.f32 v27, v39;
	v53 =	vpop (erf);
	v34 =	vmul.f32 $1.442695020e+00, v34;
	(erf) = vpow2.f32 v54  }
0x1be: {  	v43 =	vld [tilespmem:s16+$0xD180];
	v56 =	vmul.f32 v58, v53;
	v58 =	vpop (erf);
	v25 =	vadd.f32 v25, v51;
	(erf) = vpow2.f32 v57  }
0x1bf: {  	v60 =	vmul.f32 v48, v58;
	v40 =	vld [tilespmem:s16+$0x6E88];
	v62 =	vmul.f32 $1.442695020e+00, v59;
	v61 =	vmax.f32 v45, v47  }
0x1c0: {  	v24 =	vadd.f32 v52, v53;
	v63 =	vpop (erf);
	v53 =	vld [tilespmem:s16+$0xD148];
	v25 =	vadd.f32 v25, v56;
	v28 =	vmax.f32 v61, v42  }
0x1c1: {  	v29 =	vld [tilespmem:s16+$0x6EA8];
	v32 =	vmul.f32 $1.442695020e+00, v32;
	v50 =	vpop (erf);
	(erf) = vpow2.f32 v62;
	v55 =	vmax.f32 v28, v36  }
0x1c2: {  	v57 =	vsub.f32 v26, v39;
	v44 =	vadd.f32 v25, v60;
	v28 =	vld [tilespmem:s16+$0x6EB8];
	v25 =	vmax.f32 v55, v35  }
0x1c3: {  	v31 =	vmul.f32 $1.442695020e+00, v31;
	v24 =	vadd.f32 v24, v58;
	v58 =	vmax.f32 v25, v37;
	v25 =	vld [tilespmem:s16+$0x6EC8]  }
0x1c4: {  	v26 =	vld [tilespmem:s16+$0x6ED8];
	v51 =	vmul.f32 $1.442695020e+00, v57;
	v56 =	vpop (erf);
	(erf) = vpow2.f32 v38;
	v59 =	vmax.f32 v58, v40  }
0x1c5: {  	v46 =	vadd.f32 v24, v63;
	v24 =	vld [tilespmem:s16+$0x6EE0];
	v63 =	vmul.f32 v53, v63;
	v38 =	vmax.f32 v59, v33  }
0x1c6: {  	v55 =	vld [tilespmem:s16+$0xD190];
	v41 =	vmul.f32 v56, v41;
	v54 =	vpop (erf);
	(erf) = vpow2.f32 v51;
	v38 =	vmax.f32 v38, v29  }
0x1c7: {  	v52 =	vadd.f32 $0.0e+00, v56;
	v61 =	vpop (erf);
	(erf) = vpow2.f32 v34;
	v38 =	vmax.f32 v38, v28  }
0x1c8: {  	v49 =	vmul.f32 v54, v49;
	v41 =	vadd.f32 $0.0e+00, v41;
	v38 =	vmax.f32 v38, v25  }
0x1c9: {  	v60 =	vadd.f32 v52, v54;
	v52 =	vld [tilespmem:s16+$0xD1A0];
	(erf) = vpow2.f32 v32;
	v38 =	vmax.f32 v38, v26  }
0x1ca: {  	v43 =	vmul.f32 v61, v43;
	v54 =	vpop (erf);
	v41 =	vadd.f32 v41, v49;
	v62 =	vmax.f32 v38, v24  }
0x1cb: {  	v30 =	vmul.f32 $1.442695020e+00, v30;
	v58 =	vld [tilespmem:s16+$0xD1B0];
	v57 =	vmul.f32 v54, v55;
	v56 =	vadd.f32 v60, v61;
	(xrf0) =	vmax.scan.msk.f32 $0xffff, v62  }
0x1cc: {  	(erf) = vpow2.f32 v31;
	v38 =	vadd.f32 v44, v63;
	v63 =	vld [tilespmem:s16+$0xD1C0];
	v41 =	vadd.f32 v41, v43  }
0x1cd: {  	v22 =	vsub.f32 v22, v39;
	v23 =	vmul.f32 $1.442695020e+00, v23;
	v60 =	vadd.f32 v56, v54;
	v59 =	vpop (erf)  }
0x1ce: {  	v61 =	vadd.f32 v41, v57;
	(erf) = vpow2.f32 v30;
	v62 =	vmul.f32 v59, v52  }
0x1cf: {  	v27 =	vmul.f32 $1.442695020e+00, v27;
	v22 =	vmul.f32 $1.442695020e+00, v22;
	v54 =	vld [tilespmem:s16+$0xD1D0];
	v32 =	vadd.f32 v60, v59;
	v52 =	vpop (erf)  }
0x1d0: {  	v51 =	vld [tilespmem:s16+$0xD228];
	v44 =	vsel vm0, $0x0, v50;
	v53 =	vmul.f32 v52, v58;
	v58 =	vpop (erf);
	v34 =	vadd.f32 v61, v62  }
0x1d1: {  	v56 =	vld [tilespmem:s16+$0xD1E0];
	(erf) = vpow2.f32 v23;
	v32 =	vadd.f32 v32, v52;
	v60 =	vmul.f32 v63, v58;
	v55, _, _ =	vpop (xrf0)  }
0x1d2: {  	v31 =	vld [tilespmem:s16+$0xD150];
	v41 =	vbroadcast v55, $0xF;
	v57 =	vadd.f32 v34, v53;
	v62 =	vpop (erf);
	(erf) = vpow2.f32 v27  }
0x1d3: {  	v59 =	vld [tilespmem:s16+$0xD1F0];
	v32 =	vadd.f32 v32, v58;
	(erf) = vpow2.f32 v22;
	v22 =	vadd.f32 v46, v44  }
0x1d4: {  	v43 =	vld [tilespmem:s16+$0xD200];
	v49 =	vmul.f32 v54, v62;
	v45 =	vsub.f32 v45, v41;
	v61 =	vadd.f32 v57, v60  }
0x1d5: {  	v53 =	vpop (erf);
	v46 =	vld [tilespmem:s16+$0x6EF0];
	v52 =	vsub.f32 v47, v41;
	v30 =	vadd.f32 v32, v62  }
0x1d6: {  	v54 =	vmul.f32 v56, v53;
	v63 =	vmul.f32 $1.442695020e+00, v45;
	v23 =	vadd.f32 v61, v49;
	v49 =	vld [tilespmem:s16+$0x6F00]  }
0x1d7: {  	v31 =	vmul.f32 v31, v44;
	v57 =	vsub.f32 v42, v41;
	v42 =	vld [tilespmem:s16+$0x6F10];
	v36 =	vsub.f32 v36, v41;
	v56 =	vpop (erf)  }
0x1d8: {  	v34 =	vld [tilespmem:s16+$0x6F20];
	v58 =	vmul.f32 v59, v56;
	(erf) = vpow2.f32 v63;
	v27 =	vadd.f32 v23, v54  }
0x1d9: {  	v40 =	vsub.f32 v40, v41;
	v55 =	vmul.f32 $1.442695020e+00, v52;
	v32 =	vadd.f32 v30, v53;
	v30 =	vld [tilespmem:s16+$0x6F30]  }
0x1da: {  	v36 =	vmul.f32 $1.442695020e+00, v36;
	v59 =	vmul.f32 $1.442695020e+00, v57;
	v60 =	vadd.f32 v27, v58;
	v27 =	vld [tilespmem:s16+$0x6F40]  }
0x1db: {  	v23 =	vadd.f32 v38, v31;
	v32 =	vadd.f32 v32, v56;
	v31 =	vld [tilespmem:s16+$0x6F50];
	v62 =	vmax.f32 v46, v49  }
0x1dc: {  	v61 =	vpop (erf);
	v63 =	vsub.f32 v35, v41;
	v35 =	vld [tilespmem:s16+$0x6F60];
	(erf) = vpow2.f32 v55;
	v44 =	vmax.f32 v62, v42  }
0x1dd: {  	(erf) = vpow2.f32 v59;
	v52 =	vadd.f32 v32, v61;
	v32 =	vld [tilespmem:s16+$0x6F70];
	v48 =	vpop (erf);
	v55 =	vmax.f32 v44, v34  }
0x1de: {  	v43 =	vmul.f32 v43, v61;
	v53 =	vpop (erf);
	(erf) = vpow2.f32 v36;
	v36 =	vld [tilespmem:s16+$0x6F80];
	v44 =	vmax.f32 v55, v30  }
0x1df: {  	v33 =	vsub.f32 v33, v41;
	v59 =	vsub.f32 v37, v41;
	v37 =	vld [tilespmem:s16+$0x6F90];
	v44 =	vmax.f32 v44, v27  }
0x1e0: {  	v29 =	vsub.f32 v29, v41;
	v38 =	vld [tilespmem:s16+$0x6FA0];
	v43 =	vadd.f32 v60, v43;
	v60 =	vmax.f32 v44, v31  }
0x1e1: {  	v39 =	vld [tilespmem:s16+$0x6FA8];
	v28 =	vsub.f32 v28, v41;
	v57 =	vmul.f32 $1.442695020e+00, v63;
	v56 =	vpop (erf);
	v63 =	vmax.f32 v60, v35  }
0x1e2: {  	v58 =	vmul.f32 v56, v51;
	v51 =	vmul.f32 $1.442695020e+00, v59;
	v55 =	vmax.f32 v63, v32  }
0x1e3: {  	v25 =	vsub.f32 v25, v41;
	v45 =	vld [tilespmem:s16+$0xD238];
	(erf) = vpow2.f32 v57;
	v60 =	vmax.f32 v55, v36  }
0x1e4: {  	v26 =	vsub.f32 v26, v41;
	v57 =	vld [tilespmem:s16+$0xD210];
	(erf) = vpow2.f32 v51;
	v51 =	vmax.f32 v60, v37  }
0x1e5: {  	v40 =	vmul.f32 $1.442695020e+00, v40;
	v33 =	vmul.f32 $1.442695020e+00, v33;
	v51 =	vmax.f32 v51, v38  }
0x1e6: {  	v47 =	vld [tilespmem:s16+$0xD248];
	v54 =	vadd.f32 $0.0e+00, v56;
	v61 =	vadd.f32 $0.0e+00, v58;
	v55 =	vmax.f32 v51, v39  }
0x1e7: {  	v24 =	vsub.f32 v24, v41;
	v29 =	vmul.f32 $1.442695020e+00, v29;
	v62 =	vpop (erf);
	v56 =	vld [tilespmem:s16+$0xD258];
	(erf) = vpow2.f32 v40;
	(xrf0) =	vmax.scan.msk.f32 $0xffff, v55  }
0x1e8: {  	v28 =	vmul.f32 $1.442695020e+00, v28;
	v45 =	vmul.f32 v62, v45;
	v50 =	vadd.f32 v54, v62;
	v62 =	vld [tilespmem:s16+$0xD268]  }
0x1e9: {  	v25 =	vmul.f32 $1.442695020e+00, v25;
	v54 =	vld [tilespmem:s16+$0xD298];
	v40 =	vadd.f32 v52, v48;
	v48 =	vmul.f32 v57, v48  }
0x1ea: {  	v26 =	vmul.f32 $1.442695020e+00, v26;
	v57 =	vld [tilespmem:s16+$0xD278];
	v44 =	vadd.f32 v61, v45;
	v61 =	vpop (erf);
	(erf) = vpow2.f32 v33  }
0x1eb: {  	v24 =	vmul.f32 $1.442695020e+00, v24;
	v52 =	vld [tilespmem:s16+$0x6FD8];
	v48 =	vadd.f32 v43, v48;
	v47 =	vmul.f32 v61, v47;
	v63 =	vpop (erf)  }
0x1ec: {  	v51 =	vld [tilespmem:s16+$0xD218];
	v45 =	vadd.f32 v50, v61;
	(erf) = vpow2.f32 v29;
	v56 =	vmul.f32 v63, v56;
	v58 =	vpop (erf)  }
0x1ed: {  	v50 =	vld [tilespmem:s16+$0xD288];
	(erf) = vpow2.f32 v28;
	v44 =	vadd.f32 v44, v47;
	v59 =	vmul.f32 v58, v62;
	v62, _, _ =	vpop (xrf0)  }
0x1ee: {  	v29 =	vld [tilespmem:s16+$0xD2B8];
	v45 =	vadd.f32 v45, v63;
	(erf) = vpow2.f32 v25;
	v55 =	vbroadcast v62, $0xF  }
0x1ef: {  	v28 =	vld [tilespmem:s16+$0xD2D8];
	v47 =	vsel vm0, $0x0, v53;
	v44 =	vadd.f32 v44, v56;
	v61 =	vpop (erf);
	(erf) = vpow2.f32 v26  }
0x1f0: {  	v53 =	vld [tilespmem:s16+$0xD2C8];
	v60 =	vadd.f32 v45, v58;
	v63 =	vpop (erf);
	(erf) = vpow2.f32 v24;
	v46 =	vsub.f32 v46, v55  }
0x1f1: {  	v45 =	vld [tilespmem:s16+$0xD2A8];
	v24 =	vadd.f32 v40, v47;
	v33 =	vadd.f32 v44, v59;
	v44 =	vmul.f32 v61, v57  }
0x1f2: {  	v43 =	vadd.f32 v60, v61;
	v57 =	vld [tilespmem:s16+$0x6FB8];
	v62 =	vsub.f32 v49, v55;
	v61 =	vmul.f32 $1.442695020e+00, v46  }
0x1f3: {  	v60 =	vmul.f32 v50, v63;
	v49 =	vsub.f32 v42, v55;
	v33 =	vadd.f32 v33, v44;
	v59 =	vpop (erf);
	v46 =	vld [tilespmem:s16+$0x6FC8]  }
0x1f4: {  	v56 =	vld [tilespmem:s16+$0xD2F0];
	v34 =	vsub.f32 v34, v55;
	v43 =	vadd.f32 v43, v63;
	v63 =	vmul.f32 v54, v59  }
0x1f5: {  	v30 =	vsub.f32 v30, v55;
	v54 =	vld [tilespmem:s16+$0x6FE8];
	v33 =	vadd.f32 v33, v60  }
0x1f6: {  	v58 =	vld [tilespmem:s16+$0x6FF8];
	v27 =	vsub.f32 v27, v55;
	v60 =	vmul.f32 $1.442695020e+00, v62;
	(erf) = vpow2.f32 v61;
	v61 =	vpop (erf)  }
0x1f7: {  	v31 =	vsub.f32 v31, v55;
	v44 =	vld [tilespmem:s16+$0x7008];
	v33 =	vadd.f32 v33, v63;
	v62 =	vmul.f32 v45, v61  }
0x1f8: {  	v25 =	vadd.f32 v43, v59;
	v43 =	vld [tilespmem:s16+$0x7018];
	(erf) = vpow2.f32 v60;
	v63 =	vpop (erf);
	v59 =	vmax.f32 v57, v46  }
0x1f9: {  	v42 =	vld [tilespmem:s16+$0x7028];
	v29 =	vmul.f32 v29, v63;
	v60 =	vmax.f32 v59, v52;
	v33 =	vadd.f32 v33, v62  }
0x1fa: {  	v40 =	vld [tilespmem:s16+$0x7038];
	v25 =	vadd.f32 v25, v61;
	v61 =	vmul.f32 $1.442695020e+00, v49;
	v41 =	vmax.f32 v60, v54  }
0x1fb: {  	v45 =	vmul.f32 v51, v47;
	v62 =	vadd.f32 v33, v29;
	v29 =	vmax.f32 v41, v58;
	v41 =	vld [tilespmem:s16+$0x7048]  }
0x1fc: {  	v26 =	vadd.f32 v25, v63;
	v63 =	vpop (erf);
	(erf) = vpow2.f32 v61;
	v61 =	vmax.f32 v29, v44;
	v29 =	vld [tilespmem:s16+$0x7058]  }
0x1fd: {  	v35 =	vsub.f32 v35, v55;
	v59 =	vmul.f32 v53, v63;
	v60 =	vpop (erf);
	v33 =	vld [tilespmem:s16+$0x7068];
	v47 =	vmax.f32 v61, v43  }
0x1fe: {  	v26 =	vadd.f32 v26, v63;
	v63 =	vmul.f32 v28, v60;
	v28 =	vld [tilespmem:s16+$0x7070];
	v47 =	vmax.f32 v47, v42  }
0x1ff: {  	v50 =	vld [tilespmem:s16+$0xD300];
	v34 =	vmul.f32 $1.442695020e+00, v34;
	v62 =	vadd.f32 v62, v59;
	v47 =	vmax.f32 v47, v40  }
0x200: {  	v30 =	vmul.f32 $1.442695020e+00, v30;
	v25 =	vadd.f32 v48, v45;
	v45 =	vpop (erf);
	v47 =	vmax.f32 v47, v41  }
0x201: {  	v27 =	vmul.f32 $1.442695020e+00, v27;
	(erf) = vpow2.f32 v34;
	v59 =	vpop (erf);
	v47 =	vmax.f32 v47, v29  }
0x202: {  	v48 =	vadd.f32 v62, v63;
	v61 =	vmul.f32 v59, v56;
	v63 =	vld [tilespmem:s16+$0xD310];
	v47 =	vmax.f32 v47, v33  }
0x203: {  	(erf) = vpow2.f32 v30;
	v26 =	vadd.f32 v26, v60;
	v62 =	vpop (erf);
	v47 =	vmax.f32 v47, v28  }
0x204: {  	v60 =	vadd.f32 $0.0e+00, v59;
	v49 =	vadd.f32 $0.0e+00, v61;
	v50 =	vmul.f32 v62, v50;
	(xrf0) =	vmax.scan.msk.f32 $0xffff, v47  }
0x205: {  	(erf) = vpow2.f32 v27;
	v59 =	vmul.f32 $1.442695020e+00, v31;
	v61 =	vsub.f32 v32, v55  }
0x206: {  	v53 =	vadd.f32 v60, v62;
	v51 =	vpop (erf);
	v60 =	vmul.f32 $1.442695020e+00, v35;
	v49 =	vadd.f32 v49, v50  }
0x207: {  	(erf) = vpow2.f32 v59;
	v62 =	vsub.f32 v36, v55;
	v56 =	vmul.f32 v51, v63  }
0x208: {  	v34 =	vadd.f32 v53, v51;
	(erf) = vpow2.f32 v60;
	v63 =	vmul.f32 $1.442695020e+00, v61  }
0x209: {  	v47 =	vsub.f32 v37, v55;
	v50 =	vld [tilespmem:s16+$0xD320];
	v30 =	vmul.f32 $1.442695020e+00, v62;
	v51 =	vsub.f32 v38, v55  }
0x20a: {  	v53 =	vsub.f32 v39, v55;
	v55 =	vld [tilespmem:s16+$0xD330];
	v32 =	vadd.f32 v49, v56;
	(erf) = vpow2.f32 v63;
	v49, _, _ =	vpop (xrf0)  }
0x20b: {  	v31 =	vmul.f32 $1.442695020e+00, v47;
	v35 =	vbroadcast v49, $0xF  }
0x20c: {  	v37 =	vmul.f32 $1.442695020e+00, v51;
	(erf) = vpow2.f32 v30  }
0x20d: {  	v59 =	vld [tilespmem:s16+$0xD2E0];
	v27 =	vmul.f32 $1.442695020e+00, v53;
	v60 =	vpop (erf);
	(erf) = vpow2.f32 v31;
	v56 =	vsub.f32 v57, v35  }
0x20e: {  	v34 =	vadd.f32 v34, v60;
	v63 =	vpop (erf);
	(erf) = vpow2.f32 v37;
	v36 =	vmul.f32 v60, v50  }
0x20f: {  	v62 =	vld [tilespmem:s16+$0xD340];
	v30 =	vmul.f32 v63, v55;
	v61 =	vsub.f32 v46, v35;
	v38 =	vmul.f32 $1.442695020e+00, v56  }
0x210: {  	(erf) = vpow2.f32 v27;
	v27 =	vadd.f32 v34, v63;
	v57 =	vsel vm0, $0x0, v45  }
0x211: {  	v51 =	vpop (erf);
	v50 =	vsub.f32 v52, v35;
	v49 =	vmul.f32 $1.442695020e+00, v61;
	(erf) = vpow2.f32 v38  }
0x212: {  	v32 =	vadd.f32 v32, v36;
	v60 =	vadd.f32 v27, v51;
	v31 =	vmul.f32 v59, v57  }
0x213: {  	v53 =	vpop (erf);
	v52 =	vld [tilespmem:s16+$0xD350];
	v59 =	vsub.f32 v54, v35;
	v55 =	vmul.f32 $1.442695020e+00, v50;
	(erf) = vpow2.f32 v49  }
0x214: {  	v37 =	vmul.f32 v51, v62;
	v30 =	vadd.f32 v32, v30;
	v62 =	vsub.f32 v58, v35;
	v56 =	vpop (erf)  }
0x215: {  	v44 =	vsub.f32 v44, v35;
	v39 =	vmul.f32 $1.442695020e+00, v59;
	v46 =	vpop (erf);
	(erf) = vpow2.f32 v55  }
0x216: {  	v7 =	vbroadcast v7, $0xF;
	v43 =	vsub.f32 v43, v35;
	v26 =	vadd.f32 v26, v57;
	v61 =	vld [tilespmem:s16+$0xD3B8];
	v38 =	vpop (erf)  }
0x217: {  	v57 =	vld [tilespmem:s16+$0xD360];
	v27 =	vadd.f32 v48, v31;
	v48 =	vmul.f32 $1.442695020e+00, v62;
	v36 =	vpop (erf);
	(erf) = vpow2.f32 v39  }
0x218: {  	v42 =	vsub.f32 v42, v35;
	v40 =	vsub.f32 v40, v35;
	v34 =	vmul.f32 v52, v53;
	v52 =	vld [tilespmem:s16+$0xD3C8];
	v47 =	vpop (erf)  }
0x219: {  	v30 =	vadd.f32 v30, v37;
	v44 =	vmul.f32 $1.442695020e+00, v44;
	(erf) = vpow2.f32 v48;
	v37 =	vpop (erf)  }
0x21a: {  	v63 =	vadd.f32 v60, v53;
	v54 =	vld [tilespmem:s16+$0xD3D8];
	v43 =	vmul.f32 $1.442695020e+00, v43;
	v42 =	vmul.f32 $1.442695020e+00, v42;
	v53 =	vpop (erf)  }
0x21b: {  	v41 =	vsub.f32 v41, v35;
	(erf) = vpow2.f32 v44;
	v31 =	vmul.f32 v53, v61  }
0x21c: {  	v32 =	vmul.f32 v57, v56;
	v57 =	vld [tilespmem:s16+$0xD3E8];
	v30 =	vadd.f32 v30, v34;
	v34 =	vadd.f32 v63, v56;
	v56 =	vpop (erf)  }
0x21d: {  	(erf) = vpow2.f32 v43;
	v39 =	vmul.f32 v56, v52;
	v31 =	vadd.f32 $0.0e+00, v31  }
0x21e: {  	v29 =	vsub.f32 v29, v35;
	v60 =	vld [tilespmem:s16+$0xD3F8];
	v40 =	vmul.f32 $1.442695020e+00, v40;
	v55 =	vadd.f32 $0.0e+00, v53;
	v58 =	vpop (erf)  }
0x21f: {  	(erf) = vpow2.f32 v42;
	v59 =	vmul.f32 v58, v54;
	v31 =	vadd.f32 v31, v39  }
0x220: {  	v41 =	vmul.f32 $1.442695020e+00, v41;
	v63 =	vld [tilespmem:s16+$0xD408];
	v30 =	vadd.f32 v30, v32;
	v32 =	vadd.f32 v55, v56;
	v62 =	vpop (erf)  }
0x221: {  	(erf) = vpow2.f32 v40;
	v48 =	vmul.f32 v62, v57;
	v31 =	vadd.f32 v31, v59  }
0x222: {  	v33 =	vsub.f32 v33, v35;
	v50 =	vld [tilespmem:s16+$0xD418];
	v29 =	vmul.f32 $1.442695020e+00, v29;
	v49 =	vpop (erf);
	v32 =	vadd.f32 v32, v58  }
0x223: {  	(xrf2) =	vadd.scan.msk.f32 $0xffff, v15;
	v61 =	vld [tilespmem:s16+$0xD370];
	(erf) = vpow2.f32 v41;
	v52 =	vmul.f32 v49, v60;
	v31 =	vadd.f32 v31, v48  }
0x224: {  	v28 =	vsub.f32 v28, v35;
	v33 =	vmul.f32 $1.442695020e+00, v33;
	v54 =	vld [tilespmem:s16+$0xD428];
	v53 =	vpop (erf);
	v32 =	vadd.f32 v32, v62  }
0x225: {  	(xrf2) =	vadd.scan.msk.f32 $0xffff, v14;
	v51 =	vld [tilespmem:s16+$0xD380];
	(erf) = vpow2.f32 v29;
	v42 =	vmul.f32 v53, v63;
	v55 =	vadd.f32 v31, v52  }
0x226: {  	v8 =	vbroadcast v8, $0xF;
	v28 =	vmul.f32 $1.442695020e+00, v28;
	v59 =	vld [tilespmem:s16+$0xD438];
	v32 =	vadd.f32 v32, v49;
	v57 =	vpop (erf)  }
0x227: {  	v56 =	vld [tilespmem:s16+$0xD390];
	(erf) = vpow2.f32 v33;
	v41 =	vmul.f32 v50, v57;
	v15 =	vadd.f32 v55, v42  }
0x228: {  	(xrf2) =	vadd.scan.msk.f32 $0xffff, v17;
	v43 =	vmul.f32 v61, v46;
	v63 =	vld [tilespmem:s16+$0xD448];
	(erf) = vpow2.f32 v28;
	v29 =	vadd.f32 v32, v53;
	v62 =	vpop (erf)  }
0x229: {  	(xrf2) =	vadd.scan.msk.f32 $0xffff, v16;
	v58 =	vadd.f32 v34, v46;
	v60 =	vld [tilespmem:s16+$0xD3A0];
	v35 =	vmul.f32 v54, v62;
	v15 =	vadd.f32 v15, v41  }
0x22a: {  	(xrf2) =	vadd.scan.msk.f32 $0xffff, v19;
	v44 =	vld [tilespmem:s16+$0xD458];
	v61 =	vmul.f32 v51, v38;
	v30 =	vadd.f32 v30, v43;
	v42 =	vpop (erf);
	v29 =	vadd.f32 v29, v57  }
0x22b: {  	(xrf2) =	vadd.scan.msk.f32 $0xffff, v18;
	v40 =	vld [tilespmem:s16+$0xD3A8];
	v14 =	vadd.f32 v58, v38;
	v45 =	vmul.f32 v59, v42;
	v15 =	vadd.f32 v15, v35  }
0x22c: {  	(xrf2) =	vadd.scan.msk.f32 $0xffff, v21;
	v43 =	vmul.f32 v56, v36;
	v17 =	vadd.f32 v30, v61;
	v50 =	vld [tilespmem:s16+$0xD468];
	v46 =	vpop (erf);
	v49 =	vadd.f32 v29, v62  }
0x22d: {  	(xrf2) =	vadd.scan.msk.f32 $0xffff, v20;
	v56, _, _ =	vpop (xrf2);
	v14 =	vadd.f32 v14, v36;
	v52 =	vmul.f32 v63, v46;
	v15 =	vadd.f32 v15, v45  }
0x22e: {  	(xrf2) =	vadd.scan.msk.f32 $0xffff, v23;
	v48 =	vmul.f32 v60, v47;
	v17 =	vadd.f32 v17, v43;
	v55 =	vld [tilespmem:s16+$0xD470];
	v51 =	vpop (erf);
	v21 =	vadd.f32 v49, v42  }
0x22f: {  	(xrf2) =	vadd.scan.msk.f32 $0xffff, v22;
	v54 =	vsel vm0, $0x0, v37;
	v59, _, _ =	vpop (xrf2);
	v57 =	vmul.f32 v44, v51;
	v15 =	vadd.f32 v15, v52  }
0x230: {  	(xrf2) =	vadd.scan.msk.f32 $0xffff, v25;
	v16 =	vmul.f32 v40, v54;
	v17 =	vadd.f32 v17, v48;
	v53 =	vpop (erf);
	v58 =	vadd.f32 v21, v46  }
0x231: {  	v14 =	vadd.f32 v14, v47;
	(xrf2) =	vadd.scan.msk.f32 $0xffff, v24;
	v60 =	vmul.f32 v50, v53;
	v61 =	vpop (erf);
	v15 =	vadd.f32 v15, v57  }
0x232: {  	v62, _, _ =	vpop (xrf2);
	(xrf2) =	vadd.scan.msk.f32 $0xffff, v27;
	v16 =	vadd.f32 v17, v16;
	v22 =	vsel vm0, $0x0, v61;
	v19 =	vadd.f32 v58, v51  }
0x233: {  	v14 =	vadd.f32 v14, v54;
	v63, _, _ =	vpop (xrf2);
	(xrf2) =	vadd.scan.msk.f32 $0xffff, v26;
	v28 =	vmul.f32 v55, v22;
	v15 =	vadd.f32 v15, v60  }
0x234: {  	v9 =	vbroadcast v9, $0xF;
	v29, _, _ =	vpop (xrf2);
	(xrf2) =	vadd.scan.msk.f32 $0xffff, v16;
	v30 =	vadd.f32 v19, v53  }
0x235: {  	v7 =	vsel vm1, v7, v8;
	v12 =	vbroadcast v12, $0xF;
	v31, _, _ =	vpop (xrf2);
	(xrf2) =	vadd.scan.msk.f32 $0xffff, v14;
	v32 =	vadd.f32 v15, v28  }
0x236: {  	v7 =	vsel vm2, v7, v9;
	v13 =	vbroadcast v13, $0xF;
	v33, _, _ =	vpop (xrf2);
	v34 =	vadd.f32 v30, v22  }
0x237: {  	v7 =	vsel vm3, v7, v12;
	v10 =	vbroadcast v10, $0xF;
	v35, _, _ =	vpop (xrf2);
	(xrf2) =	vadd.scan.msk.f32 $0xffff, v32  }
0x238: {  	v7 =	vsel vm4, v7, v13;
	v11 =	vbroadcast v11, $0xF;
	v36, _, _ =	vpop (xrf2);
	(xrf2) =	vadd.scan.msk.f32 $0xffff, v34  }
0x239: {  	v7 =	vsel vm5, v7, v10;
	v38 =	vbroadcast v59, $0xF;
	v37, _, _ =	vpop (xrf2)  }
0x23a: {  	v0 =	vbroadcast v0, $0xF;
	v7 =	vsel vm6, v7, v11;
	v40 =	vbroadcast v63, $0xF;
	v39, _, _ =	vpop (xrf2)  }
0x23b: {  	v3 =	vbroadcast v3, $0xF;
	v7 =	vsel vm7, v7, v38;
	v8 =	vbroadcast v31, $0xF;
	v41, _, _ =	vpop (xrf2)  }
0x23c: {  	v6 =	vbroadcast v6, $0xF;
	v7 =	vsel vm0, v7, v40;
	v43 =	vbroadcast v35, $0xF;
	v42, _, _ =	vpop (xrf2)  }
0x23d: {  	v0 =	vsel vm1, v0, v3;
	v45 =	vsel vm8, v7, v8;
	v46 =	vbroadcast v37, $0xF;
	v44, _, _ =	vpop (xrf2)  }
0x23e: {  	v0 =	vsel vm2, v0, v6;
	v3 =	vsel vm9, v45, v43;
	v48 =	vbroadcast v41, $0xF;
	v47, _, _ =	vpop (xrf2)  }
0x23f: {  	v1 =	vbroadcast v1, $0xF;
	v3 =	vsel vm10, v3, v46;
	v50 =	vbroadcast v44, $0xF;
	v49, _, _ =	vpop (xrf2)  }
0x240: {  	v5 =	vbroadcast v5, $0xF;
	v3 =	vsel vm11, v3, v48;
	v51 =	vbroadcast v49, $0xF  }
0x241: {  	v0 =	vsel vm3, v0, v1;
	v53 =	vbroadcast v4, $0xF;
	v3 =	vsel vm12, v3, v50;
	v52, _, _ =	vpop (xrf2)  }
0x242: {  	v0 =	vsel vm4, v0, v5;
	v2 =	vbroadcast v2, $0xF;
	v3 =	vsel vm13, v3, v51;
	v54, _, _ =	vpop (xrf2)  }
0x243: {  	v55 =	vbroadcast v56, $0xF;
	v0 =	vsel vm5, v0, v53;
	v3 =	vsel vm14, v3, v54  }
0x244: {  	v56 =	vbroadcast v62, $0xF;
	v0 =	vsel vm6, v0, v2;
	(erf) = vrcp.f32 v3  }
0x245: {  	v57 =	vbroadcast v29, $0xF;
	v0 =	vsel vm7, v0, v55  }
0x246: {  	v58 =	vbroadcast v33, $0xF;
	v0 =	vsel vm0, v0, v56  }
0x247: {  	v59 =	vbroadcast v36, $0xF;
	v0 =	vsel vm8, v0, v57  }
0x248: {  	v60 =	vbroadcast v39, $0xF;
	v0 =	vsel vm9, v0, v58  }
0x249: {  	v61 =	vbroadcast v42, $0xF;
	v0 =	vsel vm10, v0, v59  }
0x24a: {  	v62 =	vbroadcast v47, $0xF;
	v0 =	vsel vm11, v0, v60  }
0x24b: {  	v0 =	vsel vm12, v0, v61  }
0x24c: {  	v0 =	vsel vm13, v0, v62  }
0x24d: {  	v0 =	vsel vm14, v0, v52;
	v63 =	vpop (erf)  }
0x24e: {  	v0 =	vmul.f32 v63, v0;
	_ =	sdelay $0x1  }
0x24f: {  	v0 =	vsub.f32 $0.0e+00, v0;
	_ =	sdelay $0x1  }
0x250: {  	v0 =	vmul.f32 $1.442695020e+00, v0;
	_ =	sdelay $0x1  }
0x251: {  	(erf) = vpow2.f32 v0;
	_ =	sdelay $0x8  }
0x252: {  	v0 =	vpop (erf)  }
0x253: {  	v0 =	vadd.f32 $1.000000000e+00, v0;
	_ =	sdelay $0x1  }
0x254: {  	(erf) = vrcp.f32 v0;
	_ =	sdelay $0x4  }
0x255: {  	p0 =	sne.s32 s15, $0x7  }
.Ltmp0:
0x256: {  	_ = 	snop;
	(pc) =	sbr.rel @p0 .LBB2_2-.Ltmp0, $4  }
0x257: {  	_ = 	snop  }
0x258: {  	s31 =	sshll.u32 s15, $0x4  }
0x259: {  	s16 =	sand.u32 $0x3FFFFFF0, s31;
	v0 =	vpop (erf)  }
0x25a: {  	s15 =	sadd.s32 $0x1, s15;
	[tilespmem:s16+$0x12C00] =	vst v0  }
0x25b: {  	s14 =	sadd.s32 $0x1, s14  }
0x25c: {  	p0 =	sne.s32 s14, s7  }
.Ltmp1:
0x25d: {  	_ = 	snop;
	(pc) =	sbr.rel @p0 .LBB2_1-.Ltmp1, $4  }
0x25e: {  	[hbm4b:s6+s2] =	stream.linear.scatter [tilespmem:s13], [sflag:$0x3], $0x80, $0x38;
	[tilespmem:$0x12C80] =	vst v63  }
0x25f: {  	_ =	swait.ge [sflag:s8], $0x80  }
0x260: {  	[sflag:s8] =	ssyncset.done $0x0  }
0x261: {  	[sflag:s8] =	ssyncadd.s32 $0xFFFFFF80  }
0x262: {  	_ =	sfence.sel $0x180000  }
0x263: {  	[bflag:$0x0] =	sbarrier.arrive $0xFFFF  }
0x264: {  	p0 =	sne.s32 s0, $0x0;
	_ =	strace $0x90000047  }
0x265: {  	s0 =	sadd.s32 @!p0 $0x100000, s1;
	[bflag:$0x2] =	sbarrier.arrive $0xFFFF  }
0x266: {  	[sflag:s0] =	ssyncadd.tile.s32 @!p0 $0x1;
	_ =	shalt  }
.Lfunc_end2:
_tile_overlayer_lowered:
.L_overlay_start_2:
0x267: {  	(tag) =	ssettag $0x2  }
0x268: {  	s0 =	rddreg [dreg:$0x0];
	s2 =	stileid.u32  }
0x269: {  	s1 =	rddreg [dreg:$0x1];
	p0 =	sne.s32 s2, $0x0  }
0x26a: {  	s3 =	rddreg [dreg:$0x2];
	[bflag:$0x3] =	sbarrier.arrive $0xFFFF;
	s2 =	simm.s32 @!p0 $0x1C03  }
0x26b: {  	[timem:s3], [sflag:s2] =	dma.local @!p0 [hbm:s0], s1  }
0x26c: {  	s0 =	simm.s32 @!p0 $0x3  }
0x26d: {  	_ =	swait.ge @!p0 [sflag:s0], s1  }
0x26e: {  	s1 =	ssub.s32 @!p0 $0x0, s1;
	[sflag:s0] =	ssyncset.done @!p0 $0x0  }
0x26f: {  	[sflag:s0] =	ssyncadd.s32 @!p0 s1  }
0x270: {  	[bflag:$0x3] =	sbarrier.arrive $0xFFFF  }
0x271: {  	_ =	shalt  }

</sc_bundles>
